<compile_context>
chip_gen: v7x
topology: tpu7x:2x2x1
jax: 0.10.2.dev20260603
libtpu: 0.0.44.dev20260713+nightly
codegen_flags: <defaults>
</compile_context>

<pallas_src>
import functools

import jax
import jax.numpy as jnp
from jax import lax
from jax.experimental import pallas as pl
from jax.experimental.pallas import tpu as pltpu
from jax.experimental.pallas import tpu_sc as plsc

N = 10000
NP = 10240
E = 160000
EP = 163840
NT = 16
NCH = 160
K = 64
RPT = NP // NT
F = 128

_mesh = functools.partial(
    plsc.VectorSubcoreMesh,
    core_axis_name="c", subcore_axis_name="s", num_cores=2, num_subcores=NT,
)


def _make_deg(interpret=False):
  half = NCH // 2

  def body(dst_hbm, ones_hbm, z_hbm, d0_hbm, d1_hbm, dst_v, ones_v, deg_sh):
    c = lax.axis_index("c")
    s = lax.axis_index("s")
    rowlo = s * RPT
    pltpu.sync_copy(dst_hbm.at[s], dst_v)
    pltpu.sync_copy(ones_hbm, ones_v)
    pltpu.sync_copy(z_hbm.at[pl.ds(rowlo, RPT)], deg_sh.at[pl.ds(rowlo, RPT)])
    plsc.subcore_barrier()

    @pl.loop(0, half)
    def _(j):
      pltpu.sync_copy(ones_v, deg_sh.at[dst_v.at[c * half + j]], add=True)

    plsc.subcore_barrier()

    @pl.when(c == 0)
    def _():
      pltpu.sync_copy(deg_sh.at[pl.ds(rowlo, RPT)], d0_hbm.at[pl.ds(rowlo, RPT)])

    @pl.when(c == 1)
    def _():
      pltpu.sync_copy(deg_sh.at[pl.ds(rowlo, RPT)], d1_hbm.at[pl.ds(rowlo, RPT)])

  return pl.kernel(
      body,
      out_type=[jax.ShapeDtypeStruct((NP, F), jnp.float32)] * 2,
      mesh=_mesh(),
      scratch_types=[
          pltpu.VMEM((NCH, K), jnp.int32),
          pltpu.VMEM((K, F), jnp.float32),
          pltpu.VMEM_SHARED((NP, F), jnp.float32),
      ],
      interpret=interpret,
  )


def _make_agg(num_slabs, interpret=False):
  spc = num_slabs // 2
  RING = 4
  Q = NCH // RING

  def body(*refs):
    g_hbm = refs[:num_slabs]
    src_hbm, dst_hbm, z_hbm = refs[num_slabs:num_slabs + 3]
    out_hbm = refs[num_slabs + 3:2 * num_slabs + 3]
    rest = refs[2 * num_slabs + 3:]
    srcp, dstp, rows_v = rest[:3]
    sg = rest[3:3 + RING]
    ss = rest[3 + RING:3 + 2 * RING]
    sr = rest[3 + 2 * RING:3 + 3 * RING]
    acc_sh = rest[3 + 3 * RING]

    c = lax.axis_index("c")
    s = lax.axis_index("s")
    rowlo = s * RPT

    for slab in range(num_slabs):
      @pl.when(c == slab // spc)
      def _(slab=slab):
        g = g_hbm[slab]
        pltpu.sync_copy(z_hbm.at[pl.ds(rowlo, RPT)],
                        acc_sh.at[pl.ds(rowlo, RPT)])
        plsc.subcore_barrier()

        for b in range(2):
          pltpu.sync_copy(src_hbm.at[s].at[b], srcp.at[b])
          pltpu.async_copy(dst_hbm.at[s].at[b], dstp.at[b], sg[b])
          pltpu.async_copy(g.at[srcp.at[b]], rows_v.at[b], sg[b])
        for b in (2, 3):
          pltpu.async_copy(src_hbm.at[s].at[b], srcp.at[b], sr[b])

        @pl.loop(0, Q)
        def _(q):
          for b in range(RING):
            j = RING * q + b
            jj = j + 2
            bb = (b + 2) % RING

            @pl.when(jj >= RING)
            def _():
              pltpu.make_async_copy(rows_v.at[bb], acc_sh.at[dstp.at[bb]],
                                    ss[bb]).wait()

            @pl.when(jj < NCH)
            def _():
              pltpu.make_async_copy(src_hbm.at[s].at[0], srcp.at[bb],
                                    sr[bb]).wait()
              pltpu.async_copy(dst_hbm.at[s].at[jj], dstp.at[bb], sg[bb])
              pltpu.async_copy(g.at[srcp.at[bb]], rows_v.at[bb], sg[bb])

            pltpu.make_async_copy(dst_hbm.at[s].at[0], dstp.at[b],
                                  sg[b]).wait()
            pltpu.make_async_copy(g.at[srcp.at[0]], rows_v.at[b],
                                  sg[b]).wait()

            @pl.when(j + RING < NCH)
            def _():
              pltpu.async_copy(src_hbm.at[s].at[j + RING], srcp.at[b],
                               sr[b])

            pltpu.async_copy(rows_v.at[b], acc_sh.at[dstp.at[b]], ss[b],
                             add=True)

        for b in (2, 3):
          pltpu.make_async_copy(rows_v.at[b], acc_sh.at[dstp.at[b]],
                                ss[b]).wait()
        plsc.subcore_barrier()
        pltpu.sync_copy(acc_sh.at[pl.ds(rowlo, RPT)],
                        out_hbm[slab].at[pl.ds(rowlo, RPT)])
        plsc.subcore_barrier()

  return pl.kernel(
      body,
      out_type=[jax.ShapeDtypeStruct((NP, F), jnp.float32)] * num_slabs,
      mesh=_mesh(),
      scratch_types=(
          [pltpu.VMEM((RING, K), jnp.int32),
           pltpu.VMEM((RING, K), jnp.int32),
           pltpu.VMEM((RING, K, F), jnp.float32)]
          + [pltpu.SemaphoreType.DMA] * (3 * RING)
          + [pltpu.VMEM_SHARED((NP, F), jnp.float32)]
      ),
      interpret=interpret,
  )


def _dinv(d0_ref, d1_ref):
  deg = d0_ref[:, 0:1] + d1_ref[:, 0:1] + 1.0
  return lax.rsqrt(deg)


def _tc0_body(x_ref, d0_ref, d1_ref, o0, o1):
  u = x_ref[...] * _dinv(d0_ref, d1_ref)
  o0[...] = u[:, :F]
  o1[...] = u[:, F:]


def _tc12_body(a0, a1, u0, u1, d0, d1, b_ref, w1_ref, w2_ref, o0, o1):
  dinv = _dinv(d0, d1)
  z = jnp.concatenate([a0[...] + u0[...], a1[...] + u1[...]], axis=1) * dinv
  h = jnp.maximum(
      jnp.dot(z, w1_ref[...], preferred_element_type=jnp.float32,
              precision=lax.Precision.HIGHEST) + b_ref[...],
      0.0)
  gg = jnp.dot(h, w2_ref[...], preferred_element_type=jnp.float32,
               precision=lax.Precision.HIGHEST) * dinv
  o0[...] = gg[:, :F]
  o1[...] = gg[:, F:]


def _tc3_body(c0, c1, g0, g1, d0, d1, b_ref, o):
  dinv = _dinv(d0, d1)
  o[...] = jnp.concatenate(
      [c0[...] + g0[...], c1[...] + g1[...]], axis=1) * dinv + b_ref[...]


_GRID = NP // RPT


def _row_spec(w):
  return pl.BlockSpec((RPT, w), lambda i: (i, 0))


def _full_spec(r, cols):
  return pl.BlockSpec((r, cols), lambda i: (0, 0))


_tc0 = pl.pallas_call(
    _tc0_body,
    grid=(_GRID,),
    in_specs=[_row_spec(256), _row_spec(F), _row_spec(F)],
    out_specs=[_row_spec(F)] * 2,
    out_shape=[jax.ShapeDtypeStruct((NP, F), jnp.float32)] * 2,
)

_tc12 = pl.pallas_call(
    _tc12_body,
    grid=(_GRID,),
    in_specs=[_row_spec(F)] * 4 + [_row_spec(F), _row_spec(F),
                                   _full_spec(1, 512), _full_spec(256, 512),
                                   _full_spec(512, 256)],
    out_specs=[_row_spec(F)] * 2,
    out_shape=[jax.ShapeDtypeStruct((NP, F), jnp.float32)] * 2,
)

_tc3 = pl.pallas_call(
    _tc3_body,
    grid=(_GRID,),
    in_specs=[_row_spec(F)] * 4 + [_row_spec(F), _row_spec(F),
                                   _full_spec(1, 256)],
    out_specs=_row_spec(256),
    out_shape=jax.ShapeDtypeStruct((NP, 256), jnp.float32),
)

_sc_deg = _make_deg()
_sc_agg2 = _make_agg(2)


@jax.jit
def kernel(x, edge_index, W1, b1, W2, b2):
  src = edge_index[0].astype(jnp.int32)
  dst = edge_index[1].astype(jnp.int32)
  pad = jnp.full((EP - E,), N, jnp.int32)
  src_p = jnp.concatenate([src, pad]).reshape(NT, NCH, K)
  dst_p = jnp.concatenate([dst, pad]).reshape(NT, NCH, K)
  x_p = jnp.zeros((NP, 256), jnp.float32).at[:N].set(x)
  z128 = jnp.zeros((NP, F), jnp.float32)
  ones128 = jnp.ones((K, F), jnp.float32)

  d0, d1 = _sc_deg(dst_p, ones128, z128)
  u = _tc0(x_p, d0, d1)
  accu = _sc_agg2(*u, src_p, dst_p, z128)
  g2 = _tc12(*accu, *u, d0, d1, b1.reshape(1, 512), W1, W2)
  acc2 = _sc_agg2(*g2, src_p, dst_p, z128)
  out = _tc3(*acc2, *g2, d0, d1, b2.reshape(1, 256))
  return out[:N]

# --- scband reference (transcript-rebuilt; emitter-appended) ---
"""Pipeline reference for scband-ssp-89215060673066 (READ-ONLY COPY).

The authoritative reference and input builder live on the scoring server;
editing this copy changes nothing except your own understanding.
"""

import jax, jax.numpy as jnp
import numpy as np

N_NODES = 10000


def gcn_conv(x, edge_index, W, b, num_nodes):
    # PyG GCNConv: add self-loops, symmetric normalization, then scatter-add aggregation.
    loop = jnp.arange(num_nodes, dtype=edge_index.dtype)
    src = jnp.concatenate([edge_index[0], loop])
    dst = jnp.concatenate([edge_index[1], loop])
    deg = jnp.zeros((num_nodes,), jnp.float32).at[dst].add(1.0)
    deg_inv_sqrt = jnp.where(deg > 0, 1.0 / jnp.sqrt(deg), 0.0)
    norm = deg_inv_sqrt[src] * deg_inv_sqrt[dst]
    h = x @ W  # linear transform first (in -> out)
    msg = h[src] * norm[:, None]  # gather + scale
    out = jnp.zeros((num_nodes, W.shape[1]), x.dtype).at[dst].add(msg)  # scatter-add
    return out + b


def setup_inputs(seed: int = 0) -> dict:
    key = jax.random.key(seed)
    k1, k2, k3, k4, k5, k6 = jax.random.split(key, 6)
    x = jax.random.normal(k1, (N_NODES, 256), dtype=jnp.float32)
    edge_index = jax.random.randint(k2, (2, 160000), 0, N_NODES).astype(jnp.int64)
    # GCNConv params (glorot-style init), in=256 -> hid=512 -> out=256
    W1 = jax.random.normal(k3, (256, 512), dtype=jnp.float32) * (1.0 / np.sqrt(256))
    b1 = jnp.zeros((512,), jnp.float32)
    W2 = jax.random.normal(k4, (512, 256), dtype=jnp.float32) * (1.0 / np.sqrt(512))
    b2 = jnp.zeros((256,), jnp.float32)
    return {"x": x, "edge_index": edge_index, "W1": W1, "b1": b1, "W2": W2, "b2": b2}


def reference(x, edge_index, W1, b1, W2, b2):
    # SSP.forward (eval mode: dropout is identity)
    h = gcn_conv(x, edge_index, W1, b1, N_NODES)
    h = jax.nn.relu(h)
    out = gcn_conv(h, edge_index, W2, b2, N_NODES)
    return out

if __name__ == "__main__":
    import jax
    _d = setup_inputs()
    print(jax.jit(kernel)(*tuple(_d.values())))

</pallas_src>

<mosaic_0001>
#map = affine_map<(d0, d1) -> (0, 0, 0)>
#map1 = affine_map<(d0, d1) -> (0, 0)>
module attributes {stable_mosaic.version = 14 : i64} {
  func.func @body(%arg0: i32, %arg1: i32, %arg2: memref<16x160x64xi32, #tpu.memory_space<hbm>>, %arg3: memref<64x128xf32, #tpu.memory_space<hbm>>, %arg4: memref<10240x128xf32, #tpu.memory_space<hbm>>, %arg5: memref<10240x128xf32, #tpu.memory_space<hbm>>, %arg6: memref<10240x128xf32, #tpu.memory_space<hbm>>, %arg7: memref<160x64xi32, #tpu.memory_space<vmem>>, %arg8: memref<64x128xf32, #tpu.memory_space<vmem>>, %arg9: memref<10240x128xf32, #tpu.memory_space<vmem_shared>>) attributes {dimension_semantics = [#tpu.dimension_semantics<core_parallel>, #tpu.dimension_semantics<subcore_parallel>], iteration_bounds = array<i64: 2, 16>, scalar_prefetch = 0 : i64, scratch_operands = 3 : i64, tpu.core_type = #tpu.core_type<sc_vector_subcore>, window_params = [{transform_indices = #map}, {transform_indices = #map1}, {transform_indices = #map1}, {transform_indices = #map1}, {transform_indices = #map1}]} {
    %mul3A = arith.constant 640 : i32
    %mul3A_0 = arith.muli %arg1, %mul3A : i32
    "tpu.region"() ({
      %run_scoped3A = tpu.sem_alloc : memref<!tpu.dma_semaphore, #tpu.memory_space<semaphore_mem>>
      %dma_start3A = arith.constant 0 : i32
      %dma_start3A_13 = arith.constant 0 : i32
      %dma_start3A_14 = tpu.memref_slice %arg2[%arg1, %dma_start3A, %dma_start3A_13] : memref<16x160x64xi32, #tpu.memory_space<hbm>> -> memref<1x160x64xi32, #tpu.memory_space<hbm>>
      %dma_start3A_15 = tpu.memref_squeeze %dma_start3A_14 : memref<1x160x64xi32, #tpu.memory_space<hbm>> -> memref<160x64xi32, #tpu.memory_space<hbm>>
      %dma_start3A_16 = arith.constant 0 : i32
      %dma_start3A_17 = arith.constant 0 : i32
      %dma_start3A_18 = tpu.memref_slice %arg2[%arg1, %dma_start3A_16, %dma_start3A_17] : memref<16x160x64xi32, #tpu.memory_space<hbm>> -> memref<1x160x64xi32, #tpu.memory_space<hbm>>
      %dma_start3A_19 = tpu.memref_squeeze %dma_start3A_18 : memref<1x160x64xi32, #tpu.memory_space<hbm>> -> memref<160x64xi32, #tpu.memory_space<hbm>>
      tpu.enqueue_dma source(%dma_start3A_19 : memref<160x64xi32, #tpu.memory_space<hbm>>) target(%arg7 : memref<160x64xi32, #tpu.memory_space<vmem>>) target_semaphore(%run_scoped3A : memref<!tpu.dma_semaphore, #tpu.memory_space<semaphore_mem>>)
      %dma_wait3A = arith.constant 0 : i32
      %dma_wait3A_20 = arith.constant 0 : i32
      %dma_wait3A_21 = tpu.memref_slice %arg2[%arg1, %dma_wait3A, %dma_wait3A_20] : memref<16x160x64xi32, #tpu.memory_space<hbm>> -> memref<1x160x64xi32, #tpu.memory_space<hbm>>
      %dma_wait3A_22 = tpu.memref_squeeze %dma_wait3A_21 : memref<1x160x64xi32, #tpu.memory_space<hbm>> -> memref<160x64xi32, #tpu.memory_space<hbm>>
      %dma_wait3A_23 = arith.constant 0 : i32
      %dma_wait3A_24 = arith.constant 0 : i32
      %dma_wait3A_25 = tpu.memref_slice %arg2[%arg1, %dma_wait3A_23, %dma_wait3A_24] : memref<16x160x64xi32, #tpu.memory_space<hbm>> -> memref<1x160x64xi32, #tpu.memory_space<hbm>>
      %dma_wait3A_26 = tpu.memref_squeeze %dma_wait3A_25 : memref<1x160x64xi32, #tpu.memory_space<hbm>> -> memref<160x64xi32, #tpu.memory_space<hbm>>
      tpu.wait_dma2 semaphore(%run_scoped3A : memref<!tpu.dma_semaphore, #tpu.memory_space<semaphore_mem>>) src(%dma_wait3A_26 : memref<160x64xi32, #tpu.memory_space<hbm>>) dst(%arg7 : memref<160x64xi32, #tpu.memory_space<vmem>>)
      tpu.yield
    }) : () -> ()
    "tpu.region"() ({
      %run_scoped3A = tpu.sem_alloc : memref<!tpu.dma_semaphore, #tpu.memory_space<semaphore_mem>>
      tpu.enqueue_dma source(%arg3 : memref<64x128xf32, #tpu.memory_space<hbm>>) target(%arg8 : memref<64x128xf32, #tpu.memory_space<vmem>>) target_semaphore(%run_scoped3A : memref<!tpu.dma_semaphore, #tpu.memory_space<semaphore_mem>>)
      tpu.wait_dma2 semaphore(%run_scoped3A : memref<!tpu.dma_semaphore, #tpu.memory_space<semaphore_mem>>) src(%arg3 : memref<64x128xf32, #tpu.memory_space<hbm>>) dst(%arg8 : memref<64x128xf32, #tpu.memory_space<vmem>>)
      tpu.yield
    }) : () -> ()
    "tpu.region"() ({
      %run_scoped3A = tpu.sem_alloc : memref<!tpu.dma_semaphore, #tpu.memory_space<semaphore_mem>>
      %dma_start3A = arith.constant 0 : i32
      %dma_start3A_13 = tpu.memref_slice %arg9[%mul3A_0, %dma_start3A] : memref<10240x128xf32, #tpu.memory_space<vmem_shared>> -> memref<640x128xf32, #tpu.memory_space<vmem_shared>>
      %dma_start3A_14 = arith.constant 0 : i32
      %dma_start3A_15 = tpu.memref_slice %arg4[%mul3A_0, %dma_start3A_14] : memref<10240x128xf32, #tpu.memory_space<hbm>> -> memref<640x128xf32, #tpu.memory_space<hbm>>
      tpu.enqueue_dma source(%dma_start3A_15 : memref<640x128xf32, #tpu.memory_space<hbm>>) target(%dma_start3A_13 : memref<640x128xf32, #tpu.memory_space<vmem_shared>>) target_semaphore(%run_scoped3A : memref<!tpu.dma_semaphore, #tpu.memory_space<semaphore_mem>>)
      %dma_wait3A = arith.constant 0 : i32
      %dma_wait3A_16 = tpu.memref_slice %arg9[%mul3A_0, %dma_wait3A] : memref<10240x128xf32, #tpu.memory_space<vmem_shared>> -> memref<640x128xf32, #tpu.memory_space<vmem_shared>>
      %dma_wait3A_17 = arith.constant 0 : i32
      %dma_wait3A_18 = tpu.memref_slice %arg4[%mul3A_0, %dma_wait3A_17] : memref<10240x128xf32, #tpu.memory_space<hbm>> -> memref<640x128xf32, #tpu.memory_space<hbm>>
      tpu.wait_dma2 semaphore(%run_scoped3A : memref<!tpu.dma_semaphore, #tpu.memory_space<semaphore_mem>>) src(%dma_wait3A_18 : memref<640x128xf32, #tpu.memory_space<hbm>>) dst(%dma_wait3A_16 : memref<640x128xf32, #tpu.memory_space<vmem_shared>>)
      tpu.yield
    }) : () -> ()
    %barrier3A = arith.constant 0 : index
    tpu.barrier barrier_id(%barrier3A)
    %scan3A = arith.constant 0 : i32
    %scan3A_1 = arith.constant 80 : i32
    %scan3A_2 = arith.addi %scan3A, %scan3A_1 : i32
    %scan3A_3 = arith.constant 1 : i32
    scf.for %scan3A_13 = %scan3A to %scan3A_2 step %scan3A_3  : i32 {
      %mul3A_14 = arith.constant 1 : i32
      %mul3A_15 = arith.muli %scan3A_13, %mul3A_14 : i32
      %add3A = arith.constant 0 : i32
      %add3A_16 = arith.addi %add3A, %mul3A_15 : i32
      %mul3A_17 = arith.constant 80 : i32
      %mul3A_18 = arith.muli %arg0, %mul3A_17 : i32
      %add3A_19 = arith.addi %mul3A_18, %add3A_16 : i32
      "tpu.region"() ({
        %run_scoped3A = tpu.sem_alloc : memref<!tpu.dma_semaphore, #tpu.memory_space<semaphore_mem>>
        %dma_start3A = arith.constant 0 : i32
        %dma_start3A_20 = tpu.memref_slice %arg7[%add3A_19, %dma_start3A] : memref<160x64xi32, #tpu.memory_space<vmem>> -> memref<1x64xi32, #tpu.memory_space<vmem>>
        %dma_start3A_21 = tpu.memref_squeeze %dma_start3A_20 : memref<1x64xi32, #tpu.memory_space<vmem>> -> memref<64xi32, #tpu.memory_space<vmem>>
        %dma_start3A_22 = arith.constant 0 : i32
        %dma_start3A_23 = arith.constant 0 : i32
        %dma_start3A_24 = tpu.memref_slice %arg9[%dma_start3A_22, %dma_start3A_23] : memref<10240x128xf32, #tpu.memory_space<vmem_shared>> -> memref<10240x128xf32, #tpu.memory_space<vmem_shared>>
        tpu.enqueue_indirect_dma source(%arg8 : memref<64x128xf32, #tpu.memory_space<vmem>>) target(%dma_start3A_24 : memref<10240x128xf32, #tpu.memory_space<vmem_shared>>) offsets(%dma_start3A_21 : memref<64xi32, #tpu.memory_space<vmem>>) semaphore(%run_scoped3A : memref<!tpu.dma_semaphore, #tpu.memory_space<semaphore_mem>>) {add = true}
        %dma_wait3A = arith.constant 0 : i32
        %dma_wait3A_25 = tpu.memref_slice %arg7[%add3A_19, %dma_wait3A] : memref<160x64xi32, #tpu.memory_space<vmem>> -> memref<1x64xi32, #tpu.memory_space<vmem>>
        %dma_wait3A_26 = tpu.memref_squeeze %dma_wait3A_25 : memref<1x64xi32, #tpu.memory_space<vmem>> -> memref<64xi32, #tpu.memory_space<vmem>>
        %dma_wait3A_27 = arith.constant 0 : i32
        %dma_wait3A_28 = arith.constant 0 : i32
        %dma_wait3A_29 = tpu.memref_slice %arg9[%dma_wait3A_27, %dma_wait3A_28] : memref<10240x128xf32, #tpu.memory_space<vmem_shared>> -> memref<10240x128xf32, #tpu.memory_space<vmem_shared>>
        tpu.wait_indirect_dma semaphore(%run_scoped3A : memref<!tpu.dma_semaphore, #tpu.memory_space<semaphore_mem>>) src(%arg8 : memref<64x128xf32, #tpu.memory_space<vmem>>) dst(%dma_wait3A_29 : memref<10240x128xf32, #tpu.memory_space<vmem_shared>>)
        tpu.yield
      }) : () -> ()
    }
    %scan3A_4 = arith.constant 80 : i32
    %barrier3A_5 = arith.constant 0 : index
    tpu.barrier barrier_id(%barrier3A_5)
    %eq3A = arith.constant 0 : i32
    %eq3A_6 = arith.cmpi eq, %arg0, %eq3A : i32
    %convert_element_type3A = arith.extui %eq3A_6 : i1 to i32
    %cond3A = arith.constant 0 : i32
    %cond3A_7 = arith.cmpi ne, %convert_element_type3A, %cond3A : i32
    scf.if %cond3A_7 {
      "tpu.region"() ({
        %run_scoped3A = tpu.sem_alloc : memref<!tpu.dma_semaphore, #tpu.memory_space<semaphore_mem>>
        %dma_start3A = arith.constant 0 : i32
        %dma_start3A_13 = tpu.memref_slice %arg5[%mul3A_0, %dma_start3A] : memref<10240x128xf32, #tpu.memory_space<hbm>> -> memref<640x128xf32, #tpu.memory_space<hbm>>
        %dma_start3A_14 = arith.constant 0 : i32
        %dma_start3A_15 = tpu.memref_slice %arg9[%mul3A_0, %dma_start3A_14] : memref<10240x128xf32, #tpu.memory_space<vmem_shared>> -> memref<640x128xf32, #tpu.memory_space<vmem_shared>>
        tpu.enqueue_dma source(%dma_start3A_15 : memref<640x128xf32, #tpu.memory_space<vmem_shared>>) target(%dma_start3A_13 : memref<640x128xf32, #tpu.memory_space<hbm>>) target_semaphore(%run_scoped3A : memref<!tpu.dma_semaphore, #tpu.memory_space<semaphore_mem>>)
        %dma_wait3A = arith.constant 0 : i32
        %dma_wait3A_16 = tpu.memref_slice %arg5[%mul3A_0, %dma_wait3A] : memref<10240x128xf32, #tpu.memory_space<hbm>> -> memref<640x128xf32, #tpu.memory_space<hbm>>
        %dma_wait3A_17 = arith.constant 0 : i32
        %dma_wait3A_18 = tpu.memref_slice %arg9[%mul3A_0, %dma_wait3A_17] : memref<10240x128xf32, #tpu.memory_space<vmem_shared>> -> memref<640x128xf32, #tpu.memory_space<vmem_shared>>
        tpu.wait_dma2 semaphore(%run_scoped3A : memref<!tpu.dma_semaphore, #tpu.memory_space<semaphore_mem>>) src(%dma_wait3A_18 : memref<640x128xf32, #tpu.memory_space<vmem_shared>>) dst(%dma_wait3A_16 : memref<640x128xf32, #tpu.memory_space<hbm>>)
        tpu.yield
      }) : () -> ()
    } else {
    }
    %eq3A_8 = arith.constant 1 : i32
    %eq3A_9 = arith.cmpi eq, %arg0, %eq3A_8 : i32
    %convert_element_type3A_10 = arith.extui %eq3A_9 : i1 to i32
    %cond3A_11 = arith.constant 0 : i32
    %cond3A_12 = arith.cmpi ne, %convert_element_type3A_10, %cond3A_11 : i32
    scf.if %cond3A_12 {
      "tpu.region"() ({
        %run_scoped3A = tpu.sem_alloc : memref<!tpu.dma_semaphore, #tpu.memory_space<semaphore_mem>>
        %dma_start3A = arith.constant 0 : i32
        %dma_start3A_13 = tpu.memref_slice %arg6[%mul3A_0, %dma_start3A] : memref<10240x128xf32, #tpu.memory_space<hbm>> -> memref<640x128xf32, #tpu.memory_space<hbm>>
        %dma_start3A_14 = arith.constant 0 : i32
        %dma_start3A_15 = tpu.memref_slice %arg9[%mul3A_0, %dma_start3A_14] : memref<10240x128xf32, #tpu.memory_space<vmem_shared>> -> memref<640x128xf32, #tpu.memory_space<vmem_shared>>
        tpu.enqueue_dma source(%dma_start3A_15 : memref<640x128xf32, #tpu.memory_space<vmem_shared>>) target(%dma_start3A_13 : memref<640x128xf32, #tpu.memory_space<hbm>>) target_semaphore(%run_scoped3A : memref<!tpu.dma_semaphore, #tpu.memory_space<semaphore_mem>>)
        %dma_wait3A = arith.constant 0 : i32
        %dma_wait3A_16 = tpu.memref_slice %arg6[%mul3A_0, %dma_wait3A] : memref<10240x128xf32, #tpu.memory_space<hbm>> -> memref<640x128xf32, #tpu.memory_space<hbm>>
        %dma_wait3A_17 = arith.constant 0 : i32
        %dma_wait3A_18 = tpu.memref_slice %arg9[%mul3A_0, %dma_wait3A_17] : memref<10240x128xf32, #tpu.memory_space<vmem_shared>> -> memref<640x128xf32, #tpu.memory_space<vmem_shared>>
        tpu.wait_dma2 semaphore(%run_scoped3A : memref<!tpu.dma_semaphore, #tpu.memory_space<semaphore_mem>>) src(%dma_wait3A_18 : memref<640x128xf32, #tpu.memory_space<vmem_shared>>) dst(%dma_wait3A_16 : memref<640x128xf32, #tpu.memory_space<hbm>>)
        tpu.yield
      }) : () -> ()
    } else {
    }
    return
  }
}

#map = affine_map<(d0, d1) -> (0, 0)>
#map1 = affine_map<(d0, d1) -> (0, 0, 0)>
module attributes {stable_mosaic.version = 14 : i64} {
  func.func @body(%arg0: i32, %arg1: i32, %arg2: memref<10240x128xf32, #tpu.memory_space<hbm>>, %arg3: memref<10240x128xf32, #tpu.memory_space<hbm>>, %arg4: memref<16x160x64xi32, #tpu.memory_space<hbm>>, %arg5: memref<16x160x64xi32, #tpu.memory_space<hbm>>, %arg6: memref<10240x128xf32, #tpu.memory_space<hbm>>, %arg7: memref<10240x128xf32, #tpu.memory_space<hbm>>, %arg8: memref<10240x128xf32, #tpu.memory_space<hbm>>, %arg9: memref<4x64xi32, #tpu.memory_space<vmem>>, %arg10: memref<4x64xi32, #tpu.memory_space<vmem>>, %arg11: memref<4x64x128xf32, #tpu.memory_space<vmem>>, %arg12: memref<!tpu.dma_semaphore, #tpu.memory_space<semaphore_mem>>, %arg13: memref<!tpu.dma_semaphore, #tpu.memory_space<semaphore_mem>>, %arg14: memref<!tpu.dma_semaphore, #tpu.memory_space<semaphore_mem>>, %arg15: memref<!tpu.dma_semaphore, #tpu.memory_space<semaphore_mem>>, %arg16: memref<!tpu.dma_semaphore, #tpu.memory_space<semaphore_mem>>, %arg17: memref<!tpu.dma_semaphore, #tpu.memory_space<semaphore_mem>>, %arg18: memref<!tpu.dma_semaphore, #tpu.memory_space<semaphore_mem>>, %arg19: memref<!tpu.dma_semaphore, #tpu.memory_space<semaphore_mem>>, %arg20: memref<!tpu.dma_semaphore, #tpu.memory_space<semaphore_mem>>, %arg21: memref<!tpu.dma_semaphore, #tpu.memory_space<semaphore_mem>>, %arg22: memref<!tpu.dma_semaphore, #tpu.memory_space<semaphore_mem>>, %arg23: memref<!tpu.dma_semaphore, #tpu.memory_space<semaphore_mem>>, %arg24: memref<10240x128xf32, #tpu.memory_space<vmem_shared>>) attributes {dimension_semantics = [#tpu.dimension_semantics<core_parallel>, #tpu.dimension_semantics<subcore_parallel>], iteration_bounds = array<i64: 2, 16>, scalar_prefetch = 0 : i64, scratch_operands = 16 : i64, tpu.core_type = #tpu.core_type<sc_vector_subcore>, window_params = [{transform_indices = #map}, {transform_indices = #map}, {transform_indices = #map1}, {transform_indices = #map1}, {transform_indices = #map}, {transform_indices = #map}, {transform_indices = #map}]} {
    %mul3A = arith.constant 640 : i32
    %mul3A_0 = arith.muli %arg1, %mul3A : i32
    %eq3A = arith.constant 0 : i32
    %eq3A_1 = arith.cmpi eq, %arg0, %eq3A : i32
    %convert_element_type3A = arith.extui %eq3A_1 : i1 to i32
    %cond3A = arith.constant 0 : i32
    %cond3A_2 = arith.cmpi ne, %convert_element_type3A, %cond3A : i32
    scf.if %cond3A_2 {
      "tpu.region"() ({
        %run_scoped3A_151 = tpu.sem_alloc : memref<!tpu.dma_semaphore, #tpu.memory_space<semaphore_mem>>
        %dma_start3A_152 = arith.constant 0 : i32
        %dma_start3A_153 = tpu.memref_slice %arg24[%mul3A_0, %dma_start3A_152] : memref<10240x128xf32, #tpu.memory_space<vmem_shared>> -> memref<640x128xf32, #tpu.memory_space<vmem_shared>>
        %dma_start3A_154 = arith.constant 0 : i32
        %dma_start3A_155 = tpu.memref_slice %arg6[%mul3A_0, %dma_start3A_154] : memref<10240x128xf32, #tpu.memory_space<hbm>> -> memref<640x128xf32, #tpu.memory_space<hbm>>
        tpu.enqueue_dma source(%dma_start3A_155 : memref<640x128xf32, #tpu.memory_space<hbm>>) target(%dma_start3A_153 : memref<640x128xf32, #tpu.memory_space<vmem_shared>>) target_semaphore(%run_scoped3A_151 : memref<!tpu.dma_semaphore, #tpu.memory_space<semaphore_mem>>)
        %dma_wait3A_156 = arith.constant 0 : i32
        %dma_wait3A_157 = tpu.memref_slice %arg24[%mul3A_0, %dma_wait3A_156] : memref<10240x128xf32, #tpu.memory_space<vmem_shared>> -> memref<640x128xf32, #tpu.memory_space<vmem_shared>>
        %dma_wait3A_158 = arith.constant 0 : i32
        %dma_wait3A_159 = tpu.memref_slice %arg6[%mul3A_0, %dma_wait3A_158] : memref<10240x128xf32, #tpu.memory_space<hbm>> -> memref<640x128xf32, #tpu.memory_space<hbm>>
        tpu.wait_dma2 semaphore(%run_scoped3A_151 : memref<!tpu.dma_semaphore, #tpu.memory_space<semaphore_mem>>) src(%dma_wait3A_159 : memref<640x128xf32, #tpu.memory_space<hbm>>) dst(%dma_wait3A_157 : memref<640x128xf32, #tpu.memory_space<vmem_shared>>)
        tpu.yield
      }) : () -> ()
      %barrier3A = arith.constant 0 : index
      tpu.barrier barrier_id(%barrier3A)
      %run_scoped3A = arith.constant 0 : i32
      %run_scoped3A_8 = arith.constant 0 : i32
      "tpu.region"() ({
        %run_scoped3A_151 = tpu.sem_alloc : memref<!tpu.dma_semaphore, #tpu.memory_space<semaphore_mem>>
        %dma_start3A_152 = arith.constant 0 : i32
        %dma_start3A_153 = tpu.memref_slice %arg9[%run_scoped3A_8, %dma_start3A_152] : memref<4x64xi32, #tpu.memory_space<vmem>> -> memref<1x64xi32, #tpu.memory_space<vmem>>
        %dma_start3A_154 = tpu.memref_squeeze %dma_start3A_153 : memref<1x64xi32, #tpu.memory_space<vmem>> -> memref<64xi32, #tpu.memory_space<vmem>>
        %dma_start3A_155 = arith.constant 0 : i32
        %dma_start3A_156 = arith.constant 0 : i32
        %dma_start3A_157 = tpu.memref_slice %arg4[%arg1, %dma_start3A_155, %dma_start3A_156] : memref<16x160x64xi32, #tpu.memory_space<hbm>> -> memref<1x160x64xi32, #tpu.memory_space<hbm>>
        %dma_start3A_158 = tpu.memref_squeeze %dma_start3A_157 : memref<1x160x64xi32, #tpu.memory_space<hbm>> -> memref<160x64xi32, #tpu.memory_space<hbm>>
        %dma_start3A_159 = arith.constant 0 : i32
        %dma_start3A_160 = tpu.memref_slice %dma_start3A_158[%run_scoped3A, %dma_start3A_159] : memref<160x64xi32, #tpu.memory_space<hbm>> -> memref<1x64xi32, #tpu.memory_space<hbm>>
        %dma_start3A_161 = tpu.memref_squeeze %dma_start3A_160 : memref<1x64xi32, #tpu.memory_space<hbm>> -> memref<64xi32, #tpu.memory_space<hbm>>
        %dma_start3A_162 = arith.constant 0 : i32
        %dma_start3A_163 = tpu.memref_slice %arg9[%run_scoped3A_8, %dma_start3A_162] : memref<4x64xi32, #tpu.memory_space<vmem>> -> memref<1x64xi32, #tpu.memory_space<vmem>>
        %dma_start3A_164 = tpu.memref_squeeze %dma_start3A_163 : memref<1x64xi32, #tpu.memory_space<vmem>> -> memref<64xi32, #tpu.memory_space<vmem>>
        %dma_start3A_165 = arith.constant 0 : i32
        %dma_start3A_166 = arith.constant 0 : i32
        %dma_start3A_167 = tpu.memref_slice %arg4[%arg1, %dma_start3A_165, %dma_start3A_166] : memref<16x160x64xi32, #tpu.memory_space<hbm>> -> memref<1x160x64xi32, #tpu.memory_space<hbm>>
        %dma_start3A_168 = tpu.memref_squeeze %dma_start3A_167 : memref<1x160x64xi32, #tpu.memory_space<hbm>> -> memref<160x64xi32, #tpu.memory_space<hbm>>
        %dma_start3A_169 = arith.constant 0 : i32
        %dma_start3A_170 = tpu.memref_slice %dma_start3A_168[%run_scoped3A, %dma_start3A_169] : memref<160x64xi32, #tpu.memory_space<hbm>> -> memref<1x64xi32, #tpu.memory_space<hbm>>
        %dma_start3A_171 = tpu.memref_squeeze %dma_start3A_170 : memref<1x64xi32, #tpu.memory_space<hbm>> -> memref<64xi32, #tpu.memory_space<hbm>>
        tpu.enqueue_dma source(%dma_start3A_171 : memref<64xi32, #tpu.memory_space<hbm>>) target(%dma_start3A_164 : memref<64xi32, #tpu.memory_space<vmem>>) target_semaphore(%run_scoped3A_151 : memref<!tpu.dma_semaphore, #tpu.memory_space<semaphore_mem>>)
        %dma_wait3A_172 = arith.constant 0 : i32
        %dma_wait3A_173 = tpu.memref_slice %arg9[%run_scoped3A_8, %dma_wait3A_172] : memref<4x64xi32, #tpu.memory_space<vmem>> -> memref<1x64xi32, #tpu.memory_space<vmem>>
        %dma_wait3A_174 = tpu.memref_squeeze %dma_wait3A_173 : memref<1x64xi32, #tpu.memory_space<vmem>> -> memref<64xi32, #tpu.memory_space<vmem>>
        %dma_wait3A_175 = arith.constant 0 : i32
        %dma_wait3A_176 = arith.constant 0 : i32
        %dma_wait3A_177 = tpu.memref_slice %arg4[%arg1, %dma_wait3A_175, %dma_wait3A_176] : memref<16x160x64xi32, #tpu.memory_space<hbm>> -> memref<1x160x64xi32, #tpu.memory_space<hbm>>
        %dma_wait3A_178 = tpu.memref_squeeze %dma_wait3A_177 : memref<1x160x64xi32, #tpu.memory_space<hbm>> -> memref<160x64xi32, #tpu.memory_space<hbm>>
        %dma_wait3A_179 = arith.constant 0 : i32
        %dma_wait3A_180 = tpu.memref_slice %dma_wait3A_178[%run_scoped3A, %dma_wait3A_179] : memref<160x64xi32, #tpu.memory_space<hbm>> -> memref<1x64xi32, #tpu.memory_space<hbm>>
        %dma_wait3A_181 = tpu.memref_squeeze %dma_wait3A_180 : memref<1x64xi32, #tpu.memory_space<hbm>> -> memref<64xi32, #tpu.memory_space<hbm>>
        %dma_wait3A_182 = arith.constant 0 : i32
        %dma_wait3A_183 = tpu.memref_slice %arg9[%run_scoped3A_8, %dma_wait3A_182] : memref<4x64xi32, #tpu.memory_space<vmem>> -> memref<1x64xi32, #tpu.memory_space<vmem>>
        %dma_wait3A_184 = tpu.memref_squeeze %dma_wait3A_183 : memref<1x64xi32, #tpu.memory_space<vmem>> -> memref<64xi32, #tpu.memory_space<vmem>>
        %dma_wait3A_185 = arith.constant 0 : i32
        %dma_wait3A_186 = arith.constant 0 : i32
        %dma_wait3A_187 = tpu.memref_slice %arg4[%arg1, %dma_wait3A_185, %dma_wait3A_186] : memref<16x160x64xi32, #tpu.memory_space<hbm>> -> memref<1x160x64xi32, #tpu.memory_space<hbm>>
        %dma_wait3A_188 = tpu.memref_squeeze %dma_wait3A_187 : memref<1x160x64xi32, #tpu.memory_space<hbm>> -> memref<160x64xi32, #tpu.memory_space<hbm>>
        %dma_wait3A_189 = arith.constant 0 : i32
        %dma_wait3A_190 = tpu.memref_slice %dma_wait3A_188[%run_scoped3A, %dma_wait3A_189] : memref<160x64xi32, #tpu.memory_space<hbm>> -> memref<1x64xi32, #tpu.memory_space<hbm>>
        %dma_wait3A_191 = tpu.memref_squeeze %dma_wait3A_190 : memref<1x64xi32, #tpu.memory_space<hbm>> -> memref<64xi32, #tpu.memory_space<hbm>>
        tpu.wait_dma2 semaphore(%run_scoped3A_151 : memref<!tpu.dma_semaphore, #tpu.memory_space<semaphore_mem>>) src(%dma_wait3A_191 : memref<64xi32, #tpu.memory_space<hbm>>) dst(%dma_wait3A_184 : memref<64xi32, #tpu.memory_space<vmem>>)
        tpu.yield
      }) : () -> ()
      %dma_start3A = arith.constant 0 : i32
      %dma_start3A_9 = arith.constant 0 : i32
      %dma_start3A_10 = arith.constant 0 : i32
      %dma_start3A_11 = tpu.memref_slice %arg10[%dma_start3A_9, %dma_start3A_10] : memref<4x64xi32, #tpu.memory_space<vmem>> -> memref<1x64xi32, #tpu.memory_space<vmem>>
      %dma_start3A_12 = tpu.memref_squeeze %dma_start3A_11 : memref<1x64xi32, #tpu.memory_space<vmem>> -> memref<64xi32, #tpu.memory_space<vmem>>
      %dma_start3A_13 = arith.constant 0 : i32
      %dma_start3A_14 = arith.constant 0 : i32
      %dma_start3A_15 = tpu.memref_slice %arg5[%arg1, %dma_start3A_13, %dma_start3A_14] : memref<16x160x64xi32, #tpu.memory_space<hbm>> -> memref<1x160x64xi32, #tpu.memory_space<hbm>>
      %dma_start3A_16 = tpu.memref_squeeze %dma_start3A_15 : memref<1x160x64xi32, #tpu.memory_space<hbm>> -> memref<160x64xi32, #tpu.memory_space<hbm>>
      %dma_start3A_17 = arith.constant 0 : i32
      %dma_start3A_18 = tpu.memref_slice %dma_start3A_16[%dma_start3A, %dma_start3A_17] : memref<160x64xi32, #tpu.memory_space<hbm>> -> memref<1x64xi32, #tpu.memory_space<hbm>>
      %dma_start3A_19 = tpu.memref_squeeze %dma_start3A_18 : memref<1x64xi32, #tpu.memory_space<hbm>> -> memref<64xi32, #tpu.memory_space<hbm>>
      %dma_start3A_20 = arith.constant 0 : i32
      %dma_start3A_21 = tpu.memref_slice %arg10[%dma_start3A_9, %dma_start3A_20] : memref<4x64xi32, #tpu.memory_space<vmem>> -> memref<1x64xi32, #tpu.memory_space<vmem>>
      %dma_start3A_22 = tpu.memref_squeeze %dma_start3A_21 : memref<1x64xi32, #tpu.memory_space<vmem>> -> memref<64xi32, #tpu.memory_space<vmem>>
      %dma_start3A_23 = arith.constant 0 : i32
      %dma_start3A_24 = arith.constant 0 : i32
      %dma_start3A_25 = tpu.memref_slice %arg5[%arg1, %dma_start3A_23, %dma_start3A_24] : memref<16x160x64xi32, #tpu.memory_space<hbm>> -> memref<1x160x64xi32, #tpu.memory_space<hbm>>
      %dma_start3A_26 = tpu.memref_squeeze %dma_start3A_25 : memref<1x160x64xi32, #tpu.memory_space<hbm>> -> memref<160x64xi32, #tpu.memory_space<hbm>>
      %dma_start3A_27 = arith.constant 0 : i32
      %dma_start3A_28 = tpu.memref_slice %dma_start3A_26[%dma_start3A, %dma_start3A_27] : memref<160x64xi32, #tpu.memory_space<hbm>> -> memref<1x64xi32, #tpu.memory_space<hbm>>
      %dma_start3A_29 = tpu.memref_squeeze %dma_start3A_28 : memref<1x64xi32, #tpu.memory_space<hbm>> -> memref<64xi32, #tpu.memory_space<hbm>>
      tpu.enqueue_dma source(%dma_start3A_29 : memref<64xi32, #tpu.memory_space<hbm>>) target(%dma_start3A_22 : memref<64xi32, #tpu.memory_space<vmem>>) target_semaphore(%arg12 : memref<!tpu.dma_semaphore, #tpu.memory_space<semaphore_mem>>)
      %dma_start3A_30 = arith.constant 0 : i32
      %dma_start3A_31 = arith.constant 0 : i32
      %dma_start3A_32 = arith.constant 0 : i32
      %dma_start3A_33 = arith.constant 0 : i32
      %dma_start3A_34 = tpu.memref_slice %arg11[%dma_start3A_31, %dma_start3A_32, %dma_start3A_33] : memref<4x64x128xf32, #tpu.memory_space<vmem>> -> memref<1x64x128xf32, #tpu.memory_space<vmem>>
      %dma_start3A_35 = tpu.memref_squeeze %dma_start3A_34 : memref<1x64x128xf32, #tpu.memory_space<vmem>> -> memref<64x128xf32, #tpu.memory_space<vmem>>
      %dma_start3A_36 = arith.constant 0 : i32
      %dma_start3A_37 = tpu.memref_slice %arg9[%dma_start3A_30, %dma_start3A_36] : memref<4x64xi32, #tpu.memory_space<vmem>> -> memref<1x64xi32, #tpu.memory_space<vmem>>
      %dma_start3A_38 = tpu.memref_squeeze %dma_start3A_37 : memref<1x64xi32, #tpu.memory_space<vmem>> -> memref<64xi32, #tpu.memory_space<vmem>>
      %dma_start3A_39 = arith.constant 0 : i32
      %dma_start3A_40 = arith.constant 0 : i32
      %dma_start3A_41 = tpu.memref_slice %arg2[%dma_start3A_39, %dma_start3A_40] : memref<10240x128xf32, #tpu.memory_space<hbm>> -> memref<10240x128xf32, #tpu.memory_space<hbm>>
      tpu.enqueue_indirect_dma source(%dma_start3A_41 : memref<10240x128xf32, #tpu.memory_space<hbm>>) target(%dma_start3A_35 : memref<64x128xf32, #tpu.memory_space<vmem>>) offsets(%dma_start3A_38 : memref<64xi32, #tpu.memory_space<vmem>>) semaphore(%arg12 : memref<!tpu.dma_semaphore, #tpu.memory_space<semaphore_mem>>)
      %run_scoped3A_42 = arith.constant 1 : i32
      %run_scoped3A_43 = arith.constant 1 : i32
      "tpu.region"() ({
        %run_scoped3A_151 = tpu.sem_alloc : memref<!tpu.dma_semaphore, #tpu.memory_space<semaphore_mem>>
        %dma_start3A_152 = arith.constant 0 : i32
        %dma_start3A_153 = tpu.memref_slice %arg9[%run_scoped3A_43, %dma_start3A_152] : memref<4x64xi32, #tpu.memory_space<vmem>> -> memref<1x64xi32, #tpu.memory_space<vmem>>
        %dma_start3A_154 = tpu.memref_squeeze %dma_start3A_153 : memref<1x64xi32, #tpu.memory_space<vmem>> -> memref<64xi32, #tpu.memory_space<vmem>>
        %dma_start3A_155 = arith.constant 0 : i32
        %dma_start3A_156 = arith.constant 0 : i32
        %dma_start3A_157 = tpu.memref_slice %arg4[%arg1, %dma_start3A_155, %dma_start3A_156] : memref<16x160x64xi32, #tpu.memory_space<hbm>> -> memref<1x160x64xi32, #tpu.memory_space<hbm>>
        %dma_start3A_158 = tpu.memref_squeeze %dma_start3A_157 : memref<1x160x64xi32, #tpu.memory_space<hbm>> -> memref<160x64xi32, #tpu.memory_space<hbm>>
        %dma_start3A_159 = arith.constant 0 : i32
        %dma_start3A_160 = tpu.memref_slice %dma_start3A_158[%run_scoped3A_42, %dma_start3A_159] : memref<160x64xi32, #tpu.memory_space<hbm>> -> memref<1x64xi32, #tpu.memory_space<hbm>>
        %dma_start3A_161 = tpu.memref_squeeze %dma_start3A_160 : memref<1x64xi32, #tpu.memory_space<hbm>> -> memref<64xi32, #tpu.memory_space<hbm>>
        %dma_start3A_162 = arith.constant 0 : i32
        %dma_start3A_163 = tpu.memref_slice %arg9[%run_scoped3A_43, %dma_start3A_162] : memref<4x64xi32, #tpu.memory_space<vmem>> -> memref<1x64xi32, #tpu.memory_space<vmem>>
        %dma_start3A_164 = tpu.memref_squeeze %dma_start3A_163 : memref<1x64xi32, #tpu.memory_space<vmem>> -> memref<64xi32, #tpu.memory_space<vmem>>
        %dma_start3A_165 = arith.constant 0 : i32
        %dma_start3A_166 = arith.constant 0 : i32
        %dma_start3A_167 = tpu.memref_slice %arg4[%arg1, %dma_start3A_165, %dma_start3A_166] : memref<16x160x64xi32, #tpu.memory_space<hbm>> -> memref<1x160x64xi32, #tpu.memory_space<hbm>>
        %dma_start3A_168 = tpu.memref_squeeze %dma_start3A_167 : memref<1x160x64xi32, #tpu.memory_space<hbm>> -> memref<160x64xi32, #tpu.memory_space<hbm>>
        %dma_start3A_169 = arith.constant 0 : i32
        %dma_start3A_170 = tpu.memref_slice %dma_start3A_168[%run_scoped3A_42, %dma_start3A_169] : memref<160x64xi32, #tpu.memory_space<hbm>> -> memref<1x64xi32, #tpu.memory_space<hbm>>
        %dma_start3A_171 = tpu.memref_squeeze %dma_start3A_170 : memref<1x64xi32, #tpu.memory_space<hbm>> -> memref<64xi32, #tpu.memory_space<hbm>>
        tpu.enqueue_dma source(%dma_start3A_171 : memref<64xi32, #tpu.memory_space<hbm>>) target(%dma_start3A_164 : memref<64xi32, #tpu.memory_space<vmem>>) target_semaphore(%run_scoped3A_151 : memref<!tpu.dma_semaphore, #tpu.memory_space<semaphore_mem>>)
        %dma_wait3A_172 = arith.constant 0 : i32
        %dma_wait3A_173 = tpu.memref_slice %arg9[%run_scoped3A_43, %dma_wait3A_172] : memref<4x64xi32, #tpu.memory_space<vmem>> -> memref<1x64xi32, #tpu.memory_space<vmem>>
        %dma_wait3A_174 = tpu.memref_squeeze %dma_wait3A_173 : memref<1x64xi32, #tpu.memory_space<vmem>> -> memref<64xi32, #tpu.memory_space<vmem>>
        %dma_wait3A_175 = arith.constant 0 : i32
        %dma_wait3A_176 = arith.constant 0 : i32
        %dma_wait3A_177 = tpu.memref_slice %arg4[%arg1, %dma_wait3A_175, %dma_wait3A_176] : memref<16x160x64xi32, #tpu.memory_space<hbm>> -> memref<1x160x64xi32, #tpu.memory_space<hbm>>
        %dma_wait3A_178 = tpu.memref_squeeze %dma_wait3A_177 : memref<1x160x64xi32, #tpu.memory_space<hbm>> -> memref<160x64xi32, #tpu.memory_space<hbm>>
        %dma_wait3A_179 = arith.constant 0 : i32
        %dma_wait3A_180 = tpu.memref_slice %dma_wait3A_178[%run_scoped3A_42, %dma_wait3A_179] : memref<160x64xi32, #tpu.memory_space<hbm>> -> memref<1x64xi32, #tpu.memory_space<hbm>>
        %dma_wait3A_181 = tpu.memref_squeeze %dma_wait3A_180 : memref<1x64xi32, #tpu.memory_space<hbm>> -> memref<64xi32, #tpu.memory_space<hbm>>
        %dma_wait3A_182 = arith.constant 0 : i32
        %dma_wait3A_183 = tpu.memref_slice %arg9[%run_scoped3A_43, %dma_wait3A_182] : memref<4x64xi32, #tpu.memory_space<vmem>> -> memref<1x64xi32, #tpu.memory_space<vmem>>
        %dma_wait3A_184 = tpu.memref_squeeze %dma_wait3A_183 : memref<1x64xi32, #tpu.memory_space<vmem>> -> memref<64xi32, #tpu.memory_space<vmem>>
        %dma_wait3A_185 = arith.constant 0 : i32
        %dma_wait3A_186 = arith.constant 0 : i32
        %dma_wait3A_187 = tpu.memref_slice %arg4[%arg1, %dma_wait3A_185, %dma_wait3A_186] : memref<16x160x64xi32, #tpu.memory_space<hbm>> -> memref<1x160x64xi32, #tpu.memory_space<hbm>>
        %dma_wait3A_188 = tpu.memref_squeeze %dma_wait3A_187 : memref<1x160x64xi32, #tpu.memory_space<hbm>> -> memref<160x64xi32, #tpu.memory_space<hbm>>
        %dma_wait3A_189 = arith.constant 0 : i32
        %dma_wait3A_190 = tpu.memref_slice %dma_wait3A_188[%run_scoped3A_42, %dma_wait3A_189] : memref<160x64xi32, #tpu.memory_space<hbm>> -> memref<1x64xi32, #tpu.memory_space<hbm>>
        %dma_wait3A_191 = tpu.memref_squeeze %dma_wait3A_190 : memref<1x64xi32, #tpu.memory_space<hbm>> -> memref<64xi32, #tpu.memory_space<hbm>>
        tpu.wait_dma2 semaphore(%run_scoped3A_151 : memref<!tpu.dma_semaphore, #tpu.memory_space<semaphore_mem>>) src(%dma_wait3A_191 : memref<64xi32, #tpu.memory_space<hbm>>) dst(%dma_wait3A_184 : memref<64xi32, #tpu.memory_space<vmem>>)
        tpu.yield
      }) : () -> ()
      %dma_start3A_44 = arith.constant 1 : i32
      %dma_start3A_45 = arith.constant 1 : i32
      %dma_start3A_46 = arith.constant 0 : i32
      %dma_start3A_47 = tpu.memref_slice %arg10[%dma_start3A_45, %dma_start3A_46] : memref<4x64xi32, #tpu.memory_space<vmem>> -> memref<1x64xi32, #tpu.memory_space<vmem>>
      %dma_start3A_48 = tpu.memref_squeeze %dma_start3A_47 : memref<1x64xi32, #tpu.memory_space<vmem>> -> memref<64xi32, #tpu.memory_space<vmem>>
      %dma_start3A_49 = arith.constant 0 : i32
      %dma_start3A_50 = arith.constant 0 : i32
      %dma_start3A_51 = tpu.memref_slice %arg5[%arg1, %dma_start3A_49, %dma_start3A_50] : memref<16x160x64xi32, #tpu.memory_space<hbm>> -> memref<1x160x64xi32, #tpu.memory_space<hbm>>
      %dma_start3A_52 = tpu.memref_squeeze %dma_start3A_51 : memref<1x160x64xi32, #tpu.memory_space<hbm>> -> memref<160x64xi32, #tpu.memory_space<hbm>>
      %dma_start3A_53 = arith.constant 0 : i32
      %dma_start3A_54 = tpu.memref_slice %dma_start3A_52[%dma_start3A_44, %dma_start3A_53] : memref<160x64xi32, #tpu.memory_space<hbm>> -> memref<1x64xi32, #tpu.memory_space<hbm>>
      %dma_start3A_55 = tpu.memref_squeeze %dma_start3A_54 : memref<1x64xi32, #tpu.memory_space<hbm>> -> memref<64xi32, #tpu.memory_space<hbm>>
      %dma_start3A_56 = arith.constant 0 : i32
      %dma_start3A_57 = tpu.memref_slice %arg10[%dma_start3A_45, %dma_start3A_56] : memref<4x64xi32, #tpu.memory_space<vmem>> -> memref<1x64xi32, #tpu.memory_space<vmem>>
      %dma_start3A_58 = tpu.memref_squeeze %dma_start3A_57 : memref<1x64xi32, #tpu.memory_space<vmem>> -> memref<64xi32, #tpu.memory_space<vmem>>
      %dma_start3A_59 = arith.constant 0 : i32
      %dma_start3A_60 = arith.constant 0 : i32
      %dma_start3A_61 = tpu.memref_slice %arg5[%arg1, %dma_start3A_59, %dma_start3A_60] : memref<16x160x64xi32, #tpu.memory_space<hbm>> -> memref<1x160x64xi32, #tpu.memory_space<hbm>>
      %dma_start3A_62 = tpu.memref_squeeze %dma_start3A_61 : memref<1x160x64xi32, #tpu.memory_space<hbm>> -> memref<160x64xi32, #tpu.memory_space<hbm>>
      %dma_start3A_63 = arith.constant 0 : i32
      %dma_start3A_64 = tpu.memref_slice %dma_start3A_62[%dma_start3A_44, %dma_start3A_63] : memref<160x64xi32, #tpu.memory_space<hbm>> -> memref<1x64xi32, #tpu.memory_space<hbm>>
      %dma_start3A_65 = tpu.memref_squeeze %dma_start3A_64 : memref<1x64xi32, #tpu.memory_space<hbm>> -> memref<64xi32, #tpu.memory_space<hbm>>
      tpu.enqueue_dma source(%dma_start3A_65 : memref<64xi32, #tpu.memory_space<hbm>>) target(%dma_start3A_58 : memref<64xi32, #tpu.memory_space<vmem>>) target_semaphore(%arg13 : memref<!tpu.dma_semaphore, #tpu.memory_space<semaphore_mem>>)
      %dma_start3A_66 = arith.constant 1 : i32
      %dma_start3A_67 = arith.constant 1 : i32
      %dma_start3A_68 = arith.constant 0 : i32
      %dma_start3A_69 = arith.constant 0 : i32
      %dma_start3A_70 = tpu.memref_slice %arg11[%dma_start3A_67, %dma_start3A_68, %dma_start3A_69] : memref<4x64x128xf32, #tpu.memory_space<vmem>> -> memref<1x64x128xf32, #tpu.memory_space<vmem>>
      %dma_start3A_71 = tpu.memref_squeeze %dma_start3A_70 : memref<1x64x128xf32, #tpu.memory_space<vmem>> -> memref<64x128xf32, #tpu.memory_space<vmem>>
      %dma_start3A_72 = arith.constant 0 : i32
      %dma_start3A_73 = tpu.memref_slice %arg9[%dma_start3A_66, %dma_start3A_72] : memref<4x64xi32, #tpu.memory_space<vmem>> -> memref<1x64xi32, #tpu.memory_space<vmem>>
      %dma_start3A_74 = tpu.memref_squeeze %dma_start3A_73 : memref<1x64xi32, #tpu.memory_space<vmem>> -> memref<64xi32, #tpu.memory_space<vmem>>
      %dma_start3A_75 = arith.constant 0 : i32
      %dma_start3A_76 = arith.constant 0 : i32
      %dma_start3A_77 = tpu.memref_slice %arg2[%dma_start3A_75, %dma_start3A_76] : memref<10240x128xf32, #tpu.memory_space<hbm>> -> memref<10240x128xf32, #tpu.memory_space<hbm>>
      tpu.enqueue_indirect_dma source(%dma_start3A_77 : memref<10240x128xf32, #tpu.memory_space<hbm>>) target(%dma_start3A_71 : memref<64x128xf32, #tpu.memory_space<vmem>>) offsets(%dma_start3A_74 : memref<64xi32, #tpu.memory_space<vmem>>) semaphore(%arg13 : memref<!tpu.dma_semaphore, #tpu.memory_space<semaphore_mem>>)
      %dma_start3A_78 = arith.constant 2 : i32
      %dma_start3A_79 = arith.constant 2 : i32
      %dma_start3A_80 = arith.constant 0 : i32
      %dma_start3A_81 = tpu.memref_slice %arg9[%dma_start3A_79, %dma_start3A_80] : memref<4x64xi32, #tpu.memory_space<vmem>> -> memref<1x64xi32, #tpu.memory_space<vmem>>
      %dma_start3A_82 = tpu.memref_squeeze %dma_start3A_81 : memref<1x64xi32, #tpu.memory_space<vmem>> -> memref<64xi32, #tpu.memory_space<vmem>>
      %dma_start3A_83 = arith.constant 0 : i32
      %dma_start3A_84 = arith.constant 0 : i32
      %dma_start3A_85 = tpu.memref_slice %arg4[%arg1, %dma_start3A_83, %dma_start3A_84] : memref<16x160x64xi32, #tpu.memory_space<hbm>> -> memref<1x160x64xi32, #tpu.memory_space<hbm>>
      %dma_start3A_86 = tpu.memref_squeeze %dma_start3A_85 : memref<1x160x64xi32, #tpu.memory_space<hbm>> -> memref<160x64xi32, #tpu.memory_space<hbm>>
      %dma_start3A_87 = arith.constant 0 : i32
      %dma_start3A_88 = tpu.memref_slice %dma_start3A_86[%dma_start3A_78, %dma_start3A_87] : memref<160x64xi32, #tpu.memory_space<hbm>> -> memref<1x64xi32, #tpu.memory_space<hbm>>
      %dma_start3A_89 = tpu.memref_squeeze %dma_start3A_88 : memref<1x64xi32, #tpu.memory_space<hbm>> -> memref<64xi32, #tpu.memory_space<hbm>>
      %dma_start3A_90 = arith.constant 0 : i32
      %dma_start3A_91 = tpu.memref_slice %arg9[%dma_start3A_79, %dma_start3A_90] : memref<4x64xi32, #tpu.memory_space<vmem>> -> memref<1x64xi32, #tpu.memory_space<vmem>>
      %dma_start3A_92 = tpu.memref_squeeze %dma_start3A_91 : memref<1x64xi32, #tpu.memory_space<vmem>> -> memref<64xi32, #tpu.memory_space<vmem>>
      %dma_start3A_93 = arith.constant 0 : i32
      %dma_start3A_94 = arith.constant 0 : i32
      %dma_start3A_95 = tpu.memref_slice %arg4[%arg1, %dma_start3A_93, %dma_start3A_94] : memref<16x160x64xi32, #tpu.memory_space<hbm>> -> memref<1x160x64xi32, #tpu.memory_space<hbm>>
      %dma_start3A_96 = tpu.memref_squeeze %dma_start3A_95 : memref<1x160x64xi32, #tpu.memory_space<hbm>> -> memref<160x64xi32, #tpu.memory_space<hbm>>
      %dma_start3A_97 = arith.constant 0 : i32
      %dma_start3A_98 = tpu.memref_slice %dma_start3A_96[%dma_start3A_78, %dma_start3A_97] : memref<160x64xi32, #tpu.memory_space<hbm>> -> memref<1x64xi32, #tpu.memory_space<hbm>>
      %dma_start3A_99 = tpu.memref_squeeze %dma_start3A_98 : memref<1x64xi32, #tpu.memory_space<hbm>> -> memref<64xi32, #tpu.memory_space<hbm>>
      tpu.enqueue_dma source(%dma_start3A_99 : memref<64xi32, #tpu.memory_space<hbm>>) target(%dma_start3A_92 : memref<64xi32, #tpu.memory_space<vmem>>) target_semaphore(%arg22 : memref<!tpu.dma_semaphore, #tpu.memory_space<semaphore_mem>>)
      %dma_start3A_100 = arith.constant 3 : i32
      %dma_start3A_101 = arith.constant 3 : i32
      %dma_start3A_102 = arith.constant 0 : i32
      %dma_start3A_103 = tpu.memref_slice %arg9[%dma_start3A_101, %dma_start3A_102] : memref<4x64xi32, #tpu.memory_space<vmem>> -> memref<1x64xi32, #tpu.memory_space<vmem>>
      %dma_start3A_104 = tpu.memref_squeeze %dma_start3A_103 : memref<1x64xi32, #tpu.memory_space<vmem>> -> memref<64xi32, #tpu.memory_space<vmem>>
      %dma_start3A_105 = arith.constant 0 : i32
      %dma_start3A_106 = arith.constant 0 : i32
      %dma_start3A_107 = tpu.memref_slice %arg4[%arg1, %dma_start3A_105, %dma_start3A_106] : memref<16x160x64xi32, #tpu.memory_space<hbm>> -> memref<1x160x64xi32, #tpu.memory_space<hbm>>
      %dma_start3A_108 = tpu.memref_squeeze %dma_start3A_107 : memref<1x160x64xi32, #tpu.memory_space<hbm>> -> memref<160x64xi32, #tpu.memory_space<hbm>>
      %dma_start3A_109 = arith.constant 0 : i32
      %dma_start3A_110 = tpu.memref_slice %dma_start3A_108[%dma_start3A_100, %dma_start3A_109] : memref<160x64xi32, #tpu.memory_space<hbm>> -> memref<1x64xi32, #tpu.memory_space<hbm>>
      %dma_start3A_111 = tpu.memref_squeeze %dma_start3A_110 : memref<1x64xi32, #tpu.memory_space<hbm>> -> memref<64xi32, #tpu.memory_space<hbm>>
      %dma_start3A_112 = arith.constant 0 : i32
      %dma_start3A_113 = tpu.memref_slice %arg9[%dma_start3A_101, %dma_start3A_112] : memref<4x64xi32, #tpu.memory_space<vmem>> -> memref<1x64xi32, #tpu.memory_space<vmem>>
      %dma_start3A_114 = tpu.memref_squeeze %dma_start3A_113 : memref<1x64xi32, #tpu.memory_space<vmem>> -> memref<64xi32, #tpu.memory_space<vmem>>
      %dma_start3A_115 = arith.constant 0 : i32
      %dma_start3A_116 = arith.constant 0 : i32
      %dma_start3A_117 = tpu.memref_slice %arg4[%arg1, %dma_start3A_115, %dma_start3A_116] : memref<16x160x64xi32, #tpu.memory_space<hbm>> -> memref<1x160x64xi32, #tpu.memory_space<hbm>>
      %dma_start3A_118 = tpu.memref_squeeze %dma_start3A_117 : memref<1x160x64xi32, #tpu.memory_space<hbm>> -> memref<160x64xi32, #tpu.memory_space<hbm>>
      %dma_start3A_119 = arith.constant 0 : i32
      %dma_start3A_120 = tpu.memref_slice %dma_start3A_118[%dma_start3A_100, %dma_start3A_119] : memref<160x64xi32, #tpu.memory_space<hbm>> -> memref<1x64xi32, #tpu.memory_space<hbm>>
      %dma_start3A_121 = tpu.memref_squeeze %dma_start3A_120 : memref<1x64xi32, #tpu.memory_space<hbm>> -> memref<64xi32, #tpu.memory_space<hbm>>
      tpu.enqueue_dma source(%dma_start3A_121 : memref<64xi32, #tpu.memory_space<hbm>>) target(%dma_start3A_114 : memref<64xi32, #tpu.memory_space<vmem>>) target_semaphore(%arg23 : memref<!tpu.dma_semaphore, #tpu.memory_space<semaphore_mem>>)
      %scan3A = arith.constant 0 : i32
      %scan3A_122 = arith.constant 40 : i32
      %scan3A_123 = arith.addi %scan3A, %scan3A_122 : i32
      %scan3A_124 = arith.constant 1 : i32
      scf.for %scan3A_151 = %scan3A to %scan3A_123 step %scan3A_124  : i32 {
        %mul3A_152 = arith.constant 1 : i32
        %mul3A_153 = arith.muli %scan3A_151, %mul3A_152 : i32
        %add3A = arith.constant 0 : i32
        %add3A_154 = arith.addi %add3A, %mul3A_153 : i32
        %mul3A_155 = arith.constant 4 : i32
        %mul3A_156 = arith.muli %mul3A_155, %add3A_154 : i32
        %add3A_157 = arith.constant 0 : i32
        %add3A_158 = arith.addi %mul3A_156, %add3A_157 : i32
        %add3A_159 = arith.constant 2 : i32
        %add3A_160 = arith.addi %add3A_158, %add3A_159 : i32
        %ge3A = arith.constant 4 : i32
        %ge3A_161 = arith.cmpi sge, %add3A_160, %ge3A : i32
        %convert_element_type3A_162 = arith.extui %ge3A_161 : i1 to i32
        %cond3A_163 = arith.constant 0 : i32
        %cond3A_164 = arith.cmpi ne, %convert_element_type3A_162, %cond3A_163 : i32
        scf.if %cond3A_164 {
          %dma_wait3A_429 = arith.constant 2 : i32
          %dma_wait3A_430 = arith.constant 2 : i32
          %dma_wait3A_431 = arith.constant 0 : i32
          %dma_wait3A_432 = arith.constant 0 : i32
          %dma_wait3A_433 = tpu.memref_slice %arg11[%dma_wait3A_429, %dma_wait3A_431, %dma_wait3A_432] : memref<4x64x128xf32, #tpu.memory_space<vmem>> -> memref<1x64x128xf32, #tpu.memory_space<vmem>>
          %dma_wait3A_434 = tpu.memref_squeeze %dma_wait3A_433 : memref<1x64x128xf32, #tpu.memory_space<vmem>> -> memref<64x128xf32, #tpu.memory_space<vmem>>
          %dma_wait3A_435 = arith.constant 0 : i32
          %dma_wait3A_436 = tpu.memref_slice %arg10[%dma_wait3A_430, %dma_wait3A_435] : memref<4x64xi32, #tpu.memory_space<vmem>> -> memref<1x64xi32, #tpu.memory_space<vmem>>
          %dma_wait3A_437 = tpu.memref_squeeze %dma_wait3A_436 : memref<1x64xi32, #tpu.memory_space<vmem>> -> memref<64xi32, #tpu.memory_space<vmem>>
          %dma_wait3A_438 = arith.constant 0 : i32
          %dma_wait3A_439 = arith.constant 0 : i32
          %dma_wait3A_440 = tpu.memref_slice %arg24[%dma_wait3A_438, %dma_wait3A_439] : memref<10240x128xf32, #tpu.memory_space<vmem_shared>> -> memref<10240x128xf32, #tpu.memory_space<vmem_shared>>
          tpu.wait_indirect_dma semaphore(%arg18 : memref<!tpu.dma_semaphore, #tpu.memory_space<semaphore_mem>>) src(%dma_wait3A_434 : memref<64x128xf32, #tpu.memory_space<vmem>>) dst(%dma_wait3A_440 : memref<10240x128xf32, #tpu.memory_space<vmem_shared>>)
        } else {
        }
        %lt3A = arith.constant 160 : i32
        %lt3A_165 = arith.cmpi slt, %add3A_160, %lt3A : i32
        %convert_element_type3A_166 = arith.extui %lt3A_165 : i1 to i32
        %cond3A_167 = arith.constant 0 : i32
        %cond3A_168 = arith.cmpi ne, %convert_element_type3A_166, %cond3A_167 : i32
        scf.if %cond3A_168 {
          %dma_wait3A_429 = arith.constant 0 : i32
          %dma_wait3A_430 = arith.constant 2 : i32
          %dma_wait3A_431 = arith.constant 0 : i32
          %dma_wait3A_432 = tpu.memref_slice %arg9[%dma_wait3A_430, %dma_wait3A_431] : memref<4x64xi32, #tpu.memory_space<vmem>> -> memref<1x64xi32, #tpu.memory_space<vmem>>
          %dma_wait3A_433 = tpu.memref_squeeze %dma_wait3A_432 : memref<1x64xi32, #tpu.memory_space<vmem>> -> memref<64xi32, #tpu.memory_space<vmem>>
          %dma_wait3A_434 = arith.constant 0 : i32
          %dma_wait3A_435 = arith.constant 0 : i32
          %dma_wait3A_436 = tpu.memref_slice %arg4[%arg1, %dma_wait3A_434, %dma_wait3A_435] : memref<16x160x64xi32, #tpu.memory_space<hbm>> -> memref<1x160x64xi32, #tpu.memory_space<hbm>>
          %dma_wait3A_437 = tpu.memref_squeeze %dma_wait3A_436 : memref<1x160x64xi32, #tpu.memory_space<hbm>> -> memref<160x64xi32, #tpu.memory_space<hbm>>
          %dma_wait3A_438 = arith.constant 0 : i32
          %dma_wait3A_439 = tpu.memref_slice %dma_wait3A_437[%dma_wait3A_429, %dma_wait3A_438] : memref<160x64xi32, #tpu.memory_space<hbm>> -> memref<1x64xi32, #tpu.memory_space<hbm>>
          %dma_wait3A_440 = tpu.memref_squeeze %dma_wait3A_439 : memref<1x64xi32, #tpu.memory_space<hbm>> -> memref<64xi32, #tpu.memory_space<hbm>>
          %dma_wait3A_441 = arith.constant 0 : i32
          %dma_wait3A_442 = tpu.memref_slice %arg9[%dma_wait3A_430, %dma_wait3A_441] : memref<4x64xi32, #tpu.memory_space<vmem>> -> memref<1x64xi32, #tpu.memory_space<vmem>>
          %dma_wait3A_443 = tpu.memref_squeeze %dma_wait3A_442 : memref<1x64xi32, #tpu.memory_space<vmem>> -> memref<64xi32, #tpu.memory_space<vmem>>
          %dma_wait3A_444 = arith.constant 0 : i32
          %dma_wait3A_445 = arith.constant 0 : i32
          %dma_wait3A_446 = tpu.memref_slice %arg4[%arg1, %dma_wait3A_444, %dma_wait3A_445] : memref<16x160x64xi32, #tpu.memory_space<hbm>> -> memref<1x160x64xi32, #tpu.memory_space<hbm>>
          %dma_wait3A_447 = tpu.memref_squeeze %dma_wait3A_446 : memref<1x160x64xi32, #tpu.memory_space<hbm>> -> memref<160x64xi32, #tpu.memory_space<hbm>>
          %dma_wait3A_448 = arith.constant 0 : i32
          %dma_wait3A_449 = tpu.memref_slice %dma_wait3A_447[%dma_wait3A_429, %dma_wait3A_448] : memref<160x64xi32, #tpu.memory_space<hbm>> -> memref<1x64xi32, #tpu.memory_space<hbm>>
          %dma_wait3A_450 = tpu.memref_squeeze %dma_wait3A_449 : memref<1x64xi32, #tpu.memory_space<hbm>> -> memref<64xi32, #tpu.memory_space<hbm>>
          tpu.wait_dma2 semaphore(%arg22 : memref<!tpu.dma_semaphore, #tpu.memory_space<semaphore_mem>>) src(%dma_wait3A_450 : memref<64xi32, #tpu.memory_space<hbm>>) dst(%dma_wait3A_443 : memref<64xi32, #tpu.memory_space<vmem>>)
          %dma_start3A_451 = arith.constant 2 : i32
          %dma_start3A_452 = arith.constant 0 : i32
          %dma_start3A_453 = tpu.memref_slice %arg10[%dma_start3A_451, %dma_start3A_452] : memref<4x64xi32, #tpu.memory_space<vmem>> -> memref<1x64xi32, #tpu.memory_space<vmem>>
          %dma_start3A_454 = tpu.memref_squeeze %dma_start3A_453 : memref<1x64xi32, #tpu.memory_space<vmem>> -> memref<64xi32, #tpu.memory_space<vmem>>
          %dma_start3A_455 = arith.constant 0 : i32
          %dma_start3A_456 = arith.constant 0 : i32
          %dma_start3A_457 = tpu.memref_slice %arg5[%arg1, %dma_start3A_455, %dma_start3A_456] : memref<16x160x64xi32, #tpu.memory_space<hbm>> -> memref<1x160x64xi32, #tpu.memory_space<hbm>>
          %dma_start3A_458 = tpu.memref_squeeze %dma_start3A_457 : memref<1x160x64xi32, #tpu.memory_space<hbm>> -> memref<160x64xi32, #tpu.memory_space<hbm>>
          %dma_start3A_459 = arith.constant 0 : i32
          %dma_start3A_460 = tpu.memref_slice %dma_start3A_458[%add3A_160, %dma_start3A_459] : memref<160x64xi32, #tpu.memory_space<hbm>> -> memref<1x64xi32, #tpu.memory_space<hbm>>
          %dma_start3A_461 = tpu.memref_squeeze %dma_start3A_460 : memref<1x64xi32, #tpu.memory_space<hbm>> -> memref<64xi32, #tpu.memory_space<hbm>>
          %dma_start3A_462 = arith.constant 0 : i32
          %dma_start3A_463 = tpu.memref_slice %arg10[%dma_start3A_451, %dma_start3A_462] : memref<4x64xi32, #tpu.memory_space<vmem>> -> memref<1x64xi32, #tpu.memory_space<vmem>>
          %dma_start3A_464 = tpu.memref_squeeze %dma_start3A_463 : memref<1x64xi32, #tpu.memory_space<vmem>> -> memref<64xi32, #tpu.memory_space<vmem>>
          %dma_start3A_465 = arith.constant 0 : i32
          %dma_start3A_466 = arith.constant 0 : i32
          %dma_start3A_467 = tpu.memref_slice %arg5[%arg1, %dma_start3A_465, %dma_start3A_466] : memref<16x160x64xi32, #tpu.memory_space<hbm>> -> memref<1x160x64xi32, #tpu.memory_space<hbm>>
          %dma_start3A_468 = tpu.memref_squeeze %dma_start3A_467 : memref<1x160x64xi32, #tpu.memory_space<hbm>> -> memref<160x64xi32, #tpu.memory_space<hbm>>
          %dma_start3A_469 = arith.constant 0 : i32
          %dma_start3A_470 = tpu.memref_slice %dma_start3A_468[%add3A_160, %dma_start3A_469] : memref<160x64xi32, #tpu.memory_space<hbm>> -> memref<1x64xi32, #tpu.memory_space<hbm>>
          %dma_start3A_471 = tpu.memref_squeeze %dma_start3A_470 : memref<1x64xi32, #tpu.memory_space<hbm>> -> memref<64xi32, #tpu.memory_space<hbm>>
          tpu.enqueue_dma source(%dma_start3A_471 : memref<64xi32, #tpu.memory_space<hbm>>) target(%dma_start3A_464 : memref<64xi32, #tpu.memory_space<vmem>>) target_semaphore(%arg14 : memref<!tpu.dma_semaphore, #tpu.memory_space<semaphore_mem>>)
          %dma_start3A_472 = arith.constant 2 : i32
          %dma_start3A_473 = arith.constant 2 : i32
          %dma_start3A_474 = arith.constant 0 : i32
          %dma_start3A_475 = arith.constant 0 : i32
          %dma_start3A_476 = tpu.memref_slice %arg11[%dma_start3A_473, %dma_start3A_474, %dma_start3A_475] : memref<4x64x128xf32, #tpu.memory_space<vmem>> -> memref<1x64x128xf32, #tpu.memory_space<vmem>>
          %dma_start3A_477 = tpu.memref_squeeze %dma_start3A_476 : memref<1x64x128xf32, #tpu.memory_space<vmem>> -> memref<64x128xf32, #tpu.memory_space<vmem>>
          %dma_start3A_478 = arith.constant 0 : i32
          %dma_start3A_479 = tpu.memref_slice %arg9[%dma_start3A_472, %dma_start3A_478] : memref<4x64xi32, #tpu.memory_space<vmem>> -> memref<1x64xi32, #tpu.memory_space<vmem>>
          %dma_start3A_480 = tpu.memref_squeeze %dma_start3A_479 : memref<1x64xi32, #tpu.memory_space<vmem>> -> memref<64xi32, #tpu.memory_space<vmem>>
          %dma_start3A_481 = arith.constant 0 : i32
          %dma_start3A_482 = arith.constant 0 : i32
          %dma_start3A_483 = tpu.memref_slice %arg2[%dma_start3A_481, %dma_start3A_482] : memref<10240x128xf32, #tpu.memory_space<hbm>> -> memref<10240x128xf32, #tpu.memory_space<hbm>>
          tpu.enqueue_indirect_dma source(%dma_start3A_483 : memref<10240x128xf32, #tpu.memory_space<hbm>>) target(%dma_start3A_477 : memref<64x128xf32, #tpu.memory_space<vmem>>) offsets(%dma_start3A_480 : memref<64xi32, #tpu.memory_space<vmem>>) semaphore(%arg14 : memref<!tpu.dma_semaphore, #tpu.memory_space<semaphore_mem>>)
        } else {
        }
        %dma_wait3A_169 = arith.constant 0 : i32
        %dma_wait3A_170 = arith.constant 0 : i32
        %dma_wait3A_171 = arith.constant 0 : i32
        %dma_wait3A_172 = tpu.memref_slice %arg10[%dma_wait3A_170, %dma_wait3A_171] : memref<4x64xi32, #tpu.memory_space<vmem>> -> memref<1x64xi32, #tpu.memory_space<vmem>>
        %dma_wait3A_173 = tpu.memref_squeeze %dma_wait3A_172 : memref<1x64xi32, #tpu.memory_space<vmem>> -> memref<64xi32, #tpu.memory_space<vmem>>
        %dma_wait3A_174 = arith.constant 0 : i32
        %dma_wait3A_175 = arith.constant 0 : i32
        %dma_wait3A_176 = tpu.memref_slice %arg5[%arg1, %dma_wait3A_174, %dma_wait3A_175] : memref<16x160x64xi32, #tpu.memory_space<hbm>> -> memref<1x160x64xi32, #tpu.memory_space<hbm>>
        %dma_wait3A_177 = tpu.memref_squeeze %dma_wait3A_176 : memref<1x160x64xi32, #tpu.memory_space<hbm>> -> memref<160x64xi32, #tpu.memory_space<hbm>>
        %dma_wait3A_178 = arith.constant 0 : i32
        %dma_wait3A_179 = tpu.memref_slice %dma_wait3A_177[%dma_wait3A_169, %dma_wait3A_178] : memref<160x64xi32, #tpu.memory_space<hbm>> -> memref<1x64xi32, #tpu.memory_space<hbm>>
        %dma_wait3A_180 = tpu.memref_squeeze %dma_wait3A_179 : memref<1x64xi32, #tpu.memory_space<hbm>> -> memref<64xi32, #tpu.memory_space<hbm>>
        %dma_wait3A_181 = arith.constant 0 : i32
        %dma_wait3A_182 = tpu.memref_slice %arg10[%dma_wait3A_170, %dma_wait3A_181] : memref<4x64xi32, #tpu.memory_space<vmem>> -> memref<1x64xi32, #tpu.memory_space<vmem>>
        %dma_wait3A_183 = tpu.memref_squeeze %dma_wait3A_182 : memref<1x64xi32, #tpu.memory_space<vmem>> -> memref<64xi32, #tpu.memory_space<vmem>>
        %dma_wait3A_184 = arith.constant 0 : i32
        %dma_wait3A_185 = arith.constant 0 : i32
        %dma_wait3A_186 = tpu.memref_slice %arg5[%arg1, %dma_wait3A_184, %dma_wait3A_185] : memref<16x160x64xi32, #tpu.memory_space<hbm>> -> memref<1x160x64xi32, #tpu.memory_space<hbm>>
        %dma_wait3A_187 = tpu.memref_squeeze %dma_wait3A_186 : memref<1x160x64xi32, #tpu.memory_space<hbm>> -> memref<160x64xi32, #tpu.memory_space<hbm>>
        %dma_wait3A_188 = arith.constant 0 : i32
        %dma_wait3A_189 = tpu.memref_slice %dma_wait3A_187[%dma_wait3A_169, %dma_wait3A_188] : memref<160x64xi32, #tpu.memory_space<hbm>> -> memref<1x64xi32, #tpu.memory_space<hbm>>
        %dma_wait3A_190 = tpu.memref_squeeze %dma_wait3A_189 : memref<1x64xi32, #tpu.memory_space<hbm>> -> memref<64xi32, #tpu.memory_space<hbm>>
        tpu.wait_dma2 semaphore(%arg12 : memref<!tpu.dma_semaphore, #tpu.memory_space<semaphore_mem>>) src(%dma_wait3A_190 : memref<64xi32, #tpu.memory_space<hbm>>) dst(%dma_wait3A_183 : memref<64xi32, #tpu.memory_space<vmem>>)
        %dma_wait3A_191 = arith.constant 0 : i32
        %dma_wait3A_192 = arith.constant 0 : i32
        %dma_wait3A_193 = arith.constant 0 : i32
        %dma_wait3A_194 = arith.constant 0 : i32
        %dma_wait3A_195 = tpu.memref_slice %arg11[%dma_wait3A_192, %dma_wait3A_193, %dma_wait3A_194] : memref<4x64x128xf32, #tpu.memory_space<vmem>> -> memref<1x64x128xf32, #tpu.memory_space<vmem>>
        %dma_wait3A_196 = tpu.memref_squeeze %dma_wait3A_195 : memref<1x64x128xf32, #tpu.memory_space<vmem>> -> memref<64x128xf32, #tpu.memory_space<vmem>>
        %dma_wait3A_197 = arith.constant 0 : i32
        %dma_wait3A_198 = tpu.memref_slice %arg9[%dma_wait3A_191, %dma_wait3A_197] : memref<4x64xi32, #tpu.memory_space<vmem>> -> memref<1x64xi32, #tpu.memory_space<vmem>>
        %dma_wait3A_199 = tpu.memref_squeeze %dma_wait3A_198 : memref<1x64xi32, #tpu.memory_space<vmem>> -> memref<64xi32, #tpu.memory_space<vmem>>
        %dma_wait3A_200 = arith.constant 0 : i32
        %dma_wait3A_201 = arith.constant 0 : i32
        %dma_wait3A_202 = tpu.memref_slice %arg2[%dma_wait3A_200, %dma_wait3A_201] : memref<10240x128xf32, #tpu.memory_space<hbm>> -> memref<10240x128xf32, #tpu.memory_space<hbm>>
        tpu.wait_indirect_dma semaphore(%arg12 : memref<!tpu.dma_semaphore, #tpu.memory_space<semaphore_mem>>) src(%dma_wait3A_202 : memref<10240x128xf32, #tpu.memory_space<hbm>>) dst(%dma_wait3A_196 : memref<64x128xf32, #tpu.memory_space<vmem>>)
        %add3A_203 = arith.constant 4 : i32
        %add3A_204 = arith.addi %add3A_158, %add3A_203 : i32
        %lt3A_205 = arith.constant 160 : i32
        %lt3A_206 = arith.cmpi slt, %add3A_204, %lt3A_205 : i32
        %convert_element_type3A_207 = arith.extui %lt3A_206 : i1 to i32
        %cond3A_208 = arith.constant 0 : i32
        %cond3A_209 = arith.cmpi ne, %convert_element_type3A_207, %cond3A_208 : i32
        scf.if %cond3A_209 {
          %add3A_429 = arith.constant 4 : i32
          %add3A_430 = arith.addi %add3A_158, %add3A_429 : i32
          %dma_start3A_431 = arith.constant 0 : i32
          %dma_start3A_432 = arith.constant 0 : i32
          %dma_start3A_433 = tpu.memref_slice %arg9[%dma_start3A_431, %dma_start3A_432] : memref<4x64xi32, #tpu.memory_space<vmem>> -> memref<1x64xi32, #tpu.memory_space<vmem>>
          %dma_start3A_434 = tpu.memref_squeeze %dma_start3A_433 : memref<1x64xi32, #tpu.memory_space<vmem>> -> memref<64xi32, #tpu.memory_space<vmem>>
          %dma_start3A_435 = arith.constant 0 : i32
          %dma_start3A_436 = arith.constant 0 : i32
          %dma_start3A_437 = tpu.memref_slice %arg4[%arg1, %dma_start3A_435, %dma_start3A_436] : memref<16x160x64xi32, #tpu.memory_space<hbm>> -> memref<1x160x64xi32, #tpu.memory_space<hbm>>
          %dma_start3A_438 = tpu.memref_squeeze %dma_start3A_437 : memref<1x160x64xi32, #tpu.memory_space<hbm>> -> memref<160x64xi32, #tpu.memory_space<hbm>>
          %dma_start3A_439 = arith.constant 0 : i32
          %dma_start3A_440 = tpu.memref_slice %dma_start3A_438[%add3A_430, %dma_start3A_439] : memref<160x64xi32, #tpu.memory_space<hbm>> -> memref<1x64xi32, #tpu.memory_space<hbm>>
          %dma_start3A_441 = tpu.memref_squeeze %dma_start3A_440 : memref<1x64xi32, #tpu.memory_space<hbm>> -> memref<64xi32, #tpu.memory_space<hbm>>
          %dma_start3A_442 = arith.constant 0 : i32
          %dma_start3A_443 = tpu.memref_slice %arg9[%dma_start3A_431, %dma_start3A_442] : memref<4x64xi32, #tpu.memory_space<vmem>> -> memref<1x64xi32, #tpu.memory_space<vmem>>
          %dma_start3A_444 = tpu.memref_squeeze %dma_start3A_443 : memref<1x64xi32, #tpu.memory_space<vmem>> -> memref<64xi32, #tpu.memory_space<vmem>>
          %dma_start3A_445 = arith.constant 0 : i32
          %dma_start3A_446 = arith.constant 0 : i32
          %dma_start3A_447 = tpu.memref_slice %arg4[%arg1, %dma_start3A_445, %dma_start3A_446] : memref<16x160x64xi32, #tpu.memory_space<hbm>> -> memref<1x160x64xi32, #tpu.memory_space<hbm>>
          %dma_start3A_448 = tpu.memref_squeeze %dma_start3A_447 : memref<1x160x64xi32, #tpu.memory_space<hbm>> -> memref<160x64xi32, #tpu.memory_space<hbm>>
          %dma_start3A_449 = arith.constant 0 : i32
          %dma_start3A_450 = tpu.memref_slice %dma_start3A_448[%add3A_430, %dma_start3A_449] : memref<160x64xi32, #tpu.memory_space<hbm>> -> memref<1x64xi32, #tpu.memory_space<hbm>>
          %dma_start3A_451 = tpu.memref_squeeze %dma_start3A_450 : memref<1x64xi32, #tpu.memory_space<hbm>> -> memref<64xi32, #tpu.memory_space<hbm>>
          tpu.enqueue_dma source(%dma_start3A_451 : memref<64xi32, #tpu.memory_space<hbm>>) target(%dma_start3A_444 : memref<64xi32, #tpu.memory_space<vmem>>) target_semaphore(%arg20 : memref<!tpu.dma_semaphore, #tpu.memory_space<semaphore_mem>>)
        } else {
        }
        %dma_start3A_210 = arith.constant 0 : i32
        %dma_start3A_211 = arith.constant 0 : i32
        %dma_start3A_212 = arith.constant 0 : i32
        %dma_start3A_213 = arith.constant 0 : i32
        %dma_start3A_214 = tpu.memref_slice %arg11[%dma_start3A_210, %dma_start3A_212, %dma_start3A_213] : memref<4x64x128xf32, #tpu.memory_space<vmem>> -> memref<1x64x128xf32, #tpu.memory_space<vmem>>
        %dma_start3A_215 = tpu.memref_squeeze %dma_start3A_214 : memref<1x64x128xf32, #tpu.memory_space<vmem>> -> memref<64x128xf32, #tpu.memory_space<vmem>>
        %dma_start3A_216 = arith.constant 0 : i32
        %dma_start3A_217 = tpu.memref_slice %arg10[%dma_start3A_211, %dma_start3A_216] : memref<4x64xi32, #tpu.memory_space<vmem>> -> memref<1x64xi32, #tpu.memory_space<vmem>>
        %dma_start3A_218 = tpu.memref_squeeze %dma_start3A_217 : memref<1x64xi32, #tpu.memory_space<vmem>> -> memref<64xi32, #tpu.memory_space<vmem>>
        %dma_start3A_219 = arith.constant 0 : i32
        %dma_start3A_220 = arith.constant 0 : i32
        %dma_start3A_221 = tpu.memref_slice %arg24[%dma_start3A_219, %dma_start3A_220] : memref<10240x128xf32, #tpu.memory_space<vmem_shared>> -> memref<10240x128xf32, #tpu.memory_space<vmem_shared>>
        tpu.enqueue_indirect_dma source(%dma_start3A_215 : memref<64x128xf32, #tpu.memory_space<vmem>>) target(%dma_start3A_221 : memref<10240x128xf32, #tpu.memory_space<vmem_shared>>) offsets(%dma_start3A_218 : memref<64xi32, #tpu.memory_space<vmem>>) semaphore(%arg16 : memref<!tpu.dma_semaphore, #tpu.memory_space<semaphore_mem>>) {add = true}
        %mul3A_222 = arith.constant 4 : i32
        %mul3A_223 = arith.muli %mul3A_222, %add3A_154 : i32
        %add3A_224 = arith.constant 1 : i32
        %add3A_225 = arith.addi %mul3A_223, %add3A_224 : i32
        %add3A_226 = arith.constant 2 : i32
        %add3A_227 = arith.addi %add3A_225, %add3A_226 : i32
        %ge3A_228 = arith.constant 4 : i32
        %ge3A_229 = arith.cmpi sge, %add3A_227, %ge3A_228 : i32
        %convert_element_type3A_230 = arith.extui %ge3A_229 : i1 to i32
        %cond3A_231 = arith.constant 0 : i32
        %cond3A_232 = arith.cmpi ne, %convert_element_type3A_230, %cond3A_231 : i32
        scf.if %cond3A_232 {
          %dma_wait3A_429 = arith.constant 3 : i32
          %dma_wait3A_430 = arith.constant 3 : i32
          %dma_wait3A_431 = arith.constant 0 : i32
          %dma_wait3A_432 = arith.constant 0 : i32
          %dma_wait3A_433 = tpu.memref_slice %arg11[%dma_wait3A_429, %dma_wait3A_431, %dma_wait3A_432] : memref<4x64x128xf32, #tpu.memory_space<vmem>> -> memref<1x64x128xf32, #tpu.memory_space<vmem>>
          %dma_wait3A_434 = tpu.memref_squeeze %dma_wait3A_433 : memref<1x64x128xf32, #tpu.memory_space<vmem>> -> memref<64x128xf32, #tpu.memory_space<vmem>>
          %dma_wait3A_435 = arith.constant 0 : i32
          %dma_wait3A_436 = tpu.memref_slice %arg10[%dma_wait3A_430, %dma_wait3A_435] : memref<4x64xi32, #tpu.memory_space<vmem>> -> memref<1x64xi32, #tpu.memory_space<vmem>>
          %dma_wait3A_437 = tpu.memref_squeeze %dma_wait3A_436 : memref<1x64xi32, #tpu.memory_space<vmem>> -> memref<64xi32, #tpu.memory_space<vmem>>
          %dma_wait3A_438 = arith.constant 0 : i32
          %dma_wait3A_439 = arith.constant 0 : i32
          %dma_wait3A_440 = tpu.memref_slice %arg24[%dma_wait3A_438, %dma_wait3A_439] : memref<10240x128xf32, #tpu.memory_space<vmem_shared>> -> memref<10240x128xf32, #tpu.memory_space<vmem_shared>>
          tpu.wait_indirect_dma semaphore(%arg19 : memref<!tpu.dma_semaphore, #tpu.memory_space<semaphore_mem>>) src(%dma_wait3A_434 : memref<64x128xf32, #tpu.memory_space<vmem>>) dst(%dma_wait3A_440 : memref<10240x128xf32, #tpu.memory_space<vmem_shared>>)
        } else {
        }
        %lt3A_233 = arith.constant 160 : i32
        %lt3A_234 = arith.cmpi slt, %add3A_227, %lt3A_233 : i32
        %convert_element_type3A_235 = arith.extui %lt3A_234 : i1 to i32
        %cond3A_236 = arith.constant 0 : i32
        %cond3A_237 = arith.cmpi ne, %convert_element_type3A_235, %cond3A_236 : i32
        scf.if %cond3A_237 {
          %dma_wait3A_429 = arith.constant 0 : i32
          %dma_wait3A_430 = arith.constant 3 : i32
          %dma_wait3A_431 = arith.constant 0 : i32
          %dma_wait3A_432 = tpu.memref_slice %arg9[%dma_wait3A_430, %dma_wait3A_431] : memref<4x64xi32, #tpu.memory_space<vmem>> -> memref<1x64xi32, #tpu.memory_space<vmem>>
          %dma_wait3A_433 = tpu.memref_squeeze %dma_wait3A_432 : memref<1x64xi32, #tpu.memory_space<vmem>> -> memref<64xi32, #tpu.memory_space<vmem>>
          %dma_wait3A_434 = arith.constant 0 : i32
          %dma_wait3A_435 = arith.constant 0 : i32
          %dma_wait3A_436 = tpu.memref_slice %arg4[%arg1, %dma_wait3A_434, %dma_wait3A_435] : memref<16x160x64xi32, #tpu.memory_space<hbm>> -> memref<1x160x64xi32, #tpu.memory_space<hbm>>
          %dma_wait3A_437 = tpu.memref_squeeze %dma_wait3A_436 : memref<1x160x64xi32, #tpu.memory_space<hbm>> -> memref<160x64xi32, #tpu.memory_space<hbm>>
          %dma_wait3A_438 = arith.constant 0 : i32
          %dma_wait3A_439 = tpu.memref_slice %dma_wait3A_437[%dma_wait3A_429, %dma_wait3A_438] : memref<160x64xi32, #tpu.memory_space<hbm>> -> memref<1x64xi32, #tpu.memory_space<hbm>>
          %dma_wait3A_440 = tpu.memref_squeeze %dma_wait3A_439 : memref<1x64xi32, #tpu.memory_space<hbm>> -> memref<64xi32, #tpu.memory_space<hbm>>
          %dma_wait3A_441 = arith.constant 0 : i32
          %dma_wait3A_442 = tpu.memref_slice %arg9[%dma_wait3A_430, %dma_wait3A_441] : memref<4x64xi32, #tpu.memory_space<vmem>> -> memref<1x64xi32, #tpu.memory_space<vmem>>
          %dma_wait3A_443 = tpu.memref_squeeze %dma_wait3A_442 : memref<1x64xi32, #tpu.memory_space<vmem>> -> memref<64xi32, #tpu.memory_space<vmem>>
          %dma_wait3A_444 = arith.constant 0 : i32
          %dma_wait3A_445 = arith.constant 0 : i32
          %dma_wait3A_446 = tpu.memref_slice %arg4[%arg1, %dma_wait3A_444, %dma_wait3A_445] : memref<16x160x64xi32, #tpu.memory_space<hbm>> -> memref<1x160x64xi32, #tpu.memory_space<hbm>>
          %dma_wait3A_447 = tpu.memref_squeeze %dma_wait3A_446 : memref<1x160x64xi32, #tpu.memory_space<hbm>> -> memref<160x64xi32, #tpu.memory_space<hbm>>
          %dma_wait3A_448 = arith.constant 0 : i32
          %dma_wait3A_449 = tpu.memref_slice %dma_wait3A_447[%dma_wait3A_429, %dma_wait3A_448] : memref<160x64xi32, #tpu.memory_space<hbm>> -> memref<1x64xi32, #tpu.memory_space<hbm>>
          %dma_wait3A_450 = tpu.memref_squeeze %dma_wait3A_449 : memref<1x64xi32, #tpu.memory_space<hbm>> -> memref<64xi32, #tpu.memory_space<hbm>>
          tpu.wait_dma2 semaphore(%arg23 : memref<!tpu.dma_semaphore, #tpu.memory_space<semaphore_mem>>) src(%dma_wait3A_450 : memref<64xi32, #tpu.memory_space<hbm>>) dst(%dma_wait3A_443 : memref<64xi32, #tpu.memory_space<vmem>>)
          %dma_start3A_451 = arith.constant 3 : i32
          %dma_start3A_452 = arith.constant 0 : i32
          %dma_start3A_453 = tpu.memref_slice %arg10[%dma_start3A_451, %dma_start3A_452] : memref<4x64xi32, #tpu.memory_space<vmem>> -> memref<1x64xi32, #tpu.memory_space<vmem>>
          %dma_start3A_454 = tpu.memref_squeeze %dma_start3A_453 : memref<1x64xi32, #tpu.memory_space<vmem>> -> memref<64xi32, #tpu.memory_space<vmem>>
          %dma_start3A_455 = arith.constant 0 : i32
          %dma_start3A_456 = arith.constant 0 : i32
          %dma_start3A_457 = tpu.memref_slice %arg5[%arg1, %dma_start3A_455, %dma_start3A_456] : memref<16x160x64xi32, #tpu.memory_space<hbm>> -> memref<1x160x64xi32, #tpu.memory_space<hbm>>
          %dma_start3A_458 = tpu.memref_squeeze %dma_start3A_457 : memref<1x160x64xi32, #tpu.memory_space<hbm>> -> memref<160x64xi32, #tpu.memory_space<hbm>>
          %dma_start3A_459 = arith.constant 0 : i32
          %dma_start3A_460 = tpu.memref_slice %dma_start3A_458[%add3A_227, %dma_start3A_459] : memref<160x64xi32, #tpu.memory_space<hbm>> -> memref<1x64xi32, #tpu.memory_space<hbm>>
          %dma_start3A_461 = tpu.memref_squeeze %dma_start3A_460 : memref<1x64xi32, #tpu.memory_space<hbm>> -> memref<64xi32, #tpu.memory_space<hbm>>
          %dma_start3A_462 = arith.constant 0 : i32
          %dma_start3A_463 = tpu.memref_slice %arg10[%dma_start3A_451, %dma_start3A_462] : memref<4x64xi32, #tpu.memory_space<vmem>> -> memref<1x64xi32, #tpu.memory_space<vmem>>
          %dma_start3A_464 = tpu.memref_squeeze %dma_start3A_463 : memref<1x64xi32, #tpu.memory_space<vmem>> -> memref<64xi32, #tpu.memory_space<vmem>>
          %dma_start3A_465 = arith.constant 0 : i32
          %dma_start3A_466 = arith.constant 0 : i32
          %dma_start3A_467 = tpu.memref_slice %arg5[%arg1, %dma_start3A_465, %dma_start3A_466] : memref<16x160x64xi32, #tpu.memory_space<hbm>> -> memref<1x160x64xi32, #tpu.memory_space<hbm>>
          %dma_start3A_468 = tpu.memref_squeeze %dma_start3A_467 : memref<1x160x64xi32, #tpu.memory_space<hbm>> -> memref<160x64xi32, #tpu.memory_space<hbm>>
          %dma_start3A_469 = arith.constant 0 : i32
          %dma_start3A_470 = tpu.memref_slice %dma_start3A_468[%add3A_227, %dma_start3A_469] : memref<160x64xi32, #tpu.memory_space<hbm>> -> memref<1x64xi32, #tpu.memory_space<hbm>>
          %dma_start3A_471 = tpu.memref_squeeze %dma_start3A_470 : memref<1x64xi32, #tpu.memory_space<hbm>> -> memref<64xi32, #tpu.memory_space<hbm>>
          tpu.enqueue_dma source(%dma_start3A_471 : memref<64xi32, #tpu.memory_space<hbm>>) target(%dma_start3A_464 : memref<64xi32, #tpu.memory_space<vmem>>) target_semaphore(%arg15 : memref<!tpu.dma_semaphore, #tpu.memory_space<semaphore_mem>>)
          %dma_start3A_472 = arith.constant 3 : i32
          %dma_start3A_473 = arith.constant 3 : i32
          %dma_start3A_474 = arith.constant 0 : i32
          %dma_start3A_475 = arith.constant 0 : i32
          %dma_start3A_476 = tpu.memref_slice %arg11[%dma_start3A_473, %dma_start3A_474, %dma_start3A_475] : memref<4x64x128xf32, #tpu.memory_space<vmem>> -> memref<1x64x128xf32, #tpu.memory_space<vmem>>
          %dma_start3A_477 = tpu.memref_squeeze %dma_start3A_476 : memref<1x64x128xf32, #tpu.memory_space<vmem>> -> memref<64x128xf32, #tpu.memory_space<vmem>>
          %dma_start3A_478 = arith.constant 0 : i32
          %dma_start3A_479 = tpu.memref_slice %arg9[%dma_start3A_472, %dma_start3A_478] : memref<4x64xi32, #tpu.memory_space<vmem>> -> memref<1x64xi32, #tpu.memory_space<vmem>>
          %dma_start3A_480 = tpu.memref_squeeze %dma_start3A_479 : memref<1x64xi32, #tpu.memory_space<vmem>> -> memref<64xi32, #tpu.memory_space<vmem>>
          %dma_start3A_481 = arith.constant 0 : i32
          %dma_start3A_482 = arith.constant 0 : i32
          %dma_start3A_483 = tpu.memref_slice %arg2[%dma_start3A_481, %dma_start3A_482] : memref<10240x128xf32, #tpu.memory_space<hbm>> -> memref<10240x128xf32, #tpu.memory_space<hbm>>
          tpu.enqueue_indirect_dma source(%dma_start3A_483 : memref<10240x128xf32, #tpu.memory_space<hbm>>) target(%dma_start3A_477 : memref<64x128xf32, #tpu.memory_space<vmem>>) offsets(%dma_start3A_480 : memref<64xi32, #tpu.memory_space<vmem>>) semaphore(%arg15 : memref<!tpu.dma_semaphore, #tpu.memory_space<semaphore_mem>>)
        } else {
        }
        %dma_wait3A_238 = arith.constant 0 : i32
        %dma_wait3A_239 = arith.constant 1 : i32
        %dma_wait3A_240 = arith.constant 0 : i32
        %dma_wait3A_241 = tpu.memref_slice %arg10[%dma_wait3A_239, %dma_wait3A_240] : memref<4x64xi32, #tpu.memory_space<vmem>> -> memref<1x64xi32, #tpu.memory_space<vmem>>
        %dma_wait3A_242 = tpu.memref_squeeze %dma_wait3A_241 : memref<1x64xi32, #tpu.memory_space<vmem>> -> memref<64xi32, #tpu.memory_space<vmem>>
        %dma_wait3A_243 = arith.constant 0 : i32
        %dma_wait3A_244 = arith.constant 0 : i32
        %dma_wait3A_245 = tpu.memref_slice %arg5[%arg1, %dma_wait3A_243, %dma_wait3A_244] : memref<16x160x64xi32, #tpu.memory_space<hbm>> -> memref<1x160x64xi32, #tpu.memory_space<hbm>>
        %dma_wait3A_246 = tpu.memref_squeeze %dma_wait3A_245 : memref<1x160x64xi32, #tpu.memory_space<hbm>> -> memref<160x64xi32, #tpu.memory_space<hbm>>
        %dma_wait3A_247 = arith.constant 0 : i32
        %dma_wait3A_248 = tpu.memref_slice %dma_wait3A_246[%dma_wait3A_238, %dma_wait3A_247] : memref<160x64xi32, #tpu.memory_space<hbm>> -> memref<1x64xi32, #tpu.memory_space<hbm>>
        %dma_wait3A_249 = tpu.memref_squeeze %dma_wait3A_248 : memref<1x64xi32, #tpu.memory_space<hbm>> -> memref<64xi32, #tpu.memory_space<hbm>>
        %dma_wait3A_250 = arith.constant 0 : i32
        %dma_wait3A_251 = tpu.memref_slice %arg10[%dma_wait3A_239, %dma_wait3A_250] : memref<4x64xi32, #tpu.memory_space<vmem>> -> memref<1x64xi32, #tpu.memory_space<vmem>>
        %dma_wait3A_252 = tpu.memref_squeeze %dma_wait3A_251 : memref<1x64xi32, #tpu.memory_space<vmem>> -> memref<64xi32, #tpu.memory_space<vmem>>
        %dma_wait3A_253 = arith.constant 0 : i32
        %dma_wait3A_254 = arith.constant 0 : i32
        %dma_wait3A_255 = tpu.memref_slice %arg5[%arg1, %dma_wait3A_253, %dma_wait3A_254] : memref<16x160x64xi32, #tpu.memory_space<hbm>> -> memref<1x160x64xi32, #tpu.memory_space<hbm>>
        %dma_wait3A_256 = tpu.memref_squeeze %dma_wait3A_255 : memref<1x160x64xi32, #tpu.memory_space<hbm>> -> memref<160x64xi32, #tpu.memory_space<hbm>>
        %dma_wait3A_257 = arith.constant 0 : i32
        %dma_wait3A_258 = tpu.memref_slice %dma_wait3A_256[%dma_wait3A_238, %dma_wait3A_257] : memref<160x64xi32, #tpu.memory_space<hbm>> -> memref<1x64xi32, #tpu.memory_space<hbm>>
        %dma_wait3A_259 = tpu.memref_squeeze %dma_wait3A_258 : memref<1x64xi32, #tpu.memory_space<hbm>> -> memref<64xi32, #tpu.memory_space<hbm>>
        tpu.wait_dma2 semaphore(%arg13 : memref<!tpu.dma_semaphore, #tpu.memory_space<semaphore_mem>>) src(%dma_wait3A_259 : memref<64xi32, #tpu.memory_space<hbm>>) dst(%dma_wait3A_252 : memref<64xi32, #tpu.memory_space<vmem>>)
        %dma_wait3A_260 = arith.constant 0 : i32
        %dma_wait3A_261 = arith.constant 1 : i32
        %dma_wait3A_262 = arith.constant 0 : i32
        %dma_wait3A_263 = arith.constant 0 : i32
        %dma_wait3A_264 = tpu.memref_slice %arg11[%dma_wait3A_261, %dma_wait3A_262, %dma_wait3A_263] : memref<4x64x128xf32, #tpu.memory_space<vmem>> -> memref<1x64x128xf32, #tpu.memory_space<vmem>>
        %dma_wait3A_265 = tpu.memref_squeeze %dma_wait3A_264 : memref<1x64x128xf32, #tpu.memory_space<vmem>> -> memref<64x128xf32, #tpu.memory_space<vmem>>
        %dma_wait3A_266 = arith.constant 0 : i32
        %dma_wait3A_267 = tpu.memref_slice %arg9[%dma_wait3A_260, %dma_wait3A_266] : memref<4x64xi32, #tpu.memory_space<vmem>> -> memref<1x64xi32, #tpu.memory_space<vmem>>
        %dma_wait3A_268 = tpu.memref_squeeze %dma_wait3A_267 : memref<1x64xi32, #tpu.memory_space<vmem>> -> memref<64xi32, #tpu.memory_space<vmem>>
        %dma_wait3A_269 = arith.constant 0 : i32
        %dma_wait3A_270 = arith.constant 0 : i32
        %dma_wait3A_271 = tpu.memref_slice %arg2[%dma_wait3A_269, %dma_wait3A_270] : memref<10240x128xf32, #tpu.memory_space<hbm>> -> memref<10240x128xf32, #tpu.memory_space<hbm>>
        tpu.wait_indirect_dma semaphore(%arg13 : memref<!tpu.dma_semaphore, #tpu.memory_space<semaphore_mem>>) src(%dma_wait3A_271 : memref<10240x128xf32, #tpu.memory_space<hbm>>) dst(%dma_wait3A_265 : memref<64x128xf32, #tpu.memory_space<vmem>>)
        %add3A_272 = arith.constant 4 : i32
        %add3A_273 = arith.addi %add3A_225, %add3A_272 : i32
        %lt3A_274 = arith.constant 160 : i32
        %lt3A_275 = arith.cmpi slt, %add3A_273, %lt3A_274 : i32
        %convert_element_type3A_276 = arith.extui %lt3A_275 : i1 to i32
        %cond3A_277 = arith.constant 0 : i32
        %cond3A_278 = arith.cmpi ne, %convert_element_type3A_276, %cond3A_277 : i32
        scf.if %cond3A_278 {
          %add3A_429 = arith.constant 4 : i32
          %add3A_430 = arith.addi %add3A_225, %add3A_429 : i32
          %dma_start3A_431 = arith.constant 1 : i32
          %dma_start3A_432 = arith.constant 0 : i32
          %dma_start3A_433 = tpu.memref_slice %arg9[%dma_start3A_431, %dma_start3A_432] : memref<4x64xi32, #tpu.memory_space<vmem>> -> memref<1x64xi32, #tpu.memory_space<vmem>>
          %dma_start3A_434 = tpu.memref_squeeze %dma_start3A_433 : memref<1x64xi32, #tpu.memory_space<vmem>> -> memref<64xi32, #tpu.memory_space<vmem>>
          %dma_start3A_435 = arith.constant 0 : i32
          %dma_start3A_436 = arith.constant 0 : i32
          %dma_start3A_437 = tpu.memref_slice %arg4[%arg1, %dma_start3A_435, %dma_start3A_436] : memref<16x160x64xi32, #tpu.memory_space<hbm>> -> memref<1x160x64xi32, #tpu.memory_space<hbm>>
          %dma_start3A_438 = tpu.memref_squeeze %dma_start3A_437 : memref<1x160x64xi32, #tpu.memory_space<hbm>> -> memref<160x64xi32, #tpu.memory_space<hbm>>
          %dma_start3A_439 = arith.constant 0 : i32
          %dma_start3A_440 = tpu.memref_slice %dma_start3A_438[%add3A_430, %dma_start3A_439] : memref<160x64xi32, #tpu.memory_space<hbm>> -> memref<1x64xi32, #tpu.memory_space<hbm>>
          %dma_start3A_441 = tpu.memref_squeeze %dma_start3A_440 : memref<1x64xi32, #tpu.memory_space<hbm>> -> memref<64xi32, #tpu.memory_space<hbm>>
          %dma_start3A_442 = arith.constant 0 : i32
          %dma_start3A_443 = tpu.memref_slice %arg9[%dma_start3A_431, %dma_start3A_442] : memref<4x64xi32, #tpu.memory_space<vmem>> -> memref<1x64xi32, #tpu.memory_space<vmem>>
          %dma_start3A_444 = tpu.memref_squeeze %dma_start3A_443 : memref<1x64xi32, #tpu.memory_space<vmem>> -> memref<64xi32, #tpu.memory_space<vmem>>
          %dma_start3A_445 = arith.constant 0 : i32
          %dma_start3A_446 = arith.constant 0 : i32
          %dma_start3A_447 = tpu.memref_slice %arg4[%arg1, %dma_start3A_445, %dma_start3A_446] : memref<16x160x64xi32, #tpu.memory_space<hbm>> -> memref<1x160x64xi32, #tpu.memory_space<hbm>>
          %dma_start3A_448 = tpu.memref_squeeze %dma_start3A_447 : memref<1x160x64xi32, #tpu.memory_space<hbm>> -> memref<160x64xi32, #tpu.memory_space<hbm>>
          %dma_start3A_449 = arith.constant 0 : i32
          %dma_start3A_450 = tpu.memref_slice %dma_start3A_448[%add3A_430, %dma_start3A_449] : memref<160x64xi32, #tpu.memory_space<hbm>> -> memref<1x64xi32, #tpu.memory_space<hbm>>
          %dma_start3A_451 = tpu.memref_squeeze %dma_start3A_450 : memref<1x64xi32, #tpu.memory_space<hbm>> -> memref<64xi32, #tpu.memory_space<hbm>>
          tpu.enqueue_dma source(%dma_start3A_451 : memref<64xi32, #tpu.memory_space<hbm>>) target(%dma_start3A_444 : memref<64xi32, #tpu.memory_space<vmem>>) target_semaphore(%arg21 : memref<!tpu.dma_semaphore, #tpu.memory_space<semaphore_mem>>)
        } else {
        }
        %dma_start3A_279 = arith.constant 1 : i32
        %dma_start3A_280 = arith.constant 1 : i32
        %dma_start3A_281 = arith.constant 0 : i32
        %dma_start3A_282 = arith.constant 0 : i32
        %dma_start3A_283 = tpu.memref_slice %arg11[%dma_start3A_279, %dma_start3A_281, %dma_start3A_282] : memref<4x64x128xf32, #tpu.memory_space<vmem>> -> memref<1x64x128xf32, #tpu.memory_space<vmem>>
        %dma_start3A_284 = tpu.memref_squeeze %dma_start3A_283 : memref<1x64x128xf32, #tpu.memory_space<vmem>> -> memref<64x128xf32, #tpu.memory_space<vmem>>
        %dma_start3A_285 = arith.constant 0 : i32
        %dma_start3A_286 = tpu.memref_slice %arg10[%dma_start3A_280, %dma_start3A_285] : memref<4x64xi32, #tpu.memory_space<vmem>> -> memref<1x64xi32, #tpu.memory_space<vmem>>
        %dma_start3A_287 = tpu.memref_squeeze %dma_start3A_286 : memref<1x64xi32, #tpu.memory_space<vmem>> -> memref<64xi32, #tpu.memory_space<vmem>>
        %dma_start3A_288 = arith.constant 0 : i32
        %dma_start3A_289 = arith.constant 0 : i32
        %dma_start3A_290 = tpu.memref_slice %arg24[%dma_start3A_288, %dma_start3A_289] : memref<10240x128xf32, #tpu.memory_space<vmem_shared>> -> memref<10240x128xf32, #tpu.memory_space<vmem_shared>>
        tpu.enqueue_indirect_dma source(%dma_start3A_284 : memref<64x128xf32, #tpu.memory_space<vmem>>) target(%dma_start3A_290 : memref<10240x128xf32, #tpu.memory_space<vmem_shared>>) offsets(%dma_start3A_287 : memref<64xi32, #tpu.memory_space<vmem>>) semaphore(%arg17 : memref<!tpu.dma_semaphore, #tpu.memory_space<semaphore_mem>>) {add = true}
        %mul3A_291 = arith.constant 4 : i32
        %mul3A_292 = arith.muli %mul3A_291, %add3A_154 : i32
        %add3A_293 = arith.constant 2 : i32
        %add3A_294 = arith.addi %mul3A_292, %add3A_293 : i32
        %add3A_295 = arith.constant 2 : i32
        %add3A_296 = arith.addi %add3A_294, %add3A_295 : i32
        %ge3A_297 = arith.constant 4 : i32
        %ge3A_298 = arith.cmpi sge, %add3A_296, %ge3A_297 : i32
        %convert_element_type3A_299 = arith.extui %ge3A_298 : i1 to i32
        %cond3A_300 = arith.constant 0 : i32
        %cond3A_301 = arith.cmpi ne, %convert_element_type3A_299, %cond3A_300 : i32
        scf.if %cond3A_301 {
          %dma_wait3A_429 = arith.constant 0 : i32
          %dma_wait3A_430 = arith.constant 0 : i32
          %dma_wait3A_431 = arith.constant 0 : i32
          %dma_wait3A_432 = arith.constant 0 : i32
          %dma_wait3A_433 = tpu.memref_slice %arg11[%dma_wait3A_429, %dma_wait3A_431, %dma_wait3A_432] : memref<4x64x128xf32, #tpu.memory_space<vmem>> -> memref<1x64x128xf32, #tpu.memory_space<vmem>>
          %dma_wait3A_434 = tpu.memref_squeeze %dma_wait3A_433 : memref<1x64x128xf32, #tpu.memory_space<vmem>> -> memref<64x128xf32, #tpu.memory_space<vmem>>
          %dma_wait3A_435 = arith.constant 0 : i32
          %dma_wait3A_436 = tpu.memref_slice %arg10[%dma_wait3A_430, %dma_wait3A_435] : memref<4x64xi32, #tpu.memory_space<vmem>> -> memref<1x64xi32, #tpu.memory_space<vmem>>
          %dma_wait3A_437 = tpu.memref_squeeze %dma_wait3A_436 : memref<1x64xi32, #tpu.memory_space<vmem>> -> memref<64xi32, #tpu.memory_space<vmem>>
          %dma_wait3A_438 = arith.constant 0 : i32
          %dma_wait3A_439 = arith.constant 0 : i32
          %dma_wait3A_440 = tpu.memref_slice %arg24[%dma_wait3A_438, %dma_wait3A_439] : memref<10240x128xf32, #tpu.memory_space<vmem_shared>> -> memref<10240x128xf32, #tpu.memory_space<vmem_shared>>
          tpu.wait_indirect_dma semaphore(%arg16 : memref<!tpu.dma_semaphore, #tpu.memory_space<semaphore_mem>>) src(%dma_wait3A_434 : memref<64x128xf32, #tpu.memory_space<vmem>>) dst(%dma_wait3A_440 : memref<10240x128xf32, #tpu.memory_space<vmem_shared>>)
        } else {
        }
        %lt3A_302 = arith.constant 160 : i32
        %lt3A_303 = arith.cmpi slt, %add3A_296, %lt3A_302 : i32
        %convert_element_type3A_304 = arith.extui %lt3A_303 : i1 to i32
        %cond3A_305 = arith.constant 0 : i32
        %cond3A_306 = arith.cmpi ne, %convert_element_type3A_304, %cond3A_305 : i32
        scf.if %cond3A_306 {
          %dma_wait3A_429 = arith.constant 0 : i32
          %dma_wait3A_430 = arith.constant 0 : i32
          %dma_wait3A_431 = arith.constant 0 : i32
          %dma_wait3A_432 = tpu.memref_slice %arg9[%dma_wait3A_430, %dma_wait3A_431] : memref<4x64xi32, #tpu.memory_space<vmem>> -> memref<1x64xi32, #tpu.memory_space<vmem>>
          %dma_wait3A_433 = tpu.memref_squeeze %dma_wait3A_432 : memref<1x64xi32, #tpu.memory_space<vmem>> -> memref<64xi32, #tpu.memory_space<vmem>>
          %dma_wait3A_434 = arith.constant 0 : i32
          %dma_wait3A_435 = arith.constant 0 : i32
          %dma_wait3A_436 = tpu.memref_slice %arg4[%arg1, %dma_wait3A_434, %dma_wait3A_435] : memref<16x160x64xi32, #tpu.memory_space<hbm>> -> memref<1x160x64xi32, #tpu.memory_space<hbm>>
          %dma_wait3A_437 = tpu.memref_squeeze %dma_wait3A_436 : memref<1x160x64xi32, #tpu.memory_space<hbm>> -> memref<160x64xi32, #tpu.memory_space<hbm>>
          %dma_wait3A_438 = arith.constant 0 : i32
          %dma_wait3A_439 = tpu.memref_slice %dma_wait3A_437[%dma_wait3A_429, %dma_wait3A_438] : memref<160x64xi32, #tpu.memory_space<hbm>> -> memref<1x64xi32, #tpu.memory_space<hbm>>
          %dma_wait3A_440 = tpu.memref_squeeze %dma_wait3A_439 : memref<1x64xi32, #tpu.memory_space<hbm>> -> memref<64xi32, #tpu.memory_space<hbm>>
          %dma_wait3A_441 = arith.constant 0 : i32
          %dma_wait3A_442 = tpu.memref_slice %arg9[%dma_wait3A_430, %dma_wait3A_441] : memref<4x64xi32, #tpu.memory_space<vmem>> -> memref<1x64xi32, #tpu.memory_space<vmem>>
          %dma_wait3A_443 = tpu.memref_squeeze %dma_wait3A_442 : memref<1x64xi32, #tpu.memory_space<vmem>> -> memref<64xi32, #tpu.memory_space<vmem>>
          %dma_wait3A_444 = arith.constant 0 : i32
          %dma_wait3A_445 = arith.constant 0 : i32
          %dma_wait3A_446 = tpu.memref_slice %arg4[%arg1, %dma_wait3A_444, %dma_wait3A_445] : memref<16x160x64xi32, #tpu.memory_space<hbm>> -> memref<1x160x64xi32, #tpu.memory_space<hbm>>
          %dma_wait3A_447 = tpu.memref_squeeze %dma_wait3A_446 : memref<1x160x64xi32, #tpu.memory_space<hbm>> -> memref<160x64xi32, #tpu.memory_space<hbm>>
          %dma_wait3A_448 = arith.constant 0 : i32
          %dma_wait3A_449 = tpu.memref_slice %dma_wait3A_447[%dma_wait3A_429, %dma_wait3A_448] : memref<160x64xi32, #tpu.memory_space<hbm>> -> memref<1x64xi32, #tpu.memory_space<hbm>>
          %dma_wait3A_450 = tpu.memref_squeeze %dma_wait3A_449 : memref<1x64xi32, #tpu.memory_space<hbm>> -> memref<64xi32, #tpu.memory_space<hbm>>
          tpu.wait_dma2 semaphore(%arg20 : memref<!tpu.dma_semaphore, #tpu.memory_space<semaphore_mem>>) src(%dma_wait3A_450 : memref<64xi32, #tpu.memory_space<hbm>>) dst(%dma_wait3A_443 : memref<64xi32, #tpu.memory_space<vmem>>)
          %dma_start3A_451 = arith.constant 0 : i32
          %dma_start3A_452 = arith.constant 0 : i32
          %dma_start3A_453 = tpu.memref_slice %arg10[%dma_start3A_451, %dma_start3A_452] : memref<4x64xi32, #tpu.memory_space<vmem>> -> memref<1x64xi32, #tpu.memory_space<vmem>>
          %dma_start3A_454 = tpu.memref_squeeze %dma_start3A_453 : memref<1x64xi32, #tpu.memory_space<vmem>> -> memref<64xi32, #tpu.memory_space<vmem>>
          %dma_start3A_455 = arith.constant 0 : i32
          %dma_start3A_456 = arith.constant 0 : i32
          %dma_start3A_457 = tpu.memref_slice %arg5[%arg1, %dma_start3A_455, %dma_start3A_456] : memref<16x160x64xi32, #tpu.memory_space<hbm>> -> memref<1x160x64xi32, #tpu.memory_space<hbm>>
          %dma_start3A_458 = tpu.memref_squeeze %dma_start3A_457 : memref<1x160x64xi32, #tpu.memory_space<hbm>> -> memref<160x64xi32, #tpu.memory_space<hbm>>
          %dma_start3A_459 = arith.constant 0 : i32
          %dma_start3A_460 = tpu.memref_slice %dma_start3A_458[%add3A_296, %dma_start3A_459] : memref<160x64xi32, #tpu.memory_space<hbm>> -> memref<1x64xi32, #tpu.memory_space<hbm>>
          %dma_start3A_461 = tpu.memref_squeeze %dma_start3A_460 : memref<1x64xi32, #tpu.memory_space<hbm>> -> memref<64xi32, #tpu.memory_space<hbm>>
          %dma_start3A_462 = arith.constant 0 : i32
          %dma_start3A_463 = tpu.memref_slice %arg10[%dma_start3A_451, %dma_start3A_462] : memref<4x64xi32, #tpu.memory_space<vmem>> -> memref<1x64xi32, #tpu.memory_space<vmem>>
          %dma_start3A_464 = tpu.memref_squeeze %dma_start3A_463 : memref<1x64xi32, #tpu.memory_space<vmem>> -> memref<64xi32, #tpu.memory_space<vmem>>
          %dma_start3A_465 = arith.constant 0 : i32
          %dma_start3A_466 = arith.constant 0 : i32
          %dma_start3A_467 = tpu.memref_slice %arg5[%arg1, %dma_start3A_465, %dma_start3A_466] : memref<16x160x64xi32, #tpu.memory_space<hbm>> -> memref<1x160x64xi32, #tpu.memory_space<hbm>>
          %dma_start3A_468 = tpu.memref_squeeze %dma_start3A_467 : memref<1x160x64xi32, #tpu.memory_space<hbm>> -> memref<160x64xi32, #tpu.memory_space<hbm>>
          %dma_start3A_469 = arith.constant 0 : i32
          %dma_start3A_470 = tpu.memref_slice %dma_start3A_468[%add3A_296, %dma_start3A_469] : memref<160x64xi32, #tpu.memory_space<hbm>> -> memref<1x64xi32, #tpu.memory_space<hbm>>
          %dma_start3A_471 = tpu.memref_squeeze %dma_start3A_470 : memref<1x64xi32, #tpu.memory_space<hbm>> -> memref<64xi32, #tpu.memory_space<hbm>>
          tpu.enqueue_dma source(%dma_start3A_471 : memref<64xi32, #tpu.memory_space<hbm>>) target(%dma_start3A_464 : memref<64xi32, #tpu.memory_space<vmem>>) target_semaphore(%arg12 : memref<!tpu.dma_semaphore, #tpu.memory_space<semaphore_mem>>)
          %dma_start3A_472 = arith.constant 0 : i32
          %dma_start3A_473 = arith.constant 0 : i32
          %dma_start3A_474 = arith.constant 0 : i32
          %dma_start3A_475 = arith.constant 0 : i32
          %dma_start3A_476 = tpu.memref_slice %arg11[%dma_start3A_473, %dma_start3A_474, %dma_start3A_475] : memref<4x64x128xf32, #tpu.memory_space<vmem>> -> memref<1x64x128xf32, #tpu.memory_space<vmem>>
          %dma_start3A_477 = tpu.memref_squeeze %dma_start3A_476 : memref<1x64x128xf32, #tpu.memory_space<vmem>> -> memref<64x128xf32, #tpu.memory_space<vmem>>
          %dma_start3A_478 = arith.constant 0 : i32
          %dma_start3A_479 = tpu.memref_slice %arg9[%dma_start3A_472, %dma_start3A_478] : memref<4x64xi32, #tpu.memory_space<vmem>> -> memref<1x64xi32, #tpu.memory_space<vmem>>
          %dma_start3A_480 = tpu.memref_squeeze %dma_start3A_479 : memref<1x64xi32, #tpu.memory_space<vmem>> -> memref<64xi32, #tpu.memory_space<vmem>>
          %dma_start3A_481 = arith.constant 0 : i32
          %dma_start3A_482 = arith.constant 0 : i32
          %dma_start3A_483 = tpu.memref_slice %arg2[%dma_start3A_481, %dma_start3A_482] : memref<10240x128xf32, #tpu.memory_space<hbm>> -> memref<10240x128xf32, #tpu.memory_space<hbm>>
          tpu.enqueue_indirect_dma source(%dma_start3A_483 : memref<10240x128xf32, #tpu.memory_space<hbm>>) target(%dma_start3A_477 : memref<64x128xf32, #tpu.memory_space<vmem>>) offsets(%dma_start3A_480 : memref<64xi32, #tpu.memory_space<vmem>>) semaphore(%arg12 : memref<!tpu.dma_semaphore, #tpu.memory_space<semaphore_mem>>)
        } else {
        }
        %dma_wait3A_307 = arith.constant 0 : i32
        %dma_wait3A_308 = arith.constant 2 : i32
        %dma_wait3A_309 = arith.constant 0 : i32
        %dma_wait3A_310 = tpu.memref_slice %arg10[%dma_wait3A_308, %dma_wait3A_309] : memref<4x64xi32, #tpu.memory_space<vmem>> -> memref<1x64xi32, #tpu.memory_space<vmem>>
        %dma_wait3A_311 = tpu.memref_squeeze %dma_wait3A_310 : memref<1x64xi32, #tpu.memory_space<vmem>> -> memref<64xi32, #tpu.memory_space<vmem>>
        %dma_wait3A_312 = arith.constant 0 : i32
        %dma_wait3A_313 = arith.constant 0 : i32
        %dma_wait3A_314 = tpu.memref_slice %arg5[%arg1, %dma_wait3A_312, %dma_wait3A_313] : memref<16x160x64xi32, #tpu.memory_space<hbm>> -> memref<1x160x64xi32, #tpu.memory_space<hbm>>
        %dma_wait3A_315 = tpu.memref_squeeze %dma_wait3A_314 : memref<1x160x64xi32, #tpu.memory_space<hbm>> -> memref<160x64xi32, #tpu.memory_space<hbm>>
        %dma_wait3A_316 = arith.constant 0 : i32
        %dma_wait3A_317 = tpu.memref_slice %dma_wait3A_315[%dma_wait3A_307, %dma_wait3A_316] : memref<160x64xi32, #tpu.memory_space<hbm>> -> memref<1x64xi32, #tpu.memory_space<hbm>>
        %dma_wait3A_318 = tpu.memref_squeeze %dma_wait3A_317 : memref<1x64xi32, #tpu.memory_space<hbm>> -> memref<64xi32, #tpu.memory_space<hbm>>
        %dma_wait3A_319 = arith.constant 0 : i32
        %dma_wait3A_320 = tpu.memref_slice %arg10[%dma_wait3A_308, %dma_wait3A_319] : memref<4x64xi32, #tpu.memory_space<vmem>> -> memref<1x64xi32, #tpu.memory_space<vmem>>
        %dma_wait3A_321 = tpu.memref_squeeze %dma_wait3A_320 : memref<1x64xi32, #tpu.memory_space<vmem>> -> memref<64xi32, #tpu.memory_space<vmem>>
        %dma_wait3A_322 = arith.constant 0 : i32
        %dma_wait3A_323 = arith.constant 0 : i32
        %dma_wait3A_324 = tpu.memref_slice %arg5[%arg1, %dma_wait3A_322, %dma_wait3A_323] : memref<16x160x64xi32, #tpu.memory_space<hbm>> -> memref<1x160x64xi32, #tpu.memory_space<hbm>>
        %dma_wait3A_325 = tpu.memref_squeeze %dma_wait3A_324 : memref<1x160x64xi32, #tpu.memory_space<hbm>> -> memref<160x64xi32, #tpu.memory_space<hbm>>
        %dma_wait3A_326 = arith.constant 0 : i32
        %dma_wait3A_327 = tpu.memref_slice %dma_wait3A_325[%dma_wait3A_307, %dma_wait3A_326] : memref<160x64xi32, #tpu.memory_space<hbm>> -> memref<1x64xi32, #tpu.memory_space<hbm>>
        %dma_wait3A_328 = tpu.memref_squeeze %dma_wait3A_327 : memref<1x64xi32, #tpu.memory_space<hbm>> -> memref<64xi32, #tpu.memory_space<hbm>>
        tpu.wait_dma2 semaphore(%arg14 : memref<!tpu.dma_semaphore, #tpu.memory_space<semaphore_mem>>) src(%dma_wait3A_328 : memref<64xi32, #tpu.memory_space<hbm>>) dst(%dma_wait3A_321 : memref<64xi32, #tpu.memory_space<vmem>>)
        %dma_wait3A_329 = arith.constant 0 : i32
        %dma_wait3A_330 = arith.constant 2 : i32
        %dma_wait3A_331 = arith.constant 0 : i32
        %dma_wait3A_332 = arith.constant 0 : i32
        %dma_wait3A_333 = tpu.memref_slice %arg11[%dma_wait3A_330, %dma_wait3A_331, %dma_wait3A_332] : memref<4x64x128xf32, #tpu.memory_space<vmem>> -> memref<1x64x128xf32, #tpu.memory_space<vmem>>
        %dma_wait3A_334 = tpu.memref_squeeze %dma_wait3A_333 : memref<1x64x128xf32, #tpu.memory_space<vmem>> -> memref<64x128xf32, #tpu.memory_space<vmem>>
        %dma_wait3A_335 = arith.constant 0 : i32
        %dma_wait3A_336 = tpu.memref_slice %arg9[%dma_wait3A_329, %dma_wait3A_335] : memref<4x64xi32, #tpu.memory_space<vmem>> -> memref<1x64xi32, #tpu.memory_space<vmem>>
        %dma_wait3A_337 = tpu.memref_squeeze %dma_wait3A_336 : memref<1x64xi32, #tpu.memory_space<vmem>> -> memref<64xi32, #tpu.memory_space<vmem>>
        %dma_wait3A_338 = arith.constant 0 : i32
        %dma_wait3A_339 = arith.constant 0 : i32
        %dma_wait3A_340 = tpu.memref_slice %arg2[%dma_wait3A_338, %dma_wait3A_339] : memref<10240x128xf32, #tpu.memory_space<hbm>> -> memref<10240x128xf32, #tpu.memory_space<hbm>>
        tpu.wait_indirect_dma semaphore(%arg14 : memref<!tpu.dma_semaphore, #tpu.memory_space<semaphore_mem>>) src(%dma_wait3A_340 : memref<10240x128xf32, #tpu.memory_space<hbm>>) dst(%dma_wait3A_334 : memref<64x128xf32, #tpu.memory_space<vmem>>)
        %add3A_341 = arith.constant 4 : i32
        %add3A_342 = arith.addi %add3A_294, %add3A_341 : i32
        %lt3A_343 = arith.constant 160 : i32
        %lt3A_344 = arith.cmpi slt, %add3A_342, %lt3A_343 : i32
        %convert_element_type3A_345 = arith.extui %lt3A_344 : i1 to i32
        %cond3A_346 = arith.constant 0 : i32
        %cond3A_347 = arith.cmpi ne, %convert_element_type3A_345, %cond3A_346 : i32
        scf.if %cond3A_347 {
          %add3A_429 = arith.constant 4 : i32
          %add3A_430 = arith.addi %add3A_294, %add3A_429 : i32
          %dma_start3A_431 = arith.constant 2 : i32
          %dma_start3A_432 = arith.constant 0 : i32
          %dma_start3A_433 = tpu.memref_slice %arg9[%dma_start3A_431, %dma_start3A_432] : memref<4x64xi32, #tpu.memory_space<vmem>> -> memref<1x64xi32, #tpu.memory_space<vmem>>
          %dma_start3A_434 = tpu.memref_squeeze %dma_start3A_433 : memref<1x64xi32, #tpu.memory_space<vmem>> -> memref<64xi32, #tpu.memory_space<vmem>>
          %dma_start3A_435 = arith.constant 0 : i32
          %dma_start3A_436 = arith.constant 0 : i32
          %dma_start3A_437 = tpu.memref_slice %arg4[%arg1, %dma_start3A_435, %dma_start3A_436] : memref<16x160x64xi32, #tpu.memory_space<hbm>> -> memref<1x160x64xi32, #tpu.memory_space<hbm>>
          %dma_start3A_438 = tpu.memref_squeeze %dma_start3A_437 : memref<1x160x64xi32, #tpu.memory_space<hbm>> -> memref<160x64xi32, #tpu.memory_space<hbm>>
          %dma_start3A_439 = arith.constant 0 : i32
          %dma_start3A_440 = tpu.memref_slice %dma_start3A_438[%add3A_430, %dma_start3A_439] : memref<160x64xi32, #tpu.memory_space<hbm>> -> memref<1x64xi32, #tpu.memory_space<hbm>>
          %dma_start3A_441 = tpu.memref_squeeze %dma_start3A_440 : memref<1x64xi32, #tpu.memory_space<hbm>> -> memref<64xi32, #tpu.memory_space<hbm>>
          %dma_start3A_442 = arith.constant 0 : i32
          %dma_start3A_443 = tpu.memref_slice %arg9[%dma_start3A_431, %dma_start3A_442] : memref<4x64xi32, #tpu.memory_space<vmem>> -> memref<1x64xi32, #tpu.memory_space<vmem>>
          %dma_start3A_444 = tpu.memref_squeeze %dma_start3A_443 : memref<1x64xi32, #tpu.memory_space<vmem>> -> memref<64xi32, #tpu.memory_space<vmem>>
          %dma_start3A_445 = arith.constant 0 : i32
          %dma_start3A_446 = arith.constant 0 : i32
          %dma_start3A_447 = tpu.memref_slice %arg4[%arg1, %dma_start3A_445, %dma_start3A_446] : memref<16x160x64xi32, #tpu.memory_space<hbm>> -> memref<1x160x64xi32, #tpu.memory_space<hbm>>
          %dma_start3A_448 = tpu.memref_squeeze %dma_start3A_447 : memref<1x160x64xi32, #tpu.memory_space<hbm>> -> memref<160x64xi32, #tpu.memory_space<hbm>>
          %dma_start3A_449 = arith.constant 0 : i32
          %dma_start3A_450 = tpu.memref_slice %dma_start3A_448[%add3A_430, %dma_start3A_449] : memref<160x64xi32, #tpu.memory_space<hbm>> -> memref<1x64xi32, #tpu.memory_space<hbm>>
          %dma_start3A_451 = tpu.memref_squeeze %dma_start3A_450 : memref<1x64xi32, #tpu.memory_space<hbm>> -> memref<64xi32, #tpu.memory_space<hbm>>
          tpu.enqueue_dma source(%dma_start3A_451 : memref<64xi32, #tpu.memory_space<hbm>>) target(%dma_start3A_444 : memref<64xi32, #tpu.memory_space<vmem>>) target_semaphore(%arg22 : memref<!tpu.dma_semaphore, #tpu.memory_space<semaphore_mem>>)
        } else {
        }
        %dma_start3A_348 = arith.constant 2 : i32
        %dma_start3A_349 = arith.constant 2 : i32
        %dma_start3A_350 = arith.constant 0 : i32
        %dma_start3A_351 = arith.constant 0 : i32
        %dma_start3A_352 = tpu.memref_slice %arg11[%dma_start3A_348, %dma_start3A_350, %dma_start3A_351] : memref<4x64x128xf32, #tpu.memory_space<vmem>> -> memref<1x64x128xf32, #tpu.memory_space<vmem>>
        %dma_start3A_353 = tpu.memref_squeeze %dma_start3A_352 : memref<1x64x128xf32, #tpu.memory_space<vmem>> -> memref<64x128xf32, #tpu.memory_space<vmem>>
        %dma_start3A_354 = arith.constant 0 : i32
        %dma_start3A_355 = tpu.memref_slice %arg10[%dma_start3A_349, %dma_start3A_354] : memref<4x64xi32, #tpu.memory_space<vmem>> -> memref<1x64xi32, #tpu.memory_space<vmem>>
        %dma_start3A_356 = tpu.memref_squeeze %dma_start3A_355 : memref<1x64xi32, #tpu.memory_space<vmem>> -> memref<64xi32, #tpu.memory_space<vmem>>
        %dma_start3A_357 = arith.constant 0 : i32
        %dma_start3A_358 = arith.constant 0 : i32
        %dma_start3A_359 = tpu.memref_slice %arg24[%dma_start3A_357, %dma_start3A_358] : memref<10240x128xf32, #tpu.memory_space<vmem_shared>> -> memref<10240x128xf32, #tpu.memory_space<vmem_shared>>
        tpu.enqueue_indirect_dma source(%dma_start3A_353 : memref<64x128xf32, #tpu.memory_space<vmem>>) target(%dma_start3A_359 : memref<10240x128xf32, #tpu.memory_space<vmem_shared>>) offsets(%dma_start3A_356 : memref<64xi32, #tpu.memory_space<vmem>>) semaphore(%arg18 : memref<!tpu.dma_semaphore, #tpu.memory_space<semaphore_mem>>) {add = true}
        %mul3A_360 = arith.constant 4 : i32
        %mul3A_361 = arith.muli %mul3A_360, %add3A_154 : i32
        %add3A_362 = arith.constant 3 : i32
        %add3A_363 = arith.addi %mul3A_361, %add3A_362 : i32
        %add3A_364 = arith.constant 2 : i32
        %add3A_365 = arith.addi %add3A_363, %add3A_364 : i32
        %ge3A_366 = arith.constant 4 : i32
        %ge3A_367 = arith.cmpi sge, %add3A_365, %ge3A_366 : i32
        %convert_element_type3A_368 = arith.extui %ge3A_367 : i1 to i32
        %cond3A_369 = arith.constant 0 : i32
        %cond3A_370 = arith.cmpi ne, %convert_element_type3A_368, %cond3A_369 : i32
        scf.if %cond3A_370 {
          %dma_wait3A_429 = arith.constant 1 : i32
          %dma_wait3A_430 = arith.constant 1 : i32
          %dma_wait3A_431 = arith.constant 0 : i32
          %dma_wait3A_432 = arith.constant 0 : i32
          %dma_wait3A_433 = tpu.memref_slice %arg11[%dma_wait3A_429, %dma_wait3A_431, %dma_wait3A_432] : memref<4x64x128xf32, #tpu.memory_space<vmem>> -> memref<1x64x128xf32, #tpu.memory_space<vmem>>
          %dma_wait3A_434 = tpu.memref_squeeze %dma_wait3A_433 : memref<1x64x128xf32, #tpu.memory_space<vmem>> -> memref<64x128xf32, #tpu.memory_space<vmem>>
          %dma_wait3A_435 = arith.constant 0 : i32
          %dma_wait3A_436 = tpu.memref_slice %arg10[%dma_wait3A_430, %dma_wait3A_435] : memref<4x64xi32, #tpu.memory_space<vmem>> -> memref<1x64xi32, #tpu.memory_space<vmem>>
          %dma_wait3A_437 = tpu.memref_squeeze %dma_wait3A_436 : memref<1x64xi32, #tpu.memory_space<vmem>> -> memref<64xi32, #tpu.memory_space<vmem>>
          %dma_wait3A_438 = arith.constant 0 : i32
          %dma_wait3A_439 = arith.constant 0 : i32
          %dma_wait3A_440 = tpu.memref_slice %arg24[%dma_wait3A_438, %dma_wait3A_439] : memref<10240x128xf32, #tpu.memory_space<vmem_shared>> -> memref<10240x128xf32, #tpu.memory_space<vmem_shared>>
          tpu.wait_indirect_dma semaphore(%arg17 : memref<!tpu.dma_semaphore, #tpu.memory_space<semaphore_mem>>) src(%dma_wait3A_434 : memref<64x128xf32, #tpu.memory_space<vmem>>) dst(%dma_wait3A_440 : memref<10240x128xf32, #tpu.memory_space<vmem_shared>>)
        } else {
        }
        %lt3A_371 = arith.constant 160 : i32
        %lt3A_372 = arith.cmpi slt, %add3A_365, %lt3A_371 : i32
        %convert_element_type3A_373 = arith.extui %lt3A_372 : i1 to i32
        %cond3A_374 = arith.constant 0 : i32
        %cond3A_375 = arith.cmpi ne, %convert_element_type3A_373, %cond3A_374 : i32
        scf.if %cond3A_375 {
          %dma_wait3A_429 = arith.constant 0 : i32
          %dma_wait3A_430 = arith.constant 1 : i32
          %dma_wait3A_431 = arith.constant 0 : i32
          %dma_wait3A_432 = tpu.memref_slice %arg9[%dma_wait3A_430, %dma_wait3A_431] : memref<4x64xi32, #tpu.memory_space<vmem>> -> memref<1x64xi32, #tpu.memory_space<vmem>>
          %dma_wait3A_433 = tpu.memref_squeeze %dma_wait3A_432 : memref<1x64xi32, #tpu.memory_space<vmem>> -> memref<64xi32, #tpu.memory_space<vmem>>
          %dma_wait3A_434 = arith.constant 0 : i32
          %dma_wait3A_435 = arith.constant 0 : i32
          %dma_wait3A_436 = tpu.memref_slice %arg4[%arg1, %dma_wait3A_434, %dma_wait3A_435] : memref<16x160x64xi32, #tpu.memory_space<hbm>> -> memref<1x160x64xi32, #tpu.memory_space<hbm>>
          %dma_wait3A_437 = tpu.memref_squeeze %dma_wait3A_436 : memref<1x160x64xi32, #tpu.memory_space<hbm>> -> memref<160x64xi32, #tpu.memory_space<hbm>>
          %dma_wait3A_438 = arith.constant 0 : i32
          %dma_wait3A_439 = tpu.memref_slice %dma_wait3A_437[%dma_wait3A_429, %dma_wait3A_438] : memref<160x64xi32, #tpu.memory_space<hbm>> -> memref<1x64xi32, #tpu.memory_space<hbm>>
          %dma_wait3A_440 = tpu.memref_squeeze %dma_wait3A_439 : memref<1x64xi32, #tpu.memory_space<hbm>> -> memref<64xi32, #tpu.memory_space<hbm>>
          %dma_wait3A_441 = arith.constant 0 : i32
          %dma_wait3A_442 = tpu.memref_slice %arg9[%dma_wait3A_430, %dma_wait3A_441] : memref<4x64xi32, #tpu.memory_space<vmem>> -> memref<1x64xi32, #tpu.memory_space<vmem>>
          %dma_wait3A_443 = tpu.memref_squeeze %dma_wait3A_442 : memref<1x64xi32, #tpu.memory_space<vmem>> -> memref<64xi32, #tpu.memory_space<vmem>>
          %dma_wait3A_444 = arith.constant 0 : i32
          %dma_wait3A_445 = arith.constant 0 : i32
          %dma_wait3A_446 = tpu.memref_slice %arg4[%arg1, %dma_wait3A_444, %dma_wait3A_445] : memref<16x160x64xi32, #tpu.memory_space<hbm>> -> memref<1x160x64xi32, #tpu.memory_space<hbm>>
          %dma_wait3A_447 = tpu.memref_squeeze %dma_wait3A_446 : memref<1x160x64xi32, #tpu.memory_space<hbm>> -> memref<160x64xi32, #tpu.memory_space<hbm>>
          %dma_wait3A_448 = arith.constant 0 : i32
          %dma_wait3A_449 = tpu.memref_slice %dma_wait3A_447[%dma_wait3A_429, %dma_wait3A_448] : memref<160x64xi32, #tpu.memory_space<hbm>> -> memref<1x64xi32, #tpu.memory_space<hbm>>
          %dma_wait3A_450 = tpu.memref_squeeze %dma_wait3A_449 : memref<1x64xi32, #tpu.memory_space<hbm>> -> memref<64xi32, #tpu.memory_space<hbm>>
          tpu.wait_dma2 semaphore(%arg21 : memref<!tpu.dma_semaphore, #tpu.memory_space<semaphore_mem>>) src(%dma_wait3A_450 : memref<64xi32, #tpu.memory_space<hbm>>) dst(%dma_wait3A_443 : memref<64xi32, #tpu.memory_space<vmem>>)
          %dma_start3A_451 = arith.constant 1 : i32
          %dma_start3A_452 = arith.constant 0 : i32
          %dma_start3A_453 = tpu.memref_slice %arg10[%dma_start3A_451, %dma_start3A_452] : memref<4x64xi32, #tpu.memory_space<vmem>> -> memref<1x64xi32, #tpu.memory_space<vmem>>
          %dma_start3A_454 = tpu.memref_squeeze %dma_start3A_453 : memref<1x64xi32, #tpu.memory_space<vmem>> -> memref<64xi32, #tpu.memory_space<vmem>>
          %dma_start3A_455 = arith.constant 0 : i32
          %dma_start3A_456 = arith.constant 0 : i32
          %dma_start3A_457 = tpu.memref_slice %arg5[%arg1, %dma_start3A_455, %dma_start3A_456] : memref<16x160x64xi32, #tpu.memory_space<hbm>> -> memref<1x160x64xi32, #tpu.memory_space<hbm>>
          %dma_start3A_458 = tpu.memref_squeeze %dma_start3A_457 : memref<1x160x64xi32, #tpu.memory_space<hbm>> -> memref<160x64xi32, #tpu.memory_space<hbm>>
          %dma_start3A_459 = arith.constant 0 : i32
          %dma_start3A_460 = tpu.memref_slice %dma_start3A_458[%add3A_365, %dma_start3A_459] : memref<160x64xi32, #tpu.memory_space<hbm>> -> memref<1x64xi32, #tpu.memory_space<hbm>>
          %dma_start3A_461 = tpu.memref_squeeze %dma_start3A_460 : memref<1x64xi32, #tpu.memory_space<hbm>> -> memref<64xi32, #tpu.memory_space<hbm>>
          %dma_start3A_462 = arith.constant 0 : i32
          %dma_start3A_463 = tpu.memref_slice %arg10[%dma_start3A_451, %dma_start3A_462] : memref<4x64xi32, #tpu.memory_space<vmem>> -> memref<1x64xi32, #tpu.memory_space<vmem>>
          %dma_start3A_464 = tpu.memref_squeeze %dma_start3A_463 : memref<1x64xi32, #tpu.memory_space<vmem>> -> memref<64xi32, #tpu.memory_space<vmem>>
          %dma_start3A_465 = arith.constant 0 : i32
          %dma_start3A_466 = arith.constant 0 : i32
          %dma_start3A_467 = tpu.memref_slice %arg5[%arg1, %dma_start3A_465, %dma_start3A_466] : memref<16x160x64xi32, #tpu.memory_space<hbm>> -> memref<1x160x64xi32, #tpu.memory_space<hbm>>
          %dma_start3A_468 = tpu.memref_squeeze %dma_start3A_467 : memref<1x160x64xi32, #tpu.memory_space<hbm>> -> memref<160x64xi32, #tpu.memory_space<hbm>>
          %dma_start3A_469 = arith.constant 0 : i32
          %dma_start3A_470 = tpu.memref_slice %dma_start3A_468[%add3A_365, %dma_start3A_469] : memref<160x64xi32, #tpu.memory_space<hbm>> -> memref<1x64xi32, #tpu.memory_space<hbm>>
          %dma_start3A_471 = tpu.memref_squeeze %dma_start3A_470 : memref<1x64xi32, #tpu.memory_space<hbm>> -> memref<64xi32, #tpu.memory_space<hbm>>
          tpu.enqueue_dma source(%dma_start3A_471 : memref<64xi32, #tpu.memory_space<hbm>>) target(%dma_start3A_464 : memref<64xi32, #tpu.memory_space<vmem>>) target_semaphore(%arg13 : memref<!tpu.dma_semaphore, #tpu.memory_space<semaphore_mem>>)
          %dma_start3A_472 = arith.constant 1 : i32
          %dma_start3A_473 = arith.constant 1 : i32
          %dma_start3A_474 = arith.constant 0 : i32
          %dma_start3A_475 = arith.constant 0 : i32
          %dma_start3A_476 = tpu.memref_slice %arg11[%dma_start3A_473, %dma_start3A_474, %dma_start3A_475] : memref<4x64x128xf32, #tpu.memory_space<vmem>> -> memref<1x64x128xf32, #tpu.memory_space<vmem>>
          %dma_start3A_477 = tpu.memref_squeeze %dma_start3A_476 : memref<1x64x128xf32, #tpu.memory_space<vmem>> -> memref<64x128xf32, #tpu.memory_space<vmem>>
          %dma_start3A_478 = arith.constant 0 : i32
          %dma_start3A_479 = tpu.memref_slice %arg9[%dma_start3A_472, %dma_start3A_478] : memref<4x64xi32, #tpu.memory_space<vmem>> -> memref<1x64xi32, #tpu.memory_space<vmem>>
          %dma_start3A_480 = tpu.memref_squeeze %dma_start3A_479 : memref<1x64xi32, #tpu.memory_space<vmem>> -> memref<64xi32, #tpu.memory_space<vmem>>
          %dma_start3A_481 = arith.constant 0 : i32
          %dma_start3A_482 = arith.constant 0 : i32
          %dma_start3A_483 = tpu.memref_slice %arg2[%dma_start3A_481, %dma_start3A_482] : memref<10240x128xf32, #tpu.memory_space<hbm>> -> memref<10240x128xf32, #tpu.memory_space<hbm>>
          tpu.enqueue_indirect_dma source(%dma_start3A_483 : memref<10240x128xf32, #tpu.memory_space<hbm>>) target(%dma_start3A_477 : memref<64x128xf32, #tpu.memory_space<vmem>>) offsets(%dma_start3A_480 : memref<64xi32, #tpu.memory_space<vmem>>) semaphore(%arg13 : memref<!tpu.dma_semaphore, #tpu.memory_space<semaphore_mem>>)
        } else {
        }
        %dma_wait3A_376 = arith.constant 0 : i32
        %dma_wait3A_377 = arith.constant 3 : i32
        %dma_wait3A_378 = arith.constant 0 : i32
        %dma_wait3A_379 = tpu.memref_slice %arg10[%dma_wait3A_377, %dma_wait3A_378] : memref<4x64xi32, #tpu.memory_space<vmem>> -> memref<1x64xi32, #tpu.memory_space<vmem>>
        %dma_wait3A_380 = tpu.memref_squeeze %dma_wait3A_379 : memref<1x64xi32, #tpu.memory_space<vmem>> -> memref<64xi32, #tpu.memory_space<vmem>>
        %dma_wait3A_381 = arith.constant 0 : i32
        %dma_wait3A_382 = arith.constant 0 : i32
        %dma_wait3A_383 = tpu.memref_slice %arg5[%arg1, %dma_wait3A_381, %dma_wait3A_382] : memref<16x160x64xi32, #tpu.memory_space<hbm>> -> memref<1x160x64xi32, #tpu.memory_space<hbm>>
        %dma_wait3A_384 = tpu.memref_squeeze %dma_wait3A_383 : memref<1x160x64xi32, #tpu.memory_space<hbm>> -> memref<160x64xi32, #tpu.memory_space<hbm>>
        %dma_wait3A_385 = arith.constant 0 : i32
        %dma_wait3A_386 = tpu.memref_slice %dma_wait3A_384[%dma_wait3A_376, %dma_wait3A_385] : memref<160x64xi32, #tpu.memory_space<hbm>> -> memref<1x64xi32, #tpu.memory_space<hbm>>
        %dma_wait3A_387 = tpu.memref_squeeze %dma_wait3A_386 : memref<1x64xi32, #tpu.memory_space<hbm>> -> memref<64xi32, #tpu.memory_space<hbm>>
        %dma_wait3A_388 = arith.constant 0 : i32
        %dma_wait3A_389 = tpu.memref_slice %arg10[%dma_wait3A_377, %dma_wait3A_388] : memref<4x64xi32, #tpu.memory_space<vmem>> -> memref<1x64xi32, #tpu.memory_space<vmem>>
        %dma_wait3A_390 = tpu.memref_squeeze %dma_wait3A_389 : memref<1x64xi32, #tpu.memory_space<vmem>> -> memref<64xi32, #tpu.memory_space<vmem>>
        %dma_wait3A_391 = arith.constant 0 : i32
        %dma_wait3A_392 = arith.constant 0 : i32
        %dma_wait3A_393 = tpu.memref_slice %arg5[%arg1, %dma_wait3A_391, %dma_wait3A_392] : memref<16x160x64xi32, #tpu.memory_space<hbm>> -> memref<1x160x64xi32, #tpu.memory_space<hbm>>
        %dma_wait3A_394 = tpu.memref_squeeze %dma_wait3A_393 : memref<1x160x64xi32, #tpu.memory_space<hbm>> -> memref<160x64xi32, #tpu.memory_space<hbm>>
        %dma_wait3A_395 = arith.constant 0 : i32
        %dma_wait3A_396 = tpu.memref_slice %dma_wait3A_394[%dma_wait3A_376, %dma_wait3A_395] : memref<160x64xi32, #tpu.memory_space<hbm>> -> memref<1x64xi32, #tpu.memory_space<hbm>>
        %dma_wait3A_397 = tpu.memref_squeeze %dma_wait3A_396 : memref<1x64xi32, #tpu.memory_space<hbm>> -> memref<64xi32, #tpu.memory_space<hbm>>
        tpu.wait_dma2 semaphore(%arg15 : memref<!tpu.dma_semaphore, #tpu.memory_space<semaphore_mem>>) src(%dma_wait3A_397 : memref<64xi32, #tpu.memory_space<hbm>>) dst(%dma_wait3A_390 : memref<64xi32, #tpu.memory_space<vmem>>)
        %dma_wait3A_398 = arith.constant 0 : i32
        %dma_wait3A_399 = arith.constant 3 : i32
        %dma_wait3A_400 = arith.constant 0 : i32
        %dma_wait3A_401 = arith.constant 0 : i32
        %dma_wait3A_402 = tpu.memref_slice %arg11[%dma_wait3A_399, %dma_wait3A_400, %dma_wait3A_401] : memref<4x64x128xf32, #tpu.memory_space<vmem>> -> memref<1x64x128xf32, #tpu.memory_space<vmem>>
        %dma_wait3A_403 = tpu.memref_squeeze %dma_wait3A_402 : memref<1x64x128xf32, #tpu.memory_space<vmem>> -> memref<64x128xf32, #tpu.memory_space<vmem>>
        %dma_wait3A_404 = arith.constant 0 : i32
        %dma_wait3A_405 = tpu.memref_slice %arg9[%dma_wait3A_398, %dma_wait3A_404] : memref<4x64xi32, #tpu.memory_space<vmem>> -> memref<1x64xi32, #tpu.memory_space<vmem>>
        %dma_wait3A_406 = tpu.memref_squeeze %dma_wait3A_405 : memref<1x64xi32, #tpu.memory_space<vmem>> -> memref<64xi32, #tpu.memory_space<vmem>>
        %dma_wait3A_407 = arith.constant 0 : i32
        %dma_wait3A_408 = arith.constant 0 : i32
        %dma_wait3A_409 = tpu.memref_slice %arg2[%dma_wait3A_407, %dma_wait3A_408] : memref<10240x128xf32, #tpu.memory_space<hbm>> -> memref<10240x128xf32, #tpu.memory_space<hbm>>
        tpu.wait_indirect_dma semaphore(%arg15 : memref<!tpu.dma_semaphore, #tpu.memory_space<semaphore_mem>>) src(%dma_wait3A_409 : memref<10240x128xf32, #tpu.memory_space<hbm>>) dst(%dma_wait3A_403 : memref<64x128xf32, #tpu.memory_space<vmem>>)
        %add3A_410 = arith.constant 4 : i32
        %add3A_411 = arith.addi %add3A_363, %add3A_410 : i32
        %lt3A_412 = arith.constant 160 : i32
        %lt3A_413 = arith.cmpi slt, %add3A_411, %lt3A_412 : i32
        %convert_element_type3A_414 = arith.extui %lt3A_413 : i1 to i32
        %cond3A_415 = arith.constant 0 : i32
        %cond3A_416 = arith.cmpi ne, %convert_element_type3A_414, %cond3A_415 : i32
        scf.if %cond3A_416 {
          %add3A_429 = arith.constant 4 : i32
          %add3A_430 = arith.addi %add3A_363, %add3A_429 : i32
          %dma_start3A_431 = arith.constant 3 : i32
          %dma_start3A_432 = arith.constant 0 : i32
          %dma_start3A_433 = tpu.memref_slice %arg9[%dma_start3A_431, %dma_start3A_432] : memref<4x64xi32, #tpu.memory_space<vmem>> -> memref<1x64xi32, #tpu.memory_space<vmem>>
          %dma_start3A_434 = tpu.memref_squeeze %dma_start3A_433 : memref<1x64xi32, #tpu.memory_space<vmem>> -> memref<64xi32, #tpu.memory_space<vmem>>
          %dma_start3A_435 = arith.constant 0 : i32
          %dma_start3A_436 = arith.constant 0 : i32
          %dma_start3A_437 = tpu.memref_slice %arg4[%arg1, %dma_start3A_435, %dma_start3A_436] : memref<16x160x64xi32, #tpu.memory_space<hbm>> -> memref<1x160x64xi32, #tpu.memory_space<hbm>>
          %dma_start3A_438 = tpu.memref_squeeze %dma_start3A_437 : memref<1x160x64xi32, #tpu.memory_space<hbm>> -> memref<160x64xi32, #tpu.memory_space<hbm>>
          %dma_start3A_439 = arith.constant 0 : i32
          %dma_start3A_440 = tpu.memref_slice %dma_start3A_438[%add3A_430, %dma_start3A_439] : memref<160x64xi32, #tpu.memory_space<hbm>> -> memref<1x64xi32, #tpu.memory_space<hbm>>
          %dma_start3A_441 = tpu.memref_squeeze %dma_start3A_440 : memref<1x64xi32, #tpu.memory_space<hbm>> -> memref<64xi32, #tpu.memory_space<hbm>>
          %dma_start3A_442 = arith.constant 0 : i32
          %dma_start3A_443 = tpu.memref_slice %arg9[%dma_start3A_431, %dma_start3A_442] : memref<4x64xi32, #tpu.memory_space<vmem>> -> memref<1x64xi32, #tpu.memory_space<vmem>>
          %dma_start3A_444 = tpu.memref_squeeze %dma_start3A_443 : memref<1x64xi32, #tpu.memory_space<vmem>> -> memref<64xi32, #tpu.memory_space<vmem>>
          %dma_start3A_445 = arith.constant 0 : i32
          %dma_start3A_446 = arith.constant 0 : i32
          %dma_start3A_447 = tpu.memref_slice %arg4[%arg1, %dma_start3A_445, %dma_start3A_446] : memref<16x160x64xi32, #tpu.memory_space<hbm>> -> memref<1x160x64xi32, #tpu.memory_space<hbm>>
          %dma_start3A_448 = tpu.memref_squeeze %dma_start3A_447 : memref<1x160x64xi32, #tpu.memory_space<hbm>> -> memref<160x64xi32, #tpu.memory_space<hbm>>
          %dma_start3A_449 = arith.constant 0 : i32
          %dma_start3A_450 = tpu.memref_slice %dma_start3A_448[%add3A_430, %dma_start3A_449] : memref<160x64xi32, #tpu.memory_space<hbm>> -> memref<1x64xi32, #tpu.memory_space<hbm>>
          %dma_start3A_451 = tpu.memref_squeeze %dma_start3A_450 : memref<1x64xi32, #tpu.memory_space<hbm>> -> memref<64xi32, #tpu.memory_space<hbm>>
          tpu.enqueue_dma source(%dma_start3A_451 : memref<64xi32, #tpu.memory_space<hbm>>) target(%dma_start3A_444 : memref<64xi32, #tpu.memory_space<vmem>>) target_semaphore(%arg23 : memref<!tpu.dma_semaphore, #tpu.memory_space<semaphore_mem>>)
        } else {
        }
        %dma_start3A_417 = arith.constant 3 : i32
        %dma_start3A_418 = arith.constant 3 : i32
        %dma_start3A_419 = arith.constant 0 : i32
        %dma_start3A_420 = arith.constant 0 : i32
        %dma_start3A_421 = tpu.memref_slice %arg11[%dma_start3A_417, %dma_start3A_419, %dma_start3A_420] : memref<4x64x128xf32, #tpu.memory_space<vmem>> -> memref<1x64x128xf32, #tpu.memory_space<vmem>>
        %dma_start3A_422 = tpu.memref_squeeze %dma_start3A_421 : memref<1x64x128xf32, #tpu.memory_space<vmem>> -> memref<64x128xf32, #tpu.memory_space<vmem>>
        %dma_start3A_423 = arith.constant 0 : i32
        %dma_start3A_424 = tpu.memref_slice %arg10[%dma_start3A_418, %dma_start3A_423] : memref<4x64xi32, #tpu.memory_space<vmem>> -> memref<1x64xi32, #tpu.memory_space<vmem>>
        %dma_start3A_425 = tpu.memref_squeeze %dma_start3A_424 : memref<1x64xi32, #tpu.memory_space<vmem>> -> memref<64xi32, #tpu.memory_space<vmem>>
        %dma_start3A_426 = arith.constant 0 : i32
        %dma_start3A_427 = arith.constant 0 : i32
        %dma_start3A_428 = tpu.memref_slice %arg24[%dma_start3A_426, %dma_start3A_427] : memref<10240x128xf32, #tpu.memory_space<vmem_shared>> -> memref<10240x128xf32, #tpu.memory_space<vmem_shared>>
        tpu.enqueue_indirect_dma source(%dma_start3A_422 : memref<64x128xf32, #tpu.memory_space<vmem>>) target(%dma_start3A_428 : memref<10240x128xf32, #tpu.memory_space<vmem_shared>>) offsets(%dma_start3A_425 : memref<64xi32, #tpu.memory_space<vmem>>) semaphore(%arg19 : memref<!tpu.dma_semaphore, #tpu.memory_space<semaphore_mem>>) {add = true}
      }
      %scan3A_125 = arith.constant 40 : i32
      %dma_wait3A = arith.constant 2 : i32
      %dma_wait3A_126 = arith.constant 2 : i32
      %dma_wait3A_127 = arith.constant 0 : i32
      %dma_wait3A_128 = arith.constant 0 : i32
      %dma_wait3A_129 = tpu.memref_slice %arg11[%dma_wait3A, %dma_wait3A_127, %dma_wait3A_128] : memref<4x64x128xf32, #tpu.memory_space<vmem>> -> memref<1x64x128xf32, #tpu.memory_space<vmem>>
      %dma_wait3A_130 = tpu.memref_squeeze %dma_wait3A_129 : memref<1x64x128xf32, #tpu.memory_space<vmem>> -> memref<64x128xf32, #tpu.memory_space<vmem>>
      %dma_wait3A_131 = arith.constant 0 : i32
      %dma_wait3A_132 = tpu.memref_slice %arg10[%dma_wait3A_126, %dma_wait3A_131] : memref<4x64xi32, #tpu.memory_space<vmem>> -> memref<1x64xi32, #tpu.memory_space<vmem>>
      %dma_wait3A_133 = tpu.memref_squeeze %dma_wait3A_132 : memref<1x64xi32, #tpu.memory_space<vmem>> -> memref<64xi32, #tpu.memory_space<vmem>>
      %dma_wait3A_134 = arith.constant 0 : i32
      %dma_wait3A_135 = arith.constant 0 : i32
      %dma_wait3A_136 = tpu.memref_slice %arg24[%dma_wait3A_134, %dma_wait3A_135] : memref<10240x128xf32, #tpu.memory_space<vmem_shared>> -> memref<10240x128xf32, #tpu.memory_space<vmem_shared>>
      tpu.wait_indirect_dma semaphore(%arg18 : memref<!tpu.dma_semaphore, #tpu.memory_space<semaphore_mem>>) src(%dma_wait3A_130 : memref<64x128xf32, #tpu.memory_space<vmem>>) dst(%dma_wait3A_136 : memref<10240x128xf32, #tpu.memory_space<vmem_shared>>)
      %dma_wait3A_137 = arith.constant 3 : i32
      %dma_wait3A_138 = arith.constant 3 : i32
      %dma_wait3A_139 = arith.constant 0 : i32
      %dma_wait3A_140 = arith.constant 0 : i32
      %dma_wait3A_141 = tpu.memref_slice %arg11[%dma_wait3A_137, %dma_wait3A_139, %dma_wait3A_140] : memref<4x64x128xf32, #tpu.memory_space<vmem>> -> memref<1x64x128xf32, #tpu.memory_space<vmem>>
      %dma_wait3A_142 = tpu.memref_squeeze %dma_wait3A_141 : memref<1x64x128xf32, #tpu.memory_space<vmem>> -> memref<64x128xf32, #tpu.memory_space<vmem>>
      %dma_wait3A_143 = arith.constant 0 : i32
      %dma_wait3A_144 = tpu.memref_slice %arg10[%dma_wait3A_138, %dma_wait3A_143] : memref<4x64xi32, #tpu.memory_space<vmem>> -> memref<1x64xi32, #tpu.memory_space<vmem>>
      %dma_wait3A_145 = tpu.memref_squeeze %dma_wait3A_144 : memref<1x64xi32, #tpu.memory_space<vmem>> -> memref<64xi32, #tpu.memory_space<vmem>>
      %dma_wait3A_146 = arith.constant 0 : i32
      %dma_wait3A_147 = arith.constant 0 : i32
      %dma_wait3A_148 = tpu.memref_slice %arg24[%dma_wait3A_146, %dma_wait3A_147] : memref<10240x128xf32, #tpu.memory_space<vmem_shared>> -> memref<10240x128xf32, #tpu.memory_space<vmem_shared>>
      tpu.wait_indirect_dma semaphore(%arg19 : memref<!tpu.dma_semaphore, #tpu.memory_space<semaphore_mem>>) src(%dma_wait3A_142 : memref<64x128xf32, #tpu.memory_space<vmem>>) dst(%dma_wait3A_148 : memref<10240x128xf32, #tpu.memory_space<vmem_shared>>)
      %barrier3A_149 = arith.constant 0 : index
      tpu.barrier barrier_id(%barrier3A_149)
      "tpu.region"() ({
        %run_scoped3A_151 = tpu.sem_alloc : memref<!tpu.dma_semaphore, #tpu.memory_space<semaphore_mem>>
        %dma_start3A_152 = arith.constant 0 : i32
        %dma_start3A_153 = tpu.memref_slice %arg7[%mul3A_0, %dma_start3A_152] : memref<10240x128xf32, #tpu.memory_space<hbm>> -> memref<640x128xf32, #tpu.memory_space<hbm>>
        %dma_start3A_154 = arith.constant 0 : i32
        %dma_start3A_155 = tpu.memref_slice %arg24[%mul3A_0, %dma_start3A_154] : memref<10240x128xf32, #tpu.memory_space<vmem_shared>> -> memref<640x128xf32, #tpu.memory_space<vmem_shared>>
        tpu.enqueue_dma source(%dma_start3A_155 : memref<640x128xf32, #tpu.memory_space<vmem_shared>>) target(%dma_start3A_153 : memref<640x128xf32, #tpu.memory_space<hbm>>) target_semaphore(%run_scoped3A_151 : memref<!tpu.dma_semaphore, #tpu.memory_space<semaphore_mem>>)
        %dma_wait3A_156 = arith.constant 0 : i32
        %dma_wait3A_157 = tpu.memref_slice %arg7[%mul3A_0, %dma_wait3A_156] : memref<10240x128xf32, #tpu.memory_space<hbm>> -> memref<640x128xf32, #tpu.memory_space<hbm>>
        %dma_wait3A_158 = arith.constant 0 : i32
        %dma_wait3A_159 = tpu.memref_slice %arg24[%mul3A_0, %dma_wait3A_158] : memref<10240x128xf32, #tpu.memory_space<vmem_shared>> -> memref<640x128xf32, #tpu.memory_space<vmem_shared>>
        tpu.wait_dma2 semaphore(%run_scoped3A_151 : memref<!tpu.dma_semaphore, #tpu.memory_space<semaphore_mem>>) src(%dma_wait3A_159 : memref<640x128xf32, #tpu.memory_space<vmem_shared>>) dst(%dma_wait3A_157 : memref<640x128xf32, #tpu.memory_space<hbm>>)
        tpu.yield
      }) : () -> ()
      %barrier3A_150 = arith.constant 0 : index
      tpu.barrier barrier_id(%barrier3A_150)
    } else {
    }
    %eq3A_3 = arith.constant 1 : i32
    %eq3A_4 = arith.cmpi eq, %arg0, %eq3A_3 : i32
    %convert_element_type3A_5 = arith.extui %eq3A_4 : i1 to i32
    %cond3A_6 = arith.constant 0 : i32
    %cond3A_7 = arith.cmpi ne, %convert_element_type3A_5, %cond3A_6 : i32
    scf.if %cond3A_7 {
      "tpu.region"() ({
        %run_scoped3A_151 = tpu.sem_alloc : memref<!tpu.dma_semaphore, #tpu.memory_space<semaphore_mem>>
        %dma_start3A_152 = arith.constant 0 : i32
        %dma_start3A_153 = tpu.memref_slice %arg24[%mul3A_0, %dma_start3A_152] : memref<10240x128xf32, #tpu.memory_space<vmem_shared>> -> memref<640x128xf32, #tpu.memory_space<vmem_shared>>
        %dma_start3A_154 = arith.constant 0 : i32
        %dma_start3A_155 = tpu.memref_slice %arg6[%mul3A_0, %dma_start3A_154] : memref<10240x128xf32, #tpu.memory_space<hbm>> -> memref<640x128xf32, #tpu.memory_space<hbm>>
        tpu.enqueue_dma source(%dma_start3A_155 : memref<640x128xf32, #tpu.memory_space<hbm>>) target(%dma_start3A_153 : memref<640x128xf32, #tpu.memory_space<vmem_shared>>) target_semaphore(%run_scoped3A_151 : memref<!tpu.dma_semaphore, #tpu.memory_space<semaphore_mem>>)
        %dma_wait3A_156 = arith.constant 0 : i32
        %dma_wait3A_157 = tpu.memref_slice %arg24[%mul3A_0, %dma_wait3A_156] : memref<10240x128xf32, #tpu.memory_space<vmem_shared>> -> memref<640x128xf32, #tpu.memory_space<vmem_shared>>
        %dma_wait3A_158 = arith.constant 0 : i32
        %dma_wait3A_159 = tpu.memref_slice %arg6[%mul3A_0, %dma_wait3A_158] : memref<10240x128xf32, #tpu.memory_space<hbm>> -> memref<640x128xf32, #tpu.memory_space<hbm>>
        tpu.wait_dma2 semaphore(%run_scoped3A_151 : memref<!tpu.dma_semaphore, #tpu.memory_space<semaphore_mem>>) src(%dma_wait3A_159 : memref<640x128xf32, #tpu.memory_space<hbm>>) dst(%dma_wait3A_157 : memref<640x128xf32, #tpu.memory_space<vmem_shared>>)
        tpu.yield
      }) : () -> ()
      %barrier3A = arith.constant 0 : index
      tpu.barrier barrier_id(%barrier3A)
      %run_scoped3A = arith.constant 0 : i32
      %run_scoped3A_8 = arith.constant 0 : i32
      "tpu.region"() ({
        %run_scoped3A_151 = tpu.sem_alloc : memref<!tpu.dma_semaphore, #tpu.memory_space<semaphore_mem>>
        %dma_start3A_152 = arith.constant 0 : i32
        %dma_start3A_153 = tpu.memref_slice %arg9[%run_scoped3A_8, %dma_start3A_152] : memref<4x64xi32, #tpu.memory_space<vmem>> -> memref<1x64xi32, #tpu.memory_space<vmem>>
        %dma_start3A_154 = tpu.memref_squeeze %dma_start3A_153 : memref<1x64xi32, #tpu.memory_space<vmem>> -> memref<64xi32, #tpu.memory_space<vmem>>
        %dma_start3A_155 = arith.constant 0 : i32
        %dma_start3A_156 = arith.constant 0 : i32
        %dma_start3A_157 = tpu.memref_slice %arg4[%arg1, %dma_start3A_155, %dma_start3A_156] : memref<16x160x64xi32, #tpu.memory_space<hbm>> -> memref<1x160x64xi32, #tpu.memory_space<hbm>>
        %dma_start3A_158 = tpu.memref_squeeze %dma_start3A_157 : memref<1x160x64xi32, #tpu.memory_space<hbm>> -> memref<160x64xi32, #tpu.memory_space<hbm>>
        %dma_start3A_159 = arith.constant 0 : i32
        %dma_start3A_160 = tpu.memref_slice %dma_start3A_158[%run_scoped3A, %dma_start3A_159] : memref<160x64xi32, #tpu.memory_space<hbm>> -> memref<1x64xi32, #tpu.memory_space<hbm>>
        %dma_start3A_161 = tpu.memref_squeeze %dma_start3A_160 : memref<1x64xi32, #tpu.memory_space<hbm>> -> memref<64xi32, #tpu.memory_space<hbm>>
        %dma_start3A_162 = arith.constant 0 : i32
        %dma_start3A_163 = tpu.memref_slice %arg9[%run_scoped3A_8, %dma_start3A_162] : memref<4x64xi32, #tpu.memory_space<vmem>> -> memref<1x64xi32, #tpu.memory_space<vmem>>
        %dma_start3A_164 = tpu.memref_squeeze %dma_start3A_163 : memref<1x64xi32, #tpu.memory_space<vmem>> -> memref<64xi32, #tpu.memory_space<vmem>>
        %dma_start3A_165 = arith.constant 0 : i32
        %dma_start3A_166 = arith.constant 0 : i32
        %dma_start3A_167 = tpu.memref_slice %arg4[%arg1, %dma_start3A_165, %dma_start3A_166] : memref<16x160x64xi32, #tpu.memory_space<hbm>> -> memref<1x160x64xi32, #tpu.memory_space<hbm>>
        %dma_start3A_168 = tpu.memref_squeeze %dma_start3A_167 : memref<1x160x64xi32, #tpu.memory_space<hbm>> -> memref<160x64xi32, #tpu.memory_space<hbm>>
        %dma_start3A_169 = arith.constant 0 : i32
        %dma_start3A_170 = tpu.memref_slice %dma_start3A_168[%run_scoped3A, %dma_start3A_169] : memref<160x64xi32, #tpu.memory_space<hbm>> -> memref<1x64xi32, #tpu.memory_space<hbm>>
        %dma_start3A_171 = tpu.memref_squeeze %dma_start3A_170 : memref<1x64xi32, #tpu.memory_space<hbm>> -> memref<64xi32, #tpu.memory_space<hbm>>
        tpu.enqueue_dma source(%dma_start3A_171 : memref<64xi32, #tpu.memory_space<hbm>>) target(%dma_start3A_164 : memref<64xi32, #tpu.memory_space<vmem>>) target_semaphore(%run_scoped3A_151 : memref<!tpu.dma_semaphore, #tpu.memory_space<semaphore_mem>>)
        %dma_wait3A_172 = arith.constant 0 : i32
        %dma_wait3A_173 = tpu.memref_slice %arg9[%run_scoped3A_8, %dma_wait3A_172] : memref<4x64xi32, #tpu.memory_space<vmem>> -> memref<1x64xi32, #tpu.memory_space<vmem>>
        %dma_wait3A_174 = tpu.memref_squeeze %dma_wait3A_173 : memref<1x64xi32, #tpu.memory_space<vmem>> -> memref<64xi32, #tpu.memory_space<vmem>>
        %dma_wait3A_175 = arith.constant 0 : i32
        %dma_wait3A_176 = arith.constant 0 : i32
        %dma_wait3A_177 = tpu.memref_slice %arg4[%arg1, %dma_wait3A_175, %dma_wait3A_176] : memref<16x160x64xi32, #tpu.memory_space<hbm>> -> memref<1x160x64xi32, #tpu.memory_space<hbm>>
        %dma_wait3A_178 = tpu.memref_squeeze %dma_wait3A_177 : memref<1x160x64xi32, #tpu.memory_space<hbm>> -> memref<160x64xi32, #tpu.memory_space<hbm>>
        %dma_wait3A_179 = arith.constant 0 : i32
        %dma_wait3A_180 = tpu.memref_slice %dma_wait3A_178[%run_scoped3A, %dma_wait3A_179] : memref<160x64xi32, #tpu.memory_space<hbm>> -> memref<1x64xi32, #tpu.memory_space<hbm>>
        %dma_wait3A_181 = tpu.memref_squeeze %dma_wait3A_180 : memref<1x64xi32, #tpu.memory_space<hbm>> -> memref<64xi32, #tpu.memory_space<hbm>>
        %dma_wait3A_182 = arith.constant 0 : i32
        %dma_wait3A_183 = tpu.memref_slice %arg9[%run_scoped3A_8, %dma_wait3A_182] : memref<4x64xi32, #tpu.memory_space<vmem>> -> memref<1x64xi32, #tpu.memory_space<vmem>>
        %dma_wait3A_184 = tpu.memref_squeeze %dma_wait3A_183 : memref<1x64xi32, #tpu.memory_space<vmem>> -> memref<64xi32, #tpu.memory_space<vmem>>
        %dma_wait3A_185 = arith.constant 0 : i32
        %dma_wait3A_186 = arith.constant 0 : i32
        %dma_wait3A_187 = tpu.memref_slice %arg4[%arg1, %dma_wait3A_185, %dma_wait3A_186] : memref<16x160x64xi32, #tpu.memory_space<hbm>> -> memref<1x160x64xi32, #tpu.memory_space<hbm>>
        %dma_wait3A_188 = tpu.memref_squeeze %dma_wait3A_187 : memref<1x160x64xi32, #tpu.memory_space<hbm>> -> memref<160x64xi32, #tpu.memory_space<hbm>>
        %dma_wait3A_189 = arith.constant 0 : i32
        %dma_wait3A_190 = tpu.memref_slice %dma_wait3A_188[%run_scoped3A, %dma_wait3A_189] : memref<160x64xi32, #tpu.memory_space<hbm>> -> memref<1x64xi32, #tpu.memory_space<hbm>>
        %dma_wait3A_191 = tpu.memref_squeeze %dma_wait3A_190 : memref<1x64xi32, #tpu.memory_space<hbm>> -> memref<64xi32, #tpu.memory_space<hbm>>
        tpu.wait_dma2 semaphore(%run_scoped3A_151 : memref<!tpu.dma_semaphore, #tpu.memory_space<semaphore_mem>>) src(%dma_wait3A_191 : memref<64xi32, #tpu.memory_space<hbm>>) dst(%dma_wait3A_184 : memref<64xi32, #tpu.memory_space<vmem>>)
        tpu.yield
      }) : () -> ()
      %dma_start3A = arith.constant 0 : i32
      %dma_start3A_9 = arith.constant 0 : i32
      %dma_start3A_10 = arith.constant 0 : i32
      %dma_start3A_11 = tpu.memref_slice %arg10[%dma_start3A_9, %dma_start3A_10] : memref<4x64xi32, #tpu.memory_space<vmem>> -> memref<1x64xi32, #tpu.memory_space<vmem>>
      %dma_start3A_12 = tpu.memref_squeeze %dma_start3A_11 : memref<1x64xi32, #tpu.memory_space<vmem>> -> memref<64xi32, #tpu.memory_space<vmem>>
      %dma_start3A_13 = arith.constant 0 : i32
      %dma_start3A_14 = arith.constant 0 : i32
      %dma_start3A_15 = tpu.memref_slice %arg5[%arg1, %dma_start3A_13, %dma_start3A_14] : memref<16x160x64xi32, #tpu.memory_space<hbm>> -> memref<1x160x64xi32, #tpu.memory_space<hbm>>
      %dma_start3A_16 = tpu.memref_squeeze %dma_start3A_15 : memref<1x160x64xi32, #tpu.memory_space<hbm>> -> memref<160x64xi32, #tpu.memory_space<hbm>>
      %dma_start3A_17 = arith.constant 0 : i32
      %dma_start3A_18 = tpu.memref_slice %dma_start3A_16[%dma_start3A, %dma_start3A_17] : memref<160x64xi32, #tpu.memory_space<hbm>> -> memref<1x64xi32, #tpu.memory_space<hbm>>
      %dma_start3A_19 = tpu.memref_squeeze %dma_start3A_18 : memref<1x64xi32, #tpu.memory_space<hbm>> -> memref<64xi32, #tpu.memory_space<hbm>>
      %dma_start3A_20 = arith.constant 0 : i32
      %dma_start3A_21 = tpu.memref_slice %arg10[%dma_start3A_9, %dma_start3A_20] : memref<4x64xi32, #tpu.memory_space<vmem>> -> memref<1x64xi32, #tpu.memory_space<vmem>>
      %dma_start3A_22 = tpu.memref_squeeze %dma_start3A_21 : memref<1x64xi32, #tpu.memory_space<vmem>> -> memref<64xi32, #tpu.memory_space<vmem>>
      %dma_start3A_23 = arith.constant 0 : i32
      %dma_start3A_24 = arith.constant 0 : i32
      %dma_start3A_25 = tpu.memref_slice %arg5[%arg1, %dma_start3A_23, %dma_start3A_24] : memref<16x160x64xi32, #tpu.memory_space<hbm>> -> memref<1x160x64xi32, #tpu.memory_space<hbm>>
      %dma_start3A_26 = tpu.memref_squeeze %dma_start3A_25 : memref<1x160x64xi32, #tpu.memory_space<hbm>> -> memref<160x64xi32, #tpu.memory_space<hbm>>
      %dma_start3A_27 = arith.constant 0 : i32
      %dma_start3A_28 = tpu.memref_slice %dma_start3A_26[%dma_start3A, %dma_start3A_27] : memref<160x64xi32, #tpu.memory_space<hbm>> -> memref<1x64xi32, #tpu.memory_space<hbm>>
      %dma_start3A_29 = tpu.memref_squeeze %dma_start3A_28 : memref<1x64xi32, #tpu.memory_space<hbm>> -> memref<64xi32, #tpu.memory_space<hbm>>
      tpu.enqueue_dma source(%dma_start3A_29 : memref<64xi32, #tpu.memory_space<hbm>>) target(%dma_start3A_22 : memref<64xi32, #tpu.memory_space<vmem>>) target_semaphore(%arg12 : memref<!tpu.dma_semaphore, #tpu.memory_space<semaphore_mem>>)
      %dma_start3A_30 = arith.constant 0 : i32
      %dma_start3A_31 = arith.constant 0 : i32
      %dma_start3A_32 = arith.constant 0 : i32
      %dma_start3A_33 = arith.constant 0 : i32
      %dma_start3A_34 = tpu.memref_slice %arg11[%dma_start3A_31, %dma_start3A_32, %dma_start3A_33] : memref<4x64x128xf32, #tpu.memory_space<vmem>> -> memref<1x64x128xf32, #tpu.memory_space<vmem>>
      %dma_start3A_35 = tpu.memref_squeeze %dma_start3A_34 : memref<1x64x128xf32, #tpu.memory_space<vmem>> -> memref<64x128xf32, #tpu.memory_space<vmem>>
      %dma_start3A_36 = arith.constant 0 : i32
      %dma_start3A_37 = tpu.memref_slice %arg9[%dma_start3A_30, %dma_start3A_36] : memref<4x64xi32, #tpu.memory_space<vmem>> -> memref<1x64xi32, #tpu.memory_space<vmem>>
      %dma_start3A_38 = tpu.memref_squeeze %dma_start3A_37 : memref<1x64xi32, #tpu.memory_space<vmem>> -> memref<64xi32, #tpu.memory_space<vmem>>
      %dma_start3A_39 = arith.constant 0 : i32
      %dma_start3A_40 = arith.constant 0 : i32
      %dma_start3A_41 = tpu.memref_slice %arg3[%dma_start3A_39, %dma_start3A_40] : memref<10240x128xf32, #tpu.memory_space<hbm>> -> memref<10240x128xf32, #tpu.memory_space<hbm>>
      tpu.enqueue_indirect_dma source(%dma_start3A_41 : memref<10240x128xf32, #tpu.memory_space<hbm>>) target(%dma_start3A_35 : memref<64x128xf32, #tpu.memory_space<vmem>>) offsets(%dma_start3A_38 : memref<64xi32, #tpu.memory_space<vmem>>) semaphore(%arg12 : memref<!tpu.dma_semaphore, #tpu.memory_space<semaphore_mem>>)
      %run_scoped3A_42 = arith.constant 1 : i32
      %run_scoped3A_43 = arith.constant 1 : i32
      "tpu.region"() ({
        %run_scoped3A_151 = tpu.sem_alloc : memref<!tpu.dma_semaphore, #tpu.memory_space<semaphore_mem>>
        %dma_start3A_152 = arith.constant 0 : i32
        %dma_start3A_153 = tpu.memref_slice %arg9[%run_scoped3A_43, %dma_start3A_152] : memref<4x64xi32, #tpu.memory_space<vmem>> -> memref<1x64xi32, #tpu.memory_space<vmem>>
        %dma_start3A_154 = tpu.memref_squeeze %dma_start3A_153 : memref<1x64xi32, #tpu.memory_space<vmem>> -> memref<64xi32, #tpu.memory_space<vmem>>
        %dma_start3A_155 = arith.constant 0 : i32
        %dma_start3A_156 = arith.constant 0 : i32
        %dma_start3A_157 = tpu.memref_slice %arg4[%arg1, %dma_start3A_155, %dma_start3A_156] : memref<16x160x64xi32, #tpu.memory_space<hbm>> -> memref<1x160x64xi32, #tpu.memory_space<hbm>>
        %dma_start3A_158 = tpu.memref_squeeze %dma_start3A_157 : memref<1x160x64xi32, #tpu.memory_space<hbm>> -> memref<160x64xi32, #tpu.memory_space<hbm>>
        %dma_start3A_159 = arith.constant 0 : i32
        %dma_start3A_160 = tpu.memref_slice %dma_start3A_158[%run_scoped3A_42, %dma_start3A_159] : memref<160x64xi32, #tpu.memory_space<hbm>> -> memref<1x64xi32, #tpu.memory_space<hbm>>
        %dma_start3A_161 = tpu.memref_squeeze %dma_start3A_160 : memref<1x64xi32, #tpu.memory_space<hbm>> -> memref<64xi32, #tpu.memory_space<hbm>>
        %dma_start3A_162 = arith.constant 0 : i32
        %dma_start3A_163 = tpu.memref_slice %arg9[%run_scoped3A_43, %dma_start3A_162] : memref<4x64xi32, #tpu.memory_space<vmem>> -> memref<1x64xi32, #tpu.memory_space<vmem>>
        %dma_start3A_164 = tpu.memref_squeeze %dma_start3A_163 : memref<1x64xi32, #tpu.memory_space<vmem>> -> memref<64xi32, #tpu.memory_space<vmem>>
        %dma_start3A_165 = arith.constant 0 : i32
        %dma_start3A_166 = arith.constant 0 : i32
        %dma_start3A_167 = tpu.memref_slice %arg4[%arg1, %dma_start3A_165, %dma_start3A_166] : memref<16x160x64xi32, #tpu.memory_space<hbm>> -> memref<1x160x64xi32, #tpu.memory_space<hbm>>
        %dma_start3A_168 = tpu.memref_squeeze %dma_start3A_167 : memref<1x160x64xi32, #tpu.memory_space<hbm>> -> memref<160x64xi32, #tpu.memory_space<hbm>>
        %dma_start3A_169 = arith.constant 0 : i32
        %dma_start3A_170 = tpu.memref_slice %dma_start3A_168[%run_scoped3A_42, %dma_start3A_169] : memref<160x64xi32, #tpu.memory_space<hbm>> -> memref<1x64xi32, #tpu.memory_space<hbm>>
        %dma_start3A_171 = tpu.memref_squeeze %dma_start3A_170 : memref<1x64xi32, #tpu.memory_space<hbm>> -> memref<64xi32, #tpu.memory_space<hbm>>
        tpu.enqueue_dma source(%dma_start3A_171 : memref<64xi32, #tpu.memory_space<hbm>>) target(%dma_start3A_164 : memref<64xi32, #tpu.memory_space<vmem>>) target_semaphore(%run_scoped3A_151 : memref<!tpu.dma_semaphore, #tpu.memory_space<semaphore_mem>>)
        %dma_wait3A_172 = arith.constant 0 : i32
        %dma_wait3A_173 = tpu.memref_slice %arg9[%run_scoped3A_43, %dma_wait3A_172] : memref<4x64xi32, #tpu.memory_space<vmem>> -> memref<1x64xi32, #tpu.memory_space<vmem>>
        %dma_wait3A_174 = tpu.memref_squeeze %dma_wait3A_173 : memref<1x64xi32, #tpu.memory_space<vmem>> -> memref<64xi32, #tpu.memory_space<vmem>>
        %dma_wait3A_175 = arith.constant 0 : i32
        %dma_wait3A_176 = arith.constant 0 : i32
        %dma_wait3A_177 = tpu.memref_slice %arg4[%arg1, %dma_wait3A_175, %dma_wait3A_176] : memref<16x160x64xi32, #tpu.memory_space<hbm>> -> memref<1x160x64xi32, #tpu.memory_space<hbm>>
        %dma_wait3A_178 = tpu.memref_squeeze %dma_wait3A_177 : memref<1x160x64xi32, #tpu.memory_space<hbm>> -> memref<160x64xi32, #tpu.memory_space<hbm>>
        %dma_wait3A_179 = arith.constant 0 : i32
        %dma_wait3A_180 = tpu.memref_slice %dma_wait3A_178[%run_scoped3A_42, %dma_wait3A_179] : memref<160x64xi32, #tpu.memory_space<hbm>> -> memref<1x64xi32, #tpu.memory_space<hbm>>
        %dma_wait3A_181 = tpu.memref_squeeze %dma_wait3A_180 : memref<1x64xi32, #tpu.memory_space<hbm>> -> memref<64xi32, #tpu.memory_space<hbm>>
        %dma_wait3A_182 = arith.constant 0 : i32
        %dma_wait3A_183 = tpu.memref_slice %arg9[%run_scoped3A_43, %dma_wait3A_182] : memref<4x64xi32, #tpu.memory_space<vmem>> -> memref<1x64xi32, #tpu.memory_space<vmem>>
        %dma_wait3A_184 = tpu.memref_squeeze %dma_wait3A_183 : memref<1x64xi32, #tpu.memory_space<vmem>> -> memref<64xi32, #tpu.memory_space<vmem>>
        %dma_wait3A_185 = arith.constant 0 : i32
        %dma_wait3A_186 = arith.constant 0 : i32
        %dma_wait3A_187 = tpu.memref_slice %arg4[%arg1, %dma_wait3A_185, %dma_wait3A_186] : memref<16x160x64xi32, #tpu.memory_space<hbm>> -> memref<1x160x64xi32, #tpu.memory_space<hbm>>
        %dma_wait3A_188 = tpu.memref_squeeze %dma_wait3A_187 : memref<1x160x64xi32, #tpu.memory_space<hbm>> -> memref<160x64xi32, #tpu.memory_space<hbm>>
        %dma_wait3A_189 = arith.constant 0 : i32
        %dma_wait3A_190 = tpu.memref_slice %dma_wait3A_188[%run_scoped3A_42, %dma_wait3A_189] : memref<160x64xi32, #tpu.memory_space<hbm>> -> memref<1x64xi32, #tpu.memory_space<hbm>>
        %dma_wait3A_191 = tpu.memref_squeeze %dma_wait3A_190 : memref<1x64xi32, #tpu.memory_space<hbm>> -> memref<64xi32, #tpu.memory_space<hbm>>
        tpu.wait_dma2 semaphore(%run_scoped3A_151 : memref<!tpu.dma_semaphore, #tpu.memory_space<semaphore_mem>>) src(%dma_wait3A_191 : memref<64xi32, #tpu.memory_space<hbm>>) dst(%dma_wait3A_184 : memref<64xi32, #tpu.memory_space<vmem>>)
        tpu.yield
      }) : () -> ()
      %dma_start3A_44 = arith.constant 1 : i32
      %dma_start3A_45 = arith.constant 1 : i32
      %dma_start3A_46 = arith.constant 0 : i32
      %dma_start3A_47 = tpu.memref_slice %arg10[%dma_start3A_45, %dma_start3A_46] : memref<4x64xi32, #tpu.memory_space<vmem>> -> memref<1x64xi32, #tpu.memory_space<vmem>>
      %dma_start3A_48 = tpu.memref_squeeze %dma_start3A_47 : memref<1x64xi32, #tpu.memory_space<vmem>> -> memref<64xi32, #tpu.memory_space<vmem>>
      %dma_start3A_49 = arith.constant 0 : i32
      %dma_start3A_50 = arith.constant 0 : i32
      %dma_start3A_51 = tpu.memref_slice %arg5[%arg1, %dma_start3A_49, %dma_start3A_50] : memref<16x160x64xi32, #tpu.memory_space<hbm>> -> memref<1x160x64xi32, #tpu.memory_space<hbm>>
      %dma_start3A_52 = tpu.memref_squeeze %dma_start3A_51 : memref<1x160x64xi32, #tpu.memory_space<hbm>> -> memref<160x64xi32, #tpu.memory_space<hbm>>
      %dma_start3A_53 = arith.constant 0 : i32
      %dma_start3A_54 = tpu.memref_slice %dma_start3A_52[%dma_start3A_44, %dma_start3A_53] : memref<160x64xi32, #tpu.memory_space<hbm>> -> memref<1x64xi32, #tpu.memory_space<hbm>>
      %dma_start3A_55 = tpu.memref_squeeze %dma_start3A_54 : memref<1x64xi32, #tpu.memory_space<hbm>> -> memref<64xi32, #tpu.memory_space<hbm>>
      %dma_start3A_56 = arith.constant 0 : i32
      %dma_start3A_57 = tpu.memref_slice %arg10[%dma_start3A_45, %dma_start3A_56] : memref<4x64xi32, #tpu.memory_space<vmem>> -> memref<1x64xi32, #tpu.memory_space<vmem>>
      %dma_start3A_58 = tpu.memref_squeeze %dma_start3A_57 : memref<1x64xi32, #tpu.memory_space<vmem>> -> memref<64xi32, #tpu.memory_space<vmem>>
      %dma_start3A_59 = arith.constant 0 : i32
      %dma_start3A_60 = arith.constant 0 : i32
      %dma_start3A_61 = tpu.memref_slice %arg5[%arg1, %dma_start3A_59, %dma_start3A_60] : memref<16x160x64xi32, #tpu.memory_space<hbm>> -> memref<1x160x64xi32, #tpu.memory_space<hbm>>
      %dma_start3A_62 = tpu.memref_squeeze %dma_start3A_61 : memref<1x160x64xi32, #tpu.memory_space<hbm>> -> memref<160x64xi32, #tpu.memory_space<hbm>>
      %dma_start3A_63 = arith.constant 0 : i32
      %dma_start3A_64 = tpu.memref_slice %dma_start3A_62[%dma_start3A_44, %dma_start3A_63] : memref<160x64xi32, #tpu.memory_space<hbm>> -> memref<1x64xi32, #tpu.memory_space<hbm>>
      %dma_start3A_65 = tpu.memref_squeeze %dma_start3A_64 : memref<1x64xi32, #tpu.memory_space<hbm>> -> memref<64xi32, #tpu.memory_space<hbm>>
      tpu.enqueue_dma source(%dma_start3A_65 : memref<64xi32, #tpu.memory_space<hbm>>) target(%dma_start3A_58 : memref<64xi32, #tpu.memory_space<vmem>>) target_semaphore(%arg13 : memref<!tpu.dma_semaphore, #tpu.memory_space<semaphore_mem>>)
      %dma_start3A_66 = arith.constant 1 : i32
      %dma_start3A_67 = arith.constant 1 : i32
      %dma_start3A_68 = arith.constant 0 : i32
      %dma_start3A_69 = arith.constant 0 : i32
      %dma_start3A_70 = tpu.memref_slice %arg11[%dma_start3A_67, %dma_start3A_68, %dma_start3A_69] : memref<4x64x128xf32, #tpu.memory_space<vmem>> -> memref<1x64x128xf32, #tpu.memory_space<vmem>>
      %dma_start3A_71 = tpu.memref_squeeze %dma_start3A_70 : memref<1x64x128xf32, #tpu.memory_space<vmem>> -> memref<64x128xf32, #tpu.memory_space<vmem>>
      %dma_start3A_72 = arith.constant 0 : i32
      %dma_start3A_73 = tpu.memref_slice %arg9[%dma_start3A_66, %dma_start3A_72] : memref<4x64xi32, #tpu.memory_space<vmem>> -> memref<1x64xi32, #tpu.memory_space<vmem>>
      %dma_start3A_74 = tpu.memref_squeeze %dma_start3A_73 : memref<1x64xi32, #tpu.memory_space<vmem>> -> memref<64xi32, #tpu.memory_space<vmem>>
      %dma_start3A_75 = arith.constant 0 : i32
      %dma_start3A_76 = arith.constant 0 : i32
      %dma_start3A_77 = tpu.memref_slice %arg3[%dma_start3A_75, %dma_start3A_76] : memref<10240x128xf32, #tpu.memory_space<hbm>> -> memref<10240x128xf32, #tpu.memory_space<hbm>>
      tpu.enqueue_indirect_dma source(%dma_start3A_77 : memref<10240x128xf32, #tpu.memory_space<hbm>>) target(%dma_start3A_71 : memref<64x128xf32, #tpu.memory_space<vmem>>) offsets(%dma_start3A_74 : memref<64xi32, #tpu.memory_space<vmem>>) semaphore(%arg13 : memref<!tpu.dma_semaphore, #tpu.memory_space<semaphore_mem>>)
      %dma_start3A_78 = arith.constant 2 : i32
      %dma_start3A_79 = arith.constant 2 : i32
      %dma_start3A_80 = arith.constant 0 : i32
      %dma_start3A_81 = tpu.memref_slice %arg9[%dma_start3A_79, %dma_start3A_80] : memref<4x64xi32, #tpu.memory_space<vmem>> -> memref<1x64xi32, #tpu.memory_space<vmem>>
      %dma_start3A_82 = tpu.memref_squeeze %dma_start3A_81 : memref<1x64xi32, #tpu.memory_space<vmem>> -> memref<64xi32, #tpu.memory_space<vmem>>
      %dma_start3A_83 = arith.constant 0 : i32
      %dma_start3A_84 = arith.constant 0 : i32
      %dma_start3A_85 = tpu.memref_slice %arg4[%arg1, %dma_start3A_83, %dma_start3A_84] : memref<16x160x64xi32, #tpu.memory_space<hbm>> -> memref<1x160x64xi32, #tpu.memory_space<hbm>>
      %dma_start3A_86 = tpu.memref_squeeze %dma_start3A_85 : memref<1x160x64xi32, #tpu.memory_space<hbm>> -> memref<160x64xi32, #tpu.memory_space<hbm>>
      %dma_start3A_87 = arith.constant 0 : i32
      %dma_start3A_88 = tpu.memref_slice %dma_start3A_86[%dma_start3A_78, %dma_start3A_87] : memref<160x64xi32, #tpu.memory_space<hbm>> -> memref<1x64xi32, #tpu.memory_space<hbm>>
      %dma_start3A_89 = tpu.memref_squeeze %dma_start3A_88 : memref<1x64xi32, #tpu.memory_space<hbm>> -> memref<64xi32, #tpu.memory_space<hbm>>
      %dma_start3A_90 = arith.constant 0 : i32
      %dma_start3A_91 = tpu.memref_slice %arg9[%dma_start3A_79, %dma_start3A_90] : memref<4x64xi32, #tpu.memory_space<vmem>> -> memref<1x64xi32, #tpu.memory_space<vmem>>
      %dma_start3A_92 = tpu.memref_squeeze %dma_start3A_91 : memref<1x64xi32, #tpu.memory_space<vmem>> -> memref<64xi32, #tpu.memory_space<vmem>>
      %dma_start3A_93 = arith.constant 0 : i32
      %dma_start3A_94 = arith.constant 0 : i32
      %dma_start3A_95 = tpu.memref_slice %arg4[%arg1, %dma_start3A_93, %dma_start3A_94] : memref<16x160x64xi32, #tpu.memory_space<hbm>> -> memref<1x160x64xi32, #tpu.memory_space<hbm>>
      %dma_start3A_96 = tpu.memref_squeeze %dma_start3A_95 : memref<1x160x64xi32, #tpu.memory_space<hbm>> -> memref<160x64xi32, #tpu.memory_space<hbm>>
      %dma_start3A_97 = arith.constant 0 : i32
      %dma_start3A_98 = tpu.memref_slice %dma_start3A_96[%dma_start3A_78, %dma_start3A_97] : memref<160x64xi32, #tpu.memory_space<hbm>> -> memref<1x64xi32, #tpu.memory_space<hbm>>
      %dma_start3A_99 = tpu.memref_squeeze %dma_start3A_98 : memref<1x64xi32, #tpu.memory_space<hbm>> -> memref<64xi32, #tpu.memory_space<hbm>>
      tpu.enqueue_dma source(%dma_start3A_99 : memref<64xi32, #tpu.memory_space<hbm>>) target(%dma_start3A_92 : memref<64xi32, #tpu.memory_space<vmem>>) target_semaphore(%arg22 : memref<!tpu.dma_semaphore, #tpu.memory_space<semaphore_mem>>)
      %dma_start3A_100 = arith.constant 3 : i32
      %dma_start3A_101 = arith.constant 3 : i32
      %dma_start3A_102 = arith.constant 0 : i32
      %dma_start3A_103 = tpu.memref_slice %arg9[%dma_start3A_101, %dma_start3A_102] : memref<4x64xi32, #tpu.memory_space<vmem>> -> memref<1x64xi32, #tpu.memory_space<vmem>>
      %dma_start3A_104 = tpu.memref_squeeze %dma_start3A_103 : memref<1x64xi32, #tpu.memory_space<vmem>> -> memref<64xi32, #tpu.memory_space<vmem>>
      %dma_start3A_105 = arith.constant 0 : i32
      %dma_start3A_106 = arith.constant 0 : i32
      %dma_start3A_107 = tpu.memref_slice %arg4[%arg1, %dma_start3A_105, %dma_start3A_106] : memref<16x160x64xi32, #tpu.memory_space<hbm>> -> memref<1x160x64xi32, #tpu.memory_space<hbm>>
      %dma_start3A_108 = tpu.memref_squeeze %dma_start3A_107 : memref<1x160x64xi32, #tpu.memory_space<hbm>> -> memref<160x64xi32, #tpu.memory_space<hbm>>
      %dma_start3A_109 = arith.constant 0 : i32
      %dma_start3A_110 = tpu.memref_slice %dma_start3A_108[%dma_start3A_100, %dma_start3A_109] : memref<160x64xi32, #tpu.memory_space<hbm>> -> memref<1x64xi32, #tpu.memory_space<hbm>>
      %dma_start3A_111 = tpu.memref_squeeze %dma_start3A_110 : memref<1x64xi32, #tpu.memory_space<hbm>> -> memref<64xi32, #tpu.memory_space<hbm>>
      %dma_start3A_112 = arith.constant 0 : i32
      %dma_start3A_113 = tpu.memref_slice %arg9[%dma_start3A_101, %dma_start3A_112] : memref<4x64xi32, #tpu.memory_space<vmem>> -> memref<1x64xi32, #tpu.memory_space<vmem>>
      %dma_start3A_114 = tpu.memref_squeeze %dma_start3A_113 : memref<1x64xi32, #tpu.memory_space<vmem>> -> memref<64xi32, #tpu.memory_space<vmem>>
      %dma_start3A_115 = arith.constant 0 : i32
      %dma_start3A_116 = arith.constant 0 : i32
      %dma_start3A_117 = tpu.memref_slice %arg4[%arg1, %dma_start3A_115, %dma_start3A_116] : memref<16x160x64xi32, #tpu.memory_space<hbm>> -> memref<1x160x64xi32, #tpu.memory_space<hbm>>
      %dma_start3A_118 = tpu.memref_squeeze %dma_start3A_117 : memref<1x160x64xi32, #tpu.memory_space<hbm>> -> memref<160x64xi32, #tpu.memory_space<hbm>>
      %dma_start3A_119 = arith.constant 0 : i32
      %dma_start3A_120 = tpu.memref_slice %dma_start3A_118[%dma_start3A_100, %dma_start3A_119] : memref<160x64xi32, #tpu.memory_space<hbm>> -> memref<1x64xi32, #tpu.memory_space<hbm>>
      %dma_start3A_121 = tpu.memref_squeeze %dma_start3A_120 : memref<1x64xi32, #tpu.memory_space<hbm>> -> memref<64xi32, #tpu.memory_space<hbm>>
      tpu.enqueue_dma source(%dma_start3A_121 : memref<64xi32, #tpu.memory_space<hbm>>) target(%dma_start3A_114 : memref<64xi32, #tpu.memory_space<vmem>>) target_semaphore(%arg23 : memref<!tpu.dma_semaphore, #tpu.memory_space<semaphore_mem>>)
      %scan3A = arith.constant 0 : i32
      %scan3A_122 = arith.constant 40 : i32
      %scan3A_123 = arith.addi %scan3A, %scan3A_122 : i32
      %scan3A_124 = arith.constant 1 : i32
      scf.for %scan3A_151 = %scan3A to %scan3A_123 step %scan3A_124  : i32 {
        %mul3A_152 = arith.constant 1 : i32
        %mul3A_153 = arith.muli %scan3A_151, %mul3A_152 : i32
        %add3A = arith.constant 0 : i32
        %add3A_154 = arith.addi %add3A, %mul3A_153 : i32
        %mul3A_155 = arith.constant 4 : i32
        %mul3A_156 = arith.muli %mul3A_155, %add3A_154 : i32
        %add3A_157 = arith.constant 0 : i32
        %add3A_158 = arith.addi %mul3A_156, %add3A_157 : i32
        %add3A_159 = arith.constant 2 : i32
        %add3A_160 = arith.addi %add3A_158, %add3A_159 : i32
        %ge3A = arith.constant 4 : i32
        %ge3A_161 = arith.cmpi sge, %add3A_160, %ge3A : i32
        %convert_element_type3A_162 = arith.extui %ge3A_161 : i1 to i32
        %cond3A_163 = arith.constant 0 : i32
        %cond3A_164 = arith.cmpi ne, %convert_element_type3A_162, %cond3A_163 : i32
        scf.if %cond3A_164 {
          %dma_wait3A_429 = arith.constant 2 : i32
          %dma_wait3A_430 = arith.constant 2 : i32
          %dma_wait3A_431 = arith.constant 0 : i32
          %dma_wait3A_432 = arith.constant 0 : i32
          %dma_wait3A_433 = tpu.memref_slice %arg11[%dma_wait3A_429, %dma_wait3A_431, %dma_wait3A_432] : memref<4x64x128xf32, #tpu.memory_space<vmem>> -> memref<1x64x128xf32, #tpu.memory_space<vmem>>
          %dma_wait3A_434 = tpu.memref_squeeze %dma_wait3A_433 : memref<1x64x128xf32, #tpu.memory_space<vmem>> -> memref<64x128xf32, #tpu.memory_space<vmem>>
          %dma_wait3A_435 = arith.constant 0 : i32
          %dma_wait3A_436 = tpu.memref_slice %arg10[%dma_wait3A_430, %dma_wait3A_435] : memref<4x64xi32, #tpu.memory_space<vmem>> -> memref<1x64xi32, #tpu.memory_space<vmem>>
          %dma_wait3A_437 = tpu.memref_squeeze %dma_wait3A_436 : memref<1x64xi32, #tpu.memory_space<vmem>> -> memref<64xi32, #tpu.memory_space<vmem>>
          %dma_wait3A_438 = arith.constant 0 : i32
          %dma_wait3A_439 = arith.constant 0 : i32
          %dma_wait3A_440 = tpu.memref_slice %arg24[%dma_wait3A_438, %dma_wait3A_439] : memref<10240x128xf32, #tpu.memory_space<vmem_shared>> -> memref<10240x128xf32, #tpu.memory_space<vmem_shared>>
          tpu.wait_indirect_dma semaphore(%arg18 : memref<!tpu.dma_semaphore, #tpu.memory_space<semaphore_mem>>) src(%dma_wait3A_434 : memref<64x128xf32, #tpu.memory_space<vmem>>) dst(%dma_wait3A_440 : memref<10240x128xf32, #tpu.memory_space<vmem_shared>>)
        } else {
        }
        %lt3A = arith.constant 160 : i32
        %lt3A_165 = arith.cmpi slt, %add3A_160, %lt3A : i32
        %convert_element_type3A_166 = arith.extui %lt3A_165 : i1 to i32
        %cond3A_167 = arith.constant 0 : i32
        %cond3A_168 = arith.cmpi ne, %convert_element_type3A_166, %cond3A_167 : i32
        scf.if %cond3A_168 {
          %dma_wait3A_429 = arith.constant 0 : i32
          %dma_wait3A_430 = arith.constant 2 : i32
          %dma_wait3A_431 = arith.constant 0 : i32
          %dma_wait3A_432 = tpu.memref_slice %arg9[%dma_wait3A_430, %dma_wait3A_431] : memref<4x64xi32, #tpu.memory_space<vmem>> -> memref<1x64xi32, #tpu.memory_space<vmem>>
          %dma_wait3A_433 = tpu.memref_squeeze %dma_wait3A_432 : memref<1x64xi32, #tpu.memory_space<vmem>> -> memref<64xi32, #tpu.memory_space<vmem>>
          %dma_wait3A_434 = arith.constant 0 : i32
          %dma_wait3A_435 = arith.constant 0 : i32
          %dma_wait3A_436 = tpu.memref_slice %arg4[%arg1, %dma_wait3A_434, %dma_wait3A_435] : memref<16x160x64xi32, #tpu.memory_space<hbm>> -> memref<1x160x64xi32, #tpu.memory_space<hbm>>
          %dma_wait3A_437 = tpu.memref_squeeze %dma_wait3A_436 : memref<1x160x64xi32, #tpu.memory_space<hbm>> -> memref<160x64xi32, #tpu.memory_space<hbm>>
          %dma_wait3A_438 = arith.constant 0 : i32
          %dma_wait3A_439 = tpu.memref_slice %dma_wait3A_437[%dma_wait3A_429, %dma_wait3A_438] : memref<160x64xi32, #tpu.memory_space<hbm>> -> memref<1x64xi32, #tpu.memory_space<hbm>>
          %dma_wait3A_440 = tpu.memref_squeeze %dma_wait3A_439 : memref<1x64xi32, #tpu.memory_space<hbm>> -> memref<64xi32, #tpu.memory_space<hbm>>
          %dma_wait3A_441 = arith.constant 0 : i32
          %dma_wait3A_442 = tpu.memref_slice %arg9[%dma_wait3A_430, %dma_wait3A_441] : memref<4x64xi32, #tpu.memory_space<vmem>> -> memref<1x64xi32, #tpu.memory_space<vmem>>
          %dma_wait3A_443 = tpu.memref_squeeze %dma_wait3A_442 : memref<1x64xi32, #tpu.memory_space<vmem>> -> memref<64xi32, #tpu.memory_space<vmem>>
          %dma_wait3A_444 = arith.constant 0 : i32
          %dma_wait3A_445 = arith.constant 0 : i32
          %dma_wait3A_446 = tpu.memref_slice %arg4[%arg1, %dma_wait3A_444, %dma_wait3A_445] : memref<16x160x64xi32, #tpu.memory_space<hbm>> -> memref<1x160x64xi32, #tpu.memory_space<hbm>>
          %dma_wait3A_447 = tpu.memref_squeeze %dma_wait3A_446 : memref<1x160x64xi32, #tpu.memory_space<hbm>> -> memref<160x64xi32, #tpu.memory_space<hbm>>
          %dma_wait3A_448 = arith.constant 0 : i32
          %dma_wait3A_449 = tpu.memref_slice %dma_wait3A_447[%dma_wait3A_429, %dma_wait3A_448] : memref<160x64xi32, #tpu.memory_space<hbm>> -> memref<1x64xi32, #tpu.memory_space<hbm>>
          %dma_wait3A_450 = tpu.memref_squeeze %dma_wait3A_449 : memref<1x64xi32, #tpu.memory_space<hbm>> -> memref<64xi32, #tpu.memory_space<hbm>>
          tpu.wait_dma2 semaphore(%arg22 : memref<!tpu.dma_semaphore, #tpu.memory_space<semaphore_mem>>) src(%dma_wait3A_450 : memref<64xi32, #tpu.memory_space<hbm>>) dst(%dma_wait3A_443 : memref<64xi32, #tpu.memory_space<vmem>>)
          %dma_start3A_451 = arith.constant 2 : i32
          %dma_start3A_452 = arith.constant 0 : i32
          %dma_start3A_453 = tpu.memref_slice %arg10[%dma_start3A_451, %dma_start3A_452] : memref<4x64xi32, #tpu.memory_space<vmem>> -> memref<1x64xi32, #tpu.memory_space<vmem>>
          %dma_start3A_454 = tpu.memref_squeeze %dma_start3A_453 : memref<1x64xi32, #tpu.memory_space<vmem>> -> memref<64xi32, #tpu.memory_space<vmem>>
          %dma_start3A_455 = arith.constant 0 : i32
          %dma_start3A_456 = arith.constant 0 : i32
          %dma_start3A_457 = tpu.memref_slice %arg5[%arg1, %dma_start3A_455, %dma_start3A_456] : memref<16x160x64xi32, #tpu.memory_space<hbm>> -> memref<1x160x64xi32, #tpu.memory_space<hbm>>
          %dma_start3A_458 = tpu.memref_squeeze %dma_start3A_457 : memref<1x160x64xi32, #tpu.memory_space<hbm>> -> memref<160x64xi32, #tpu.memory_space<hbm>>
          %dma_start3A_459 = arith.constant 0 : i32
          %dma_start3A_460 = tpu.memref_slice %dma_start3A_458[%add3A_160, %dma_start3A_459] : memref<160x64xi32, #tpu.memory_space<hbm>> -> memref<1x64xi32, #tpu.memory_space<hbm>>
          %dma_start3A_461 = tpu.memref_squeeze %dma_start3A_460 : memref<1x64xi32, #tpu.memory_space<hbm>> -> memref<64xi32, #tpu.memory_space<hbm>>
          %dma_start3A_462 = arith.constant 0 : i32
          %dma_start3A_463 = tpu.memref_slice %arg10[%dma_start3A_451, %dma_start3A_462] : memref<4x64xi32, #tpu.memory_space<vmem>> -> memref<1x64xi32, #tpu.memory_space<vmem>>
          %dma_start3A_464 = tpu.memref_squeeze %dma_start3A_463 : memref<1x64xi32, #tpu.memory_space<vmem>> -> memref<64xi32, #tpu.memory_space<vmem>>
          %dma_start3A_465 = arith.constant 0 : i32
          %dma_start3A_466 = arith.constant 0 : i32
          %dma_start3A_467 = tpu.memref_slice %arg5[%arg1, %dma_start3A_465, %dma_start3A_466] : memref<16x160x64xi32, #tpu.memory_space<hbm>> -> memref<1x160x64xi32, #tpu.memory_space<hbm>>
          %dma_start3A_468 = tpu.memref_squeeze %dma_start3A_467 : memref<1x160x64xi32, #tpu.memory_space<hbm>> -> memref<160x64xi32, #tpu.memory_space<hbm>>
          %dma_start3A_469 = arith.constant 0 : i32
          %dma_start3A_470 = tpu.memref_slice %dma_start3A_468[%add3A_160, %dma_start3A_469] : memref<160x64xi32, #tpu.memory_space<hbm>> -> memref<1x64xi32, #tpu.memory_space<hbm>>
          %dma_start3A_471 = tpu.memref_squeeze %dma_start3A_470 : memref<1x64xi32, #tpu.memory_space<hbm>> -> memref<64xi32, #tpu.memory_space<hbm>>
          tpu.enqueue_dma source(%dma_start3A_471 : memref<64xi32, #tpu.memory_space<hbm>>) target(%dma_start3A_464 : memref<64xi32, #tpu.memory_space<vmem>>) target_semaphore(%arg14 : memref<!tpu.dma_semaphore, #tpu.memory_space<semaphore_mem>>)
          %dma_start3A_472 = arith.constant 2 : i32
          %dma_start3A_473 = arith.constant 2 : i32
          %dma_start3A_474 = arith.constant 0 : i32
          %dma_start3A_475 = arith.constant 0 : i32
          %dma_start3A_476 = tpu.memref_slice %arg11[%dma_start3A_473, %dma_start3A_474, %dma_start3A_475] : memref<4x64x128xf32, #tpu.memory_space<vmem>> -> memref<1x64x128xf32, #tpu.memory_space<vmem>>
          %dma_start3A_477 = tpu.memref_squeeze %dma_start3A_476 : memref<1x64x128xf32, #tpu.memory_space<vmem>> -> memref<64x128xf32, #tpu.memory_space<vmem>>
          %dma_start3A_478 = arith.constant 0 : i32
          %dma_start3A_479 = tpu.memref_slice %arg9[%dma_start3A_472, %dma_start3A_478] : memref<4x64xi32, #tpu.memory_space<vmem>> -> memref<1x64xi32, #tpu.memory_space<vmem>>
          %dma_start3A_480 = tpu.memref_squeeze %dma_start3A_479 : memref<1x64xi32, #tpu.memory_space<vmem>> -> memref<64xi32, #tpu.memory_space<vmem>>
          %dma_start3A_481 = arith.constant 0 : i32
          %dma_start3A_482 = arith.constant 0 : i32
          %dma_start3A_483 = tpu.memref_slice %arg3[%dma_start3A_481, %dma_start3A_482] : memref<10240x128xf32, #tpu.memory_space<hbm>> -> memref<10240x128xf32, #tpu.memory_space<hbm>>
          tpu.enqueue_indirect_dma source(%dma_start3A_483 : memref<10240x128xf32, #tpu.memory_space<hbm>>) target(%dma_start3A_477 : memref<64x128xf32, #tpu.memory_space<vmem>>) offsets(%dma_start3A_480 : memref<64xi32, #tpu.memory_space<vmem>>) semaphore(%arg14 : memref<!tpu.dma_semaphore, #tpu.memory_space<semaphore_mem>>)
        } else {
        }
        %dma_wait3A_169 = arith.constant 0 : i32
        %dma_wait3A_170 = arith.constant 0 : i32
        %dma_wait3A_171 = arith.constant 0 : i32
        %dma_wait3A_172 = tpu.memref_slice %arg10[%dma_wait3A_170, %dma_wait3A_171] : memref<4x64xi32, #tpu.memory_space<vmem>> -> memref<1x64xi32, #tpu.memory_space<vmem>>
        %dma_wait3A_173 = tpu.memref_squeeze %dma_wait3A_172 : memref<1x64xi32, #tpu.memory_space<vmem>> -> memref<64xi32, #tpu.memory_space<vmem>>
        %dma_wait3A_174 = arith.constant 0 : i32
        %dma_wait3A_175 = arith.constant 0 : i32
        %dma_wait3A_176 = tpu.memref_slice %arg5[%arg1, %dma_wait3A_174, %dma_wait3A_175] : memref<16x160x64xi32, #tpu.memory_space<hbm>> -> memref<1x160x64xi32, #tpu.memory_space<hbm>>
        %dma_wait3A_177 = tpu.memref_squeeze %dma_wait3A_176 : memref<1x160x64xi32, #tpu.memory_space<hbm>> -> memref<160x64xi32, #tpu.memory_space<hbm>>
        %dma_wait3A_178 = arith.constant 0 : i32
        %dma_wait3A_179 = tpu.memref_slice %dma_wait3A_177[%dma_wait3A_169, %dma_wait3A_178] : memref<160x64xi32, #tpu.memory_space<hbm>> -> memref<1x64xi32, #tpu.memory_space<hbm>>
        %dma_wait3A_180 = tpu.memref_squeeze %dma_wait3A_179 : memref<1x64xi32, #tpu.memory_space<hbm>> -> memref<64xi32, #tpu.memory_space<hbm>>
        %dma_wait3A_181 = arith.constant 0 : i32
        %dma_wait3A_182 = tpu.memref_slice %arg10[%dma_wait3A_170, %dma_wait3A_181] : memref<4x64xi32, #tpu.memory_space<vmem>> -> memref<1x64xi32, #tpu.memory_space<vmem>>
        %dma_wait3A_183 = tpu.memref_squeeze %dma_wait3A_182 : memref<1x64xi32, #tpu.memory_space<vmem>> -> memref<64xi32, #tpu.memory_space<vmem>>
        %dma_wait3A_184 = arith.constant 0 : i32
        %dma_wait3A_185 = arith.constant 0 : i32
        %dma_wait3A_186 = tpu.memref_slice %arg5[%arg1, %dma_wait3A_184, %dma_wait3A_185] : memref<16x160x64xi32, #tpu.memory_space<hbm>> -> memref<1x160x64xi32, #tpu.memory_space<hbm>>
        %dma_wait3A_187 = tpu.memref_squeeze %dma_wait3A_186 : memref<1x160x64xi32, #tpu.memory_space<hbm>> -> memref<160x64xi32, #tpu.memory_space<hbm>>
        %dma_wait3A_188 = arith.constant 0 : i32
        %dma_wait3A_189 = tpu.memref_slice %dma_wait3A_187[%dma_wait3A_169, %dma_wait3A_188] : memref<160x64xi32, #tpu.memory_space<hbm>> -> memref<1x64xi32, #tpu.memory_space<hbm>>
        %dma_wait3A_190 = tpu.memref_squeeze %dma_wait3A_189 : memref<1x64xi32, #tpu.memory_space<hbm>> -> memref<64xi32, #tpu.memory_space<hbm>>
        tpu.wait_dma2 semaphore(%arg12 : memref<!tpu.dma_semaphore, #tpu.memory_space<semaphore_mem>>) src(%dma_wait3A_190 : memref<64xi32, #tpu.memory_space<hbm>>) dst(%dma_wait3A_183 : memref<64xi32, #tpu.memory_space<vmem>>)
        %dma_wait3A_191 = arith.constant 0 : i32
        %dma_wait3A_192 = arith.constant 0 : i32
        %dma_wait3A_193 = arith.constant 0 : i32
        %dma_wait3A_194 = arith.constant 0 : i32
        %dma_wait3A_195 = tpu.memref_slice %arg11[%dma_wait3A_192, %dma_wait3A_193, %dma_wait3A_194] : memref<4x64x128xf32, #tpu.memory_space<vmem>> -> memref<1x64x128xf32, #tpu.memory_space<vmem>>
        %dma_wait3A_196 = tpu.memref_squeeze %dma_wait3A_195 : memref<1x64x128xf32, #tpu.memory_space<vmem>> -> memref<64x128xf32, #tpu.memory_space<vmem>>
        %dma_wait3A_197 = arith.constant 0 : i32
        %dma_wait3A_198 = tpu.memref_slice %arg9[%dma_wait3A_191, %dma_wait3A_197] : memref<4x64xi32, #tpu.memory_space<vmem>> -> memref<1x64xi32, #tpu.memory_space<vmem>>
        %dma_wait3A_199 = tpu.memref_squeeze %dma_wait3A_198 : memref<1x64xi32, #tpu.memory_space<vmem>> -> memref<64xi32, #tpu.memory_space<vmem>>
        %dma_wait3A_200 = arith.constant 0 : i32
        %dma_wait3A_201 = arith.constant 0 : i32
        %dma_wait3A_202 = tpu.memref_slice %arg3[%dma_wait3A_200, %dma_wait3A_201] : memref<10240x128xf32, #tpu.memory_space<hbm>> -> memref<10240x128xf32, #tpu.memory_space<hbm>>
        tpu.wait_indirect_dma semaphore(%arg12 : memref<!tpu.dma_semaphore, #tpu.memory_space<semaphore_mem>>) src(%dma_wait3A_202 : memref<10240x128xf32, #tpu.memory_space<hbm>>) dst(%dma_wait3A_196 : memref<64x128xf32, #tpu.memory_space<vmem>>)
        %add3A_203 = arith.constant 4 : i32
        %add3A_204 = arith.addi %add3A_158, %add3A_203 : i32
        %lt3A_205 = arith.constant 160 : i32
        %lt3A_206 = arith.cmpi slt, %add3A_204, %lt3A_205 : i32
        %convert_element_type3A_207 = arith.extui %lt3A_206 : i1 to i32
        %cond3A_208 = arith.constant 0 : i32
        %cond3A_209 = arith.cmpi ne, %convert_element_type3A_207, %cond3A_208 : i32
        scf.if %cond3A_209 {
          %add3A_429 = arith.constant 4 : i32
          %add3A_430 = arith.addi %add3A_158, %add3A_429 : i32
          %dma_start3A_431 = arith.constant 0 : i32
          %dma_start3A_432 = arith.constant 0 : i32
          %dma_start3A_433 = tpu.memref_slice %arg9[%dma_start3A_431, %dma_start3A_432] : memref<4x64xi32, #tpu.memory_space<vmem>> -> memref<1x64xi32, #tpu.memory_space<vmem>>
          %dma_start3A_434 = tpu.memref_squeeze %dma_start3A_433 : memref<1x64xi32, #tpu.memory_space<vmem>> -> memref<64xi32, #tpu.memory_space<vmem>>
          %dma_start3A_435 = arith.constant 0 : i32
          %dma_start3A_436 = arith.constant 0 : i32
          %dma_start3A_437 = tpu.memref_slice %arg4[%arg1, %dma_start3A_435, %dma_start3A_436] : memref<16x160x64xi32, #tpu.memory_space<hbm>> -> memref<1x160x64xi32, #tpu.memory_space<hbm>>
          %dma_start3A_438 = tpu.memref_squeeze %dma_start3A_437 : memref<1x160x64xi32, #tpu.memory_space<hbm>> -> memref<160x64xi32, #tpu.memory_space<hbm>>
          %dma_start3A_439 = arith.constant 0 : i32
          %dma_start3A_440 = tpu.memref_slice %dma_start3A_438[%add3A_430, %dma_start3A_439] : memref<160x64xi32, #tpu.memory_space<hbm>> -> memref<1x64xi32, #tpu.memory_space<hbm>>
          %dma_start3A_441 = tpu.memref_squeeze %dma_start3A_440 : memref<1x64xi32, #tpu.memory_space<hbm>> -> memref<64xi32, #tpu.memory_space<hbm>>
          %dma_start3A_442 = arith.constant 0 : i32
          %dma_start3A_443 = tpu.memref_slice %arg9[%dma_start3A_431, %dma_start3A_442] : memref<4x64xi32, #tpu.memory_space<vmem>> -> memref<1x64xi32, #tpu.memory_space<vmem>>
          %dma_start3A_444 = tpu.memref_squeeze %dma_start3A_443 : memref<1x64xi32, #tpu.memory_space<vmem>> -> memref<64xi32, #tpu.memory_space<vmem>>
          %dma_start3A_445 = arith.constant 0 : i32
          %dma_start3A_446 = arith.constant 0 : i32
          %dma_start3A_447 = tpu.memref_slice %arg4[%arg1, %dma_start3A_445, %dma_start3A_446] : memref<16x160x64xi32, #tpu.memory_space<hbm>> -> memref<1x160x64xi32, #tpu.memory_space<hbm>>
          %dma_start3A_448 = tpu.memref_squeeze %dma_start3A_447 : memref<1x160x64xi32, #tpu.memory_space<hbm>> -> memref<160x64xi32, #tpu.memory_space<hbm>>
          %dma_start3A_449 = arith.constant 0 : i32
          %dma_start3A_450 = tpu.memref_slice %dma_start3A_448[%add3A_430, %dma_start3A_449] : memref<160x64xi32, #tpu.memory_space<hbm>> -> memref<1x64xi32, #tpu.memory_space<hbm>>
          %dma_start3A_451 = tpu.memref_squeeze %dma_start3A_450 : memref<1x64xi32, #tpu.memory_space<hbm>> -> memref<64xi32, #tpu.memory_space<hbm>>
          tpu.enqueue_dma source(%dma_start3A_451 : memref<64xi32, #tpu.memory_space<hbm>>) target(%dma_start3A_444 : memref<64xi32, #tpu.memory_space<vmem>>) target_semaphore(%arg20 : memref<!tpu.dma_semaphore, #tpu.memory_space<semaphore_mem>>)
        } else {
        }
        %dma_start3A_210 = arith.constant 0 : i32
        %dma_start3A_211 = arith.constant 0 : i32
        %dma_start3A_212 = arith.constant 0 : i32
        %dma_start3A_213 = arith.constant 0 : i32
        %dma_start3A_214 = tpu.memref_slice %arg11[%dma_start3A_210, %dma_start3A_212, %dma_start3A_213] : memref<4x64x128xf32, #tpu.memory_space<vmem>> -> memref<1x64x128xf32, #tpu.memory_space<vmem>>
        %dma_start3A_215 = tpu.memref_squeeze %dma_start3A_214 : memref<1x64x128xf32, #tpu.memory_space<vmem>> -> memref<64x128xf32, #tpu.memory_space<vmem>>
        %dma_start3A_216 = arith.constant 0 : i32
        %dma_start3A_217 = tpu.memref_slice %arg10[%dma_start3A_211, %dma_start3A_216] : memref<4x64xi32, #tpu.memory_space<vmem>> -> memref<1x64xi32, #tpu.memory_space<vmem>>
        %dma_start3A_218 = tpu.memref_squeeze %dma_start3A_217 : memref<1x64xi32, #tpu.memory_space<vmem>> -> memref<64xi32, #tpu.memory_space<vmem>>
        %dma_start3A_219 = arith.constant 0 : i32
        %dma_start3A_220 = arith.constant 0 : i32
        %dma_start3A_221 = tpu.memref_slice %arg24[%dma_start3A_219, %dma_start3A_220] : memref<10240x128xf32, #tpu.memory_space<vmem_shared>> -> memref<10240x128xf32, #tpu.memory_space<vmem_shared>>
        tpu.enqueue_indirect_dma source(%dma_start3A_215 : memref<64x128xf32, #tpu.memory_space<vmem>>) target(%dma_start3A_221 : memref<10240x128xf32, #tpu.memory_space<vmem_shared>>) offsets(%dma_start3A_218 : memref<64xi32, #tpu.memory_space<vmem>>) semaphore(%arg16 : memref<!tpu.dma_semaphore, #tpu.memory_space<semaphore_mem>>) {add = true}
        %mul3A_222 = arith.constant 4 : i32
        %mul3A_223 = arith.muli %mul3A_222, %add3A_154 : i32
        %add3A_224 = arith.constant 1 : i32
        %add3A_225 = arith.addi %mul3A_223, %add3A_224 : i32
        %add3A_226 = arith.constant 2 : i32
        %add3A_227 = arith.addi %add3A_225, %add3A_226 : i32
        %ge3A_228 = arith.constant 4 : i32
        %ge3A_229 = arith.cmpi sge, %add3A_227, %ge3A_228 : i32
        %convert_element_type3A_230 = arith.extui %ge3A_229 : i1 to i32
        %cond3A_231 = arith.constant 0 : i32
        %cond3A_232 = arith.cmpi ne, %convert_element_type3A_230, %cond3A_231 : i32
        scf.if %cond3A_232 {
          %dma_wait3A_429 = arith.constant 3 : i32
          %dma_wait3A_430 = arith.constant 3 : i32
          %dma_wait3A_431 = arith.constant 0 : i32
          %dma_wait3A_432 = arith.constant 0 : i32
          %dma_wait3A_433 = tpu.memref_slice %arg11[%dma_wait3A_429, %dma_wait3A_431, %dma_wait3A_432] : memref<4x64x128xf32, #tpu.memory_space<vmem>> -> memref<1x64x128xf32, #tpu.memory_space<vmem>>
          %dma_wait3A_434 = tpu.memref_squeeze %dma_wait3A_433 : memref<1x64x128xf32, #tpu.memory_space<vmem>> -> memref<64x128xf32, #tpu.memory_space<vmem>>
          %dma_wait3A_435 = arith.constant 0 : i32
          %dma_wait3A_436 = tpu.memref_slice %arg10[%dma_wait3A_430, %dma_wait3A_435] : memref<4x64xi32, #tpu.memory_space<vmem>> -> memref<1x64xi32, #tpu.memory_space<vmem>>
          %dma_wait3A_437 = tpu.memref_squeeze %dma_wait3A_436 : memref<1x64xi32, #tpu.memory_space<vmem>> -> memref<64xi32, #tpu.memory_space<vmem>>
          %dma_wait3A_438 = arith.constant 0 : i32
          %dma_wait3A_439 = arith.constant 0 : i32
          %dma_wait3A_440 = tpu.memref_slice %arg24[%dma_wait3A_438, %dma_wait3A_439] : memref<10240x128xf32, #tpu.memory_space<vmem_shared>> -> memref<10240x128xf32, #tpu.memory_space<vmem_shared>>
          tpu.wait_indirect_dma semaphore(%arg19 : memref<!tpu.dma_semaphore, #tpu.memory_space<semaphore_mem>>) src(%dma_wait3A_434 : memref<64x128xf32, #tpu.memory_space<vmem>>) dst(%dma_wait3A_440 : memref<10240x128xf32, #tpu.memory_space<vmem_shared>>)
        } else {
        }
        %lt3A_233 = arith.constant 160 : i32
        %lt3A_234 = arith.cmpi slt, %add3A_227, %lt3A_233 : i32
        %convert_element_type3A_235 = arith.extui %lt3A_234 : i1 to i32
        %cond3A_236 = arith.constant 0 : i32
        %cond3A_237 = arith.cmpi ne, %convert_element_type3A_235, %cond3A_236 : i32
        scf.if %cond3A_237 {
          %dma_wait3A_429 = arith.constant 0 : i32
          %dma_wait3A_430 = arith.constant 3 : i32
          %dma_wait3A_431 = arith.constant 0 : i32
          %dma_wait3A_432 = tpu.memref_slice %arg9[%dma_wait3A_430, %dma_wait3A_431] : memref<4x64xi32, #tpu.memory_space<vmem>> -> memref<1x64xi32, #tpu.memory_space<vmem>>
          %dma_wait3A_433 = tpu.memref_squeeze %dma_wait3A_432 : memref<1x64xi32, #tpu.memory_space<vmem>> -> memref<64xi32, #tpu.memory_space<vmem>>
          %dma_wait3A_434 = arith.constant 0 : i32
          %dma_wait3A_435 = arith.constant 0 : i32
          %dma_wait3A_436 = tpu.memref_slice %arg4[%arg1, %dma_wait3A_434, %dma_wait3A_435] : memref<16x160x64xi32, #tpu.memory_space<hbm>> -> memref<1x160x64xi32, #tpu.memory_space<hbm>>
          %dma_wait3A_437 = tpu.memref_squeeze %dma_wait3A_436 : memref<1x160x64xi32, #tpu.memory_space<hbm>> -> memref<160x64xi32, #tpu.memory_space<hbm>>
          %dma_wait3A_438 = arith.constant 0 : i32
          %dma_wait3A_439 = tpu.memref_slice %dma_wait3A_437[%dma_wait3A_429, %dma_wait3A_438] : memref<160x64xi32, #tpu.memory_space<hbm>> -> memref<1x64xi32, #tpu.memory_space<hbm>>
          %dma_wait3A_440 = tpu.memref_squeeze %dma_wait3A_439 : memref<1x64xi32, #tpu.memory_space<hbm>> -> memref<64xi32, #tpu.memory_space<hbm>>
          %dma_wait3A_441 = arith.constant 0 : i32
          %dma_wait3A_442 = tpu.memref_slice %arg9[%dma_wait3A_430, %dma_wait3A_441] : memref<4x64xi32, #tpu.memory_space<vmem>> -> memref<1x64xi32, #tpu.memory_space<vmem>>
          %dma_wait3A_443 = tpu.memref_squeeze %dma_wait3A_442 : memref<1x64xi32, #tpu.memory_space<vmem>> -> memref<64xi32, #tpu.memory_space<vmem>>
          %dma_wait3A_444 = arith.constant 0 : i32
          %dma_wait3A_445 = arith.constant 0 : i32
          %dma_wait3A_446 = tpu.memref_slice %arg4[%arg1, %dma_wait3A_444, %dma_wait3A_445] : memref<16x160x64xi32, #tpu.memory_space<hbm>> -> memref<1x160x64xi32, #tpu.memory_space<hbm>>
          %dma_wait3A_447 = tpu.memref_squeeze %dma_wait3A_446 : memref<1x160x64xi32, #tpu.memory_space<hbm>> -> memref<160x64xi32, #tpu.memory_space<hbm>>
          %dma_wait3A_448 = arith.constant 0 : i32
          %dma_wait3A_449 = tpu.memref_slice %dma_wait3A_447[%dma_wait3A_429, %dma_wait3A_448] : memref<160x64xi32, #tpu.memory_space<hbm>> -> memref<1x64xi32, #tpu.memory_space<hbm>>
          %dma_wait3A_450 = tpu.memref_squeeze %dma_wait3A_449 : memref<1x64xi32, #tpu.memory_space<hbm>> -> memref<64xi32, #tpu.memory_space<hbm>>
          tpu.wait_dma2 semaphore(%arg23 : memref<!tpu.dma_semaphore, #tpu.memory_space<semaphore_mem>>) src(%dma_wait3A_450 : memref<64xi32, #tpu.memory_space<hbm>>) dst(%dma_wait3A_443 : memref<64xi32, #tpu.memory_space<vmem>>)
          %dma_start3A_451 = arith.constant 3 : i32
          %dma_start3A_452 = arith.constant 0 : i32
          %dma_start3A_453 = tpu.memref_slice %arg10[%dma_start3A_451, %dma_start3A_452] : memref<4x64xi32, #tpu.memory_space<vmem>> -> memref<1x64xi32, #tpu.memory_space<vmem>>
          %dma_start3A_454 = tpu.memref_squeeze %dma_start3A_453 : memref<1x64xi32, #tpu.memory_space<vmem>> -> memref<64xi32, #tpu.memory_space<vmem>>
          %dma_start3A_455 = arith.constant 0 : i32
          %dma_start3A_456 = arith.constant 0 : i32
          %dma_start3A_457 = tpu.memref_slice %arg5[%arg1, %dma_start3A_455, %dma_start3A_456] : memref<16x160x64xi32, #tpu.memory_space<hbm>> -> memref<1x160x64xi32, #tpu.memory_space<hbm>>
          %dma_start3A_458 = tpu.memref_squeeze %dma_start3A_457 : memref<1x160x64xi32, #tpu.memory_space<hbm>> -> memref<160x64xi32, #tpu.memory_space<hbm>>
          %dma_start3A_459 = arith.constant 0 : i32
          %dma_start3A_460 = tpu.memref_slice %dma_start3A_458[%add3A_227, %dma_start3A_459] : memref<160x64xi32, #tpu.memory_space<hbm>> -> memref<1x64xi32, #tpu.memory_space<hbm>>
          %dma_start3A_461 = tpu.memref_squeeze %dma_start3A_460 : memref<1x64xi32, #tpu.memory_space<hbm>> -> memref<64xi32, #tpu.memory_space<hbm>>
          %dma_start3A_462 = arith.constant 0 : i32
          %dma_start3A_463 = tpu.memref_slice %arg10[%dma_start3A_451, %dma_start3A_462] : memref<4x64xi32, #tpu.memory_space<vmem>> -> memref<1x64xi32, #tpu.memory_space<vmem>>
          %dma_start3A_464 = tpu.memref_squeeze %dma_start3A_463 : memref<1x64xi32, #tpu.memory_space<vmem>> -> memref<64xi32, #tpu.memory_space<vmem>>
          %dma_start3A_465 = arith.constant 0 : i32
          %dma_start3A_466 = arith.constant 0 : i32
          %dma_start3A_467 = tpu.memref_slice %arg5[%arg1, %dma_start3A_465, %dma_start3A_466] : memref<16x160x64xi32, #tpu.memory_space<hbm>> -> memref<1x160x64xi32, #tpu.memory_space<hbm>>
          %dma_start3A_468 = tpu.memref_squeeze %dma_start3A_467 : memref<1x160x64xi32, #tpu.memory_space<hbm>> -> memref<160x64xi32, #tpu.memory_space<hbm>>
          %dma_start3A_469 = arith.constant 0 : i32
          %dma_start3A_470 = tpu.memref_slice %dma_start3A_468[%add3A_227, %dma_start3A_469] : memref<160x64xi32, #tpu.memory_space<hbm>> -> memref<1x64xi32, #tpu.memory_space<hbm>>
          %dma_start3A_471 = tpu.memref_squeeze %dma_start3A_470 : memref<1x64xi32, #tpu.memory_space<hbm>> -> memref<64xi32, #tpu.memory_space<hbm>>
          tpu.enqueue_dma source(%dma_start3A_471 : memref<64xi32, #tpu.memory_space<hbm>>) target(%dma_start3A_464 : memref<64xi32, #tpu.memory_space<vmem>>) target_semaphore(%arg15 : memref<!tpu.dma_semaphore, #tpu.memory_space<semaphore_mem>>)
          %dma_start3A_472 = arith.constant 3 : i32
          %dma_start3A_473 = arith.constant 3 : i32
          %dma_start3A_474 = arith.constant 0 : i32
          %dma_start3A_475 = arith.constant 0 : i32
          %dma_start3A_476 = tpu.memref_slice %arg11[%dma_start3A_473, %dma_start3A_474, %dma_start3A_475] : memref<4x64x128xf32, #tpu.memory_space<vmem>> -> memref<1x64x128xf32, #tpu.memory_space<vmem>>
          %dma_start3A_477 = tpu.memref_squeeze %dma_start3A_476 : memref<1x64x128xf32, #tpu.memory_space<vmem>> -> memref<64x128xf32, #tpu.memory_space<vmem>>
          %dma_start3A_478 = arith.constant 0 : i32
          %dma_start3A_479 = tpu.memref_slice %arg9[%dma_start3A_472, %dma_start3A_478] : memref<4x64xi32, #tpu.memory_space<vmem>> -> memref<1x64xi32, #tpu.memory_space<vmem>>
          %dma_start3A_480 = tpu.memref_squeeze %dma_start3A_479 : memref<1x64xi32, #tpu.memory_space<vmem>> -> memref<64xi32, #tpu.memory_space<vmem>>
          %dma_start3A_481 = arith.constant 0 : i32
          %dma_start3A_482 = arith.constant 0 : i32
          %dma_start3A_483 = tpu.memref_slice %arg3[%dma_start3A_481, %dma_start3A_482] : memref<10240x128xf32, #tpu.memory_space<hbm>> -> memref<10240x128xf32, #tpu.memory_space<hbm>>
          tpu.enqueue_indirect_dma source(%dma_start3A_483 : memref<10240x128xf32, #tpu.memory_space<hbm>>) target(%dma_start3A_477 : memref<64x128xf32, #tpu.memory_space<vmem>>) offsets(%dma_start3A_480 : memref<64xi32, #tpu.memory_space<vmem>>) semaphore(%arg15 : memref<!tpu.dma_semaphore, #tpu.memory_space<semaphore_mem>>)
        } else {
        }
        %dma_wait3A_238 = arith.constant 0 : i32
        %dma_wait3A_239 = arith.constant 1 : i32
        %dma_wait3A_240 = arith.constant 0 : i32
        %dma_wait3A_241 = tpu.memref_slice %arg10[%dma_wait3A_239, %dma_wait3A_240] : memref<4x64xi32, #tpu.memory_space<vmem>> -> memref<1x64xi32, #tpu.memory_space<vmem>>
        %dma_wait3A_242 = tpu.memref_squeeze %dma_wait3A_241 : memref<1x64xi32, #tpu.memory_space<vmem>> -> memref<64xi32, #tpu.memory_space<vmem>>
        %dma_wait3A_243 = arith.constant 0 : i32
        %dma_wait3A_244 = arith.constant 0 : i32
        %dma_wait3A_245 = tpu.memref_slice %arg5[%arg1, %dma_wait3A_243, %dma_wait3A_244] : memref<16x160x64xi32, #tpu.memory_space<hbm>> -> memref<1x160x64xi32, #tpu.memory_space<hbm>>
        %dma_wait3A_246 = tpu.memref_squeeze %dma_wait3A_245 : memref<1x160x64xi32, #tpu.memory_space<hbm>> -> memref<160x64xi32, #tpu.memory_space<hbm>>
        %dma_wait3A_247 = arith.constant 0 : i32
        %dma_wait3A_248 = tpu.memref_slice %dma_wait3A_246[%dma_wait3A_238, %dma_wait3A_247] : memref<160x64xi32, #tpu.memory_space<hbm>> -> memref<1x64xi32, #tpu.memory_space<hbm>>
        %dma_wait3A_249 = tpu.memref_squeeze %dma_wait3A_248 : memref<1x64xi32, #tpu.memory_space<hbm>> -> memref<64xi32, #tpu.memory_space<hbm>>
        %dma_wait3A_250 = arith.constant 0 : i32
        %dma_wait3A_251 = tpu.memref_slice %arg10[%dma_wait3A_239, %dma_wait3A_250] : memref<4x64xi32, #tpu.memory_space<vmem>> -> memref<1x64xi32, #tpu.memory_space<vmem>>
        %dma_wait3A_252 = tpu.memref_squeeze %dma_wait3A_251 : memref<1x64xi32, #tpu.memory_space<vmem>> -> memref<64xi32, #tpu.memory_space<vmem>>
        %dma_wait3A_253 = arith.constant 0 : i32
        %dma_wait3A_254 = arith.constant 0 : i32
        %dma_wait3A_255 = tpu.memref_slice %arg5[%arg1, %dma_wait3A_253, %dma_wait3A_254] : memref<16x160x64xi32, #tpu.memory_space<hbm>> -> memref<1x160x64xi32, #tpu.memory_space<hbm>>
        %dma_wait3A_256 = tpu.memref_squeeze %dma_wait3A_255 : memref<1x160x64xi32, #tpu.memory_space<hbm>> -> memref<160x64xi32, #tpu.memory_space<hbm>>
        %dma_wait3A_257 = arith.constant 0 : i32
        %dma_wait3A_258 = tpu.memref_slice %dma_wait3A_256[%dma_wait3A_238, %dma_wait3A_257] : memref<160x64xi32, #tpu.memory_space<hbm>> -> memref<1x64xi32, #tpu.memory_space<hbm>>
        %dma_wait3A_259 = tpu.memref_squeeze %dma_wait3A_258 : memref<1x64xi32, #tpu.memory_space<hbm>> -> memref<64xi32, #tpu.memory_space<hbm>>
        tpu.wait_dma2 semaphore(%arg13 : memref<!tpu.dma_semaphore, #tpu.memory_space<semaphore_mem>>) src(%dma_wait3A_259 : memref<64xi32, #tpu.memory_space<hbm>>) dst(%dma_wait3A_252 : memref<64xi32, #tpu.memory_space<vmem>>)
        %dma_wait3A_260 = arith.constant 0 : i32
        %dma_wait3A_261 = arith.constant 1 : i32
        %dma_wait3A_262 = arith.constant 0 : i32
        %dma_wait3A_263 = arith.constant 0 : i32
        %dma_wait3A_264 = tpu.memref_slice %arg11[%dma_wait3A_261, %dma_wait3A_262, %dma_wait3A_263] : memref<4x64x128xf32, #tpu.memory_space<vmem>> -> memref<1x64x128xf32, #tpu.memory_space<vmem>>
        %dma_wait3A_265 = tpu.memref_squeeze %dma_wait3A_264 : memref<1x64x128xf32, #tpu.memory_space<vmem>> -> memref<64x128xf32, #tpu.memory_space<vmem>>
        %dma_wait3A_266 = arith.constant 0 : i32
        %dma_wait3A_267 = tpu.memref_slice %arg9[%dma_wait3A_260, %dma_wait3A_266] : memref<4x64xi32, #tpu.memory_space<vmem>> -> memref<1x64xi32, #tpu.memory_space<vmem>>
        %dma_wait3A_268 = tpu.memref_squeeze %dma_wait3A_267 : memref<1x64xi32, #tpu.memory_space<vmem>> -> memref<64xi32, #tpu.memory_space<vmem>>
        %dma_wait3A_269 = arith.constant 0 : i32
        %dma_wait3A_270 = arith.constant 0 : i32
        %dma_wait3A_271 = tpu.memref_slice %arg3[%dma_wait3A_269, %dma_wait3A_270] : memref<10240x128xf32, #tpu.memory_space<hbm>> -> memref<10240x128xf32, #tpu.memory_space<hbm>>
        tpu.wait_indirect_dma semaphore(%arg13 : memref<!tpu.dma_semaphore, #tpu.memory_space<semaphore_mem>>) src(%dma_wait3A_271 : memref<10240x128xf32, #tpu.memory_space<hbm>>) dst(%dma_wait3A_265 : memref<64x128xf32, #tpu.memory_space<vmem>>)
        %add3A_272 = arith.constant 4 : i32
        %add3A_273 = arith.addi %add3A_225, %add3A_272 : i32
        %lt3A_274 = arith.constant 160 : i32
        %lt3A_275 = arith.cmpi slt, %add3A_273, %lt3A_274 : i32
        %convert_element_type3A_276 = arith.extui %lt3A_275 : i1 to i32
        %cond3A_277 = arith.constant 0 : i32
        %cond3A_278 = arith.cmpi ne, %convert_element_type3A_276, %cond3A_277 : i32
        scf.if %cond3A_278 {
          %add3A_429 = arith.constant 4 : i32
          %add3A_430 = arith.addi %add3A_225, %add3A_429 : i32
          %dma_start3A_431 = arith.constant 1 : i32
          %dma_start3A_432 = arith.constant 0 : i32
          %dma_start3A_433 = tpu.memref_slice %arg9[%dma_start3A_431, %dma_start3A_432] : memref<4x64xi32, #tpu.memory_space<vmem>> -> memref<1x64xi32, #tpu.memory_space<vmem>>
          %dma_start3A_434 = tpu.memref_squeeze %dma_start3A_433 : memref<1x64xi32, #tpu.memory_space<vmem>> -> memref<64xi32, #tpu.memory_space<vmem>>
          %dma_start3A_435 = arith.constant 0 : i32
          %dma_start3A_436 = arith.constant 0 : i32
          %dma_start3A_437 = tpu.memref_slice %arg4[%arg1, %dma_start3A_435, %dma_start3A_436] : memref<16x160x64xi32, #tpu.memory_space<hbm>> -> memref<1x160x64xi32, #tpu.memory_space<hbm>>
          %dma_start3A_438 = tpu.memref_squeeze %dma_start3A_437 : memref<1x160x64xi32, #tpu.memory_space<hbm>> -> memref<160x64xi32, #tpu.memory_space<hbm>>
          %dma_start3A_439 = arith.constant 0 : i32
          %dma_start3A_440 = tpu.memref_slice %dma_start3A_438[%add3A_430, %dma_start3A_439] : memref<160x64xi32, #tpu.memory_space<hbm>> -> memref<1x64xi32, #tpu.memory_space<hbm>>
          %dma_start3A_441 = tpu.memref_squeeze %dma_start3A_440 : memref<1x64xi32, #tpu.memory_space<hbm>> -> memref<64xi32, #tpu.memory_space<hbm>>
          %dma_start3A_442 = arith.constant 0 : i32
          %dma_start3A_443 = tpu.memref_slice %arg9[%dma_start3A_431, %dma_start3A_442] : memref<4x64xi32, #tpu.memory_space<vmem>> -> memref<1x64xi32, #tpu.memory_space<vmem>>
          %dma_start3A_444 = tpu.memref_squeeze %dma_start3A_443 : memref<1x64xi32, #tpu.memory_space<vmem>> -> memref<64xi32, #tpu.memory_space<vmem>>
          %dma_start3A_445 = arith.constant 0 : i32
          %dma_start3A_446 = arith.constant 0 : i32
          %dma_start3A_447 = tpu.memref_slice %arg4[%arg1, %dma_start3A_445, %dma_start3A_446] : memref<16x160x64xi32, #tpu.memory_space<hbm>> -> memref<1x160x64xi32, #tpu.memory_space<hbm>>
          %dma_start3A_448 = tpu.memref_squeeze %dma_start3A_447 : memref<1x160x64xi32, #tpu.memory_space<hbm>> -> memref<160x64xi32, #tpu.memory_space<hbm>>
          %dma_start3A_449 = arith.constant 0 : i32
          %dma_start3A_450 = tpu.memref_slice %dma_start3A_448[%add3A_430, %dma_start3A_449] : memref<160x64xi32, #tpu.memory_space<hbm>> -> memref<1x64xi32, #tpu.memory_space<hbm>>
          %dma_start3A_451 = tpu.memref_squeeze %dma_start3A_450 : memref<1x64xi32, #tpu.memory_space<hbm>> -> memref<64xi32, #tpu.memory_space<hbm>>
          tpu.enqueue_dma source(%dma_start3A_451 : memref<64xi32, #tpu.memory_space<hbm>>) target(%dma_start3A_444 : memref<64xi32, #tpu.memory_space<vmem>>) target_semaphore(%arg21 : memref<!tpu.dma_semaphore, #tpu.memory_space<semaphore_mem>>)
        } else {
        }
        %dma_start3A_279 = arith.constant 1 : i32
        %dma_start3A_280 = arith.constant 1 : i32
        %dma_start3A_281 = arith.constant 0 : i32
        %dma_start3A_282 = arith.constant 0 : i32
        %dma_start3A_283 = tpu.memref_slice %arg11[%dma_start3A_279, %dma_start3A_281, %dma_start3A_282] : memref<4x64x128xf32, #tpu.memory_space<vmem>> -> memref<1x64x128xf32, #tpu.memory_space<vmem>>
        %dma_start3A_284 = tpu.memref_squeeze %dma_start3A_283 : memref<1x64x128xf32, #tpu.memory_space<vmem>> -> memref<64x128xf32, #tpu.memory_space<vmem>>
        %dma_start3A_285 = arith.constant 0 : i32
        %dma_start3A_286 = tpu.memref_slice %arg10[%dma_start3A_280, %dma_start3A_285] : memref<4x64xi32, #tpu.memory_space<vmem>> -> memref<1x64xi32, #tpu.memory_space<vmem>>
        %dma_start3A_287 = tpu.memref_squeeze %dma_start3A_286 : memref<1x64xi32, #tpu.memory_space<vmem>> -> memref<64xi32, #tpu.memory_space<vmem>>
        %dma_start3A_288 = arith.constant 0 : i32
        %dma_start3A_289 = arith.constant 0 : i32
        %dma_start3A_290 = tpu.memref_slice %arg24[%dma_start3A_288, %dma_start3A_289] : memref<10240x128xf32, #tpu.memory_space<vmem_shared>> -> memref<10240x128xf32, #tpu.memory_space<vmem_shared>>
        tpu.enqueue_indirect_dma source(%dma_start3A_284 : memref<64x128xf32, #tpu.memory_space<vmem>>) target(%dma_start3A_290 : memref<10240x128xf32, #tpu.memory_space<vmem_shared>>) offsets(%dma_start3A_287 : memref<64xi32, #tpu.memory_space<vmem>>) semaphore(%arg17 : memref<!tpu.dma_semaphore, #tpu.memory_space<semaphore_mem>>) {add = true}
        %mul3A_291 = arith.constant 4 : i32
        %mul3A_292 = arith.muli %mul3A_291, %add3A_154 : i32
        %add3A_293 = arith.constant 2 : i32
        %add3A_294 = arith.addi %mul3A_292, %add3A_293 : i32
        %add3A_295 = arith.constant 2 : i32
        %add3A_296 = arith.addi %add3A_294, %add3A_295 : i32
        %ge3A_297 = arith.constant 4 : i32
        %ge3A_298 = arith.cmpi sge, %add3A_296, %ge3A_297 : i32
        %convert_element_type3A_299 = arith.extui %ge3A_298 : i1 to i32
        %cond3A_300 = arith.constant 0 : i32
        %cond3A_301 = arith.cmpi ne, %convert_element_type3A_299, %cond3A_300 : i32
        scf.if %cond3A_301 {
          %dma_wait3A_429 = arith.constant 0 : i32
          %dma_wait3A_430 = arith.constant 0 : i32
          %dma_wait3A_431 = arith.constant 0 : i32
          %dma_wait3A_432 = arith.constant 0 : i32
          %dma_wait3A_433 = tpu.memref_slice %arg11[%dma_wait3A_429, %dma_wait3A_431, %dma_wait3A_432] : memref<4x64x128xf32, #tpu.memory_space<vmem>> -> memref<1x64x128xf32, #tpu.memory_space<vmem>>
          %dma_wait3A_434 = tpu.memref_squeeze %dma_wait3A_433 : memref<1x64x128xf32, #tpu.memory_space<vmem>> -> memref<64x128xf32, #tpu.memory_space<vmem>>
          %dma_wait3A_435 = arith.constant 0 : i32
          %dma_wait3A_436 = tpu.memref_slice %arg10[%dma_wait3A_430, %dma_wait3A_435] : memref<4x64xi32, #tpu.memory_space<vmem>> -> memref<1x64xi32, #tpu.memory_space<vmem>>
          %dma_wait3A_437 = tpu.memref_squeeze %dma_wait3A_436 : memref<1x64xi32, #tpu.memory_space<vmem>> -> memref<64xi32, #tpu.memory_space<vmem>>
          %dma_wait3A_438 = arith.constant 0 : i32
          %dma_wait3A_439 = arith.constant 0 : i32
          %dma_wait3A_440 = tpu.memref_slice %arg24[%dma_wait3A_438, %dma_wait3A_439] : memref<10240x128xf32, #tpu.memory_space<vmem_shared>> -> memref<10240x128xf32, #tpu.memory_space<vmem_shared>>
          tpu.wait_indirect_dma semaphore(%arg16 : memref<!tpu.dma_semaphore, #tpu.memory_space<semaphore_mem>>) src(%dma_wait3A_434 : memref<64x128xf32, #tpu.memory_space<vmem>>) dst(%dma_wait3A_440 : memref<10240x128xf32, #tpu.memory_space<vmem_shared>>)
        } else {
        }
        %lt3A_302 = arith.constant 160 : i32
        %lt3A_303 = arith.cmpi slt, %add3A_296, %lt3A_302 : i32
        %convert_element_type3A_304 = arith.extui %lt3A_303 : i1 to i32
        %cond3A_305 = arith.constant 0 : i32
        %cond3A_306 = arith.cmpi ne, %convert_element_type3A_304, %cond3A_305 : i32
        scf.if %cond3A_306 {
          %dma_wait3A_429 = arith.constant 0 : i32
          %dma_wait3A_430 = arith.constant 0 : i32
          %dma_wait3A_431 = arith.constant 0 : i32
          %dma_wait3A_432 = tpu.memref_slice %arg9[%dma_wait3A_430, %dma_wait3A_431] : memref<4x64xi32, #tpu.memory_space<vmem>> -> memref<1x64xi32, #tpu.memory_space<vmem>>
          %dma_wait3A_433 = tpu.memref_squeeze %dma_wait3A_432 : memref<1x64xi32, #tpu.memory_space<vmem>> -> memref<64xi32, #tpu.memory_space<vmem>>
          %dma_wait3A_434 = arith.constant 0 : i32
          %dma_wait3A_435 = arith.constant 0 : i32
          %dma_wait3A_436 = tpu.memref_slice %arg4[%arg1, %dma_wait3A_434, %dma_wait3A_435] : memref<16x160x64xi32, #tpu.memory_space<hbm>> -> memref<1x160x64xi32, #tpu.memory_space<hbm>>
          %dma_wait3A_437 = tpu.memref_squeeze %dma_wait3A_436 : memref<1x160x64xi32, #tpu.memory_space<hbm>> -> memref<160x64xi32, #tpu.memory_space<hbm>>
          %dma_wait3A_438 = arith.constant 0 : i32
          %dma_wait3A_439 = tpu.memref_slice %dma_wait3A_437[%dma_wait3A_429, %dma_wait3A_438] : memref<160x64xi32, #tpu.memory_space<hbm>> -> memref<1x64xi32, #tpu.memory_space<hbm>>
          %dma_wait3A_440 = tpu.memref_squeeze %dma_wait3A_439 : memref<1x64xi32, #tpu.memory_space<hbm>> -> memref<64xi32, #tpu.memory_space<hbm>>
          %dma_wait3A_441 = arith.constant 0 : i32
          %dma_wait3A_442 = tpu.memref_slice %arg9[%dma_wait3A_430, %dma_wait3A_441] : memref<4x64xi32, #tpu.memory_space<vmem>> -> memref<1x64xi32, #tpu.memory_space<vmem>>
          %dma_wait3A_443 = tpu.memref_squeeze %dma_wait3A_442 : memref<1x64xi32, #tpu.memory_space<vmem>> -> memref<64xi32, #tpu.memory_space<vmem>>
          %dma_wait3A_444 = arith.constant 0 : i32
          %dma_wait3A_445 = arith.constant 0 : i32
          %dma_wait3A_446 = tpu.memref_slice %arg4[%arg1, %dma_wait3A_444, %dma_wait3A_445] : memref<16x160x64xi32, #tpu.memory_space<hbm>> -> memref<1x160x64xi32, #tpu.memory_space<hbm>>
          %dma_wait3A_447 = tpu.memref_squeeze %dma_wait3A_446 : memref<1x160x64xi32, #tpu.memory_space<hbm>> -> memref<160x64xi32, #tpu.memory_space<hbm>>
          %dma_wait3A_448 = arith.constant 0 : i32
          %dma_wait3A_449 = tpu.memref_slice %dma_wait3A_447[%dma_wait3A_429, %dma_wait3A_448] : memref<160x64xi32, #tpu.memory_space<hbm>> -> memref<1x64xi32, #tpu.memory_space<hbm>>
          %dma_wait3A_450 = tpu.memref_squeeze %dma_wait3A_449 : memref<1x64xi32, #tpu.memory_space<hbm>> -> memref<64xi32, #tpu.memory_space<hbm>>
          tpu.wait_dma2 semaphore(%arg20 : memref<!tpu.dma_semaphore, #tpu.memory_space<semaphore_mem>>) src(%dma_wait3A_450 : memref<64xi32, #tpu.memory_space<hbm>>) dst(%dma_wait3A_443 : memref<64xi32, #tpu.memory_space<vmem>>)
          %dma_start3A_451 = arith.constant 0 : i32
          %dma_start3A_452 = arith.constant 0 : i32
          %dma_start3A_453 = tpu.memref_slice %arg10[%dma_start3A_451, %dma_start3A_452] : memref<4x64xi32, #tpu.memory_space<vmem>> -> memref<1x64xi32, #tpu.memory_space<vmem>>
          %dma_start3A_454 = tpu.memref_squeeze %dma_start3A_453 : memref<1x64xi32, #tpu.memory_space<vmem>> -> memref<64xi32, #tpu.memory_space<vmem>>
          %dma_start3A_455 = arith.constant 0 : i32
          %dma_start3A_456 = arith.constant 0 : i32
          %dma_start3A_457 = tpu.memref_slice %arg5[%arg1, %dma_start3A_455, %dma_start3A_456] : memref<16x160x64xi32, #tpu.memory_space<hbm>> -> memref<1x160x64xi32, #tpu.memory_space<hbm>>
          %dma_start3A_458 = tpu.memref_squeeze %dma_start3A_457 : memref<1x160x64xi32, #tpu.memory_space<hbm>> -> memref<160x64xi32, #tpu.memory_space<hbm>>
          %dma_start3A_459 = arith.constant 0 : i32
          %dma_start3A_460 = tpu.memref_slice %dma_start3A_458[%add3A_296, %dma_start3A_459] : memref<160x64xi32, #tpu.memory_space<hbm>> -> memref<1x64xi32, #tpu.memory_space<hbm>>
          %dma_start3A_461 = tpu.memref_squeeze %dma_start3A_460 : memref<1x64xi32, #tpu.memory_space<hbm>> -> memref<64xi32, #tpu.memory_space<hbm>>
          %dma_start3A_462 = arith.constant 0 : i32
          %dma_start3A_463 = tpu.memref_slice %arg10[%dma_start3A_451, %dma_start3A_462] : memref<4x64xi32, #tpu.memory_space<vmem>> -> memref<1x64xi32, #tpu.memory_space<vmem>>
          %dma_start3A_464 = tpu.memref_squeeze %dma_start3A_463 : memref<1x64xi32, #tpu.memory_space<vmem>> -> memref<64xi32, #tpu.memory_space<vmem>>
          %dma_start3A_465 = arith.constant 0 : i32
          %dma_start3A_466 = arith.constant 0 : i32
          %dma_start3A_467 = tpu.memref_slice %arg5[%arg1, %dma_start3A_465, %dma_start3A_466] : memref<16x160x64xi32, #tpu.memory_space<hbm>> -> memref<1x160x64xi32, #tpu.memory_space<hbm>>
          %dma_start3A_468 = tpu.memref_squeeze %dma_start3A_467 : memref<1x160x64xi32, #tpu.memory_space<hbm>> -> memref<160x64xi32, #tpu.memory_space<hbm>>
          %dma_start3A_469 = arith.constant 0 : i32
          %dma_start3A_470 = tpu.memref_slice %dma_start3A_468[%add3A_296, %dma_start3A_469] : memref<160x64xi32, #tpu.memory_space<hbm>> -> memref<1x64xi32, #tpu.memory_space<hbm>>
          %dma_start3A_471 = tpu.memref_squeeze %dma_start3A_470 : memref<1x64xi32, #tpu.memory_space<hbm>> -> memref<64xi32, #tpu.memory_space<hbm>>
          tpu.enqueue_dma source(%dma_start3A_471 : memref<64xi32, #tpu.memory_space<hbm>>) target(%dma_start3A_464 : memref<64xi32, #tpu.memory_space<vmem>>) target_semaphore(%arg12 : memref<!tpu.dma_semaphore, #tpu.memory_space<semaphore_mem>>)
          %dma_start3A_472 = arith.constant 0 : i32
          %dma_start3A_473 = arith.constant 0 : i32
          %dma_start3A_474 = arith.constant 0 : i32
          %dma_start3A_475 = arith.constant 0 : i32
          %dma_start3A_476 = tpu.memref_slice %arg11[%dma_start3A_473, %dma_start3A_474, %dma_start3A_475] : memref<4x64x128xf32, #tpu.memory_space<vmem>> -> memref<1x64x128xf32, #tpu.memory_space<vmem>>
          %dma_start3A_477 = tpu.memref_squeeze %dma_start3A_476 : memref<1x64x128xf32, #tpu.memory_space<vmem>> -> memref<64x128xf32, #tpu.memory_space<vmem>>
          %dma_start3A_478 = arith.constant 0 : i32
          %dma_start3A_479 = tpu.memref_slice %arg9[%dma_start3A_472, %dma_start3A_478] : memref<4x64xi32, #tpu.memory_space<vmem>> -> memref<1x64xi32, #tpu.memory_space<vmem>>
          %dma_start3A_480 = tpu.memref_squeeze %dma_start3A_479 : memref<1x64xi32, #tpu.memory_space<vmem>> -> memref<64xi32, #tpu.memory_space<vmem>>
          %dma_start3A_481 = arith.constant 0 : i32
          %dma_start3A_482 = arith.constant 0 : i32
          %dma_start3A_483 = tpu.memref_slice %arg3[%dma_start3A_481, %dma_start3A_482] : memref<10240x128xf32, #tpu.memory_space<hbm>> -> memref<10240x128xf32, #tpu.memory_space<hbm>>
          tpu.enqueue_indirect_dma source(%dma_start3A_483 : memref<10240x128xf32, #tpu.memory_space<hbm>>) target(%dma_start3A_477 : memref<64x128xf32, #tpu.memory_space<vmem>>) offsets(%dma_start3A_480 : memref<64xi32, #tpu.memory_space<vmem>>) semaphore(%arg12 : memref<!tpu.dma_semaphore, #tpu.memory_space<semaphore_mem>>)
        } else {
        }
        %dma_wait3A_307 = arith.constant 0 : i32
        %dma_wait3A_308 = arith.constant 2 : i32
        %dma_wait3A_309 = arith.constant 0 : i32
        %dma_wait3A_310 = tpu.memref_slice %arg10[%dma_wait3A_308, %dma_wait3A_309] : memref<4x64xi32, #tpu.memory_space<vmem>> -> memref<1x64xi32, #tpu.memory_space<vmem>>
        %dma_wait3A_311 = tpu.memref_squeeze %dma_wait3A_310 : memref<1x64xi32, #tpu.memory_space<vmem>> -> memref<64xi32, #tpu.memory_space<vmem>>
        %dma_wait3A_312 = arith.constant 0 : i32
        %dma_wait3A_313 = arith.constant 0 : i32
        %dma_wait3A_314 = tpu.memref_slice %arg5[%arg1, %dma_wait3A_312, %dma_wait3A_313] : memref<16x160x64xi32, #tpu.memory_space<hbm>> -> memref<1x160x64xi32, #tpu.memory_space<hbm>>
        %dma_wait3A_315 = tpu.memref_squeeze %dma_wait3A_314 : memref<1x160x64xi32, #tpu.memory_space<hbm>> -> memref<160x64xi32, #tpu.memory_space<hbm>>
        %dma_wait3A_316 = arith.constant 0 : i32
        %dma_wait3A_317 = tpu.memref_slice %dma_wait3A_315[%dma_wait3A_307, %dma_wait3A_316] : memref<160x64xi32, #tpu.memory_space<hbm>> -> memref<1x64xi32, #tpu.memory_space<hbm>>
        %dma_wait3A_318 = tpu.memref_squeeze %dma_wait3A_317 : memref<1x64xi32, #tpu.memory_space<hbm>> -> memref<64xi32, #tpu.memory_space<hbm>>
        %dma_wait3A_319 = arith.constant 0 : i32
        %dma_wait3A_320 = tpu.memref_slice %arg10[%dma_wait3A_308, %dma_wait3A_319] : memref<4x64xi32, #tpu.memory_space<vmem>> -> memref<1x64xi32, #tpu.memory_space<vmem>>
        %dma_wait3A_321 = tpu.memref_squeeze %dma_wait3A_320 : memref<1x64xi32, #tpu.memory_space<vmem>> -> memref<64xi32, #tpu.memory_space<vmem>>
        %dma_wait3A_322 = arith.constant 0 : i32
        %dma_wait3A_323 = arith.constant 0 : i32
        %dma_wait3A_324 = tpu.memref_slice %arg5[%arg1, %dma_wait3A_322, %dma_wait3A_323] : memref<16x160x64xi32, #tpu.memory_space<hbm>> -> memref<1x160x64xi32, #tpu.memory_space<hbm>>
        %dma_wait3A_325 = tpu.memref_squeeze %dma_wait3A_324 : memref<1x160x64xi32, #tpu.memory_space<hbm>> -> memref<160x64xi32, #tpu.memory_space<hbm>>
        %dma_wait3A_326 = arith.constant 0 : i32
        %dma_wait3A_327 = tpu.memref_slice %dma_wait3A_325[%dma_wait3A_307, %dma_wait3A_326] : memref<160x64xi32, #tpu.memory_space<hbm>> -> memref<1x64xi32, #tpu.memory_space<hbm>>
        %dma_wait3A_328 = tpu.memref_squeeze %dma_wait3A_327 : memref<1x64xi32, #tpu.memory_space<hbm>> -> memref<64xi32, #tpu.memory_space<hbm>>
        tpu.wait_dma2 semaphore(%arg14 : memref<!tpu.dma_semaphore, #tpu.memory_space<semaphore_mem>>) src(%dma_wait3A_328 : memref<64xi32, #tpu.memory_space<hbm>>) dst(%dma_wait3A_321 : memref<64xi32, #tpu.memory_space<vmem>>)
        %dma_wait3A_329 = arith.constant 0 : i32
        %dma_wait3A_330 = arith.constant 2 : i32
        %dma_wait3A_331 = arith.constant 0 : i32
        %dma_wait3A_332 = arith.constant 0 : i32
        %dma_wait3A_333 = tpu.memref_slice %arg11[%dma_wait3A_330, %dma_wait3A_331, %dma_wait3A_332] : memref<4x64x128xf32, #tpu.memory_space<vmem>> -> memref<1x64x128xf32, #tpu.memory_space<vmem>>
        %dma_wait3A_334 = tpu.memref_squeeze %dma_wait3A_333 : memref<1x64x128xf32, #tpu.memory_space<vmem>> -> memref<64x128xf32, #tpu.memory_space<vmem>>
        %dma_wait3A_335 = arith.constant 0 : i32
        %dma_wait3A_336 = tpu.memref_slice %arg9[%dma_wait3A_329, %dma_wait3A_335] : memref<4x64xi32, #tpu.memory_space<vmem>> -> memref<1x64xi32, #tpu.memory_space<vmem>>
        %dma_wait3A_337 = tpu.memref_squeeze %dma_wait3A_336 : memref<1x64xi32, #tpu.memory_space<vmem>> -> memref<64xi32, #tpu.memory_space<vmem>>
        %dma_wait3A_338 = arith.constant 0 : i32
        %dma_wait3A_339 = arith.constant 0 : i32
        %dma_wait3A_340 = tpu.memref_slice %arg3[%dma_wait3A_338, %dma_wait3A_339] : memref<10240x128xf32, #tpu.memory_space<hbm>> -> memref<10240x128xf32, #tpu.memory_space<hbm>>
        tpu.wait_indirect_dma semaphore(%arg14 : memref<!tpu.dma_semaphore, #tpu.memory_space<semaphore_mem>>) src(%dma_wait3A_340 : memref<10240x128xf32, #tpu.memory_space<hbm>>) dst(%dma_wait3A_334 : memref<64x128xf32, #tpu.memory_space<vmem>>)
        %add3A_341 = arith.constant 4 : i32
        %add3A_342 = arith.addi %add3A_294, %add3A_341 : i32
        %lt3A_343 = arith.constant 160 : i32
        %lt3A_344 = arith.cmpi slt, %add3A_342, %lt3A_343 : i32
        %convert_element_type3A_345 = arith.extui %lt3A_344 : i1 to i32
        %cond3A_346 = arith.constant 0 : i32
        %cond3A_347 = arith.cmpi ne, %convert_element_type3A_345, %cond3A_346 : i32
        scf.if %cond3A_347 {
          %add3A_429 = arith.constant 4 : i32
          %add3A_430 = arith.addi %add3A_294, %add3A_429 : i32
          %dma_start3A_431 = arith.constant 2 : i32
          %dma_start3A_432 = arith.constant 0 : i32
          %dma_start3A_433 = tpu.memref_slice %arg9[%dma_start3A_431, %dma_start3A_432] : memref<4x64xi32, #tpu.memory_space<vmem>> -> memref<1x64xi32, #tpu.memory_space<vmem>>
          %dma_start3A_434 = tpu.memref_squeeze %dma_start3A_433 : memref<1x64xi32, #tpu.memory_space<vmem>> -> memref<64xi32, #tpu.memory_space<vmem>>
          %dma_start3A_435 = arith.constant 0 : i32
          %dma_start3A_436 = arith.constant 0 : i32
          %dma_start3A_437 = tpu.memref_slice %arg4[%arg1, %dma_start3A_435, %dma_start3A_436] : memref<16x160x64xi32, #tpu.memory_space<hbm>> -> memref<1x160x64xi32, #tpu.memory_space<hbm>>
          %dma_start3A_438 = tpu.memref_squeeze %dma_start3A_437 : memref<1x160x64xi32, #tpu.memory_space<hbm>> -> memref<160x64xi32, #tpu.memory_space<hbm>>
          %dma_start3A_439 = arith.constant 0 : i32
          %dma_start3A_440 = tpu.memref_slice %dma_start3A_438[%add3A_430, %dma_start3A_439] : memref<160x64xi32, #tpu.memory_space<hbm>> -> memref<1x64xi32, #tpu.memory_space<hbm>>
          %dma_start3A_441 = tpu.memref_squeeze %dma_start3A_440 : memref<1x64xi32, #tpu.memory_space<hbm>> -> memref<64xi32, #tpu.memory_space<hbm>>
          %dma_start3A_442 = arith.constant 0 : i32
          %dma_start3A_443 = tpu.memref_slice %arg9[%dma_start3A_431, %dma_start3A_442] : memref<4x64xi32, #tpu.memory_space<vmem>> -> memref<1x64xi32, #tpu.memory_space<vmem>>
          %dma_start3A_444 = tpu.memref_squeeze %dma_start3A_443 : memref<1x64xi32, #tpu.memory_space<vmem>> -> memref<64xi32, #tpu.memory_space<vmem>>
          %dma_start3A_445 = arith.constant 0 : i32
          %dma_start3A_446 = arith.constant 0 : i32
          %dma_start3A_447 = tpu.memref_slice %arg4[%arg1, %dma_start3A_445, %dma_start3A_446] : memref<16x160x64xi32, #tpu.memory_space<hbm>> -> memref<1x160x64xi32, #tpu.memory_space<hbm>>
          %dma_start3A_448 = tpu.memref_squeeze %dma_start3A_447 : memref<1x160x64xi32, #tpu.memory_space<hbm>> -> memref<160x64xi32, #tpu.memory_space<hbm>>
          %dma_start3A_449 = arith.constant 0 : i32
          %dma_start3A_450 = tpu.memref_slice %dma_start3A_448[%add3A_430, %dma_start3A_449] : memref<160x64xi32, #tpu.memory_space<hbm>> -> memref<1x64xi32, #tpu.memory_space<hbm>>
          %dma_start3A_451 = tpu.memref_squeeze %dma_start3A_450 : memref<1x64xi32, #tpu.memory_space<hbm>> -> memref<64xi32, #tpu.memory_space<hbm>>
          tpu.enqueue_dma source(%dma_start3A_451 : memref<64xi32, #tpu.memory_space<hbm>>) target(%dma_start3A_444 : memref<64xi32, #tpu.memory_space<vmem>>) target_semaphore(%arg22 : memref<!tpu.dma_semaphore, #tpu.memory_space<semaphore_mem>>)
        } else {
        }
        %dma_start3A_348 = arith.constant 2 : i32
        %dma_start3A_349 = arith.constant 2 : i32
        %dma_start3A_350 = arith.constant 0 : i32
        %dma_start3A_351 = arith.constant 0 : i32
        %dma_start3A_352 = tpu.memref_slice %arg11[%dma_start3A_348, %dma_start3A_350, %dma_start3A_351] : memref<4x64x128xf32, #tpu.memory_space<vmem>> -> memref<1x64x128xf32, #tpu.memory_space<vmem>>
        %dma_start3A_353 = tpu.memref_squeeze %dma_start3A_352 : memref<1x64x128xf32, #tpu.memory_space<vmem>> -> memref<64x128xf32, #tpu.memory_space<vmem>>
        %dma_start3A_354 = arith.constant 0 : i32
        %dma_start3A_355 = tpu.memref_slice %arg10[%dma_start3A_349, %dma_start3A_354] : memref<4x64xi32, #tpu.memory_space<vmem>> -> memref<1x64xi32, #tpu.memory_space<vmem>>
        %dma_start3A_356 = tpu.memref_squeeze %dma_start3A_355 : memref<1x64xi32, #tpu.memory_space<vmem>> -> memref<64xi32, #tpu.memory_space<vmem>>
        %dma_start3A_357 = arith.constant 0 : i32
        %dma_start3A_358 = arith.constant 0 : i32
        %dma_start3A_359 = tpu.memref_slice %arg24[%dma_start3A_357, %dma_start3A_358] : memref<10240x128xf32, #tpu.memory_space<vmem_shared>> -> memref<10240x128xf32, #tpu.memory_space<vmem_shared>>
        tpu.enqueue_indirect_dma source(%dma_start3A_353 : memref<64x128xf32, #tpu.memory_space<vmem>>) target(%dma_start3A_359 : memref<10240x128xf32, #tpu.memory_space<vmem_shared>>) offsets(%dma_start3A_356 : memref<64xi32, #tpu.memory_space<vmem>>) semaphore(%arg18 : memref<!tpu.dma_semaphore, #tpu.memory_space<semaphore_mem>>) {add = true}
        %mul3A_360 = arith.constant 4 : i32
        %mul3A_361 = arith.muli %mul3A_360, %add3A_154 : i32
        %add3A_362 = arith.constant 3 : i32
        %add3A_363 = arith.addi %mul3A_361, %add3A_362 : i32
        %add3A_364 = arith.constant 2 : i32
        %add3A_365 = arith.addi %add3A_363, %add3A_364 : i32
        %ge3A_366 = arith.constant 4 : i32
        %ge3A_367 = arith.cmpi sge, %add3A_365, %ge3A_366 : i32
        %convert_element_type3A_368 = arith.extui %ge3A_367 : i1 to i32
        %cond3A_369 = arith.constant 0 : i32
        %cond3A_370 = arith.cmpi ne, %convert_element_type3A_368, %cond3A_369 : i32
        scf.if %cond3A_370 {
          %dma_wait3A_429 = arith.constant 1 : i32
          %dma_wait3A_430 = arith.constant 1 : i32
          %dma_wait3A_431 = arith.constant 0 : i32
          %dma_wait3A_432 = arith.constant 0 : i32
          %dma_wait3A_433 = tpu.memref_slice %arg11[%dma_wait3A_429, %dma_wait3A_431, %dma_wait3A_432] : memref<4x64x128xf32, #tpu.memory_space<vmem>> -> memref<1x64x128xf32, #tpu.memory_space<vmem>>
          %dma_wait3A_434 = tpu.memref_squeeze %dma_wait3A_433 : memref<1x64x128xf32, #tpu.memory_space<vmem>> -> memref<64x128xf32, #tpu.memory_space<vmem>>
          %dma_wait3A_435 = arith.constant 0 : i32
          %dma_wait3A_436 = tpu.memref_slice %arg10[%dma_wait3A_430, %dma_wait3A_435] : memref<4x64xi32, #tpu.memory_space<vmem>> -> memref<1x64xi32, #tpu.memory_space<vmem>>
          %dma_wait3A_437 = tpu.memref_squeeze %dma_wait3A_436 : memref<1x64xi32, #tpu.memory_space<vmem>> -> memref<64xi32, #tpu.memory_space<vmem>>
          %dma_wait3A_438 = arith.constant 0 : i32
          %dma_wait3A_439 = arith.constant 0 : i32
          %dma_wait3A_440 = tpu.memref_slice %arg24[%dma_wait3A_438, %dma_wait3A_439] : memref<10240x128xf32, #tpu.memory_space<vmem_shared>> -> memref<10240x128xf32, #tpu.memory_space<vmem_shared>>
          tpu.wait_indirect_dma semaphore(%arg17 : memref<!tpu.dma_semaphore, #tpu.memory_space<semaphore_mem>>) src(%dma_wait3A_434 : memref<64x128xf32, #tpu.memory_space<vmem>>) dst(%dma_wait3A_440 : memref<10240x128xf32, #tpu.memory_space<vmem_shared>>)
        } else {
        }
        %lt3A_371 = arith.constant 160 : i32
        %lt3A_372 = arith.cmpi slt, %add3A_365, %lt3A_371 : i32
        %convert_element_type3A_373 = arith.extui %lt3A_372 : i1 to i32
        %cond3A_374 = arith.constant 0 : i32
        %cond3A_375 = arith.cmpi ne, %convert_element_type3A_373, %cond3A_374 : i32
        scf.if %cond3A_375 {
          %dma_wait3A_429 = arith.constant 0 : i32
          %dma_wait3A_430 = arith.constant 1 : i32
          %dma_wait3A_431 = arith.constant 0 : i32
          %dma_wait3A_432 = tpu.memref_slice %arg9[%dma_wait3A_430, %dma_wait3A_431] : memref<4x64xi32, #tpu.memory_space<vmem>> -> memref<1x64xi32, #tpu.memory_space<vmem>>
          %dma_wait3A_433 = tpu.memref_squeeze %dma_wait3A_432 : memref<1x64xi32, #tpu.memory_space<vmem>> -> memref<64xi32, #tpu.memory_space<vmem>>
          %dma_wait3A_434 = arith.constant 0 : i32
          %dma_wait3A_435 = arith.constant 0 : i32
          %dma_wait3A_436 = tpu.memref_slice %arg4[%arg1, %dma_wait3A_434, %dma_wait3A_435] : memref<16x160x64xi32, #tpu.memory_space<hbm>> -> memref<1x160x64xi32, #tpu.memory_space<hbm>>
          %dma_wait3A_437 = tpu.memref_squeeze %dma_wait3A_436 : memref<1x160x64xi32, #tpu.memory_space<hbm>> -> memref<160x64xi32, #tpu.memory_space<hbm>>
          %dma_wait3A_438 = arith.constant 0 : i32
          %dma_wait3A_439 = tpu.memref_slice %dma_wait3A_437[%dma_wait3A_429, %dma_wait3A_438] : memref<160x64xi32, #tpu.memory_space<hbm>> -> memref<1x64xi32, #tpu.memory_space<hbm>>
          %dma_wait3A_440 = tpu.memref_squeeze %dma_wait3A_439 : memref<1x64xi32, #tpu.memory_space<hbm>> -> memref<64xi32, #tpu.memory_space<hbm>>
          %dma_wait3A_441 = arith.constant 0 : i32
          %dma_wait3A_442 = tpu.memref_slice %arg9[%dma_wait3A_430, %dma_wait3A_441] : memref<4x64xi32, #tpu.memory_space<vmem>> -> memref<1x64xi32, #tpu.memory_space<vmem>>
          %dma_wait3A_443 = tpu.memref_squeeze %dma_wait3A_442 : memref<1x64xi32, #tpu.memory_space<vmem>> -> memref<64xi32, #tpu.memory_space<vmem>>
          %dma_wait3A_444 = arith.constant 0 : i32
          %dma_wait3A_445 = arith.constant 0 : i32
          %dma_wait3A_446 = tpu.memref_slice %arg4[%arg1, %dma_wait3A_444, %dma_wait3A_445] : memref<16x160x64xi32, #tpu.memory_space<hbm>> -> memref<1x160x64xi32, #tpu.memory_space<hbm>>
          %dma_wait3A_447 = tpu.memref_squeeze %dma_wait3A_446 : memref<1x160x64xi32, #tpu.memory_space<hbm>> -> memref<160x64xi32, #tpu.memory_space<hbm>>
          %dma_wait3A_448 = arith.constant 0 : i32
          %dma_wait3A_449 = tpu.memref_slice %dma_wait3A_447[%dma_wait3A_429, %dma_wait3A_448] : memref<160x64xi32, #tpu.memory_space<hbm>> -> memref<1x64xi32, #tpu.memory_space<hbm>>
          %dma_wait3A_450 = tpu.memref_squeeze %dma_wait3A_449 : memref<1x64xi32, #tpu.memory_space<hbm>> -> memref<64xi32, #tpu.memory_space<hbm>>
          tpu.wait_dma2 semaphore(%arg21 : memref<!tpu.dma_semaphore, #tpu.memory_space<semaphore_mem>>) src(%dma_wait3A_450 : memref<64xi32, #tpu.memory_space<hbm>>) dst(%dma_wait3A_443 : memref<64xi32, #tpu.memory_space<vmem>>)
          %dma_start3A_451 = arith.constant 1 : i32
          %dma_start3A_452 = arith.constant 0 : i32
          %dma_start3A_453 = tpu.memref_slice %arg10[%dma_start3A_451, %dma_start3A_452] : memref<4x64xi32, #tpu.memory_space<vmem>> -> memref<1x64xi32, #tpu.memory_space<vmem>>
          %dma_start3A_454 = tpu.memref_squeeze %dma_start3A_453 : memref<1x64xi32, #tpu.memory_space<vmem>> -> memref<64xi32, #tpu.memory_space<vmem>>
          %dma_start3A_455 = arith.constant 0 : i32
          %dma_start3A_456 = arith.constant 0 : i32
          %dma_start3A_457 = tpu.memref_slice %arg5[%arg1, %dma_start3A_455, %dma_start3A_456] : memref<16x160x64xi32, #tpu.memory_space<hbm>> -> memref<1x160x64xi32, #tpu.memory_space<hbm>>
          %dma_start3A_458 = tpu.memref_squeeze %dma_start3A_457 : memref<1x160x64xi32, #tpu.memory_space<hbm>> -> memref<160x64xi32, #tpu.memory_space<hbm>>
          %dma_start3A_459 = arith.constant 0 : i32
          %dma_start3A_460 = tpu.memref_slice %dma_start3A_458[%add3A_365, %dma_start3A_459] : memref<160x64xi32, #tpu.memory_space<hbm>> -> memref<1x64xi32, #tpu.memory_space<hbm>>
          %dma_start3A_461 = tpu.memref_squeeze %dma_start3A_460 : memref<1x64xi32, #tpu.memory_space<hbm>> -> memref<64xi32, #tpu.memory_space<hbm>>
          %dma_start3A_462 = arith.constant 0 : i32
          %dma_start3A_463 = tpu.memref_slice %arg10[%dma_start3A_451, %dma_start3A_462] : memref<4x64xi32, #tpu.memory_space<vmem>> -> memref<1x64xi32, #tpu.memory_space<vmem>>
          %dma_start3A_464 = tpu.memref_squeeze %dma_start3A_463 : memref<1x64xi32, #tpu.memory_space<vmem>> -> memref<64xi32, #tpu.memory_space<vmem>>
          %dma_start3A_465 = arith.constant 0 : i32
          %dma_start3A_466 = arith.constant 0 : i32
          %dma_start3A_467 = tpu.memref_slice %arg5[%arg1, %dma_start3A_465, %dma_start3A_466] : memref<16x160x64xi32, #tpu.memory_space<hbm>> -> memref<1x160x64xi32, #tpu.memory_space<hbm>>
          %dma_start3A_468 = tpu.memref_squeeze %dma_start3A_467 : memref<1x160x64xi32, #tpu.memory_space<hbm>> -> memref<160x64xi32, #tpu.memory_space<hbm>>
          %dma_start3A_469 = arith.constant 0 : i32
          %dma_start3A_470 = tpu.memref_slice %dma_start3A_468[%add3A_365, %dma_start3A_469] : memref<160x64xi32, #tpu.memory_space<hbm>> -> memref<1x64xi32, #tpu.memory_space<hbm>>
          %dma_start3A_471 = tpu.memref_squeeze %dma_start3A_470 : memref<1x64xi32, #tpu.memory_space<hbm>> -> memref<64xi32, #tpu.memory_space<hbm>>
          tpu.enqueue_dma source(%dma_start3A_471 : memref<64xi32, #tpu.memory_space<hbm>>) target(%dma_start3A_464 : memref<64xi32, #tpu.memory_space<vmem>>) target_semaphore(%arg13 : memref<!tpu.dma_semaphore, #tpu.memory_space<semaphore_mem>>)
          %dma_start3A_472 = arith.constant 1 : i32
          %dma_start3A_473 = arith.constant 1 : i32
          %dma_start3A_474 = arith.constant 0 : i32
          %dma_start3A_475 = arith.constant 0 : i32
          %dma_start3A_476 = tpu.memref_slice %arg11[%dma_start3A_473, %dma_start3A_474, %dma_start3A_475] : memref<4x64x128xf32, #tpu.memory_space<vmem>> -> memref<1x64x128xf32, #tpu.memory_space<vmem>>
          %dma_start3A_477 = tpu.memref_squeeze %dma_start3A_476 : memref<1x64x128xf32, #tpu.memory_space<vmem>> -> memref<64x128xf32, #tpu.memory_space<vmem>>
          %dma_start3A_478 = arith.constant 0 : i32
          %dma_start3A_479 = tpu.memref_slice %arg9[%dma_start3A_472, %dma_start3A_478] : memref<4x64xi32, #tpu.memory_space<vmem>> -> memref<1x64xi32, #tpu.memory_space<vmem>>
          %dma_start3A_480 = tpu.memref_squeeze %dma_start3A_479 : memref<1x64xi32, #tpu.memory_space<vmem>> -> memref<64xi32, #tpu.memory_space<vmem>>
          %dma_start3A_481 = arith.constant 0 : i32
          %dma_start3A_482 = arith.constant 0 : i32
          %dma_start3A_483 = tpu.memref_slice %arg3[%dma_start3A_481, %dma_start3A_482] : memref<10240x128xf32, #tpu.memory_space<hbm>> -> memref<10240x128xf32, #tpu.memory_space<hbm>>
          tpu.enqueue_indirect_dma source(%dma_start3A_483 : memref<10240x128xf32, #tpu.memory_space<hbm>>) target(%dma_start3A_477 : memref<64x128xf32, #tpu.memory_space<vmem>>) offsets(%dma_start3A_480 : memref<64xi32, #tpu.memory_space<vmem>>) semaphore(%arg13 : memref<!tpu.dma_semaphore, #tpu.memory_space<semaphore_mem>>)
        } else {
        }
        %dma_wait3A_376 = arith.constant 0 : i32
        %dma_wait3A_377 = arith.constant 3 : i32
        %dma_wait3A_378 = arith.constant 0 : i32
        %dma_wait3A_379 = tpu.memref_slice %arg10[%dma_wait3A_377, %dma_wait3A_378] : memref<4x64xi32, #tpu.memory_space<vmem>> -> memref<1x64xi32, #tpu.memory_space<vmem>>
        %dma_wait3A_380 = tpu.memref_squeeze %dma_wait3A_379 : memref<1x64xi32, #tpu.memory_space<vmem>> -> memref<64xi32, #tpu.memory_space<vmem>>
        %dma_wait3A_381 = arith.constant 0 : i32
        %dma_wait3A_382 = arith.constant 0 : i32
        %dma_wait3A_383 = tpu.memref_slice %arg5[%arg1, %dma_wait3A_381, %dma_wait3A_382] : memref<16x160x64xi32, #tpu.memory_space<hbm>> -> memref<1x160x64xi32, #tpu.memory_space<hbm>>
        %dma_wait3A_384 = tpu.memref_squeeze %dma_wait3A_383 : memref<1x160x64xi32, #tpu.memory_space<hbm>> -> memref<160x64xi32, #tpu.memory_space<hbm>>
        %dma_wait3A_385 = arith.constant 0 : i32
        %dma_wait3A_386 = tpu.memref_slice %dma_wait3A_384[%dma_wait3A_376, %dma_wait3A_385] : memref<160x64xi32, #tpu.memory_space<hbm>> -> memref<1x64xi32, #tpu.memory_space<hbm>>
        %dma_wait3A_387 = tpu.memref_squeeze %dma_wait3A_386 : memref<1x64xi32, #tpu.memory_space<hbm>> -> memref<64xi32, #tpu.memory_space<hbm>>
        %dma_wait3A_388 = arith.constant 0 : i32
        %dma_wait3A_389 = tpu.memref_slice %arg10[%dma_wait3A_377, %dma_wait3A_388] : memref<4x64xi32, #tpu.memory_space<vmem>> -> memref<1x64xi32, #tpu.memory_space<vmem>>
        %dma_wait3A_390 = tpu.memref_squeeze %dma_wait3A_389 : memref<1x64xi32, #tpu.memory_space<vmem>> -> memref<64xi32, #tpu.memory_space<vmem>>
        %dma_wait3A_391 = arith.constant 0 : i32
        %dma_wait3A_392 = arith.constant 0 : i32
        %dma_wait3A_393 = tpu.memref_slice %arg5[%arg1, %dma_wait3A_391, %dma_wait3A_392] : memref<16x160x64xi32, #tpu.memory_space<hbm>> -> memref<1x160x64xi32, #tpu.memory_space<hbm>>
        %dma_wait3A_394 = tpu.memref_squeeze %dma_wait3A_393 : memref<1x160x64xi32, #tpu.memory_space<hbm>> -> memref<160x64xi32, #tpu.memory_space<hbm>>
        %dma_wait3A_395 = arith.constant 0 : i32
        %dma_wait3A_396 = tpu.memref_slice %dma_wait3A_394[%dma_wait3A_376, %dma_wait3A_395] : memref<160x64xi32, #tpu.memory_space<hbm>> -> memref<1x64xi32, #tpu.memory_space<hbm>>
        %dma_wait3A_397 = tpu.memref_squeeze %dma_wait3A_396 : memref<1x64xi32, #tpu.memory_space<hbm>> -> memref<64xi32, #tpu.memory_space<hbm>>
        tpu.wait_dma2 semaphore(%arg15 : memref<!tpu.dma_semaphore, #tpu.memory_space<semaphore_mem>>) src(%dma_wait3A_397 : memref<64xi32, #tpu.memory_space<hbm>>) dst(%dma_wait3A_390 : memref<64xi32, #tpu.memory_space<vmem>>)
        %dma_wait3A_398 = arith.constant 0 : i32
        %dma_wait3A_399 = arith.constant 3 : i32
        %dma_wait3A_400 = arith.constant 0 : i32
        %dma_wait3A_401 = arith.constant 0 : i32
        %dma_wait3A_402 = tpu.memref_slice %arg11[%dma_wait3A_399, %dma_wait3A_400, %dma_wait3A_401] : memref<4x64x128xf32, #tpu.memory_space<vmem>> -> memref<1x64x128xf32, #tpu.memory_space<vmem>>
        %dma_wait3A_403 = tpu.memref_squeeze %dma_wait3A_402 : memref<1x64x128xf32, #tpu.memory_space<vmem>> -> memref<64x128xf32, #tpu.memory_space<vmem>>
        %dma_wait3A_404 = arith.constant 0 : i32
        %dma_wait3A_405 = tpu.memref_slice %arg9[%dma_wait3A_398, %dma_wait3A_404] : memref<4x64xi32, #tpu.memory_space<vmem>> -> memref<1x64xi32, #tpu.memory_space<vmem>>
        %dma_wait3A_406 = tpu.memref_squeeze %dma_wait3A_405 : memref<1x64xi32, #tpu.memory_space<vmem>> -> memref<64xi32, #tpu.memory_space<vmem>>
        %dma_wait3A_407 = arith.constant 0 : i32
        %dma_wait3A_408 = arith.constant 0 : i32
        %dma_wait3A_409 = tpu.memref_slice %arg3[%dma_wait3A_407, %dma_wait3A_408] : memref<10240x128xf32, #tpu.memory_space<hbm>> -> memref<10240x128xf32, #tpu.memory_space<hbm>>
        tpu.wait_indirect_dma semaphore(%arg15 : memref<!tpu.dma_semaphore, #tpu.memory_space<semaphore_mem>>) src(%dma_wait3A_409 : memref<10240x128xf32, #tpu.memory_space<hbm>>) dst(%dma_wait3A_403 : memref<64x128xf32, #tpu.memory_space<vmem>>)
        %add3A_410 = arith.constant 4 : i32
        %add3A_411 = arith.addi %add3A_363, %add3A_410 : i32
        %lt3A_412 = arith.constant 160 : i32
        %lt3A_413 = arith.cmpi slt, %add3A_411, %lt3A_412 : i32
        %convert_element_type3A_414 = arith.extui %lt3A_413 : i1 to i32
        %cond3A_415 = arith.constant 0 : i32
        %cond3A_416 = arith.cmpi ne, %convert_element_type3A_414, %cond3A_415 : i32
        scf.if %cond3A_416 {
          %add3A_429 = arith.constant 4 : i32
          %add3A_430 = arith.addi %add3A_363, %add3A_429 : i32
          %dma_start3A_431 = arith.constant 3 : i32
          %dma_start3A_432 = arith.constant 0 : i32
          %dma_start3A_433 = tpu.memref_slice %arg9[%dma_start3A_431, %dma_start3A_432] : memref<4x64xi32, #tpu.memory_space<vmem>> -> memref<1x64xi32, #tpu.memory_space<vmem>>
          %dma_start3A_434 = tpu.memref_squeeze %dma_start3A_433 : memref<1x64xi32, #tpu.memory_space<vmem>> -> memref<64xi32, #tpu.memory_space<vmem>>
          %dma_start3A_435 = arith.constant 0 : i32
          %dma_start3A_436 = arith.constant 0 : i32
          %dma_start3A_437 = tpu.memref_slice %arg4[%arg1, %dma_start3A_435, %dma_start3A_436] : memref<16x160x64xi32, #tpu.memory_space<hbm>> -> memref<1x160x64xi32, #tpu.memory_space<hbm>>
          %dma_start3A_438 = tpu.memref_squeeze %dma_start3A_437 : memref<1x160x64xi32, #tpu.memory_space<hbm>> -> memref<160x64xi32, #tpu.memory_space<hbm>>
          %dma_start3A_439 = arith.constant 0 : i32
          %dma_start3A_440 = tpu.memref_slice %dma_start3A_438[%add3A_430, %dma_start3A_439] : memref<160x64xi32, #tpu.memory_space<hbm>> -> memref<1x64xi32, #tpu.memory_space<hbm>>
          %dma_start3A_441 = tpu.memref_squeeze %dma_start3A_440 : memref<1x64xi32, #tpu.memory_space<hbm>> -> memref<64xi32, #tpu.memory_space<hbm>>
          %dma_start3A_442 = arith.constant 0 : i32
          %dma_start3A_443 = tpu.memref_slice %arg9[%dma_start3A_431, %dma_start3A_442] : memref<4x64xi32, #tpu.memory_space<vmem>> -> memref<1x64xi32, #tpu.memory_space<vmem>>
          %dma_start3A_444 = tpu.memref_squeeze %dma_start3A_443 : memref<1x64xi32, #tpu.memory_space<vmem>> -> memref<64xi32, #tpu.memory_space<vmem>>
          %dma_start3A_445 = arith.constant 0 : i32
          %dma_start3A_446 = arith.constant 0 : i32
          %dma_start3A_447 = tpu.memref_slice %arg4[%arg1, %dma_start3A_445, %dma_start3A_446] : memref<16x160x64xi32, #tpu.memory_space<hbm>> -> memref<1x160x64xi32, #tpu.memory_space<hbm>>
          %dma_start3A_448 = tpu.memref_squeeze %dma_start3A_447 : memref<1x160x64xi32, #tpu.memory_space<hbm>> -> memref<160x64xi32, #tpu.memory_space<hbm>>
          %dma_start3A_449 = arith.constant 0 : i32
          %dma_start3A_450 = tpu.memref_slice %dma_start3A_448[%add3A_430, %dma_start3A_449] : memref<160x64xi32, #tpu.memory_space<hbm>> -> memref<1x64xi32, #tpu.memory_space<hbm>>
          %dma_start3A_451 = tpu.memref_squeeze %dma_start3A_450 : memref<1x64xi32, #tpu.memory_space<hbm>> -> memref<64xi32, #tpu.memory_space<hbm>>
          tpu.enqueue_dma source(%dma_start3A_451 : memref<64xi32, #tpu.memory_space<hbm>>) target(%dma_start3A_444 : memref<64xi32, #tpu.memory_space<vmem>>) target_semaphore(%arg23 : memref<!tpu.dma_semaphore, #tpu.memory_space<semaphore_mem>>)
        } else {
        }
        %dma_start3A_417 = arith.constant 3 : i32
        %dma_start3A_418 = arith.constant 3 : i32
        %dma_start3A_419 = arith.constant 0 : i32
        %dma_start3A_420 = arith.constant 0 : i32
        %dma_start3A_421 = tpu.memref_slice %arg11[%dma_start3A_417, %dma_start3A_419, %dma_start3A_420] : memref<4x64x128xf32, #tpu.memory_space<vmem>> -> memref<1x64x128xf32, #tpu.memory_space<vmem>>
        %dma_start3A_422 = tpu.memref_squeeze %dma_start3A_421 : memref<1x64x128xf32, #tpu.memory_space<vmem>> -> memref<64x128xf32, #tpu.memory_space<vmem>>
        %dma_start3A_423 = arith.constant 0 : i32
        %dma_start3A_424 = tpu.memref_slice %arg10[%dma_start3A_418, %dma_start3A_423] : memref<4x64xi32, #tpu.memory_space<vmem>> -> memref<1x64xi32, #tpu.memory_space<vmem>>
        %dma_start3A_425 = tpu.memref_squeeze %dma_start3A_424 : memref<1x64xi32, #tpu.memory_space<vmem>> -> memref<64xi32, #tpu.memory_space<vmem>>
        %dma_start3A_426 = arith.constant 0 : i32
        %dma_start3A_427 = arith.constant 0 : i32
        %dma_start3A_428 = tpu.memref_slice %arg24[%dma_start3A_426, %dma_start3A_427] : memref<10240x128xf32, #tpu.memory_space<vmem_shared>> -> memref<10240x128xf32, #tpu.memory_space<vmem_shared>>
        tpu.enqueue_indirect_dma source(%dma_start3A_422 : memref<64x128xf32, #tpu.memory_space<vmem>>) target(%dma_start3A_428 : memref<10240x128xf32, #tpu.memory_space<vmem_shared>>) offsets(%dma_start3A_425 : memref<64xi32, #tpu.memory_space<vmem>>) semaphore(%arg19 : memref<!tpu.dma_semaphore, #tpu.memory_space<semaphore_mem>>) {add = true}
      }
      %scan3A_125 = arith.constant 40 : i32
      %dma_wait3A = arith.constant 2 : i32
      %dma_wait3A_126 = arith.constant 2 : i32
      %dma_wait3A_127 = arith.constant 0 : i32
      %dma_wait3A_128 = arith.constant 0 : i32
      %dma_wait3A_129 = tpu.memref_slice %arg11[%dma_wait3A, %dma_wait3A_127, %dma_wait3A_128] : memref<4x64x128xf32, #tpu.memory_space<vmem>> -> memref<1x64x128xf32, #tpu.memory_space<vmem>>
      %dma_wait3A_130 = tpu.memref_squeeze %dma_wait3A_129 : memref<1x64x128xf32, #tpu.memory_space<vmem>> -> memref<64x128xf32, #tpu.memory_space<vmem>>
      %dma_wait3A_131 = arith.constant 0 : i32
      %dma_wait3A_132 = tpu.memref_slice %arg10[%dma_wait3A_126, %dma_wait3A_131] : memref<4x64xi32, #tpu.memory_space<vmem>> -> memref<1x64xi32, #tpu.memory_space<vmem>>
      %dma_wait3A_133 = tpu.memref_squeeze %dma_wait3A_132 : memref<1x64xi32, #tpu.memory_space<vmem>> -> memref<64xi32, #tpu.memory_space<vmem>>
      %dma_wait3A_134 = arith.constant 0 : i32
      %dma_wait3A_135 = arith.constant 0 : i32
      %dma_wait3A_136 = tpu.memref_slice %arg24[%dma_wait3A_134, %dma_wait3A_135] : memref<10240x128xf32, #tpu.memory_space<vmem_shared>> -> memref<10240x128xf32, #tpu.memory_space<vmem_shared>>
      tpu.wait_indirect_dma semaphore(%arg18 : memref<!tpu.dma_semaphore, #tpu.memory_space<semaphore_mem>>) src(%dma_wait3A_130 : memref<64x128xf32, #tpu.memory_space<vmem>>) dst(%dma_wait3A_136 : memref<10240x128xf32, #tpu.memory_space<vmem_shared>>)
      %dma_wait3A_137 = arith.constant 3 : i32
      %dma_wait3A_138 = arith.constant 3 : i32
      %dma_wait3A_139 = arith.constant 0 : i32
      %dma_wait3A_140 = arith.constant 0 : i32
      %dma_wait3A_141 = tpu.memref_slice %arg11[%dma_wait3A_137, %dma_wait3A_139, %dma_wait3A_140] : memref<4x64x128xf32, #tpu.memory_space<vmem>> -> memref<1x64x128xf32, #tpu.memory_space<vmem>>
      %dma_wait3A_142 = tpu.memref_squeeze %dma_wait3A_141 : memref<1x64x128xf32, #tpu.memory_space<vmem>> -> memref<64x128xf32, #tpu.memory_space<vmem>>
      %dma_wait3A_143 = arith.constant 0 : i32
      %dma_wait3A_144 = tpu.memref_slice %arg10[%dma_wait3A_138, %dma_wait3A_143] : memref<4x64xi32, #tpu.memory_space<vmem>> -> memref<1x64xi32, #tpu.memory_space<vmem>>
      %dma_wait3A_145 = tpu.memref_squeeze %dma_wait3A_144 : memref<1x64xi32, #tpu.memory_space<vmem>> -> memref<64xi32, #tpu.memory_space<vmem>>
      %dma_wait3A_146 = arith.constant 0 : i32
      %dma_wait3A_147 = arith.constant 0 : i32
      %dma_wait3A_148 = tpu.memref_slice %arg24[%dma_wait3A_146, %dma_wait3A_147] : memref<10240x128xf32, #tpu.memory_space<vmem_shared>> -> memref<10240x128xf32, #tpu.memory_space<vmem_shared>>
      tpu.wait_indirect_dma semaphore(%arg19 : memref<!tpu.dma_semaphore, #tpu.memory_space<semaphore_mem>>) src(%dma_wait3A_142 : memref<64x128xf32, #tpu.memory_space<vmem>>) dst(%dma_wait3A_148 : memref<10240x128xf32, #tpu.memory_space<vmem_shared>>)
      %barrier3A_149 = arith.constant 0 : index
      tpu.barrier barrier_id(%barrier3A_149)
      "tpu.region"() ({
        %run_scoped3A_151 = tpu.sem_alloc : memref<!tpu.dma_semaphore, #tpu.memory_space<semaphore_mem>>
        %dma_start3A_152 = arith.constant 0 : i32
        %dma_start3A_153 = tpu.memref_slice %arg8[%mul3A_0, %dma_start3A_152] : memref<10240x128xf32, #tpu.memory_space<hbm>> -> memref<640x128xf32, #tpu.memory_space<hbm>>
        %dma_start3A_154 = arith.constant 0 : i32
        %dma_start3A_155 = tpu.memref_slice %arg24[%mul3A_0, %dma_start3A_154] : memref<10240x128xf32, #tpu.memory_space<vmem_shared>> -> memref<640x128xf32, #tpu.memory_space<vmem_shared>>
        tpu.enqueue_dma source(%dma_start3A_155 : memref<640x128xf32, #tpu.memory_space<vmem_shared>>) target(%dma_start3A_153 : memref<640x128xf32, #tpu.memory_space<hbm>>) target_semaphore(%run_scoped3A_151 : memref<!tpu.dma_semaphore, #tpu.memory_space<semaphore_mem>>)
        %dma_wait3A_156 = arith.constant 0 : i32
        %dma_wait3A_157 = tpu.memref_slice %arg8[%mul3A_0, %dma_wait3A_156] : memref<10240x128xf32, #tpu.memory_space<hbm>> -> memref<640x128xf32, #tpu.memory_space<hbm>>
        %dma_wait3A_158 = arith.constant 0 : i32
        %dma_wait3A_159 = tpu.memref_slice %arg24[%mul3A_0, %dma_wait3A_158] : memref<10240x128xf32, #tpu.memory_space<vmem_shared>> -> memref<640x128xf32, #tpu.memory_space<vmem_shared>>
        tpu.wait_dma2 semaphore(%run_scoped3A_151 : memref<!tpu.dma_semaphore, #tpu.memory_space<semaphore_mem>>) src(%dma_wait3A_159 : memref<640x128xf32, #tpu.memory_space<vmem_shared>>) dst(%dma_wait3A_157 : memref<640x128xf32, #tpu.memory_space<hbm>>)
        tpu.yield
      }) : () -> ()
      %barrier3A_150 = arith.constant 0 : index
      tpu.barrier barrier_id(%barrier3A_150)
    } else {
    }
    return
  }
}

#map = affine_map<(d0, d1) -> (0, 0)>
#map1 = affine_map<(d0, d1) -> (0, 0, 0)>
module attributes {stable_mosaic.version = 14 : i64} {
  func.func @body(%arg0: i32, %arg1: i32, %arg2: memref<10240x128xf32, #tpu.memory_space<hbm>>, %arg3: memref<10240x128xf32, #tpu.memory_space<hbm>>, %arg4: memref<16x160x64xi32, #tpu.memory_space<hbm>>, %arg5: memref<16x160x64xi32, #tpu.memory_space<hbm>>, %arg6: memref<10240x128xf32, #tpu.memory_space<hbm>>, %arg7: memref<10240x128xf32, #tpu.memory_space<hbm>>, %arg8: memref<10240x128xf32, #tpu.memory_space<hbm>>, %arg9: memref<4x64xi32, #tpu.memory_space<vmem>>, %arg10: memref<4x64xi32, #tpu.memory_space<vmem>>, %arg11: memref<4x64x128xf32, #tpu.memory_space<vmem>>, %arg12: memref<!tpu.dma_semaphore, #tpu.memory_space<semaphore_mem>>, %arg13: memref<!tpu.dma_semaphore, #tpu.memory_space<semaphore_mem>>, %arg14: memref<!tpu.dma_semaphore, #tpu.memory_space<semaphore_mem>>, %arg15: memref<!tpu.dma_semaphore, #tpu.memory_space<semaphore_mem>>, %arg16: memref<!tpu.dma_semaphore, #tpu.memory_space<semaphore_mem>>, %arg17: memref<!tpu.dma_semaphore, #tpu.memory_space<semaphore_mem>>, %arg18: memref<!tpu.dma_semaphore, #tpu.memory_space<semaphore_mem>>, %arg19: memref<!tpu.dma_semaphore, #tpu.memory_space<semaphore_mem>>, %arg20: memref<!tpu.dma_semaphore, #tpu.memory_space<semaphore_mem>>, %arg21: memref<!tpu.dma_semaphore, #tpu.memory_space<semaphore_mem>>, %arg22: memref<!tpu.dma_semaphore, #tpu.memory_space<semaphore_mem>>, %arg23: memref<!tpu.dma_semaphore, #tpu.memory_space<semaphore_mem>>, %arg24: memref<10240x128xf32, #tpu.memory_space<vmem_shared>>) attributes {dimension_semantics = [#tpu.dimension_semantics<core_parallel>, #tpu.dimension_semantics<subcore_parallel>], iteration_bounds = array<i64: 2, 16>, scalar_prefetch = 0 : i64, scratch_operands = 16 : i64, tpu.core_type = #tpu.core_type<sc_vector_subcore>, window_params = [{transform_indices = #map}, {transform_indices = #map}, {transform_indices = #map1}, {transform_indices = #map1}, {transform_indices = #map}, {transform_indices = #map}, {transform_indices = #map}]} {
    %mul3A = arith.constant 640 : i32
    %mul3A_0 = arith.muli %arg1, %mul3A : i32
    %eq3A = arith.constant 0 : i32
    %eq3A_1 = arith.cmpi eq, %arg0, %eq3A : i32
    %convert_element_type3A = arith.extui %eq3A_1 : i1 to i32
    %cond3A = arith.constant 0 : i32
    %cond3A_2 = arith.cmpi ne, %convert_element_type3A, %cond3A : i32
    scf.if %cond3A_2 {
      "tpu.region"() ({
        %run_scoped3A_151 = tpu.sem_alloc : memref<!tpu.dma_semaphore, #tpu.memory_space<semaphore_mem>>
        %dma_start3A_152 = arith.constant 0 : i32
        %dma_start3A_153 = tpu.memref_slice %arg24[%mul3A_0, %dma_start3A_152] : memref<10240x128xf32, #tpu.memory_space<vmem_shared>> -> memref<640x128xf32, #tpu.memory_space<vmem_shared>>
        %dma_start3A_154 = arith.constant 0 : i32
        %dma_start3A_155 = tpu.memref_slice %arg6[%mul3A_0, %dma_start3A_154] : memref<10240x128xf32, #tpu.memory_space<hbm>> -> memref<640x128xf32, #tpu.memory_space<hbm>>
        tpu.enqueue_dma source(%dma_start3A_155 : memref<640x128xf32, #tpu.memory_space<hbm>>) target(%dma_start3A_153 : memref<640x128xf32, #tpu.memory_space<vmem_shared>>) target_semaphore(%run_scoped3A_151 : memref<!tpu.dma_semaphore, #tpu.memory_space<semaphore_mem>>)
        %dma_wait3A_156 = arith.constant 0 : i32
        %dma_wait3A_157 = tpu.memref_slice %arg24[%mul3A_0, %dma_wait3A_156] : memref<10240x128xf32, #tpu.memory_space<vmem_shared>> -> memref<640x128xf32, #tpu.memory_space<vmem_shared>>
        %dma_wait3A_158 = arith.constant 0 : i32
        %dma_wait3A_159 = tpu.memref_slice %arg6[%mul3A_0, %dma_wait3A_158] : memref<10240x128xf32, #tpu.memory_space<hbm>> -> memref<640x128xf32, #tpu.memory_space<hbm>>
        tpu.wait_dma2 semaphore(%run_scoped3A_151 : memref<!tpu.dma_semaphore, #tpu.memory_space<semaphore_mem>>) src(%dma_wait3A_159 : memref<640x128xf32, #tpu.memory_space<hbm>>) dst(%dma_wait3A_157 : memref<640x128xf32, #tpu.memory_space<vmem_shared>>)
        tpu.yield
      }) : () -> ()
      %barrier3A = arith.constant 0 : index
      tpu.barrier barrier_id(%barrier3A)
      %run_scoped3A = arith.constant 0 : i32
      %run_scoped3A_8 = arith.constant 0 : i32
      "tpu.region"() ({
        %run_scoped3A_151 = tpu.sem_alloc : memref<!tpu.dma_semaphore, #tpu.memory_space<semaphore_mem>>
        %dma_start3A_152 = arith.constant 0 : i32
        %dma_start3A_153 = tpu.memref_slice %arg9[%run_scoped3A_8, %dma_start3A_152] : memref<4x64xi32, #tpu.memory_space<vmem>> -> memref<1x64xi32, #tpu.memory_space<vmem>>
        %dma_start3A_154 = tpu.memref_squeeze %dma_start3A_153 : memref<1x64xi32, #tpu.memory_space<vmem>> -> memref<64xi32, #tpu.memory_space<vmem>>
        %dma_start3A_155 = arith.constant 0 : i32
        %dma_start3A_156 = arith.constant 0 : i32
        %dma_start3A_157 = tpu.memref_slice %arg4[%arg1, %dma_start3A_155, %dma_start3A_156] : memref<16x160x64xi32, #tpu.memory_space<hbm>> -> memref<1x160x64xi32, #tpu.memory_space<hbm>>
        %dma_start3A_158 = tpu.memref_squeeze %dma_start3A_157 : memref<1x160x64xi32, #tpu.memory_space<hbm>> -> memref<160x64xi32, #tpu.memory_space<hbm>>
        %dma_start3A_159 = arith.constant 0 : i32
        %dma_start3A_160 = tpu.memref_slice %dma_start3A_158[%run_scoped3A, %dma_start3A_159] : memref<160x64xi32, #tpu.memory_space<hbm>> -> memref<1x64xi32, #tpu.memory_space<hbm>>
        %dma_start3A_161 = tpu.memref_squeeze %dma_start3A_160 : memref<1x64xi32, #tpu.memory_space<hbm>> -> memref<64xi32, #tpu.memory_space<hbm>>
        %dma_start3A_162 = arith.constant 0 : i32
        %dma_start3A_163 = tpu.memref_slice %arg9[%run_scoped3A_8, %dma_start3A_162] : memref<4x64xi32, #tpu.memory_space<vmem>> -> memref<1x64xi32, #tpu.memory_space<vmem>>
        %dma_start3A_164 = tpu.memref_squeeze %dma_start3A_163 : memref<1x64xi32, #tpu.memory_space<vmem>> -> memref<64xi32, #tpu.memory_space<vmem>>
        %dma_start3A_165 = arith.constant 0 : i32
        %dma_start3A_166 = arith.constant 0 : i32
        %dma_start3A_167 = tpu.memref_slice %arg4[%arg1, %dma_start3A_165, %dma_start3A_166] : memref<16x160x64xi32, #tpu.memory_space<hbm>> -> memref<1x160x64xi32, #tpu.memory_space<hbm>>
        %dma_start3A_168 = tpu.memref_squeeze %dma_start3A_167 : memref<1x160x64xi32, #tpu.memory_space<hbm>> -> memref<160x64xi32, #tpu.memory_space<hbm>>
        %dma_start3A_169 = arith.constant 0 : i32
        %dma_start3A_170 = tpu.memref_slice %dma_start3A_168[%run_scoped3A, %dma_start3A_169] : memref<160x64xi32, #tpu.memory_space<hbm>> -> memref<1x64xi32, #tpu.memory_space<hbm>>
        %dma_start3A_171 = tpu.memref_squeeze %dma_start3A_170 : memref<1x64xi32, #tpu.memory_space<hbm>> -> memref<64xi32, #tpu.memory_space<hbm>>
        tpu.enqueue_dma source(%dma_start3A_171 : memref<64xi32, #tpu.memory_space<hbm>>) target(%dma_start3A_164 : memref<64xi32, #tpu.memory_space<vmem>>) target_semaphore(%run_scoped3A_151 : memref<!tpu.dma_semaphore, #tpu.memory_space<semaphore_mem>>)
        %dma_wait3A_172 = arith.constant 0 : i32
        %dma_wait3A_173 = tpu.memref_slice %arg9[%run_scoped3A_8, %dma_wait3A_172] : memref<4x64xi32, #tpu.memory_space<vmem>> -> memref<1x64xi32, #tpu.memory_space<vmem>>
        %dma_wait3A_174 = tpu.memref_squeeze %dma_wait3A_173 : memref<1x64xi32, #tpu.memory_space<vmem>> -> memref<64xi32, #tpu.memory_space<vmem>>
        %dma_wait3A_175 = arith.constant 0 : i32
        %dma_wait3A_176 = arith.constant 0 : i32
        %dma_wait3A_177 = tpu.memref_slice %arg4[%arg1, %dma_wait3A_175, %dma_wait3A_176] : memref<16x160x64xi32, #tpu.memory_space<hbm>> -> memref<1x160x64xi32, #tpu.memory_space<hbm>>
        %dma_wait3A_178 = tpu.memref_squeeze %dma_wait3A_177 : memref<1x160x64xi32, #tpu.memory_space<hbm>> -> memref<160x64xi32, #tpu.memory_space<hbm>>
        %dma_wait3A_179 = arith.constant 0 : i32
        %dma_wait3A_180 = tpu.memref_slice %dma_wait3A_178[%run_scoped3A, %dma_wait3A_179] : memref<160x64xi32, #tpu.memory_space<hbm>> -> memref<1x64xi32, #tpu.memory_space<hbm>>
        %dma_wait3A_181 = tpu.memref_squeeze %dma_wait3A_180 : memref<1x64xi32, #tpu.memory_space<hbm>> -> memref<64xi32, #tpu.memory_space<hbm>>
        %dma_wait3A_182 = arith.constant 0 : i32
        %dma_wait3A_183 = tpu.memref_slice %arg9[%run_scoped3A_8, %dma_wait3A_182] : memref<4x64xi32, #tpu.memory_space<vmem>> -> memref<1x64xi32, #tpu.memory_space<vmem>>
        %dma_wait3A_184 = tpu.memref_squeeze %dma_wait3A_183 : memref<1x64xi32, #tpu.memory_space<vmem>> -> memref<64xi32, #tpu.memory_space<vmem>>
        %dma_wait3A_185 = arith.constant 0 : i32
        %dma_wait3A_186 = arith.constant 0 : i32
        %dma_wait3A_187 = tpu.memref_slice %arg4[%arg1, %dma_wait3A_185, %dma_wait3A_186] : memref<16x160x64xi32, #tpu.memory_space<hbm>> -> memref<1x160x64xi32, #tpu.memory_space<hbm>>
        %dma_wait3A_188 = tpu.memref_squeeze %dma_wait3A_187 : memref<1x160x64xi32, #tpu.memory_space<hbm>> -> memref<160x64xi32, #tpu.memory_space<hbm>>
        %dma_wait3A_189 = arith.constant 0 : i32
        %dma_wait3A_190 = tpu.memref_slice %dma_wait3A_188[%run_scoped3A, %dma_wait3A_189] : memref<160x64xi32, #tpu.memory_space<hbm>> -> memref<1x64xi32, #tpu.memory_space<hbm>>
        %dma_wait3A_191 = tpu.memref_squeeze %dma_wait3A_190 : memref<1x64xi32, #tpu.memory_space<hbm>> -> memref<64xi32, #tpu.memory_space<hbm>>
        tpu.wait_dma2 semaphore(%run_scoped3A_151 : memref<!tpu.dma_semaphore, #tpu.memory_space<semaphore_mem>>) src(%dma_wait3A_191 : memref<64xi32, #tpu.memory_space<hbm>>) dst(%dma_wait3A_184 : memref<64xi32, #tpu.memory_space<vmem>>)
        tpu.yield
      }) : () -> ()
      %dma_start3A = arith.constant 0 : i32
      %dma_start3A_9 = arith.constant 0 : i32
      %dma_start3A_10 = arith.constant 0 : i32
      %dma_start3A_11 = tpu.memref_slice %arg10[%dma_start3A_9, %dma_start3A_10] : memref<4x64xi32, #tpu.memory_space<vmem>> -> memref<1x64xi32, #tpu.memory_space<vmem>>
      %dma_start3A_12 = tpu.memref_squeeze %dma_start3A_11 : memref<1x64xi32, #tpu.memory_space<vmem>> -> memref<64xi32, #tpu.memory_space<vmem>>
      %dma_start3A_13 = arith.constant 0 : i32
      %dma_start3A_14 = arith.constant 0 : i32
      %dma_start3A_15 = tpu.memref_slice %arg5[%arg1, %dma_start3A_13, %dma_start3A_14] : memref<16x160x64xi32, #tpu.memory_space<hbm>> -> memref<1x160x64xi32, #tpu.memory_space<hbm>>
      %dma_start3A_16 = tpu.memref_squeeze %dma_start3A_15 : memref<1x160x64xi32, #tpu.memory_space<hbm>> -> memref<160x64xi32, #tpu.memory_space<hbm>>
      %dma_start3A_17 = arith.constant 0 : i32
      %dma_start3A_18 = tpu.memref_slice %dma_start3A_16[%dma_start3A, %dma_start3A_17] : memref<160x64xi32, #tpu.memory_space<hbm>> -> memref<1x64xi32, #tpu.memory_space<hbm>>
      %dma_start3A_19 = tpu.memref_squeeze %dma_start3A_18 : memref<1x64xi32, #tpu.memory_space<hbm>> -> memref<64xi32, #tpu.memory_space<hbm>>
      %dma_start3A_20 = arith.constant 0 : i32
      %dma_start3A_21 = tpu.memref_slice %arg10[%dma_start3A_9, %dma_start3A_20] : memref<4x64xi32, #tpu.memory_space<vmem>> -> memref<1x64xi32, #tpu.memory_space<vmem>>
      %dma_start3A_22 = tpu.memref_squeeze %dma_start3A_21 : memref<1x64xi32, #tpu.memory_space<vmem>> -> memref<64xi32, #tpu.memory_space<vmem>>
      %dma_start3A_23 = arith.constant 0 : i32
      %dma_start3A_24 = arith.constant 0 : i32
      %dma_start3A_25 = tpu.memref_slice %arg5[%arg1, %dma_start3A_23, %dma_start3A_24] : memref<16x160x64xi32, #tpu.memory_space<hbm>> -> memref<1x160x64xi32, #tpu.memory_space<hbm>>
      %dma_start3A_26 = tpu.memref_squeeze %dma_start3A_25 : memref<1x160x64xi32, #tpu.memory_space<hbm>> -> memref<160x64xi32, #tpu.memory_space<hbm>>
      %dma_start3A_27 = arith.constant 0 : i32
      %dma_start3A_28 = tpu.memref_slice %dma_start3A_26[%dma_start3A, %dma_start3A_27] : memref<160x64xi32, #tpu.memory_space<hbm>> -> memref<1x64xi32, #tpu.memory_space<hbm>>
      %dma_start3A_29 = tpu.memref_squeeze %dma_start3A_28 : memref<1x64xi32, #tpu.memory_space<hbm>> -> memref<64xi32, #tpu.memory_space<hbm>>
      tpu.enqueue_dma source(%dma_start3A_29 : memref<64xi32, #tpu.memory_space<hbm>>) target(%dma_start3A_22 : memref<64xi32, #tpu.memory_space<vmem>>) target_semaphore(%arg12 : memref<!tpu.dma_semaphore, #tpu.memory_space<semaphore_mem>>)
      %dma_start3A_30 = arith.constant 0 : i32
      %dma_start3A_31 = arith.constant 0 : i32
      %dma_start3A_32 = arith.constant 0 : i32
      %dma_start3A_33 = arith.constant 0 : i32
      %dma_start3A_34 = tpu.memref_slice %arg11[%dma_start3A_31, %dma_start3A_32, %dma_start3A_33] : memref<4x64x128xf32, #tpu.memory_space<vmem>> -> memref<1x64x128xf32, #tpu.memory_space<vmem>>
      %dma_start3A_35 = tpu.memref_squeeze %dma_start3A_34 : memref<1x64x128xf32, #tpu.memory_space<vmem>> -> memref<64x128xf32, #tpu.memory_space<vmem>>
      %dma_start3A_36 = arith.constant 0 : i32
      %dma_start3A_37 = tpu.memref_slice %arg9[%dma_start3A_30, %dma_start3A_36] : memref<4x64xi32, #tpu.memory_space<vmem>> -> memref<1x64xi32, #tpu.memory_space<vmem>>
      %dma_start3A_38 = tpu.memref_squeeze %dma_start3A_37 : memref<1x64xi32, #tpu.memory_space<vmem>> -> memref<64xi32, #tpu.memory_space<vmem>>
      %dma_start3A_39 = arith.constant 0 : i32
      %dma_start3A_40 = arith.constant 0 : i32
      %dma_start3A_41 = tpu.memref_slice %arg2[%dma_start3A_39, %dma_start3A_40] : memref<10240x128xf32, #tpu.memory_space<hbm>> -> memref<10240x128xf32, #tpu.memory_space<hbm>>
      tpu.enqueue_indirect_dma source(%dma_start3A_41 : memref<10240x128xf32, #tpu.memory_space<hbm>>) target(%dma_start3A_35 : memref<64x128xf32, #tpu.memory_space<vmem>>) offsets(%dma_start3A_38 : memref<64xi32, #tpu.memory_space<vmem>>) semaphore(%arg12 : memref<!tpu.dma_semaphore, #tpu.memory_space<semaphore_mem>>)
      %run_scoped3A_42 = arith.constant 1 : i32
      %run_scoped3A_43 = arith.constant 1 : i32
      "tpu.region"() ({
        %run_scoped3A_151 = tpu.sem_alloc : memref<!tpu.dma_semaphore, #tpu.memory_space<semaphore_mem>>
        %dma_start3A_152 = arith.constant 0 : i32
        %dma_start3A_153 = tpu.memref_slice %arg9[%run_scoped3A_43, %dma_start3A_152] : memref<4x64xi32, #tpu.memory_space<vmem>> -> memref<1x64xi32, #tpu.memory_space<vmem>>
        %dma_start3A_154 = tpu.memref_squeeze %dma_start3A_153 : memref<1x64xi32, #tpu.memory_space<vmem>> -> memref<64xi32, #tpu.memory_space<vmem>>
        %dma_start3A_155 = arith.constant 0 : i32
        %dma_start3A_156 = arith.constant 0 : i32
        %dma_start3A_157 = tpu.memref_slice %arg4[%arg1, %dma_start3A_155, %dma_start3A_156] : memref<16x160x64xi32, #tpu.memory_space<hbm>> -> memref<1x160x64xi32, #tpu.memory_space<hbm>>
        %dma_start3A_158 = tpu.memref_squeeze %dma_start3A_157 : memref<1x160x64xi32, #tpu.memory_space<hbm>> -> memref<160x64xi32, #tpu.memory_space<hbm>>
        %dma_start3A_159 = arith.constant 0 : i32
        %dma_start3A_160 = tpu.memref_slice %dma_start3A_158[%run_scoped3A_42, %dma_start3A_159] : memref<160x64xi32, #tpu.memory_space<hbm>> -> memref<1x64xi32, #tpu.memory_space<hbm>>
        %dma_start3A_161 = tpu.memref_squeeze %dma_start3A_160 : memref<1x64xi32, #tpu.memory_space<hbm>> -> memref<64xi32, #tpu.memory_space<hbm>>
        %dma_start3A_162 = arith.constant 0 : i32
        %dma_start3A_163 = tpu.memref_slice %arg9[%run_scoped3A_43, %dma_start3A_162] : memref<4x64xi32, #tpu.memory_space<vmem>> -> memref<1x64xi32, #tpu.memory_space<vmem>>
        %dma_start3A_164 = tpu.memref_squeeze %dma_start3A_163 : memref<1x64xi32, #tpu.memory_space<vmem>> -> memref<64xi32, #tpu.memory_space<vmem>>
        %dma_start3A_165 = arith.constant 0 : i32
        %dma_start3A_166 = arith.constant 0 : i32
        %dma_start3A_167 = tpu.memref_slice %arg4[%arg1, %dma_start3A_165, %dma_start3A_166] : memref<16x160x64xi32, #tpu.memory_space<hbm>> -> memref<1x160x64xi32, #tpu.memory_space<hbm>>
        %dma_start3A_168 = tpu.memref_squeeze %dma_start3A_167 : memref<1x160x64xi32, #tpu.memory_space<hbm>> -> memref<160x64xi32, #tpu.memory_space<hbm>>
        %dma_start3A_169 = arith.constant 0 : i32
        %dma_start3A_170 = tpu.memref_slice %dma_start3A_168[%run_scoped3A_42, %dma_start3A_169] : memref<160x64xi32, #tpu.memory_space<hbm>> -> memref<1x64xi32, #tpu.memory_space<hbm>>
        %dma_start3A_171 = tpu.memref_squeeze %dma_start3A_170 : memref<1x64xi32, #tpu.memory_space<hbm>> -> memref<64xi32, #tpu.memory_space<hbm>>
        tpu.enqueue_dma source(%dma_start3A_171 : memref<64xi32, #tpu.memory_space<hbm>>) target(%dma_start3A_164 : memref<64xi32, #tpu.memory_space<vmem>>) target_semaphore(%run_scoped3A_151 : memref<!tpu.dma_semaphore, #tpu.memory_space<semaphore_mem>>)
        %dma_wait3A_172 = arith.constant 0 : i32
        %dma_wait3A_173 = tpu.memref_slice %arg9[%run_scoped3A_43, %dma_wait3A_172] : memref<4x64xi32, #tpu.memory_space<vmem>> -> memref<1x64xi32, #tpu.memory_space<vmem>>
        %dma_wait3A_174 = tpu.memref_squeeze %dma_wait3A_173 : memref<1x64xi32, #tpu.memory_space<vmem>> -> memref<64xi32, #tpu.memory_space<vmem>>
        %dma_wait3A_175 = arith.constant 0 : i32
        %dma_wait3A_176 = arith.constant 0 : i32
        %dma_wait3A_177 = tpu.memref_slice %arg4[%arg1, %dma_wait3A_175, %dma_wait3A_176] : memref<16x160x64xi32, #tpu.memory_space<hbm>> -> memref<1x160x64xi32, #tpu.memory_space<hbm>>
        %dma_wait3A_178 = tpu.memref_squeeze %dma_wait3A_177 : memref<1x160x64xi32, #tpu.memory_space<hbm>> -> memref<160x64xi32, #tpu.memory_space<hbm>>
        %dma_wait3A_179 = arith.constant 0 : i32
        %dma_wait3A_180 = tpu.memref_slice %dma_wait3A_178[%run_scoped3A_42, %dma_wait3A_179] : memref<160x64xi32, #tpu.memory_space<hbm>> -> memref<1x64xi32, #tpu.memory_space<hbm>>
        %dma_wait3A_181 = tpu.memref_squeeze %dma_wait3A_180 : memref<1x64xi32, #tpu.memory_space<hbm>> -> memref<64xi32, #tpu.memory_space<hbm>>
        %dma_wait3A_182 = arith.constant 0 : i32
        %dma_wait3A_183 = tpu.memref_slice %arg9[%run_scoped3A_43, %dma_wait3A_182] : memref<4x64xi32, #tpu.memory_space<vmem>> -> memref<1x64xi32, #tpu.memory_space<vmem>>
        %dma_wait3A_184 = tpu.memref_squeeze %dma_wait3A_183 : memref<1x64xi32, #tpu.memory_space<vmem>> -> memref<64xi32, #tpu.memory_space<vmem>>
        %dma_wait3A_185 = arith.constant 0 : i32
        %dma_wait3A_186 = arith.constant 0 : i32
        %dma_wait3A_187 = tpu.memref_slice %arg4[%arg1, %dma_wait3A_185, %dma_wait3A_186] : memref<16x160x64xi32, #tpu.memory_space<hbm>> -> memref<1x160x64xi32, #tpu.memory_space<hbm>>
        %dma_wait3A_188 = tpu.memref_squeeze %dma_wait3A_187 : memref<1x160x64xi32, #tpu.memory_space<hbm>> -> memref<160x64xi32, #tpu.memory_space<hbm>>
        %dma_wait3A_189 = arith.constant 0 : i32
        %dma_wait3A_190 = tpu.memref_slice %dma_wait3A_188[%run_scoped3A_42, %dma_wait3A_189] : memref<160x64xi32, #tpu.memory_space<hbm>> -> memref<1x64xi32, #tpu.memory_space<hbm>>
        %dma_wait3A_191 = tpu.memref_squeeze %dma_wait3A_190 : memref<1x64xi32, #tpu.memory_space<hbm>> -> memref<64xi32, #tpu.memory_space<hbm>>
        tpu.wait_dma2 semaphore(%run_scoped3A_151 : memref<!tpu.dma_semaphore, #tpu.memory_space<semaphore_mem>>) src(%dma_wait3A_191 : memref<64xi32, #tpu.memory_space<hbm>>) dst(%dma_wait3A_184 : memref<64xi32, #tpu.memory_space<vmem>>)
        tpu.yield
      }) : () -> ()
      %dma_start3A_44 = arith.constant 1 : i32
      %dma_start3A_45 = arith.constant 1 : i32
      %dma_start3A_46 = arith.constant 0 : i32
      %dma_start3A_47 = tpu.memref_slice %arg10[%dma_start3A_45, %dma_start3A_46] : memref<4x64xi32, #tpu.memory_space<vmem>> -> memref<1x64xi32, #tpu.memory_space<vmem>>
      %dma_start3A_48 = tpu.memref_squeeze %dma_start3A_47 : memref<1x64xi32, #tpu.memory_space<vmem>> -> memref<64xi32, #tpu.memory_space<vmem>>
      %dma_start3A_49 = arith.constant 0 : i32
      %dma_start3A_50 = arith.constant 0 : i32
      %dma_start3A_51 = tpu.memref_slice %arg5[%arg1, %dma_start3A_49, %dma_start3A_50] : memref<16x160x64xi32, #tpu.memory_space<hbm>> -> memref<1x160x64xi32, #tpu.memory_space<hbm>>
      %dma_start3A_52 = tpu.memref_squeeze %dma_start3A_51 : memref<1x160x64xi32, #tpu.memory_space<hbm>> -> memref<160x64xi32, #tpu.memory_space<hbm>>
      %dma_start3A_53 = arith.constant 0 : i32
      %dma_start3A_54 = tpu.memref_slice %dma_start3A_52[%dma_start3A_44, %dma_start3A_53] : memref<160x64xi32, #tpu.memory_space<hbm>> -> memref<1x64xi32, #tpu.memory_space<hbm>>
      %dma_start3A_55 = tpu.memref_squeeze %dma_start3A_54 : memref<1x64xi32, #tpu.memory_space<hbm>> -> memref<64xi32, #tpu.memory_space<hbm>>
      %dma_start3A_56 = arith.constant 0 : i32
      %dma_start3A_57 = tpu.memref_slice %arg10[%dma_start3A_45, %dma_start3A_56] : memref<4x64xi32, #tpu.memory_space<vmem>> -> memref<1x64xi32, #tpu.memory_space<vmem>>
      %dma_start3A_58 = tpu.memref_squeeze %dma_start3A_57 : memref<1x64xi32, #tpu.memory_space<vmem>> -> memref<64xi32, #tpu.memory_space<vmem>>
      %dma_start3A_59 = arith.constant 0 : i32
      %dma_start3A_60 = arith.constant 0 : i32
      %dma_start3A_61 = tpu.memref_slice %arg5[%arg1, %dma_start3A_59, %dma_start3A_60] : memref<16x160x64xi32, #tpu.memory_space<hbm>> -> memref<1x160x64xi32, #tpu.memory_space<hbm>>
      %dma_start3A_62 = tpu.memref_squeeze %dma_start3A_61 : memref<1x160x64xi32, #tpu.memory_space<hbm>> -> memref<160x64xi32, #tpu.memory_space<hbm>>
      %dma_start3A_63 = arith.constant 0 : i32
      %dma_start3A_64 = tpu.memref_slice %dma_start3A_62[%dma_start3A_44, %dma_start3A_63] : memref<160x64xi32, #tpu.memory_space<hbm>> -> memref<1x64xi32, #tpu.memory_space<hbm>>
      %dma_start3A_65 = tpu.memref_squeeze %dma_start3A_64 : memref<1x64xi32, #tpu.memory_space<hbm>> -> memref<64xi32, #tpu.memory_space<hbm>>
      tpu.enqueue_dma source(%dma_start3A_65 : memref<64xi32, #tpu.memory_space<hbm>>) target(%dma_start3A_58 : memref<64xi32, #tpu.memory_space<vmem>>) target_semaphore(%arg13 : memref<!tpu.dma_semaphore, #tpu.memory_space<semaphore_mem>>)
      %dma_start3A_66 = arith.constant 1 : i32
      %dma_start3A_67 = arith.constant 1 : i32
      %dma_start3A_68 = arith.constant 0 : i32
      %dma_start3A_69 = arith.constant 0 : i32
      %dma_start3A_70 = tpu.memref_slice %arg11[%dma_start3A_67, %dma_start3A_68, %dma_start3A_69] : memref<4x64x128xf32, #tpu.memory_space<vmem>> -> memref<1x64x128xf32, #tpu.memory_space<vmem>>
      %dma_start3A_71 = tpu.memref_squeeze %dma_start3A_70 : memref<1x64x128xf32, #tpu.memory_space<vmem>> -> memref<64x128xf32, #tpu.memory_space<vmem>>
      %dma_start3A_72 = arith.constant 0 : i32
      %dma_start3A_73 = tpu.memref_slice %arg9[%dma_start3A_66, %dma_start3A_72] : memref<4x64xi32, #tpu.memory_space<vmem>> -> memref<1x64xi32, #tpu.memory_space<vmem>>
      %dma_start3A_74 = tpu.memref_squeeze %dma_start3A_73 : memref<1x64xi32, #tpu.memory_space<vmem>> -> memref<64xi32, #tpu.memory_space<vmem>>
      %dma_start3A_75 = arith.constant 0 : i32
      %dma_start3A_76 = arith.constant 0 : i32
      %dma_start3A_77 = tpu.memref_slice %arg2[%dma_start3A_75, %dma_start3A_76] : memref<10240x128xf32, #tpu.memory_space<hbm>> -> memref<10240x128xf32, #tpu.memory_space<hbm>>
      tpu.enqueue_indirect_dma source(%dma_start3A_77 : memref<10240x128xf32, #tpu.memory_space<hbm>>) target(%dma_start3A_71 : memref<64x128xf32, #tpu.memory_space<vmem>>) offsets(%dma_start3A_74 : memref<64xi32, #tpu.memory_space<vmem>>) semaphore(%arg13 : memref<!tpu.dma_semaphore, #tpu.memory_space<semaphore_mem>>)
      %dma_start3A_78 = arith.constant 2 : i32
      %dma_start3A_79 = arith.constant 2 : i32
      %dma_start3A_80 = arith.constant 0 : i32
      %dma_start3A_81 = tpu.memref_slice %arg9[%dma_start3A_79, %dma_start3A_80] : memref<4x64xi32, #tpu.memory_space<vmem>> -> memref<1x64xi32, #tpu.memory_space<vmem>>
      %dma_start3A_82 = tpu.memref_squeeze %dma_start3A_81 : memref<1x64xi32, #tpu.memory_space<vmem>> -> memref<64xi32, #tpu.memory_space<vmem>>
      %dma_start3A_83 = arith.constant 0 : i32
      %dma_start3A_84 = arith.constant 0 : i32
      %dma_start3A_85 = tpu.memref_slice %arg4[%arg1, %dma_start3A_83, %dma_start3A_84] : memref<16x160x64xi32, #tpu.memory_space<hbm>> -> memref<1x160x64xi32, #tpu.memory_space<hbm>>
      %dma_start3A_86 = tpu.memref_squeeze %dma_start3A_85 : memref<1x160x64xi32, #tpu.memory_space<hbm>> -> memref<160x64xi32, #tpu.memory_space<hbm>>
      %dma_start3A_87 = arith.constant 0 : i32
      %dma_start3A_88 = tpu.memref_slice %dma_start3A_86[%dma_start3A_78, %dma_start3A_87] : memref<160x64xi32, #tpu.memory_space<hbm>> -> memref<1x64xi32, #tpu.memory_space<hbm>>
      %dma_start3A_89 = tpu.memref_squeeze %dma_start3A_88 : memref<1x64xi32, #tpu.memory_space<hbm>> -> memref<64xi32, #tpu.memory_space<hbm>>
      %dma_start3A_90 = arith.constant 0 : i32
      %dma_start3A_91 = tpu.memref_slice %arg9[%dma_start3A_79, %dma_start3A_90] : memref<4x64xi32, #tpu.memory_space<vmem>> -> memref<1x64xi32, #tpu.memory_space<vmem>>
      %dma_start3A_92 = tpu.memref_squeeze %dma_start3A_91 : memref<1x64xi32, #tpu.memory_space<vmem>> -> memref<64xi32, #tpu.memory_space<vmem>>
      %dma_start3A_93 = arith.constant 0 : i32
      %dma_start3A_94 = arith.constant 0 : i32
      %dma_start3A_95 = tpu.memref_slice %arg4[%arg1, %dma_start3A_93, %dma_start3A_94] : memref<16x160x64xi32, #tpu.memory_space<hbm>> -> memref<1x160x64xi32, #tpu.memory_space<hbm>>
      %dma_start3A_96 = tpu.memref_squeeze %dma_start3A_95 : memref<1x160x64xi32, #tpu.memory_space<hbm>> -> memref<160x64xi32, #tpu.memory_space<hbm>>
      %dma_start3A_97 = arith.constant 0 : i32
      %dma_start3A_98 = tpu.memref_slice %dma_start3A_96[%dma_start3A_78, %dma_start3A_97] : memref<160x64xi32, #tpu.memory_space<hbm>> -> memref<1x64xi32, #tpu.memory_space<hbm>>
      %dma_start3A_99 = tpu.memref_squeeze %dma_start3A_98 : memref<1x64xi32, #tpu.memory_space<hbm>> -> memref<64xi32, #tpu.memory_space<hbm>>
      tpu.enqueue_dma source(%dma_start3A_99 : memref<64xi32, #tpu.memory_space<hbm>>) target(%dma_start3A_92 : memref<64xi32, #tpu.memory_space<vmem>>) target_semaphore(%arg22 : memref<!tpu.dma_semaphore, #tpu.memory_space<semaphore_mem>>)
      %dma_start3A_100 = arith.constant 3 : i32
      %dma_start3A_101 = arith.constant 3 : i32
      %dma_start3A_102 = arith.constant 0 : i32
      %dma_start3A_103 = tpu.memref_slice %arg9[%dma_start3A_101, %dma_start3A_102] : memref<4x64xi32, #tpu.memory_space<vmem>> -> memref<1x64xi32, #tpu.memory_space<vmem>>
      %dma_start3A_104 = tpu.memref_squeeze %dma_start3A_103 : memref<1x64xi32, #tpu.memory_space<vmem>> -> memref<64xi32, #tpu.memory_space<vmem>>
      %dma_start3A_105 = arith.constant 0 : i32
      %dma_start3A_106 = arith.constant 0 : i32
      %dma_start3A_107 = tpu.memref_slice %arg4[%arg1, %dma_start3A_105, %dma_start3A_106] : memref<16x160x64xi32, #tpu.memory_space<hbm>> -> memref<1x160x64xi32, #tpu.memory_space<hbm>>
      %dma_start3A_108 = tpu.memref_squeeze %dma_start3A_107 : memref<1x160x64xi32, #tpu.memory_space<hbm>> -> memref<160x64xi32, #tpu.memory_space<hbm>>
      %dma_start3A_109 = arith.constant 0 : i32
      %dma_start3A_110 = tpu.memref_slice %dma_start3A_108[%dma_start3A_100, %dma_start3A_109] : memref<160x64xi32, #tpu.memory_space<hbm>> -> memref<1x64xi32, #tpu.memory_space<hbm>>
      %dma_start3A_111 = tpu.memref_squeeze %dma_start3A_110 : memref<1x64xi32, #tpu.memory_space<hbm>> -> memref<64xi32, #tpu.memory_space<hbm>>
      %dma_start3A_112 = arith.constant 0 : i32
      %dma_start3A_113 = tpu.memref_slice %arg9[%dma_start3A_101, %dma_start3A_112] : memref<4x64xi32, #tpu.memory_space<vmem>> -> memref<1x64xi32, #tpu.memory_space<vmem>>
      %dma_start3A_114 = tpu.memref_squeeze %dma_start3A_113 : memref<1x64xi32, #tpu.memory_space<vmem>> -> memref<64xi32, #tpu.memory_space<vmem>>
      %dma_start3A_115 = arith.constant 0 : i32
      %dma_start3A_116 = arith.constant 0 : i32
      %dma_start3A_117 = tpu.memref_slice %arg4[%arg1, %dma_start3A_115, %dma_start3A_116] : memref<16x160x64xi32, #tpu.memory_space<hbm>> -> memref<1x160x64xi32, #tpu.memory_space<hbm>>
      %dma_start3A_118 = tpu.memref_squeeze %dma_start3A_117 : memref<1x160x64xi32, #tpu.memory_space<hbm>> -> memref<160x64xi32, #tpu.memory_space<hbm>>
      %dma_start3A_119 = arith.constant 0 : i32
      %dma_start3A_120 = tpu.memref_slice %dma_start3A_118[%dma_start3A_100, %dma_start3A_119] : memref<160x64xi32, #tpu.memory_space<hbm>> -> memref<1x64xi32, #tpu.memory_space<hbm>>
      %dma_start3A_121 = tpu.memref_squeeze %dma_start3A_120 : memref<1x64xi32, #tpu.memory_space<hbm>> -> memref<64xi32, #tpu.memory_space<hbm>>
      tpu.enqueue_dma source(%dma_start3A_121 : memref<64xi32, #tpu.memory_space<hbm>>) target(%dma_start3A_114 : memref<64xi32, #tpu.memory_space<vmem>>) target_semaphore(%arg23 : memref<!tpu.dma_semaphore, #tpu.memory_space<semaphore_mem>>)
      %scan3A = arith.constant 0 : i32
      %scan3A_122 = arith.constant 40 : i32
      %scan3A_123 = arith.addi %scan3A, %scan3A_122 : i32
      %scan3A_124 = arith.constant 1 : i32
      scf.for %scan3A_151 = %scan3A to %scan3A_123 step %scan3A_124  : i32 {
        %mul3A_152 = arith.constant 1 : i32
        %mul3A_153 = arith.muli %scan3A_151, %mul3A_152 : i32
        %add3A = arith.constant 0 : i32
        %add3A_154 = arith.addi %add3A, %mul3A_153 : i32
        %mul3A_155 = arith.constant 4 : i32
        %mul3A_156 = arith.muli %mul3A_155, %add3A_154 : i32
        %add3A_157 = arith.constant 0 : i32
        %add3A_158 = arith.addi %mul3A_156, %add3A_157 : i32
        %add3A_159 = arith.constant 2 : i32
        %add3A_160 = arith.addi %add3A_158, %add3A_159 : i32
        %ge3A = arith.constant 4 : i32
        %ge3A_161 = arith.cmpi sge, %add3A_160, %ge3A : i32
        %convert_element_type3A_162 = arith.extui %ge3A_161 : i1 to i32
        %cond3A_163 = arith.constant 0 : i32
        %cond3A_164 = arith.cmpi ne, %convert_element_type3A_162, %cond3A_163 : i32
        scf.if %cond3A_164 {
          %dma_wait3A_429 = arith.constant 2 : i32
          %dma_wait3A_430 = arith.constant 2 : i32
          %dma_wait3A_431 = arith.constant 0 : i32
          %dma_wait3A_432 = arith.constant 0 : i32
          %dma_wait3A_433 = tpu.memref_slice %arg11[%dma_wait3A_429, %dma_wait3A_431, %dma_wait3A_432] : memref<4x64x128xf32, #tpu.memory_space<vmem>> -> memref<1x64x128xf32, #tpu.memory_space<vmem>>
          %dma_wait3A_434 = tpu.memref_squeeze %dma_wait3A_433 : memref<1x64x128xf32, #tpu.memory_space<vmem>> -> memref<64x128xf32, #tpu.memory_space<vmem>>
          %dma_wait3A_435 = arith.constant 0 : i32
          %dma_wait3A_436 = tpu.memref_slice %arg10[%dma_wait3A_430, %dma_wait3A_435] : memref<4x64xi32, #tpu.memory_space<vmem>> -> memref<1x64xi32, #tpu.memory_space<vmem>>
          %dma_wait3A_437 = tpu.memref_squeeze %dma_wait3A_436 : memref<1x64xi32, #tpu.memory_space<vmem>> -> memref<64xi32, #tpu.memory_space<vmem>>
          %dma_wait3A_438 = arith.constant 0 : i32
          %dma_wait3A_439 = arith.constant 0 : i32
          %dma_wait3A_440 = tpu.memref_slice %arg24[%dma_wait3A_438, %dma_wait3A_439] : memref<10240x128xf32, #tpu.memory_space<vmem_shared>> -> memref<10240x128xf32, #tpu.memory_space<vmem_shared>>
          tpu.wait_indirect_dma semaphore(%arg18 : memref<!tpu.dma_semaphore, #tpu.memory_space<semaphore_mem>>) src(%dma_wait3A_434 : memref<64x128xf32, #tpu.memory_space<vmem>>) dst(%dma_wait3A_440 : memref<10240x128xf32, #tpu.memory_space<vmem_shared>>)
        } else {
        }
        %lt3A = arith.constant 160 : i32
        %lt3A_165 = arith.cmpi slt, %add3A_160, %lt3A : i32
        %convert_element_type3A_166 = arith.extui %lt3A_165 : i1 to i32
        %cond3A_167 = arith.constant 0 : i32
        %cond3A_168 = arith.cmpi ne, %convert_element_type3A_166, %cond3A_167 : i32
        scf.if %cond3A_168 {
          %dma_wait3A_429 = arith.constant 0 : i32
          %dma_wait3A_430 = arith.constant 2 : i32
          %dma_wait3A_431 = arith.constant 0 : i32
          %dma_wait3A_432 = tpu.memref_slice %arg9[%dma_wait3A_430, %dma_wait3A_431] : memref<4x64xi32, #tpu.memory_space<vmem>> -> memref<1x64xi32, #tpu.memory_space<vmem>>
          %dma_wait3A_433 = tpu.memref_squeeze %dma_wait3A_432 : memref<1x64xi32, #tpu.memory_space<vmem>> -> memref<64xi32, #tpu.memory_space<vmem>>
          %dma_wait3A_434 = arith.constant 0 : i32
          %dma_wait3A_435 = arith.constant 0 : i32
          %dma_wait3A_436 = tpu.memref_slice %arg4[%arg1, %dma_wait3A_434, %dma_wait3A_435] : memref<16x160x64xi32, #tpu.memory_space<hbm>> -> memref<1x160x64xi32, #tpu.memory_space<hbm>>
          %dma_wait3A_437 = tpu.memref_squeeze %dma_wait3A_436 : memref<1x160x64xi32, #tpu.memory_space<hbm>> -> memref<160x64xi32, #tpu.memory_space<hbm>>
          %dma_wait3A_438 = arith.constant 0 : i32
          %dma_wait3A_439 = tpu.memref_slice %dma_wait3A_437[%dma_wait3A_429, %dma_wait3A_438] : memref<160x64xi32, #tpu.memory_space<hbm>> -> memref<1x64xi32, #tpu.memory_space<hbm>>
          %dma_wait3A_440 = tpu.memref_squeeze %dma_wait3A_439 : memref<1x64xi32, #tpu.memory_space<hbm>> -> memref<64xi32, #tpu.memory_space<hbm>>
          %dma_wait3A_441 = arith.constant 0 : i32
          %dma_wait3A_442 = tpu.memref_slice %arg9[%dma_wait3A_430, %dma_wait3A_441] : memref<4x64xi32, #tpu.memory_space<vmem>> -> memref<1x64xi32, #tpu.memory_space<vmem>>
          %dma_wait3A_443 = tpu.memref_squeeze %dma_wait3A_442 : memref<1x64xi32, #tpu.memory_space<vmem>> -> memref<64xi32, #tpu.memory_space<vmem>>
          %dma_wait3A_444 = arith.constant 0 : i32
          %dma_wait3A_445 = arith.constant 0 : i32
          %dma_wait3A_446 = tpu.memref_slice %arg4[%arg1, %dma_wait3A_444, %dma_wait3A_445] : memref<16x160x64xi32, #tpu.memory_space<hbm>> -> memref<1x160x64xi32, #tpu.memory_space<hbm>>
          %dma_wait3A_447 = tpu.memref_squeeze %dma_wait3A_446 : memref<1x160x64xi32, #tpu.memory_space<hbm>> -> memref<160x64xi32, #tpu.memory_space<hbm>>
          %dma_wait3A_448 = arith.constant 0 : i32
          %dma_wait3A_449 = tpu.memref_slice %dma_wait3A_447[%dma_wait3A_429, %dma_wait3A_448] : memref<160x64xi32, #tpu.memory_space<hbm>> -> memref<1x64xi32, #tpu.memory_space<hbm>>
          %dma_wait3A_450 = tpu.memref_squeeze %dma_wait3A_449 : memref<1x64xi32, #tpu.memory_space<hbm>> -> memref<64xi32, #tpu.memory_space<hbm>>
          tpu.wait_dma2 semaphore(%arg22 : memref<!tpu.dma_semaphore, #tpu.memory_space<semaphore_mem>>) src(%dma_wait3A_450 : memref<64xi32, #tpu.memory_space<hbm>>) dst(%dma_wait3A_443 : memref<64xi32, #tpu.memory_space<vmem>>)
          %dma_start3A_451 = arith.constant 2 : i32
          %dma_start3A_452 = arith.constant 0 : i32
          %dma_start3A_453 = tpu.memref_slice %arg10[%dma_start3A_451, %dma_start3A_452] : memref<4x64xi32, #tpu.memory_space<vmem>> -> memref<1x64xi32, #tpu.memory_space<vmem>>
          %dma_start3A_454 = tpu.memref_squeeze %dma_start3A_453 : memref<1x64xi32, #tpu.memory_space<vmem>> -> memref<64xi32, #tpu.memory_space<vmem>>
          %dma_start3A_455 = arith.constant 0 : i32
          %dma_start3A_456 = arith.constant 0 : i32
          %dma_start3A_457 = tpu.memref_slice %arg5[%arg1, %dma_start3A_455, %dma_start3A_456] : memref<16x160x64xi32, #tpu.memory_space<hbm>> -> memref<1x160x64xi32, #tpu.memory_space<hbm>>
          %dma_start3A_458 = tpu.memref_squeeze %dma_start3A_457 : memref<1x160x64xi32, #tpu.memory_space<hbm>> -> memref<160x64xi32, #tpu.memory_space<hbm>>
          %dma_start3A_459 = arith.constant 0 : i32
          %dma_start3A_460 = tpu.memref_slice %dma_start3A_458[%add3A_160, %dma_start3A_459] : memref<160x64xi32, #tpu.memory_space<hbm>> -> memref<1x64xi32, #tpu.memory_space<hbm>>
          %dma_start3A_461 = tpu.memref_squeeze %dma_start3A_460 : memref<1x64xi32, #tpu.memory_space<hbm>> -> memref<64xi32, #tpu.memory_space<hbm>>
          %dma_start3A_462 = arith.constant 0 : i32
          %dma_start3A_463 = tpu.memref_slice %arg10[%dma_start3A_451, %dma_start3A_462] : memref<4x64xi32, #tpu.memory_space<vmem>> -> memref<1x64xi32, #tpu.memory_space<vmem>>
          %dma_start3A_464 = tpu.memref_squeeze %dma_start3A_463 : memref<1x64xi32, #tpu.memory_space<vmem>> -> memref<64xi32, #tpu.memory_space<vmem>>
          %dma_start3A_465 = arith.constant 0 : i32
          %dma_start3A_466 = arith.constant 0 : i32
          %dma_start3A_467 = tpu.memref_slice %arg5[%arg1, %dma_start3A_465, %dma_start3A_466] : memref<16x160x64xi32, #tpu.memory_space<hbm>> -> memref<1x160x64xi32, #tpu.memory_space<hbm>>
          %dma_start3A_468 = tpu.memref_squeeze %dma_start3A_467 : memref<1x160x64xi32, #tpu.memory_space<hbm>> -> memref<160x64xi32, #tpu.memory_space<hbm>>
          %dma_start3A_469 = arith.constant 0 : i32
          %dma_start3A_470 = tpu.memref_slice %dma_start3A_468[%add3A_160, %dma_start3A_469] : memref<160x64xi32, #tpu.memory_space<hbm>> -> memref<1x64xi32, #tpu.memory_space<hbm>>
          %dma_start3A_471 = tpu.memref_squeeze %dma_start3A_470 : memref<1x64xi32, #tpu.memory_space<hbm>> -> memref<64xi32, #tpu.memory_space<hbm>>
          tpu.enqueue_dma source(%dma_start3A_471 : memref<64xi32, #tpu.memory_space<hbm>>) target(%dma_start3A_464 : memref<64xi32, #tpu.memory_space<vmem>>) target_semaphore(%arg14 : memref<!tpu.dma_semaphore, #tpu.memory_space<semaphore_mem>>)
          %dma_start3A_472 = arith.constant 2 : i32
          %dma_start3A_473 = arith.constant 2 : i32
          %dma_start3A_474 = arith.constant 0 : i32
          %dma_start3A_475 = arith.constant 0 : i32
          %dma_start3A_476 = tpu.memref_slice %arg11[%dma_start3A_473, %dma_start3A_474, %dma_start3A_475] : memref<4x64x128xf32, #tpu.memory_space<vmem>> -> memref<1x64x128xf32, #tpu.memory_space<vmem>>
          %dma_start3A_477 = tpu.memref_squeeze %dma_start3A_476 : memref<1x64x128xf32, #tpu.memory_space<vmem>> -> memref<64x128xf32, #tpu.memory_space<vmem>>
          %dma_start3A_478 = arith.constant 0 : i32
          %dma_start3A_479 = tpu.memref_slice %arg9[%dma_start3A_472, %dma_start3A_478] : memref<4x64xi32, #tpu.memory_space<vmem>> -> memref<1x64xi32, #tpu.memory_space<vmem>>
          %dma_start3A_480 = tpu.memref_squeeze %dma_start3A_479 : memref<1x64xi32, #tpu.memory_space<vmem>> -> memref<64xi32, #tpu.memory_space<vmem>>
          %dma_start3A_481 = arith.constant 0 : i32
          %dma_start3A_482 = arith.constant 0 : i32
          %dma_start3A_483 = tpu.memref_slice %arg2[%dma_start3A_481, %dma_start3A_482] : memref<10240x128xf32, #tpu.memory_space<hbm>> -> memref<10240x128xf32, #tpu.memory_space<hbm>>
          tpu.enqueue_indirect_dma source(%dma_start3A_483 : memref<10240x128xf32, #tpu.memory_space<hbm>>) target(%dma_start3A_477 : memref<64x128xf32, #tpu.memory_space<vmem>>) offsets(%dma_start3A_480 : memref<64xi32, #tpu.memory_space<vmem>>) semaphore(%arg14 : memref<!tpu.dma_semaphore, #tpu.memory_space<semaphore_mem>>)
        } else {
        }
        %dma_wait3A_169 = arith.constant 0 : i32
        %dma_wait3A_170 = arith.constant 0 : i32
        %dma_wait3A_171 = arith.constant 0 : i32
        %dma_wait3A_172 = tpu.memref_slice %arg10[%dma_wait3A_170, %dma_wait3A_171] : memref<4x64xi32, #tpu.memory_space<vmem>> -> memref<1x64xi32, #tpu.memory_space<vmem>>
        %dma_wait3A_173 = tpu.memref_squeeze %dma_wait3A_172 : memref<1x64xi32, #tpu.memory_space<vmem>> -> memref<64xi32, #tpu.memory_space<vmem>>
        %dma_wait3A_174 = arith.constant 0 : i32
        %dma_wait3A_175 = arith.constant 0 : i32
        %dma_wait3A_176 = tpu.memref_slice %arg5[%arg1, %dma_wait3A_174, %dma_wait3A_175] : memref<16x160x64xi32, #tpu.memory_space<hbm>> -> memref<1x160x64xi32, #tpu.memory_space<hbm>>
        %dma_wait3A_177 = tpu.memref_squeeze %dma_wait3A_176 : memref<1x160x64xi32, #tpu.memory_space<hbm>> -> memref<160x64xi32, #tpu.memory_space<hbm>>
        %dma_wait3A_178 = arith.constant 0 : i32
        %dma_wait3A_179 = tpu.memref_slice %dma_wait3A_177[%dma_wait3A_169, %dma_wait3A_178] : memref<160x64xi32, #tpu.memory_space<hbm>> -> memref<1x64xi32, #tpu.memory_space<hbm>>
        %dma_wait3A_180 = tpu.memref_squeeze %dma_wait3A_179 : memref<1x64xi32, #tpu.memory_space<hbm>> -> memref<64xi32, #tpu.memory_space<hbm>>
        %dma_wait3A_181 = arith.constant 0 : i32
        %dma_wait3A_182 = tpu.memref_slice %arg10[%dma_wait3A_170, %dma_wait3A_181] : memref<4x64xi32, #tpu.memory_space<vmem>> -> memref<1x64xi32, #tpu.memory_space<vmem>>
        %dma_wait3A_183 = tpu.memref_squeeze %dma_wait3A_182 : memref<1x64xi32, #tpu.memory_space<vmem>> -> memref<64xi32, #tpu.memory_space<vmem>>
        %dma_wait3A_184 = arith.constant 0 : i32
        %dma_wait3A_185 = arith.constant 0 : i32
        %dma_wait3A_186 = tpu.memref_slice %arg5[%arg1, %dma_wait3A_184, %dma_wait3A_185] : memref<16x160x64xi32, #tpu.memory_space<hbm>> -> memref<1x160x64xi32, #tpu.memory_space<hbm>>
        %dma_wait3A_187 = tpu.memref_squeeze %dma_wait3A_186 : memref<1x160x64xi32, #tpu.memory_space<hbm>> -> memref<160x64xi32, #tpu.memory_space<hbm>>
        %dma_wait3A_188 = arith.constant 0 : i32
        %dma_wait3A_189 = tpu.memref_slice %dma_wait3A_187[%dma_wait3A_169, %dma_wait3A_188] : memref<160x64xi32, #tpu.memory_space<hbm>> -> memref<1x64xi32, #tpu.memory_space<hbm>>
        %dma_wait3A_190 = tpu.memref_squeeze %dma_wait3A_189 : memref<1x64xi32, #tpu.memory_space<hbm>> -> memref<64xi32, #tpu.memory_space<hbm>>
        tpu.wait_dma2 semaphore(%arg12 : memref<!tpu.dma_semaphore, #tpu.memory_space<semaphore_mem>>) src(%dma_wait3A_190 : memref<64xi32, #tpu.memory_space<hbm>>) dst(%dma_wait3A_183 : memref<64xi32, #tpu.memory_space<vmem>>)
        %dma_wait3A_191 = arith.constant 0 : i32
        %dma_wait3A_192 = arith.constant 0 : i32
        %dma_wait3A_193 = arith.constant 0 : i32
        %dma_wait3A_194 = arith.constant 0 : i32
        %dma_wait3A_195 = tpu.memref_slice %arg11[%dma_wait3A_192, %dma_wait3A_193, %dma_wait3A_194] : memref<4x64x128xf32, #tpu.memory_space<vmem>> -> memref<1x64x128xf32, #tpu.memory_space<vmem>>
        %dma_wait3A_196 = tpu.memref_squeeze %dma_wait3A_195 : memref<1x64x128xf32, #tpu.memory_space<vmem>> -> memref<64x128xf32, #tpu.memory_space<vmem>>
        %dma_wait3A_197 = arith.constant 0 : i32
        %dma_wait3A_198 = tpu.memref_slice %arg9[%dma_wait3A_191, %dma_wait3A_197] : memref<4x64xi32, #tpu.memory_space<vmem>> -> memref<1x64xi32, #tpu.memory_space<vmem>>
        %dma_wait3A_199 = tpu.memref_squeeze %dma_wait3A_198 : memref<1x64xi32, #tpu.memory_space<vmem>> -> memref<64xi32, #tpu.memory_space<vmem>>
        %dma_wait3A_200 = arith.constant 0 : i32
        %dma_wait3A_201 = arith.constant 0 : i32
        %dma_wait3A_202 = tpu.memref_slice %arg2[%dma_wait3A_200, %dma_wait3A_201] : memref<10240x128xf32, #tpu.memory_space<hbm>> -> memref<10240x128xf32, #tpu.memory_space<hbm>>
        tpu.wait_indirect_dma semaphore(%arg12 : memref<!tpu.dma_semaphore, #tpu.memory_space<semaphore_mem>>) src(%dma_wait3A_202 : memref<10240x128xf32, #tpu.memory_space<hbm>>) dst(%dma_wait3A_196 : memref<64x128xf32, #tpu.memory_space<vmem>>)
        %add3A_203 = arith.constant 4 : i32
        %add3A_204 = arith.addi %add3A_158, %add3A_203 : i32
        %lt3A_205 = arith.constant 160 : i32
        %lt3A_206 = arith.cmpi slt, %add3A_204, %lt3A_205 : i32
        %convert_element_type3A_207 = arith.extui %lt3A_206 : i1 to i32
        %cond3A_208 = arith.constant 0 : i32
        %cond3A_209 = arith.cmpi ne, %convert_element_type3A_207, %cond3A_208 : i32
        scf.if %cond3A_209 {
          %add3A_429 = arith.constant 4 : i32
          %add3A_430 = arith.addi %add3A_158, %add3A_429 : i32
          %dma_start3A_431 = arith.constant 0 : i32
          %dma_start3A_432 = arith.constant 0 : i32
          %dma_start3A_433 = tpu.memref_slice %arg9[%dma_start3A_431, %dma_start3A_432] : memref<4x64xi32, #tpu.memory_space<vmem>> -> memref<1x64xi32, #tpu.memory_space<vmem>>
          %dma_start3A_434 = tpu.memref_squeeze %dma_start3A_433 : memref<1x64xi32, #tpu.memory_space<vmem>> -> memref<64xi32, #tpu.memory_space<vmem>>
          %dma_start3A_435 = arith.constant 0 : i32
          %dma_start3A_436 = arith.constant 0 : i32
          %dma_start3A_437 = tpu.memref_slice %arg4[%arg1, %dma_start3A_435, %dma_start3A_436] : memref<16x160x64xi32, #tpu.memory_space<hbm>> -> memref<1x160x64xi32, #tpu.memory_space<hbm>>
          %dma_start3A_438 = tpu.memref_squeeze %dma_start3A_437 : memref<1x160x64xi32, #tpu.memory_space<hbm>> -> memref<160x64xi32, #tpu.memory_space<hbm>>
          %dma_start3A_439 = arith.constant 0 : i32
          %dma_start3A_440 = tpu.memref_slice %dma_start3A_438[%add3A_430, %dma_start3A_439] : memref<160x64xi32, #tpu.memory_space<hbm>> -> memref<1x64xi32, #tpu.memory_space<hbm>>
          %dma_start3A_441 = tpu.memref_squeeze %dma_start3A_440 : memref<1x64xi32, #tpu.memory_space<hbm>> -> memref<64xi32, #tpu.memory_space<hbm>>
          %dma_start3A_442 = arith.constant 0 : i32
          %dma_start3A_443 = tpu.memref_slice %arg9[%dma_start3A_431, %dma_start3A_442] : memref<4x64xi32, #tpu.memory_space<vmem>> -> memref<1x64xi32, #tpu.memory_space<vmem>>
          %dma_start3A_444 = tpu.memref_squeeze %dma_start3A_443 : memref<1x64xi32, #tpu.memory_space<vmem>> -> memref<64xi32, #tpu.memory_space<vmem>>
          %dma_start3A_445 = arith.constant 0 : i32
          %dma_start3A_446 = arith.constant 0 : i32
          %dma_start3A_447 = tpu.memref_slice %arg4[%arg1, %dma_start3A_445, %dma_start3A_446] : memref<16x160x64xi32, #tpu.memory_space<hbm>> -> memref<1x160x64xi32, #tpu.memory_space<hbm>>
          %dma_start3A_448 = tpu.memref_squeeze %dma_start3A_447 : memref<1x160x64xi32, #tpu.memory_space<hbm>> -> memref<160x64xi32, #tpu.memory_space<hbm>>
          %dma_start3A_449 = arith.constant 0 : i32
          %dma_start3A_450 = tpu.memref_slice %dma_start3A_448[%add3A_430, %dma_start3A_449] : memref<160x64xi32, #tpu.memory_space<hbm>> -> memref<1x64xi32, #tpu.memory_space<hbm>>
          %dma_start3A_451 = tpu.memref_squeeze %dma_start3A_450 : memref<1x64xi32, #tpu.memory_space<hbm>> -> memref<64xi32, #tpu.memory_space<hbm>>
          tpu.enqueue_dma source(%dma_start3A_451 : memref<64xi32, #tpu.memory_space<hbm>>) target(%dma_start3A_444 : memref<64xi32, #tpu.memory_space<vmem>>) target_semaphore(%arg20 : memref<!tpu.dma_semaphore, #tpu.memory_space<semaphore_mem>>)
        } else {
        }
        %dma_start3A_210 = arith.constant 0 : i32
        %dma_start3A_211 = arith.constant 0 : i32
        %dma_start3A_212 = arith.constant 0 : i32
        %dma_start3A_213 = arith.constant 0 : i32
        %dma_start3A_214 = tpu.memref_slice %arg11[%dma_start3A_210, %dma_start3A_212, %dma_start3A_213] : memref<4x64x128xf32, #tpu.memory_space<vmem>> -> memref<1x64x128xf32, #tpu.memory_space<vmem>>
        %dma_start3A_215 = tpu.memref_squeeze %dma_start3A_214 : memref<1x64x128xf32, #tpu.memory_space<vmem>> -> memref<64x128xf32, #tpu.memory_space<vmem>>
        %dma_start3A_216 = arith.constant 0 : i32
        %dma_start3A_217 = tpu.memref_slice %arg10[%dma_start3A_211, %dma_start3A_216] : memref<4x64xi32, #tpu.memory_space<vmem>> -> memref<1x64xi32, #tpu.memory_space<vmem>>
        %dma_start3A_218 = tpu.memref_squeeze %dma_start3A_217 : memref<1x64xi32, #tpu.memory_space<vmem>> -> memref<64xi32, #tpu.memory_space<vmem>>
        %dma_start3A_219 = arith.constant 0 : i32
        %dma_start3A_220 = arith.constant 0 : i32
        %dma_start3A_221 = tpu.memref_slice %arg24[%dma_start3A_219, %dma_start3A_220] : memref<10240x128xf32, #tpu.memory_space<vmem_shared>> -> memref<10240x128xf32, #tpu.memory_space<vmem_shared>>
        tpu.enqueue_indirect_dma source(%dma_start3A_215 : memref<64x128xf32, #tpu.memory_space<vmem>>) target(%dma_start3A_221 : memref<10240x128xf32, #tpu.memory_space<vmem_shared>>) offsets(%dma_start3A_218 : memref<64xi32, #tpu.memory_space<vmem>>) semaphore(%arg16 : memref<!tpu.dma_semaphore, #tpu.memory_space<semaphore_mem>>) {add = true}
        %mul3A_222 = arith.constant 4 : i32
        %mul3A_223 = arith.muli %mul3A_222, %add3A_154 : i32
        %add3A_224 = arith.constant 1 : i32
        %add3A_225 = arith.addi %mul3A_223, %add3A_224 : i32
        %add3A_226 = arith.constant 2 : i32
        %add3A_227 = arith.addi %add3A_225, %add3A_226 : i32
        %ge3A_228 = arith.constant 4 : i32
        %ge3A_229 = arith.cmpi sge, %add3A_227, %ge3A_228 : i32
        %convert_element_type3A_230 = arith.extui %ge3A_229 : i1 to i32
        %cond3A_231 = arith.constant 0 : i32
        %cond3A_232 = arith.cmpi ne, %convert_element_type3A_230, %cond3A_231 : i32
        scf.if %cond3A_232 {
          %dma_wait3A_429 = arith.constant 3 : i32
          %dma_wait3A_430 = arith.constant 3 : i32
          %dma_wait3A_431 = arith.constant 0 : i32
          %dma_wait3A_432 = arith.constant 0 : i32
          %dma_wait3A_433 = tpu.memref_slice %arg11[%dma_wait3A_429, %dma_wait3A_431, %dma_wait3A_432] : memref<4x64x128xf32, #tpu.memory_space<vmem>> -> memref<1x64x128xf32, #tpu.memory_space<vmem>>
          %dma_wait3A_434 = tpu.memref_squeeze %dma_wait3A_433 : memref<1x64x128xf32, #tpu.memory_space<vmem>> -> memref<64x128xf32, #tpu.memory_space<vmem>>
          %dma_wait3A_435 = arith.constant 0 : i32
          %dma_wait3A_436 = tpu.memref_slice %arg10[%dma_wait3A_430, %dma_wait3A_435] : memref<4x64xi32, #tpu.memory_space<vmem>> -> memref<1x64xi32, #tpu.memory_space<vmem>>
          %dma_wait3A_437 = tpu.memref_squeeze %dma_wait3A_436 : memref<1x64xi32, #tpu.memory_space<vmem>> -> memref<64xi32, #tpu.memory_space<vmem>>
          %dma_wait3A_438 = arith.constant 0 : i32
          %dma_wait3A_439 = arith.constant 0 : i32
          %dma_wait3A_440 = tpu.memref_slice %arg24[%dma_wait3A_438, %dma_wait3A_439] : memref<10240x128xf32, #tpu.memory_space<vmem_shared>> -> memref<10240x128xf32, #tpu.memory_space<vmem_shared>>
          tpu.wait_indirect_dma semaphore(%arg19 : memref<!tpu.dma_semaphore, #tpu.memory_space<semaphore_mem>>) src(%dma_wait3A_434 : memref<64x128xf32, #tpu.memory_space<vmem>>) dst(%dma_wait3A_440 : memref<10240x128xf32, #tpu.memory_space<vmem_shared>>)
        } else {
        }
        %lt3A_233 = arith.constant 160 : i32
        %lt3A_234 = arith.cmpi slt, %add3A_227, %lt3A_233 : i32
        %convert_element_type3A_235 = arith.extui %lt3A_234 : i1 to i32
        %cond3A_236 = arith.constant 0 : i32
        %cond3A_237 = arith.cmpi ne, %convert_element_type3A_235, %cond3A_236 : i32
        scf.if %cond3A_237 {
          %dma_wait3A_429 = arith.constant 0 : i32
          %dma_wait3A_430 = arith.constant 3 : i32
          %dma_wait3A_431 = arith.constant 0 : i32
          %dma_wait3A_432 = tpu.memref_slice %arg9[%dma_wait3A_430, %dma_wait3A_431] : memref<4x64xi32, #tpu.memory_space<vmem>> -> memref<1x64xi32, #tpu.memory_space<vmem>>
          %dma_wait3A_433 = tpu.memref_squeeze %dma_wait3A_432 : memref<1x64xi32, #tpu.memory_space<vmem>> -> memref<64xi32, #tpu.memory_space<vmem>>
          %dma_wait3A_434 = arith.constant 0 : i32
          %dma_wait3A_435 = arith.constant 0 : i32
          %dma_wait3A_436 = tpu.memref_slice %arg4[%arg1, %dma_wait3A_434, %dma_wait3A_435] : memref<16x160x64xi32, #tpu.memory_space<hbm>> -> memref<1x160x64xi32, #tpu.memory_space<hbm>>
          %dma_wait3A_437 = tpu.memref_squeeze %dma_wait3A_436 : memref<1x160x64xi32, #tpu.memory_space<hbm>> -> memref<160x64xi32, #tpu.memory_space<hbm>>
          %dma_wait3A_438 = arith.constant 0 : i32
          %dma_wait3A_439 = tpu.memref_slice %dma_wait3A_437[%dma_wait3A_429, %dma_wait3A_438] : memref<160x64xi32, #tpu.memory_space<hbm>> -> memref<1x64xi32, #tpu.memory_space<hbm>>
          %dma_wait3A_440 = tpu.memref_squeeze %dma_wait3A_439 : memref<1x64xi32, #tpu.memory_space<hbm>> -> memref<64xi32, #tpu.memory_space<hbm>>
          %dma_wait3A_441 = arith.constant 0 : i32
          %dma_wait3A_442 = tpu.memref_slice %arg9[%dma_wait3A_430, %dma_wait3A_441] : memref<4x64xi32, #tpu.memory_space<vmem>> -> memref<1x64xi32, #tpu.memory_space<vmem>>
          %dma_wait3A_443 = tpu.memref_squeeze %dma_wait3A_442 : memref<1x64xi32, #tpu.memory_space<vmem>> -> memref<64xi32, #tpu.memory_space<vmem>>
          %dma_wait3A_444 = arith.constant 0 : i32
          %dma_wait3A_445 = arith.constant 0 : i32
          %dma_wait3A_446 = tpu.memref_slice %arg4[%arg1, %dma_wait3A_444, %dma_wait3A_445] : memref<16x160x64xi32, #tpu.memory_space<hbm>> -> memref<1x160x64xi32, #tpu.memory_space<hbm>>
          %dma_wait3A_447 = tpu.memref_squeeze %dma_wait3A_446 : memref<1x160x64xi32, #tpu.memory_space<hbm>> -> memref<160x64xi32, #tpu.memory_space<hbm>>
          %dma_wait3A_448 = arith.constant 0 : i32
          %dma_wait3A_449 = tpu.memref_slice %dma_wait3A_447[%dma_wait3A_429, %dma_wait3A_448] : memref<160x64xi32, #tpu.memory_space<hbm>> -> memref<1x64xi32, #tpu.memory_space<hbm>>
          %dma_wait3A_450 = tpu.memref_squeeze %dma_wait3A_449 : memref<1x64xi32, #tpu.memory_space<hbm>> -> memref<64xi32, #tpu.memory_space<hbm>>
          tpu.wait_dma2 semaphore(%arg23 : memref<!tpu.dma_semaphore, #tpu.memory_space<semaphore_mem>>) src(%dma_wait3A_450 : memref<64xi32, #tpu.memory_space<hbm>>) dst(%dma_wait3A_443 : memref<64xi32, #tpu.memory_space<vmem>>)
          %dma_start3A_451 = arith.constant 3 : i32
          %dma_start3A_452 = arith.constant 0 : i32
          %dma_start3A_453 = tpu.memref_slice %arg10[%dma_start3A_451, %dma_start3A_452] : memref<4x64xi32, #tpu.memory_space<vmem>> -> memref<1x64xi32, #tpu.memory_space<vmem>>
          %dma_start3A_454 = tpu.memref_squeeze %dma_start3A_453 : memref<1x64xi32, #tpu.memory_space<vmem>> -> memref<64xi32, #tpu.memory_space<vmem>>
          %dma_start3A_455 = arith.constant 0 : i32
          %dma_start3A_456 = arith.constant 0 : i32
          %dma_start3A_457 = tpu.memref_slice %arg5[%arg1, %dma_start3A_455, %dma_start3A_456] : memref<16x160x64xi32, #tpu.memory_space<hbm>> -> memref<1x160x64xi32, #tpu.memory_space<hbm>>
          %dma_start3A_458 = tpu.memref_squeeze %dma_start3A_457 : memref<1x160x64xi32, #tpu.memory_space<hbm>> -> memref<160x64xi32, #tpu.memory_space<hbm>>
          %dma_start3A_459 = arith.constant 0 : i32
          %dma_start3A_460 = tpu.memref_slice %dma_start3A_458[%add3A_227, %dma_start3A_459] : memref<160x64xi32, #tpu.memory_space<hbm>> -> memref<1x64xi32, #tpu.memory_space<hbm>>
          %dma_start3A_461 = tpu.memref_squeeze %dma_start3A_460 : memref<1x64xi32, #tpu.memory_space<hbm>> -> memref<64xi32, #tpu.memory_space<hbm>>
          %dma_start3A_462 = arith.constant 0 : i32
          %dma_start3A_463 = tpu.memref_slice %arg10[%dma_start3A_451, %dma_start3A_462] : memref<4x64xi32, #tpu.memory_space<vmem>> -> memref<1x64xi32, #tpu.memory_space<vmem>>
          %dma_start3A_464 = tpu.memref_squeeze %dma_start3A_463 : memref<1x64xi32, #tpu.memory_space<vmem>> -> memref<64xi32, #tpu.memory_space<vmem>>
          %dma_start3A_465 = arith.constant 0 : i32
          %dma_start3A_466 = arith.constant 0 : i32
          %dma_start3A_467 = tpu.memref_slice %arg5[%arg1, %dma_start3A_465, %dma_start3A_466] : memref<16x160x64xi32, #tpu.memory_space<hbm>> -> memref<1x160x64xi32, #tpu.memory_space<hbm>>
          %dma_start3A_468 = tpu.memref_squeeze %dma_start3A_467 : memref<1x160x64xi32, #tpu.memory_space<hbm>> -> memref<160x64xi32, #tpu.memory_space<hbm>>
          %dma_start3A_469 = arith.constant 0 : i32
          %dma_start3A_470 = tpu.memref_slice %dma_start3A_468[%add3A_227, %dma_start3A_469] : memref<160x64xi32, #tpu.memory_space<hbm>> -> memref<1x64xi32, #tpu.memory_space<hbm>>
          %dma_start3A_471 = tpu.memref_squeeze %dma_start3A_470 : memref<1x64xi32, #tpu.memory_space<hbm>> -> memref<64xi32, #tpu.memory_space<hbm>>
          tpu.enqueue_dma source(%dma_start3A_471 : memref<64xi32, #tpu.memory_space<hbm>>) target(%dma_start3A_464 : memref<64xi32, #tpu.memory_space<vmem>>) target_semaphore(%arg15 : memref<!tpu.dma_semaphore, #tpu.memory_space<semaphore_mem>>)
          %dma_start3A_472 = arith.constant 3 : i32
          %dma_start3A_473 = arith.constant 3 : i32
          %dma_start3A_474 = arith.constant 0 : i32
          %dma_start3A_475 = arith.constant 0 : i32
          %dma_start3A_476 = tpu.memref_slice %arg11[%dma_start3A_473, %dma_start3A_474, %dma_start3A_475] : memref<4x64x128xf32, #tpu.memory_space<vmem>> -> memref<1x64x128xf32, #tpu.memory_space<vmem>>
          %dma_start3A_477 = tpu.memref_squeeze %dma_start3A_476 : memref<1x64x128xf32, #tpu.memory_space<vmem>> -> memref<64x128xf32, #tpu.memory_space<vmem>>
          %dma_start3A_478 = arith.constant 0 : i32
          %dma_start3A_479 = tpu.memref_slice %arg9[%dma_start3A_472, %dma_start3A_478] : memref<4x64xi32, #tpu.memory_space<vmem>> -> memref<1x64xi32, #tpu.memory_space<vmem>>
          %dma_start3A_480 = tpu.memref_squeeze %dma_start3A_479 : memref<1x64xi32, #tpu.memory_space<vmem>> -> memref<64xi32, #tpu.memory_space<vmem>>
          %dma_start3A_481 = arith.constant 0 : i32
          %dma_start3A_482 = arith.constant 0 : i32
          %dma_start3A_483 = tpu.memref_slice %arg2[%dma_start3A_481, %dma_start3A_482] : memref<10240x128xf32, #tpu.memory_space<hbm>> -> memref<10240x128xf32, #tpu.memory_space<hbm>>
          tpu.enqueue_indirect_dma source(%dma_start3A_483 : memref<10240x128xf32, #tpu.memory_space<hbm>>) target(%dma_start3A_477 : memref<64x128xf32, #tpu.memory_space<vmem>>) offsets(%dma_start3A_480 : memref<64xi32, #tpu.memory_space<vmem>>) semaphore(%arg15 : memref<!tpu.dma_semaphore, #tpu.memory_space<semaphore_mem>>)
        } else {
        }
        %dma_wait3A_238 = arith.constant 0 : i32
        %dma_wait3A_239 = arith.constant 1 : i32
        %dma_wait3A_240 = arith.constant 0 : i32
        %dma_wait3A_241 = tpu.memref_slice %arg10[%dma_wait3A_239, %dma_wait3A_240] : memref<4x64xi32, #tpu.memory_space<vmem>> -> memref<1x64xi32, #tpu.memory_space<vmem>>
        %dma_wait3A_242 = tpu.memref_squeeze %dma_wait3A_241 : memref<1x64xi32, #tpu.memory_space<vmem>> -> memref<64xi32, #tpu.memory_space<vmem>>
        %dma_wait3A_243 = arith.constant 0 : i32
        %dma_wait3A_244 = arith.constant 0 : i32
        %dma_wait3A_245 = tpu.memref_slice %arg5[%arg1, %dma_wait3A_243, %dma_wait3A_244] : memref<16x160x64xi32, #tpu.memory_space<hbm>> -> memref<1x160x64xi32, #tpu.memory_space<hbm>>
        %dma_wait3A_246 = tpu.memref_squeeze %dma_wait3A_245 : memref<1x160x64xi32, #tpu.memory_space<hbm>> -> memref<160x64xi32, #tpu.memory_space<hbm>>
        %dma_wait3A_247 = arith.constant 0 : i32
        %dma_wait3A_248 = tpu.memref_slice %dma_wait3A_246[%dma_wait3A_238, %dma_wait3A_247] : memref<160x64xi32, #tpu.memory_space<hbm>> -> memref<1x64xi32, #tpu.memory_space<hbm>>
        %dma_wait3A_249 = tpu.memref_squeeze %dma_wait3A_248 : memref<1x64xi32, #tpu.memory_space<hbm>> -> memref<64xi32, #tpu.memory_space<hbm>>
        %dma_wait3A_250 = arith.constant 0 : i32
        %dma_wait3A_251 = tpu.memref_slice %arg10[%dma_wait3A_239, %dma_wait3A_250] : memref<4x64xi32, #tpu.memory_space<vmem>> -> memref<1x64xi32, #tpu.memory_space<vmem>>
        %dma_wait3A_252 = tpu.memref_squeeze %dma_wait3A_251 : memref<1x64xi32, #tpu.memory_space<vmem>> -> memref<64xi32, #tpu.memory_space<vmem>>
        %dma_wait3A_253 = arith.constant 0 : i32
        %dma_wait3A_254 = arith.constant 0 : i32
        %dma_wait3A_255 = tpu.memref_slice %arg5[%arg1, %dma_wait3A_253, %dma_wait3A_254] : memref<16x160x64xi32, #tpu.memory_space<hbm>> -> memref<1x160x64xi32, #tpu.memory_space<hbm>>
        %dma_wait3A_256 = tpu.memref_squeeze %dma_wait3A_255 : memref<1x160x64xi32, #tpu.memory_space<hbm>> -> memref<160x64xi32, #tpu.memory_space<hbm>>
        %dma_wait3A_257 = arith.constant 0 : i32
        %dma_wait3A_258 = tpu.memref_slice %dma_wait3A_256[%dma_wait3A_238, %dma_wait3A_257] : memref<160x64xi32, #tpu.memory_space<hbm>> -> memref<1x64xi32, #tpu.memory_space<hbm>>
        %dma_wait3A_259 = tpu.memref_squeeze %dma_wait3A_258 : memref<1x64xi32, #tpu.memory_space<hbm>> -> memref<64xi32, #tpu.memory_space<hbm>>
        tpu.wait_dma2 semaphore(%arg13 : memref<!tpu.dma_semaphore, #tpu.memory_space<semaphore_mem>>) src(%dma_wait3A_259 : memref<64xi32, #tpu.memory_space<hbm>>) dst(%dma_wait3A_252 : memref<64xi32, #tpu.memory_space<vmem>>)
        %dma_wait3A_260 = arith.constant 0 : i32
        %dma_wait3A_261 = arith.constant 1 : i32
        %dma_wait3A_262 = arith.constant 0 : i32
        %dma_wait3A_263 = arith.constant 0 : i32
        %dma_wait3A_264 = tpu.memref_slice %arg11[%dma_wait3A_261, %dma_wait3A_262, %dma_wait3A_263] : memref<4x64x128xf32, #tpu.memory_space<vmem>> -> memref<1x64x128xf32, #tpu.memory_space<vmem>>
        %dma_wait3A_265 = tpu.memref_squeeze %dma_wait3A_264 : memref<1x64x128xf32, #tpu.memory_space<vmem>> -> memref<64x128xf32, #tpu.memory_space<vmem>>
        %dma_wait3A_266 = arith.constant 0 : i32
        %dma_wait3A_267 = tpu.memref_slice %arg9[%dma_wait3A_260, %dma_wait3A_266] : memref<4x64xi32, #tpu.memory_space<vmem>> -> memref<1x64xi32, #tpu.memory_space<vmem>>
        %dma_wait3A_268 = tpu.memref_squeeze %dma_wait3A_267 : memref<1x64xi32, #tpu.memory_space<vmem>> -> memref<64xi32, #tpu.memory_space<vmem>>
        %dma_wait3A_269 = arith.constant 0 : i32
        %dma_wait3A_270 = arith.constant 0 : i32
        %dma_wait3A_271 = tpu.memref_slice %arg2[%dma_wait3A_269, %dma_wait3A_270] : memref<10240x128xf32, #tpu.memory_space<hbm>> -> memref<10240x128xf32, #tpu.memory_space<hbm>>
        tpu.wait_indirect_dma semaphore(%arg13 : memref<!tpu.dma_semaphore, #tpu.memory_space<semaphore_mem>>) src(%dma_wait3A_271 : memref<10240x128xf32, #tpu.memory_space<hbm>>) dst(%dma_wait3A_265 : memref<64x128xf32, #tpu.memory_space<vmem>>)
        %add3A_272 = arith.constant 4 : i32
        %add3A_273 = arith.addi %add3A_225, %add3A_272 : i32
        %lt3A_274 = arith.constant 160 : i32
        %lt3A_275 = arith.cmpi slt, %add3A_273, %lt3A_274 : i32
        %convert_element_type3A_276 = arith.extui %lt3A_275 : i1 to i32
        %cond3A_277 = arith.constant 0 : i32
        %cond3A_278 = arith.cmpi ne, %convert_element_type3A_276, %cond3A_277 : i32
        scf.if %cond3A_278 {
          %add3A_429 = arith.constant 4 : i32
          %add3A_430 = arith.addi %add3A_225, %add3A_429 : i32
          %dma_start3A_431 = arith.constant 1 : i32
          %dma_start3A_432 = arith.constant 0 : i32
          %dma_start3A_433 = tpu.memref_slice %arg9[%dma_start3A_431, %dma_start3A_432] : memref<4x64xi32, #tpu.memory_space<vmem>> -> memref<1x64xi32, #tpu.memory_space<vmem>>
          %dma_start3A_434 = tpu.memref_squeeze %dma_start3A_433 : memref<1x64xi32, #tpu.memory_space<vmem>> -> memref<64xi32, #tpu.memory_space<vmem>>
          %dma_start3A_435 = arith.constant 0 : i32
          %dma_start3A_436 = arith.constant 0 : i32
          %dma_start3A_437 = tpu.memref_slice %arg4[%arg1, %dma_start3A_435, %dma_start3A_436] : memref<16x160x64xi32, #tpu.memory_space<hbm>> -> memref<1x160x64xi32, #tpu.memory_space<hbm>>
          %dma_start3A_438 = tpu.memref_squeeze %dma_start3A_437 : memref<1x160x64xi32, #tpu.memory_space<hbm>> -> memref<160x64xi32, #tpu.memory_space<hbm>>
          %dma_start3A_439 = arith.constant 0 : i32
          %dma_start3A_440 = tpu.memref_slice %dma_start3A_438[%add3A_430, %dma_start3A_439] : memref<160x64xi32, #tpu.memory_space<hbm>> -> memref<1x64xi32, #tpu.memory_space<hbm>>
          %dma_start3A_441 = tpu.memref_squeeze %dma_start3A_440 : memref<1x64xi32, #tpu.memory_space<hbm>> -> memref<64xi32, #tpu.memory_space<hbm>>
          %dma_start3A_442 = arith.constant 0 : i32
          %dma_start3A_443 = tpu.memref_slice %arg9[%dma_start3A_431, %dma_start3A_442] : memref<4x64xi32, #tpu.memory_space<vmem>> -> memref<1x64xi32, #tpu.memory_space<vmem>>
          %dma_start3A_444 = tpu.memref_squeeze %dma_start3A_443 : memref<1x64xi32, #tpu.memory_space<vmem>> -> memref<64xi32, #tpu.memory_space<vmem>>
          %dma_start3A_445 = arith.constant 0 : i32
          %dma_start3A_446 = arith.constant 0 : i32
          %dma_start3A_447 = tpu.memref_slice %arg4[%arg1, %dma_start3A_445, %dma_start3A_446] : memref<16x160x64xi32, #tpu.memory_space<hbm>> -> memref<1x160x64xi32, #tpu.memory_space<hbm>>
          %dma_start3A_448 = tpu.memref_squeeze %dma_start3A_447 : memref<1x160x64xi32, #tpu.memory_space<hbm>> -> memref<160x64xi32, #tpu.memory_space<hbm>>
          %dma_start3A_449 = arith.constant 0 : i32
          %dma_start3A_450 = tpu.memref_slice %dma_start3A_448[%add3A_430, %dma_start3A_449] : memref<160x64xi32, #tpu.memory_space<hbm>> -> memref<1x64xi32, #tpu.memory_space<hbm>>
          %dma_start3A_451 = tpu.memref_squeeze %dma_start3A_450 : memref<1x64xi32, #tpu.memory_space<hbm>> -> memref<64xi32, #tpu.memory_space<hbm>>
          tpu.enqueue_dma source(%dma_start3A_451 : memref<64xi32, #tpu.memory_space<hbm>>) target(%dma_start3A_444 : memref<64xi32, #tpu.memory_space<vmem>>) target_semaphore(%arg21 : memref<!tpu.dma_semaphore, #tpu.memory_space<semaphore_mem>>)
        } else {
        }
        %dma_start3A_279 = arith.constant 1 : i32
        %dma_start3A_280 = arith.constant 1 : i32
        %dma_start3A_281 = arith.constant 0 : i32
        %dma_start3A_282 = arith.constant 0 : i32
        %dma_start3A_283 = tpu.memref_slice %arg11[%dma_start3A_279, %dma_start3A_281, %dma_start3A_282] : memref<4x64x128xf32, #tpu.memory_space<vmem>> -> memref<1x64x128xf32, #tpu.memory_space<vmem>>
        %dma_start3A_284 = tpu.memref_squeeze %dma_start3A_283 : memref<1x64x128xf32, #tpu.memory_space<vmem>> -> memref<64x128xf32, #tpu.memory_space<vmem>>
        %dma_start3A_285 = arith.constant 0 : i32
        %dma_start3A_286 = tpu.memref_slice %arg10[%dma_start3A_280, %dma_start3A_285] : memref<4x64xi32, #tpu.memory_space<vmem>> -> memref<1x64xi32, #tpu.memory_space<vmem>>
        %dma_start3A_287 = tpu.memref_squeeze %dma_start3A_286 : memref<1x64xi32, #tpu.memory_space<vmem>> -> memref<64xi32, #tpu.memory_space<vmem>>
        %dma_start3A_288 = arith.constant 0 : i32
        %dma_start3A_289 = arith.constant 0 : i32
        %dma_start3A_290 = tpu.memref_slice %arg24[%dma_start3A_288, %dma_start3A_289] : memref<10240x128xf32, #tpu.memory_space<vmem_shared>> -> memref<10240x128xf32, #tpu.memory_space<vmem_shared>>
        tpu.enqueue_indirect_dma source(%dma_start3A_284 : memref<64x128xf32, #tpu.memory_space<vmem>>) target(%dma_start3A_290 : memref<10240x128xf32, #tpu.memory_space<vmem_shared>>) offsets(%dma_start3A_287 : memref<64xi32, #tpu.memory_space<vmem>>) semaphore(%arg17 : memref<!tpu.dma_semaphore, #tpu.memory_space<semaphore_mem>>) {add = true}
        %mul3A_291 = arith.constant 4 : i32
        %mul3A_292 = arith.muli %mul3A_291, %add3A_154 : i32
        %add3A_293 = arith.constant 2 : i32
        %add3A_294 = arith.addi %mul3A_292, %add3A_293 : i32
        %add3A_295 = arith.constant 2 : i32
        %add3A_296 = arith.addi %add3A_294, %add3A_295 : i32
        %ge3A_297 = arith.constant 4 : i32
        %ge3A_298 = arith.cmpi sge, %add3A_296, %ge3A_297 : i32
        %convert_element_type3A_299 = arith.extui %ge3A_298 : i1 to i32
        %cond3A_300 = arith.constant 0 : i32
        %cond3A_301 = arith.cmpi ne, %convert_element_type3A_299, %cond3A_300 : i32
        scf.if %cond3A_301 {
          %dma_wait3A_429 = arith.constant 0 : i32
          %dma_wait3A_430 = arith.constant 0 : i32
          %dma_wait3A_431 = arith.constant 0 : i32
          %dma_wait3A_432 = arith.constant 0 : i32
          %dma_wait3A_433 = tpu.memref_slice %arg11[%dma_wait3A_429, %dma_wait3A_431, %dma_wait3A_432] : memref<4x64x128xf32, #tpu.memory_space<vmem>> -> memref<1x64x128xf32, #tpu.memory_space<vmem>>
          %dma_wait3A_434 = tpu.memref_squeeze %dma_wait3A_433 : memref<1x64x128xf32, #tpu.memory_space<vmem>> -> memref<64x128xf32, #tpu.memory_space<vmem>>
          %dma_wait3A_435 = arith.constant 0 : i32
          %dma_wait3A_436 = tpu.memref_slice %arg10[%dma_wait3A_430, %dma_wait3A_435] : memref<4x64xi32, #tpu.memory_space<vmem>> -> memref<1x64xi32, #tpu.memory_space<vmem>>
          %dma_wait3A_437 = tpu.memref_squeeze %dma_wait3A_436 : memref<1x64xi32, #tpu.memory_space<vmem>> -> memref<64xi32, #tpu.memory_space<vmem>>
          %dma_wait3A_438 = arith.constant 0 : i32
          %dma_wait3A_439 = arith.constant 0 : i32
          %dma_wait3A_440 = tpu.memref_slice %arg24[%dma_wait3A_438, %dma_wait3A_439] : memref<10240x128xf32, #tpu.memory_space<vmem_shared>> -> memref<10240x128xf32, #tpu.memory_space<vmem_shared>>
          tpu.wait_indirect_dma semaphore(%arg16 : memref<!tpu.dma_semaphore, #tpu.memory_space<semaphore_mem>>) src(%dma_wait3A_434 : memref<64x128xf32, #tpu.memory_space<vmem>>) dst(%dma_wait3A_440 : memref<10240x128xf32, #tpu.memory_space<vmem_shared>>)
        } else {
        }
        %lt3A_302 = arith.constant 160 : i32
        %lt3A_303 = arith.cmpi slt, %add3A_296, %lt3A_302 : i32
        %convert_element_type3A_304 = arith.extui %lt3A_303 : i1 to i32
        %cond3A_305 = arith.constant 0 : i32
        %cond3A_306 = arith.cmpi ne, %convert_element_type3A_304, %cond3A_305 : i32
        scf.if %cond3A_306 {
          %dma_wait3A_429 = arith.constant 0 : i32
          %dma_wait3A_430 = arith.constant 0 : i32
          %dma_wait3A_431 = arith.constant 0 : i32
          %dma_wait3A_432 = tpu.memref_slice %arg9[%dma_wait3A_430, %dma_wait3A_431] : memref<4x64xi32, #tpu.memory_space<vmem>> -> memref<1x64xi32, #tpu.memory_space<vmem>>
          %dma_wait3A_433 = tpu.memref_squeeze %dma_wait3A_432 : memref<1x64xi32, #tpu.memory_space<vmem>> -> memref<64xi32, #tpu.memory_space<vmem>>
          %dma_wait3A_434 = arith.constant 0 : i32
          %dma_wait3A_435 = arith.constant 0 : i32
          %dma_wait3A_436 = tpu.memref_slice %arg4[%arg1, %dma_wait3A_434, %dma_wait3A_435] : memref<16x160x64xi32, #tpu.memory_space<hbm>> -> memref<1x160x64xi32, #tpu.memory_space<hbm>>
          %dma_wait3A_437 = tpu.memref_squeeze %dma_wait3A_436 : memref<1x160x64xi32, #tpu.memory_space<hbm>> -> memref<160x64xi32, #tpu.memory_space<hbm>>
          %dma_wait3A_438 = arith.constant 0 : i32
          %dma_wait3A_439 = tpu.memref_slice %dma_wait3A_437[%dma_wait3A_429, %dma_wait3A_438] : memref<160x64xi32, #tpu.memory_space<hbm>> -> memref<1x64xi32, #tpu.memory_space<hbm>>
          %dma_wait3A_440 = tpu.memref_squeeze %dma_wait3A_439 : memref<1x64xi32, #tpu.memory_space<hbm>> -> memref<64xi32, #tpu.memory_space<hbm>>
          %dma_wait3A_441 = arith.constant 0 : i32
          %dma_wait3A_442 = tpu.memref_slice %arg9[%dma_wait3A_430, %dma_wait3A_441] : memref<4x64xi32, #tpu.memory_space<vmem>> -> memref<1x64xi32, #tpu.memory_space<vmem>>
          %dma_wait3A_443 = tpu.memref_squeeze %dma_wait3A_442 : memref<1x64xi32, #tpu.memory_space<vmem>> -> memref<64xi32, #tpu.memory_space<vmem>>
          %dma_wait3A_444 = arith.constant 0 : i32
          %dma_wait3A_445 = arith.constant 0 : i32
          %dma_wait3A_446 = tpu.memref_slice %arg4[%arg1, %dma_wait3A_444, %dma_wait3A_445] : memref<16x160x64xi32, #tpu.memory_space<hbm>> -> memref<1x160x64xi32, #tpu.memory_space<hbm>>
          %dma_wait3A_447 = tpu.memref_squeeze %dma_wait3A_446 : memref<1x160x64xi32, #tpu.memory_space<hbm>> -> memref<160x64xi32, #tpu.memory_space<hbm>>
          %dma_wait3A_448 = arith.constant 0 : i32
          %dma_wait3A_449 = tpu.memref_slice %dma_wait3A_447[%dma_wait3A_429, %dma_wait3A_448] : memref<160x64xi32, #tpu.memory_space<hbm>> -> memref<1x64xi32, #tpu.memory_space<hbm>>
          %dma_wait3A_450 = tpu.memref_squeeze %dma_wait3A_449 : memref<1x64xi32, #tpu.memory_space<hbm>> -> memref<64xi32, #tpu.memory_space<hbm>>
          tpu.wait_dma2 semaphore(%arg20 : memref<!tpu.dma_semaphore, #tpu.memory_space<semaphore_mem>>) src(%dma_wait3A_450 : memref<64xi32, #tpu.memory_space<hbm>>) dst(%dma_wait3A_443 : memref<64xi32, #tpu.memory_space<vmem>>)
          %dma_start3A_451 = arith.constant 0 : i32
          %dma_start3A_452 = arith.constant 0 : i32
          %dma_start3A_453 = tpu.memref_slice %arg10[%dma_start3A_451, %dma_start3A_452] : memref<4x64xi32, #tpu.memory_space<vmem>> -> memref<1x64xi32, #tpu.memory_space<vmem>>
          %dma_start3A_454 = tpu.memref_squeeze %dma_start3A_453 : memref<1x64xi32, #tpu.memory_space<vmem>> -> memref<64xi32, #tpu.memory_space<vmem>>
          %dma_start3A_455 = arith.constant 0 : i32
          %dma_start3A_456 = arith.constant 0 : i32
          %dma_start3A_457 = tpu.memref_slice %arg5[%arg1, %dma_start3A_455, %dma_start3A_456] : memref<16x160x64xi32, #tpu.memory_space<hbm>> -> memref<1x160x64xi32, #tpu.memory_space<hbm>>
          %dma_start3A_458 = tpu.memref_squeeze %dma_start3A_457 : memref<1x160x64xi32, #tpu.memory_space<hbm>> -> memref<160x64xi32, #tpu.memory_space<hbm>>
          %dma_start3A_459 = arith.constant 0 : i32
          %dma_start3A_460 = tpu.memref_slice %dma_start3A_458[%add3A_296, %dma_start3A_459] : memref<160x64xi32, #tpu.memory_space<hbm>> -> memref<1x64xi32, #tpu.memory_space<hbm>>
          %dma_start3A_461 = tpu.memref_squeeze %dma_start3A_460 : memref<1x64xi32, #tpu.memory_space<hbm>> -> memref<64xi32, #tpu.memory_space<hbm>>
          %dma_start3A_462 = arith.constant 0 : i32
          %dma_start3A_463 = tpu.memref_slice %arg10[%dma_start3A_451, %dma_start3A_462] : memref<4x64xi32, #tpu.memory_space<vmem>> -> memref<1x64xi32, #tpu.memory_space<vmem>>
          %dma_start3A_464 = tpu.memref_squeeze %dma_start3A_463 : memref<1x64xi32, #tpu.memory_space<vmem>> -> memref<64xi32, #tpu.memory_space<vmem>>
          %dma_start3A_465 = arith.constant 0 : i32
          %dma_start3A_466 = arith.constant 0 : i32
          %dma_start3A_467 = tpu.memref_slice %arg5[%arg1, %dma_start3A_465, %dma_start3A_466] : memref<16x160x64xi32, #tpu.memory_space<hbm>> -> memref<1x160x64xi32, #tpu.memory_space<hbm>>
          %dma_start3A_468 = tpu.memref_squeeze %dma_start3A_467 : memref<1x160x64xi32, #tpu.memory_space<hbm>> -> memref<160x64xi32, #tpu.memory_space<hbm>>
          %dma_start3A_469 = arith.constant 0 : i32
          %dma_start3A_470 = tpu.memref_slice %dma_start3A_468[%add3A_296, %dma_start3A_469] : memref<160x64xi32, #tpu.memory_space<hbm>> -> memref<1x64xi32, #tpu.memory_space<hbm>>
          %dma_start3A_471 = tpu.memref_squeeze %dma_start3A_470 : memref<1x64xi32, #tpu.memory_space<hbm>> -> memref<64xi32, #tpu.memory_space<hbm>>
          tpu.enqueue_dma source(%dma_start3A_471 : memref<64xi32, #tpu.memory_space<hbm>>) target(%dma_start3A_464 : memref<64xi32, #tpu.memory_space<vmem>>) target_semaphore(%arg12 : memref<!tpu.dma_semaphore, #tpu.memory_space<semaphore_mem>>)
          %dma_start3A_472 = arith.constant 0 : i32
          %dma_start3A_473 = arith.constant 0 : i32
          %dma_start3A_474 = arith.constant 0 : i32
          %dma_start3A_475 = arith.constant 0 : i32
          %dma_start3A_476 = tpu.memref_slice %arg11[%dma_start3A_473, %dma_start3A_474, %dma_start3A_475] : memref<4x64x128xf32, #tpu.memory_space<vmem>> -> memref<1x64x128xf32, #tpu.memory_space<vmem>>
          %dma_start3A_477 = tpu.memref_squeeze %dma_start3A_476 : memref<1x64x128xf32, #tpu.memory_space<vmem>> -> memref<64x128xf32, #tpu.memory_space<vmem>>
          %dma_start3A_478 = arith.constant 0 : i32
          %dma_start3A_479 = tpu.memref_slice %arg9[%dma_start3A_472, %dma_start3A_478] : memref<4x64xi32, #tpu.memory_space<vmem>> -> memref<1x64xi32, #tpu.memory_space<vmem>>
          %dma_start3A_480 = tpu.memref_squeeze %dma_start3A_479 : memref<1x64xi32, #tpu.memory_space<vmem>> -> memref<64xi32, #tpu.memory_space<vmem>>
          %dma_start3A_481 = arith.constant 0 : i32
          %dma_start3A_482 = arith.constant 0 : i32
          %dma_start3A_483 = tpu.memref_slice %arg2[%dma_start3A_481, %dma_start3A_482] : memref<10240x128xf32, #tpu.memory_space<hbm>> -> memref<10240x128xf32, #tpu.memory_space<hbm>>
          tpu.enqueue_indirect_dma source(%dma_start3A_483 : memref<10240x128xf32, #tpu.memory_space<hbm>>) target(%dma_start3A_477 : memref<64x128xf32, #tpu.memory_space<vmem>>) offsets(%dma_start3A_480 : memref<64xi32, #tpu.memory_space<vmem>>) semaphore(%arg12 : memref<!tpu.dma_semaphore, #tpu.memory_space<semaphore_mem>>)
        } else {
        }
        %dma_wait3A_307 = arith.constant 0 : i32
        %dma_wait3A_308 = arith.constant 2 : i32
        %dma_wait3A_309 = arith.constant 0 : i32
        %dma_wait3A_310 = tpu.memref_slice %arg10[%dma_wait3A_308, %dma_wait3A_309] : memref<4x64xi32, #tpu.memory_space<vmem>> -> memref<1x64xi32, #tpu.memory_space<vmem>>
        %dma_wait3A_311 = tpu.memref_squeeze %dma_wait3A_310 : memref<1x64xi32, #tpu.memory_space<vmem>> -> memref<64xi32, #tpu.memory_space<vmem>>
        %dma_wait3A_312 = arith.constant 0 : i32
        %dma_wait3A_313 = arith.constant 0 : i32
        %dma_wait3A_314 = tpu.memref_slice %arg5[%arg1, %dma_wait3A_312, %dma_wait3A_313] : memref<16x160x64xi32, #tpu.memory_space<hbm>> -> memref<1x160x64xi32, #tpu.memory_space<hbm>>
        %dma_wait3A_315 = tpu.memref_squeeze %dma_wait3A_314 : memref<1x160x64xi32, #tpu.memory_space<hbm>> -> memref<160x64xi32, #tpu.memory_space<hbm>>
        %dma_wait3A_316 = arith.constant 0 : i32
        %dma_wait3A_317 = tpu.memref_slice %dma_wait3A_315[%dma_wait3A_307, %dma_wait3A_316] : memref<160x64xi32, #tpu.memory_space<hbm>> -> memref<1x64xi32, #tpu.memory_space<hbm>>
        %dma_wait3A_318 = tpu.memref_squeeze %dma_wait3A_317 : memref<1x64xi32, #tpu.memory_space<hbm>> -> memref<64xi32, #tpu.memory_space<hbm>>
        %dma_wait3A_319 = arith.constant 0 : i32
        %dma_wait3A_320 = tpu.memref_slice %arg10[%dma_wait3A_308, %dma_wait3A_319] : memref<4x64xi32, #tpu.memory_space<vmem>> -> memref<1x64xi32, #tpu.memory_space<vmem>>
        %dma_wait3A_321 = tpu.memref_squeeze %dma_wait3A_320 : memref<1x64xi32, #tpu.memory_space<vmem>> -> memref<64xi32, #tpu.memory_space<vmem>>
        %dma_wait3A_322 = arith.constant 0 : i32
        %dma_wait3A_323 = arith.constant 0 : i32
        %dma_wait3A_324 = tpu.memref_slice %arg5[%arg1, %dma_wait3A_322, %dma_wait3A_323] : memref<16x160x64xi32, #tpu.memory_space<hbm>> -> memref<1x160x64xi32, #tpu.memory_space<hbm>>
        %dma_wait3A_325 = tpu.memref_squeeze %dma_wait3A_324 : memref<1x160x64xi32, #tpu.memory_space<hbm>> -> memref<160x64xi32, #tpu.memory_space<hbm>>
        %dma_wait3A_326 = arith.constant 0 : i32
        %dma_wait3A_327 = tpu.memref_slice %dma_wait3A_325[%dma_wait3A_307, %dma_wait3A_326] : memref<160x64xi32, #tpu.memory_space<hbm>> -> memref<1x64xi32, #tpu.memory_space<hbm>>
        %dma_wait3A_328 = tpu.memref_squeeze %dma_wait3A_327 : memref<1x64xi32, #tpu.memory_space<hbm>> -> memref<64xi32, #tpu.memory_space<hbm>>
        tpu.wait_dma2 semaphore(%arg14 : memref<!tpu.dma_semaphore, #tpu.memory_space<semaphore_mem>>) src(%dma_wait3A_328 : memref<64xi32, #tpu.memory_space<hbm>>) dst(%dma_wait3A_321 : memref<64xi32, #tpu.memory_space<vmem>>)
        %dma_wait3A_329 = arith.constant 0 : i32
        %dma_wait3A_330 = arith.constant 2 : i32
        %dma_wait3A_331 = arith.constant 0 : i32
        %dma_wait3A_332 = arith.constant 0 : i32
        %dma_wait3A_333 = tpu.memref_slice %arg11[%dma_wait3A_330, %dma_wait3A_331, %dma_wait3A_332] : memref<4x64x128xf32, #tpu.memory_space<vmem>> -> memref<1x64x128xf32, #tpu.memory_space<vmem>>
        %dma_wait3A_334 = tpu.memref_squeeze %dma_wait3A_333 : memref<1x64x128xf32, #tpu.memory_space<vmem>> -> memref<64x128xf32, #tpu.memory_space<vmem>>
        %dma_wait3A_335 = arith.constant 0 : i32
        %dma_wait3A_336 = tpu.memref_slice %arg9[%dma_wait3A_329, %dma_wait3A_335] : memref<4x64xi32, #tpu.memory_space<vmem>> -> memref<1x64xi32, #tpu.memory_space<vmem>>
        %dma_wait3A_337 = tpu.memref_squeeze %dma_wait3A_336 : memref<1x64xi32, #tpu.memory_space<vmem>> -> memref<64xi32, #tpu.memory_space<vmem>>
        %dma_wait3A_338 = arith.constant 0 : i32
        %dma_wait3A_339 = arith.constant 0 : i32
        %dma_wait3A_340 = tpu.memref_slice %arg2[%dma_wait3A_338, %dma_wait3A_339] : memref<10240x128xf32, #tpu.memory_space<hbm>> -> memref<10240x128xf32, #tpu.memory_space<hbm>>
        tpu.wait_indirect_dma semaphore(%arg14 : memref<!tpu.dma_semaphore, #tpu.memory_space<semaphore_mem>>) src(%dma_wait3A_340 : memref<10240x128xf32, #tpu.memory_space<hbm>>) dst(%dma_wait3A_334 : memref<64x128xf32, #tpu.memory_space<vmem>>)
        %add3A_341 = arith.constant 4 : i32
        %add3A_342 = arith.addi %add3A_294, %add3A_341 : i32
        %lt3A_343 = arith.constant 160 : i32
        %lt3A_344 = arith.cmpi slt, %add3A_342, %lt3A_343 : i32
        %convert_element_type3A_345 = arith.extui %lt3A_344 : i1 to i32
        %cond3A_346 = arith.constant 0 : i32
        %cond3A_347 = arith.cmpi ne, %convert_element_type3A_345, %cond3A_346 : i32
        scf.if %cond3A_347 {
          %add3A_429 = arith.constant 4 : i32
          %add3A_430 = arith.addi %add3A_294, %add3A_429 : i32
          %dma_start3A_431 = arith.constant 2 : i32
          %dma_start3A_432 = arith.constant 0 : i32
          %dma_start3A_433 = tpu.memref_slice %arg9[%dma_start3A_431, %dma_start3A_432] : memref<4x64xi32, #tpu.memory_space<vmem>> -> memref<1x64xi32, #tpu.memory_space<vmem>>
          %dma_start3A_434 = tpu.memref_squeeze %dma_start3A_433 : memref<1x64xi32, #tpu.memory_space<vmem>> -> memref<64xi32, #tpu.memory_space<vmem>>
          %dma_start3A_435 = arith.constant 0 : i32
          %dma_start3A_436 = arith.constant 0 : i32
          %dma_start3A_437 = tpu.memref_slice %arg4[%arg1, %dma_start3A_435, %dma_start3A_436] : memref<16x160x64xi32, #tpu.memory_space<hbm>> -> memref<1x160x64xi32, #tpu.memory_space<hbm>>
          %dma_start3A_438 = tpu.memref_squeeze %dma_start3A_437 : memref<1x160x64xi32, #tpu.memory_space<hbm>> -> memref<160x64xi32, #tpu.memory_space<hbm>>
          %dma_start3A_439 = arith.constant 0 : i32
          %dma_start3A_440 = tpu.memref_slice %dma_start3A_438[%add3A_430, %dma_start3A_439] : memref<160x64xi32, #tpu.memory_space<hbm>> -> memref<1x64xi32, #tpu.memory_space<hbm>>
          %dma_start3A_441 = tpu.memref_squeeze %dma_start3A_440 : memref<1x64xi32, #tpu.memory_space<hbm>> -> memref<64xi32, #tpu.memory_space<hbm>>
          %dma_start3A_442 = arith.constant 0 : i32
          %dma_start3A_443 = tpu.memref_slice %arg9[%dma_start3A_431, %dma_start3A_442] : memref<4x64xi32, #tpu.memory_space<vmem>> -> memref<1x64xi32, #tpu.memory_space<vmem>>
          %dma_start3A_444 = tpu.memref_squeeze %dma_start3A_443 : memref<1x64xi32, #tpu.memory_space<vmem>> -> memref<64xi32, #tpu.memory_space<vmem>>
          %dma_start3A_445 = arith.constant 0 : i32
          %dma_start3A_446 = arith.constant 0 : i32
          %dma_start3A_447 = tpu.memref_slice %arg4[%arg1, %dma_start3A_445, %dma_start3A_446] : memref<16x160x64xi32, #tpu.memory_space<hbm>> -> memref<1x160x64xi32, #tpu.memory_space<hbm>>
          %dma_start3A_448 = tpu.memref_squeeze %dma_start3A_447 : memref<1x160x64xi32, #tpu.memory_space<hbm>> -> memref<160x64xi32, #tpu.memory_space<hbm>>
          %dma_start3A_449 = arith.constant 0 : i32
          %dma_start3A_450 = tpu.memref_slice %dma_start3A_448[%add3A_430, %dma_start3A_449] : memref<160x64xi32, #tpu.memory_space<hbm>> -> memref<1x64xi32, #tpu.memory_space<hbm>>
          %dma_start3A_451 = tpu.memref_squeeze %dma_start3A_450 : memref<1x64xi32, #tpu.memory_space<hbm>> -> memref<64xi32, #tpu.memory_space<hbm>>
          tpu.enqueue_dma source(%dma_start3A_451 : memref<64xi32, #tpu.memory_space<hbm>>) target(%dma_start3A_444 : memref<64xi32, #tpu.memory_space<vmem>>) target_semaphore(%arg22 : memref<!tpu.dma_semaphore, #tpu.memory_space<semaphore_mem>>)
        } else {
        }
        %dma_start3A_348 = arith.constant 2 : i32
        %dma_start3A_349 = arith.constant 2 : i32
        %dma_start3A_350 = arith.constant 0 : i32
        %dma_start3A_351 = arith.constant 0 : i32
        %dma_start3A_352 = tpu.memref_slice %arg11[%dma_start3A_348, %dma_start3A_350, %dma_start3A_351] : memref<4x64x128xf32, #tpu.memory_space<vmem>> -> memref<1x64x128xf32, #tpu.memory_space<vmem>>
        %dma_start3A_353 = tpu.memref_squeeze %dma_start3A_352 : memref<1x64x128xf32, #tpu.memory_space<vmem>> -> memref<64x128xf32, #tpu.memory_space<vmem>>
        %dma_start3A_354 = arith.constant 0 : i32
        %dma_start3A_355 = tpu.memref_slice %arg10[%dma_start3A_349, %dma_start3A_354] : memref<4x64xi32, #tpu.memory_space<vmem>> -> memref<1x64xi32, #tpu.memory_space<vmem>>
        %dma_start3A_356 = tpu.memref_squeeze %dma_start3A_355 : memref<1x64xi32, #tpu.memory_space<vmem>> -> memref<64xi32, #tpu.memory_space<vmem>>
        %dma_start3A_357 = arith.constant 0 : i32
        %dma_start3A_358 = arith.constant 0 : i32
        %dma_start3A_359 = tpu.memref_slice %arg24[%dma_start3A_357, %dma_start3A_358] : memref<10240x128xf32, #tpu.memory_space<vmem_shared>> -> memref<10240x128xf32, #tpu.memory_space<vmem_shared>>
        tpu.enqueue_indirect_dma source(%dma_start3A_353 : memref<64x128xf32, #tpu.memory_space<vmem>>) target(%dma_start3A_359 : memref<10240x128xf32, #tpu.memory_space<vmem_shared>>) offsets(%dma_start3A_356 : memref<64xi32, #tpu.memory_space<vmem>>) semaphore(%arg18 : memref<!tpu.dma_semaphore, #tpu.memory_space<semaphore_mem>>) {add = true}
        %mul3A_360 = arith.constant 4 : i32
        %mul3A_361 = arith.muli %mul3A_360, %add3A_154 : i32
        %add3A_362 = arith.constant 3 : i32
        %add3A_363 = arith.addi %mul3A_361, %add3A_362 : i32
        %add3A_364 = arith.constant 2 : i32
        %add3A_365 = arith.addi %add3A_363, %add3A_364 : i32
        %ge3A_366 = arith.constant 4 : i32
        %ge3A_367 = arith.cmpi sge, %add3A_365, %ge3A_366 : i32
        %convert_element_type3A_368 = arith.extui %ge3A_367 : i1 to i32
        %cond3A_369 = arith.constant 0 : i32
        %cond3A_370 = arith.cmpi ne, %convert_element_type3A_368, %cond3A_369 : i32
        scf.if %cond3A_370 {
          %dma_wait3A_429 = arith.constant 1 : i32
          %dma_wait3A_430 = arith.constant 1 : i32
          %dma_wait3A_431 = arith.constant 0 : i32
          %dma_wait3A_432 = arith.constant 0 : i32
          %dma_wait3A_433 = tpu.memref_slice %arg11[%dma_wait3A_429, %dma_wait3A_431, %dma_wait3A_432] : memref<4x64x128xf32, #tpu.memory_space<vmem>> -> memref<1x64x128xf32, #tpu.memory_space<vmem>>
          %dma_wait3A_434 = tpu.memref_squeeze %dma_wait3A_433 : memref<1x64x128xf32, #tpu.memory_space<vmem>> -> memref<64x128xf32, #tpu.memory_space<vmem>>
          %dma_wait3A_435 = arith.constant 0 : i32
          %dma_wait3A_436 = tpu.memref_slice %arg10[%dma_wait3A_430, %dma_wait3A_435] : memref<4x64xi32, #tpu.memory_space<vmem>> -> memref<1x64xi32, #tpu.memory_space<vmem>>
          %dma_wait3A_437 = tpu.memref_squeeze %dma_wait3A_436 : memref<1x64xi32, #tpu.memory_space<vmem>> -> memref<64xi32, #tpu.memory_space<vmem>>
          %dma_wait3A_438 = arith.constant 0 : i32
          %dma_wait3A_439 = arith.constant 0 : i32
          %dma_wait3A_440 = tpu.memref_slice %arg24[%dma_wait3A_438, %dma_wait3A_439] : memref<10240x128xf32, #tpu.memory_space<vmem_shared>> -> memref<10240x128xf32, #tpu.memory_space<vmem_shared>>
          tpu.wait_indirect_dma semaphore(%arg17 : memref<!tpu.dma_semaphore, #tpu.memory_space<semaphore_mem>>) src(%dma_wait3A_434 : memref<64x128xf32, #tpu.memory_space<vmem>>) dst(%dma_wait3A_440 : memref<10240x128xf32, #tpu.memory_space<vmem_shared>>)
        } else {
        }
        %lt3A_371 = arith.constant 160 : i32
        %lt3A_372 = arith.cmpi slt, %add3A_365, %lt3A_371 : i32
        %convert_element_type3A_373 = arith.extui %lt3A_372 : i1 to i32
        %cond3A_374 = arith.constant 0 : i32
        %cond3A_375 = arith.cmpi ne, %convert_element_type3A_373, %cond3A_374 : i32
        scf.if %cond3A_375 {
          %dma_wait3A_429 = arith.constant 0 : i32
          %dma_wait3A_430 = arith.constant 1 : i32
          %dma_wait3A_431 = arith.constant 0 : i32
          %dma_wait3A_432 = tpu.memref_slice %arg9[%dma_wait3A_430, %dma_wait3A_431] : memref<4x64xi32, #tpu.memory_space<vmem>> -> memref<1x64xi32, #tpu.memory_space<vmem>>
          %dma_wait3A_433 = tpu.memref_squeeze %dma_wait3A_432 : memref<1x64xi32, #tpu.memory_space<vmem>> -> memref<64xi32, #tpu.memory_space<vmem>>
          %dma_wait3A_434 = arith.constant 0 : i32
          %dma_wait3A_435 = arith.constant 0 : i32
          %dma_wait3A_436 = tpu.memref_slice %arg4[%arg1, %dma_wait3A_434, %dma_wait3A_435] : memref<16x160x64xi32, #tpu.memory_space<hbm>> -> memref<1x160x64xi32, #tpu.memory_space<hbm>>
          %dma_wait3A_437 = tpu.memref_squeeze %dma_wait3A_436 : memref<1x160x64xi32, #tpu.memory_space<hbm>> -> memref<160x64xi32, #tpu.memory_space<hbm>>
          %dma_wait3A_438 = arith.constant 0 : i32
          %dma_wait3A_439 = tpu.memref_slice %dma_wait3A_437[%dma_wait3A_429, %dma_wait3A_438] : memref<160x64xi32, #tpu.memory_space<hbm>> -> memref<1x64xi32, #tpu.memory_space<hbm>>
          %dma_wait3A_440 = tpu.memref_squeeze %dma_wait3A_439 : memref<1x64xi32, #tpu.memory_space<hbm>> -> memref<64xi32, #tpu.memory_space<hbm>>
          %dma_wait3A_441 = arith.constant 0 : i32
          %dma_wait3A_442 = tpu.memref_slice %arg9[%dma_wait3A_430, %dma_wait3A_441] : memref<4x64xi32, #tpu.memory_space<vmem>> -> memref<1x64xi32, #tpu.memory_space<vmem>>
          %dma_wait3A_443 = tpu.memref_squeeze %dma_wait3A_442 : memref<1x64xi32, #tpu.memory_space<vmem>> -> memref<64xi32, #tpu.memory_space<vmem>>
          %dma_wait3A_444 = arith.constant 0 : i32
          %dma_wait3A_445 = arith.constant 0 : i32
          %dma_wait3A_446 = tpu.memref_slice %arg4[%arg1, %dma_wait3A_444, %dma_wait3A_445] : memref<16x160x64xi32, #tpu.memory_space<hbm>> -> memref<1x160x64xi32, #tpu.memory_space<hbm>>
          %dma_wait3A_447 = tpu.memref_squeeze %dma_wait3A_446 : memref<1x160x64xi32, #tpu.memory_space<hbm>> -> memref<160x64xi32, #tpu.memory_space<hbm>>
          %dma_wait3A_448 = arith.constant 0 : i32
          %dma_wait3A_449 = tpu.memref_slice %dma_wait3A_447[%dma_wait3A_429, %dma_wait3A_448] : memref<160x64xi32, #tpu.memory_space<hbm>> -> memref<1x64xi32, #tpu.memory_space<hbm>>
          %dma_wait3A_450 = tpu.memref_squeeze %dma_wait3A_449 : memref<1x64xi32, #tpu.memory_space<hbm>> -> memref<64xi32, #tpu.memory_space<hbm>>
          tpu.wait_dma2 semaphore(%arg21 : memref<!tpu.dma_semaphore, #tpu.memory_space<semaphore_mem>>) src(%dma_wait3A_450 : memref<64xi32, #tpu.memory_space<hbm>>) dst(%dma_wait3A_443 : memref<64xi32, #tpu.memory_space<vmem>>)
          %dma_start3A_451 = arith.constant 1 : i32
          %dma_start3A_452 = arith.constant 0 : i32
          %dma_start3A_453 = tpu.memref_slice %arg10[%dma_start3A_451, %dma_start3A_452] : memref<4x64xi32, #tpu.memory_space<vmem>> -> memref<1x64xi32, #tpu.memory_space<vmem>>
          %dma_start3A_454 = tpu.memref_squeeze %dma_start3A_453 : memref<1x64xi32, #tpu.memory_space<vmem>> -> memref<64xi32, #tpu.memory_space<vmem>>
          %dma_start3A_455 = arith.constant 0 : i32
          %dma_start3A_456 = arith.constant 0 : i32
          %dma_start3A_457 = tpu.memref_slice %arg5[%arg1, %dma_start3A_455, %dma_start3A_456] : memref<16x160x64xi32, #tpu.memory_space<hbm>> -> memref<1x160x64xi32, #tpu.memory_space<hbm>>
          %dma_start3A_458 = tpu.memref_squeeze %dma_start3A_457 : memref<1x160x64xi32, #tpu.memory_space<hbm>> -> memref<160x64xi32, #tpu.memory_space<hbm>>
          %dma_start3A_459 = arith.constant 0 : i32
          %dma_start3A_460 = tpu.memref_slice %dma_start3A_458[%add3A_365, %dma_start3A_459] : memref<160x64xi32, #tpu.memory_space<hbm>> -> memref<1x64xi32, #tpu.memory_space<hbm>>
          %dma_start3A_461 = tpu.memref_squeeze %dma_start3A_460 : memref<1x64xi32, #tpu.memory_space<hbm>> -> memref<64xi32, #tpu.memory_space<hbm>>
          %dma_start3A_462 = arith.constant 0 : i32
          %dma_start3A_463 = tpu.memref_slice %arg10[%dma_start3A_451, %dma_start3A_462] : memref<4x64xi32, #tpu.memory_space<vmem>> -> memref<1x64xi32, #tpu.memory_space<vmem>>
          %dma_start3A_464 = tpu.memref_squeeze %dma_start3A_463 : memref<1x64xi32, #tpu.memory_space<vmem>> -> memref<64xi32, #tpu.memory_space<vmem>>
          %dma_start3A_465 = arith.constant 0 : i32
          %dma_start3A_466 = arith.constant 0 : i32
          %dma_start3A_467 = tpu.memref_slice %arg5[%arg1, %dma_start3A_465, %dma_start3A_466] : memref<16x160x64xi32, #tpu.memory_space<hbm>> -> memref<1x160x64xi32, #tpu.memory_space<hbm>>
          %dma_start3A_468 = tpu.memref_squeeze %dma_start3A_467 : memref<1x160x64xi32, #tpu.memory_space<hbm>> -> memref<160x64xi32, #tpu.memory_space<hbm>>
          %dma_start3A_469 = arith.constant 0 : i32
          %dma_start3A_470 = tpu.memref_slice %dma_start3A_468[%add3A_365, %dma_start3A_469] : memref<160x64xi32, #tpu.memory_space<hbm>> -> memref<1x64xi32, #tpu.memory_space<hbm>>
          %dma_start3A_471 = tpu.memref_squeeze %dma_start3A_470 : memref<1x64xi32, #tpu.memory_space<hbm>> -> memref<64xi32, #tpu.memory_space<hbm>>
          tpu.enqueue_dma source(%dma_start3A_471 : memref<64xi32, #tpu.memory_space<hbm>>) target(%dma_start3A_464 : memref<64xi32, #tpu.memory_space<vmem>>) target_semaphore(%arg13 : memref<!tpu.dma_semaphore, #tpu.memory_space<semaphore_mem>>)
          %dma_start3A_472 = arith.constant 1 : i32
          %dma_start3A_473 = arith.constant 1 : i32
          %dma_start3A_474 = arith.constant 0 : i32
          %dma_start3A_475 = arith.constant 0 : i32
          %dma_start3A_476 = tpu.memref_slice %arg11[%dma_start3A_473, %dma_start3A_474, %dma_start3A_475] : memref<4x64x128xf32, #tpu.memory_space<vmem>> -> memref<1x64x128xf32, #tpu.memory_space<vmem>>
          %dma_start3A_477 = tpu.memref_squeeze %dma_start3A_476 : memref<1x64x128xf32, #tpu.memory_space<vmem>> -> memref<64x128xf32, #tpu.memory_space<vmem>>
          %dma_start3A_478 = arith.constant 0 : i32
          %dma_start3A_479 = tpu.memref_slice %arg9[%dma_start3A_472, %dma_start3A_478] : memref<4x64xi32, #tpu.memory_space<vmem>> -> memref<1x64xi32, #tpu.memory_space<vmem>>
          %dma_start3A_480 = tpu.memref_squeeze %dma_start3A_479 : memref<1x64xi32, #tpu.memory_space<vmem>> -> memref<64xi32, #tpu.memory_space<vmem>>
          %dma_start3A_481 = arith.constant 0 : i32
          %dma_start3A_482 = arith.constant 0 : i32
          %dma_start3A_483 = tpu.memref_slice %arg2[%dma_start3A_481, %dma_start3A_482] : memref<10240x128xf32, #tpu.memory_space<hbm>> -> memref<10240x128xf32, #tpu.memory_space<hbm>>
          tpu.enqueue_indirect_dma source(%dma_start3A_483 : memref<10240x128xf32, #tpu.memory_space<hbm>>) target(%dma_start3A_477 : memref<64x128xf32, #tpu.memory_space<vmem>>) offsets(%dma_start3A_480 : memref<64xi32, #tpu.memory_space<vmem>>) semaphore(%arg13 : memref<!tpu.dma_semaphore, #tpu.memory_space<semaphore_mem>>)
        } else {
        }
        %dma_wait3A_376 = arith.constant 0 : i32
        %dma_wait3A_377 = arith.constant 3 : i32
        %dma_wait3A_378 = arith.constant 0 : i32
        %dma_wait3A_379 = tpu.memref_slice %arg10[%dma_wait3A_377, %dma_wait3A_378] : memref<4x64xi32, #tpu.memory_space<vmem>> -> memref<1x64xi32, #tpu.memory_space<vmem>>
        %dma_wait3A_380 = tpu.memref_squeeze %dma_wait3A_379 : memref<1x64xi32, #tpu.memory_space<vmem>> -> memref<64xi32, #tpu.memory_space<vmem>>
        %dma_wait3A_381 = arith.constant 0 : i32
        %dma_wait3A_382 = arith.constant 0 : i32
        %dma_wait3A_383 = tpu.memref_slice %arg5[%arg1, %dma_wait3A_381, %dma_wait3A_382] : memref<16x160x64xi32, #tpu.memory_space<hbm>> -> memref<1x160x64xi32, #tpu.memory_space<hbm>>
        %dma_wait3A_384 = tpu.memref_squeeze %dma_wait3A_383 : memref<1x160x64xi32, #tpu.memory_space<hbm>> -> memref<160x64xi32, #tpu.memory_space<hbm>>
        %dma_wait3A_385 = arith.constant 0 : i32
        %dma_wait3A_386 = tpu.memref_slice %dma_wait3A_384[%dma_wait3A_376, %dma_wait3A_385] : memref<160x64xi32, #tpu.memory_space<hbm>> -> memref<1x64xi32, #tpu.memory_space<hbm>>
        %dma_wait3A_387 = tpu.memref_squeeze %dma_wait3A_386 : memref<1x64xi32, #tpu.memory_space<hbm>> -> memref<64xi32, #tpu.memory_space<hbm>>
        %dma_wait3A_388 = arith.constant 0 : i32
        %dma_wait3A_389 = tpu.memref_slice %arg10[%dma_wait3A_377, %dma_wait3A_388] : memref<4x64xi32, #tpu.memory_space<vmem>> -> memref<1x64xi32, #tpu.memory_space<vmem>>
        %dma_wait3A_390 = tpu.memref_squeeze %dma_wait3A_389 : memref<1x64xi32, #tpu.memory_space<vmem>> -> memref<64xi32, #tpu.memory_space<vmem>>
        %dma_wait3A_391 = arith.constant 0 : i32
        %dma_wait3A_392 = arith.constant 0 : i32
        %dma_wait3A_393 = tpu.memref_slice %arg5[%arg1, %dma_wait3A_391, %dma_wait3A_392] : memref<16x160x64xi32, #tpu.memory_space<hbm>> -> memref<1x160x64xi32, #tpu.memory_space<hbm>>
        %dma_wait3A_394 = tpu.memref_squeeze %dma_wait3A_393 : memref<1x160x64xi32, #tpu.memory_space<hbm>> -> memref<160x64xi32, #tpu.memory_space<hbm>>
        %dma_wait3A_395 = arith.constant 0 : i32
        %dma_wait3A_396 = tpu.memref_slice %dma_wait3A_394[%dma_wait3A_376, %dma_wait3A_395] : memref<160x64xi32, #tpu.memory_space<hbm>> -> memref<1x64xi32, #tpu.memory_space<hbm>>
        %dma_wait3A_397 = tpu.memref_squeeze %dma_wait3A_396 : memref<1x64xi32, #tpu.memory_space<hbm>> -> memref<64xi32, #tpu.memory_space<hbm>>
        tpu.wait_dma2 semaphore(%arg15 : memref<!tpu.dma_semaphore, #tpu.memory_space<semaphore_mem>>) src(%dma_wait3A_397 : memref<64xi32, #tpu.memory_space<hbm>>) dst(%dma_wait3A_390 : memref<64xi32, #tpu.memory_space<vmem>>)
        %dma_wait3A_398 = arith.constant 0 : i32
        %dma_wait3A_399 = arith.constant 3 : i32
        %dma_wait3A_400 = arith.constant 0 : i32
        %dma_wait3A_401 = arith.constant 0 : i32
        %dma_wait3A_402 = tpu.memref_slice %arg11[%dma_wait3A_399, %dma_wait3A_400, %dma_wait3A_401] : memref<4x64x128xf32, #tpu.memory_space<vmem>> -> memref<1x64x128xf32, #tpu.memory_space<vmem>>
        %dma_wait3A_403 = tpu.memref_squeeze %dma_wait3A_402 : memref<1x64x128xf32, #tpu.memory_space<vmem>> -> memref<64x128xf32, #tpu.memory_space<vmem>>
        %dma_wait3A_404 = arith.constant 0 : i32
        %dma_wait3A_405 = tpu.memref_slice %arg9[%dma_wait3A_398, %dma_wait3A_404] : memref<4x64xi32, #tpu.memory_space<vmem>> -> memref<1x64xi32, #tpu.memory_space<vmem>>
        %dma_wait3A_406 = tpu.memref_squeeze %dma_wait3A_405 : memref<1x64xi32, #tpu.memory_space<vmem>> -> memref<64xi32, #tpu.memory_space<vmem>>
        %dma_wait3A_407 = arith.constant 0 : i32
        %dma_wait3A_408 = arith.constant 0 : i32
        %dma_wait3A_409 = tpu.memref_slice %arg2[%dma_wait3A_407, %dma_wait3A_408] : memref<10240x128xf32, #tpu.memory_space<hbm>> -> memref<10240x128xf32, #tpu.memory_space<hbm>>
        tpu.wait_indirect_dma semaphore(%arg15 : memref<!tpu.dma_semaphore, #tpu.memory_space<semaphore_mem>>) src(%dma_wait3A_409 : memref<10240x128xf32, #tpu.memory_space<hbm>>) dst(%dma_wait3A_403 : memref<64x128xf32, #tpu.memory_space<vmem>>)
        %add3A_410 = arith.constant 4 : i32
        %add3A_411 = arith.addi %add3A_363, %add3A_410 : i32
        %lt3A_412 = arith.constant 160 : i32
        %lt3A_413 = arith.cmpi slt, %add3A_411, %lt3A_412 : i32
        %convert_element_type3A_414 = arith.extui %lt3A_413 : i1 to i32
        %cond3A_415 = arith.constant 0 : i32
        %cond3A_416 = arith.cmpi ne, %convert_element_type3A_414, %cond3A_415 : i32
        scf.if %cond3A_416 {
          %add3A_429 = arith.constant 4 : i32
          %add3A_430 = arith.addi %add3A_363, %add3A_429 : i32
          %dma_start3A_431 = arith.constant 3 : i32
          %dma_start3A_432 = arith.constant 0 : i32
          %dma_start3A_433 = tpu.memref_slice %arg9[%dma_start3A_431, %dma_start3A_432] : memref<4x64xi32, #tpu.memory_space<vmem>> -> memref<1x64xi32, #tpu.memory_space<vmem>>
          %dma_start3A_434 = tpu.memref_squeeze %dma_start3A_433 : memref<1x64xi32, #tpu.memory_space<vmem>> -> memref<64xi32, #tpu.memory_space<vmem>>
          %dma_start3A_435 = arith.constant 0 : i32
          %dma_start3A_436 = arith.constant 0 : i32
          %dma_start3A_437 = tpu.memref_slice %arg4[%arg1, %dma_start3A_435, %dma_start3A_436] : memref<16x160x64xi32, #tpu.memory_space<hbm>> -> memref<1x160x64xi32, #tpu.memory_space<hbm>>
          %dma_start3A_438 = tpu.memref_squeeze %dma_start3A_437 : memref<1x160x64xi32, #tpu.memory_space<hbm>> -> memref<160x64xi32, #tpu.memory_space<hbm>>
          %dma_start3A_439 = arith.constant 0 : i32
          %dma_start3A_440 = tpu.memref_slice %dma_start3A_438[%add3A_430, %dma_start3A_439] : memref<160x64xi32, #tpu.memory_space<hbm>> -> memref<1x64xi32, #tpu.memory_space<hbm>>
          %dma_start3A_441 = tpu.memref_squeeze %dma_start3A_440 : memref<1x64xi32, #tpu.memory_space<hbm>> -> memref<64xi32, #tpu.memory_space<hbm>>
          %dma_start3A_442 = arith.constant 0 : i32
          %dma_start3A_443 = tpu.memref_slice %arg9[%dma_start3A_431, %dma_start3A_442] : memref<4x64xi32, #tpu.memory_space<vmem>> -> memref<1x64xi32, #tpu.memory_space<vmem>>
          %dma_start3A_444 = tpu.memref_squeeze %dma_start3A_443 : memref<1x64xi32, #tpu.memory_space<vmem>> -> memref<64xi32, #tpu.memory_space<vmem>>
          %dma_start3A_445 = arith.constant 0 : i32
          %dma_start3A_446 = arith.constant 0 : i32
          %dma_start3A_447 = tpu.memref_slice %arg4[%arg1, %dma_start3A_445, %dma_start3A_446] : memref<16x160x64xi32, #tpu.memory_space<hbm>> -> memref<1x160x64xi32, #tpu.memory_space<hbm>>
          %dma_start3A_448 = tpu.memref_squeeze %dma_start3A_447 : memref<1x160x64xi32, #tpu.memory_space<hbm>> -> memref<160x64xi32, #tpu.memory_space<hbm>>
          %dma_start3A_449 = arith.constant 0 : i32
          %dma_start3A_450 = tpu.memref_slice %dma_start3A_448[%add3A_430, %dma_start3A_449] : memref<160x64xi32, #tpu.memory_space<hbm>> -> memref<1x64xi32, #tpu.memory_space<hbm>>
          %dma_start3A_451 = tpu.memref_squeeze %dma_start3A_450 : memref<1x64xi32, #tpu.memory_space<hbm>> -> memref<64xi32, #tpu.memory_space<hbm>>
          tpu.enqueue_dma source(%dma_start3A_451 : memref<64xi32, #tpu.memory_space<hbm>>) target(%dma_start3A_444 : memref<64xi32, #tpu.memory_space<vmem>>) target_semaphore(%arg23 : memref<!tpu.dma_semaphore, #tpu.memory_space<semaphore_mem>>)
        } else {
        }
        %dma_start3A_417 = arith.constant 3 : i32
        %dma_start3A_418 = arith.constant 3 : i32
        %dma_start3A_419 = arith.constant 0 : i32
        %dma_start3A_420 = arith.constant 0 : i32
        %dma_start3A_421 = tpu.memref_slice %arg11[%dma_start3A_417, %dma_start3A_419, %dma_start3A_420] : memref<4x64x128xf32, #tpu.memory_space<vmem>> -> memref<1x64x128xf32, #tpu.memory_space<vmem>>
        %dma_start3A_422 = tpu.memref_squeeze %dma_start3A_421 : memref<1x64x128xf32, #tpu.memory_space<vmem>> -> memref<64x128xf32, #tpu.memory_space<vmem>>
        %dma_start3A_423 = arith.constant 0 : i32
        %dma_start3A_424 = tpu.memref_slice %arg10[%dma_start3A_418, %dma_start3A_423] : memref<4x64xi32, #tpu.memory_space<vmem>> -> memref<1x64xi32, #tpu.memory_space<vmem>>
        %dma_start3A_425 = tpu.memref_squeeze %dma_start3A_424 : memref<1x64xi32, #tpu.memory_space<vmem>> -> memref<64xi32, #tpu.memory_space<vmem>>
        %dma_start3A_426 = arith.constant 0 : i32
        %dma_start3A_427 = arith.constant 0 : i32
        %dma_start3A_428 = tpu.memref_slice %arg24[%dma_start3A_426, %dma_start3A_427] : memref<10240x128xf32, #tpu.memory_space<vmem_shared>> -> memref<10240x128xf32, #tpu.memory_space<vmem_shared>>
        tpu.enqueue_indirect_dma source(%dma_start3A_422 : memref<64x128xf32, #tpu.memory_space<vmem>>) target(%dma_start3A_428 : memref<10240x128xf32, #tpu.memory_space<vmem_shared>>) offsets(%dma_start3A_425 : memref<64xi32, #tpu.memory_space<vmem>>) semaphore(%arg19 : memref<!tpu.dma_semaphore, #tpu.memory_space<semaphore_mem>>) {add = true}
      }
      %scan3A_125 = arith.constant 40 : i32
      %dma_wait3A = arith.constant 2 : i32
      %dma_wait3A_126 = arith.constant 2 : i32
      %dma_wait3A_127 = arith.constant 0 : i32
      %dma_wait3A_128 = arith.constant 0 : i32
      %dma_wait3A_129 = tpu.memref_slice %arg11[%dma_wait3A, %dma_wait3A_127, %dma_wait3A_128] : memref<4x64x128xf32, #tpu.memory_space<vmem>> -> memref<1x64x128xf32, #tpu.memory_space<vmem>>
      %dma_wait3A_130 = tpu.memref_squeeze %dma_wait3A_129 : memref<1x64x128xf32, #tpu.memory_space<vmem>> -> memref<64x128xf32, #tpu.memory_space<vmem>>
      %dma_wait3A_131 = arith.constant 0 : i32
      %dma_wait3A_132 = tpu.memref_slice %arg10[%dma_wait3A_126, %dma_wait3A_131] : memref<4x64xi32, #tpu.memory_space<vmem>> -> memref<1x64xi32, #tpu.memory_space<vmem>>
      %dma_wait3A_133 = tpu.memref_squeeze %dma_wait3A_132 : memref<1x64xi32, #tpu.memory_space<vmem>> -> memref<64xi32, #tpu.memory_space<vmem>>
      %dma_wait3A_134 = arith.constant 0 : i32
      %dma_wait3A_135 = arith.constant 0 : i32
      %dma_wait3A_136 = tpu.memref_slice %arg24[%dma_wait3A_134, %dma_wait3A_135] : memref<10240x128xf32, #tpu.memory_space<vmem_shared>> -> memref<10240x128xf32, #tpu.memory_space<vmem_shared>>
      tpu.wait_indirect_dma semaphore(%arg18 : memref<!tpu.dma_semaphore, #tpu.memory_space<semaphore_mem>>) src(%dma_wait3A_130 : memref<64x128xf32, #tpu.memory_space<vmem>>) dst(%dma_wait3A_136 : memref<10240x128xf32, #tpu.memory_space<vmem_shared>>)
      %dma_wait3A_137 = arith.constant 3 : i32
      %dma_wait3A_138 = arith.constant 3 : i32
      %dma_wait3A_139 = arith.constant 0 : i32
      %dma_wait3A_140 = arith.constant 0 : i32
      %dma_wait3A_141 = tpu.memref_slice %arg11[%dma_wait3A_137, %dma_wait3A_139, %dma_wait3A_140] : memref<4x64x128xf32, #tpu.memory_space<vmem>> -> memref<1x64x128xf32, #tpu.memory_space<vmem>>
      %dma_wait3A_142 = tpu.memref_squeeze %dma_wait3A_141 : memref<1x64x128xf32, #tpu.memory_space<vmem>> -> memref<64x128xf32, #tpu.memory_space<vmem>>
      %dma_wait3A_143 = arith.constant 0 : i32
      %dma_wait3A_144 = tpu.memref_slice %arg10[%dma_wait3A_138, %dma_wait3A_143] : memref<4x64xi32, #tpu.memory_space<vmem>> -> memref<1x64xi32, #tpu.memory_space<vmem>>
      %dma_wait3A_145 = tpu.memref_squeeze %dma_wait3A_144 : memref<1x64xi32, #tpu.memory_space<vmem>> -> memref<64xi32, #tpu.memory_space<vmem>>
      %dma_wait3A_146 = arith.constant 0 : i32
      %dma_wait3A_147 = arith.constant 0 : i32
      %dma_wait3A_148 = tpu.memref_slice %arg24[%dma_wait3A_146, %dma_wait3A_147] : memref<10240x128xf32, #tpu.memory_space<vmem_shared>> -> memref<10240x128xf32, #tpu.memory_space<vmem_shared>>
      tpu.wait_indirect_dma semaphore(%arg19 : memref<!tpu.dma_semaphore, #tpu.memory_space<semaphore_mem>>) src(%dma_wait3A_142 : memref<64x128xf32, #tpu.memory_space<vmem>>) dst(%dma_wait3A_148 : memref<10240x128xf32, #tpu.memory_space<vmem_shared>>)
      %barrier3A_149 = arith.constant 0 : index
      tpu.barrier barrier_id(%barrier3A_149)
      "tpu.region"() ({
        %run_scoped3A_151 = tpu.sem_alloc : memref<!tpu.dma_semaphore, #tpu.memory_space<semaphore_mem>>
        %dma_start3A_152 = arith.constant 0 : i32
        %dma_start3A_153 = tpu.memref_slice %arg7[%mul3A_0, %dma_start3A_152] : memref<10240x128xf32, #tpu.memory_space<hbm>> -> memref<640x128xf32, #tpu.memory_space<hbm>>
        %dma_start3A_154 = arith.constant 0 : i32
        %dma_start3A_155 = tpu.memref_slice %arg24[%mul3A_0, %dma_start3A_154] : memref<10240x128xf32, #tpu.memory_space<vmem_shared>> -> memref<640x128xf32, #tpu.memory_space<vmem_shared>>
        tpu.enqueue_dma source(%dma_start3A_155 : memref<640x128xf32, #tpu.memory_space<vmem_shared>>) target(%dma_start3A_153 : memref<640x128xf32, #tpu.memory_space<hbm>>) target_semaphore(%run_scoped3A_151 : memref<!tpu.dma_semaphore, #tpu.memory_space<semaphore_mem>>)
        %dma_wait3A_156 = arith.constant 0 : i32
        %dma_wait3A_157 = tpu.memref_slice %arg7[%mul3A_0, %dma_wait3A_156] : memref<10240x128xf32, #tpu.memory_space<hbm>> -> memref<640x128xf32, #tpu.memory_space<hbm>>
        %dma_wait3A_158 = arith.constant 0 : i32
        %dma_wait3A_159 = tpu.memref_slice %arg24[%mul3A_0, %dma_wait3A_158] : memref<10240x128xf32, #tpu.memory_space<vmem_shared>> -> memref<640x128xf32, #tpu.memory_space<vmem_shared>>
        tpu.wait_dma2 semaphore(%run_scoped3A_151 : memref<!tpu.dma_semaphore, #tpu.memory_space<semaphore_mem>>) src(%dma_wait3A_159 : memref<640x128xf32, #tpu.memory_space<vmem_shared>>) dst(%dma_wait3A_157 : memref<640x128xf32, #tpu.memory_space<hbm>>)
        tpu.yield
      }) : () -> ()
      %barrier3A_150 = arith.constant 0 : index
      tpu.barrier barrier_id(%barrier3A_150)
    } else {
    }
    %eq3A_3 = arith.constant 1 : i32
    %eq3A_4 = arith.cmpi eq, %arg0, %eq3A_3 : i32
    %convert_element_type3A_5 = arith.extui %eq3A_4 : i1 to i32
    %cond3A_6 = arith.constant 0 : i32
    %cond3A_7 = arith.cmpi ne, %convert_element_type3A_5, %cond3A_6 : i32
    scf.if %cond3A_7 {
      "tpu.region"() ({
        %run_scoped3A_151 = tpu.sem_alloc : memref<!tpu.dma_semaphore, #tpu.memory_space<semaphore_mem>>
        %dma_start3A_152 = arith.constant 0 : i32
        %dma_start3A_153 = tpu.memref_slice %arg24[%mul3A_0, %dma_start3A_152] : memref<10240x128xf32, #tpu.memory_space<vmem_shared>> -> memref<640x128xf32, #tpu.memory_space<vmem_shared>>
        %dma_start3A_154 = arith.constant 0 : i32
        %dma_start3A_155 = tpu.memref_slice %arg6[%mul3A_0, %dma_start3A_154] : memref<10240x128xf32, #tpu.memory_space<hbm>> -> memref<640x128xf32, #tpu.memory_space<hbm>>
        tpu.enqueue_dma source(%dma_start3A_155 : memref<640x128xf32, #tpu.memory_space<hbm>>) target(%dma_start3A_153 : memref<640x128xf32, #tpu.memory_space<vmem_shared>>) target_semaphore(%run_scoped3A_151 : memref<!tpu.dma_semaphore, #tpu.memory_space<semaphore_mem>>)
        %dma_wait3A_156 = arith.constant 0 : i32
        %dma_wait3A_157 = tpu.memref_slice %arg24[%mul3A_0, %dma_wait3A_156] : memref<10240x128xf32, #tpu.memory_space<vmem_shared>> -> memref<640x128xf32, #tpu.memory_space<vmem_shared>>
        %dma_wait3A_158 = arith.constant 0 : i32
        %dma_wait3A_159 = tpu.memref_slice %arg6[%mul3A_0, %dma_wait3A_158] : memref<10240x128xf32, #tpu.memory_space<hbm>> -> memref<640x128xf32, #tpu.memory_space<hbm>>
        tpu.wait_dma2 semaphore(%run_scoped3A_151 : memref<!tpu.dma_semaphore, #tpu.memory_space<semaphore_mem>>) src(%dma_wait3A_159 : memref<640x128xf32, #tpu.memory_space<hbm>>) dst(%dma_wait3A_157 : memref<640x128xf32, #tpu.memory_space<vmem_shared>>)
        tpu.yield
      }) : () -> ()
      %barrier3A = arith.constant 0 : index
      tpu.barrier barrier_id(%barrier3A)
      %run_scoped3A = arith.constant 0 : i32
      %run_scoped3A_8 = arith.constant 0 : i32
      "tpu.region"() ({
        %run_scoped3A_151 = tpu.sem_alloc : memref<!tpu.dma_semaphore, #tpu.memory_space<semaphore_mem>>
        %dma_start3A_152 = arith.constant 0 : i32
        %dma_start3A_153 = tpu.memref_slice %arg9[%run_scoped3A_8, %dma_start3A_152] : memref<4x64xi32, #tpu.memory_space<vmem>> -> memref<1x64xi32, #tpu.memory_space<vmem>>
        %dma_start3A_154 = tpu.memref_squeeze %dma_start3A_153 : memref<1x64xi32, #tpu.memory_space<vmem>> -> memref<64xi32, #tpu.memory_space<vmem>>
        %dma_start3A_155 = arith.constant 0 : i32
        %dma_start3A_156 = arith.constant 0 : i32
        %dma_start3A_157 = tpu.memref_slice %arg4[%arg1, %dma_start3A_155, %dma_start3A_156] : memref<16x160x64xi32, #tpu.memory_space<hbm>> -> memref<1x160x64xi32, #tpu.memory_space<hbm>>
        %dma_start3A_158 = tpu.memref_squeeze %dma_start3A_157 : memref<1x160x64xi32, #tpu.memory_space<hbm>> -> memref<160x64xi32, #tpu.memory_space<hbm>>
        %dma_start3A_159 = arith.constant 0 : i32
        %dma_start3A_160 = tpu.memref_slice %dma_start3A_158[%run_scoped3A, %dma_start3A_159] : memref<160x64xi32, #tpu.memory_space<hbm>> -> memref<1x64xi32, #tpu.memory_space<hbm>>
        %dma_start3A_161 = tpu.memref_squeeze %dma_start3A_160 : memref<1x64xi32, #tpu.memory_space<hbm>> -> memref<64xi32, #tpu.memory_space<hbm>>
        %dma_start3A_162 = arith.constant 0 : i32
        %dma_start3A_163 = tpu.memref_slice %arg9[%run_scoped3A_8, %dma_start3A_162] : memref<4x64xi32, #tpu.memory_space<vmem>> -> memref<1x64xi32, #tpu.memory_space<vmem>>
        %dma_start3A_164 = tpu.memref_squeeze %dma_start3A_163 : memref<1x64xi32, #tpu.memory_space<vmem>> -> memref<64xi32, #tpu.memory_space<vmem>>
        %dma_start3A_165 = arith.constant 0 : i32
        %dma_start3A_166 = arith.constant 0 : i32
        %dma_start3A_167 = tpu.memref_slice %arg4[%arg1, %dma_start3A_165, %dma_start3A_166] : memref<16x160x64xi32, #tpu.memory_space<hbm>> -> memref<1x160x64xi32, #tpu.memory_space<hbm>>
        %dma_start3A_168 = tpu.memref_squeeze %dma_start3A_167 : memref<1x160x64xi32, #tpu.memory_space<hbm>> -> memref<160x64xi32, #tpu.memory_space<hbm>>
        %dma_start3A_169 = arith.constant 0 : i32
        %dma_start3A_170 = tpu.memref_slice %dma_start3A_168[%run_scoped3A, %dma_start3A_169] : memref<160x64xi32, #tpu.memory_space<hbm>> -> memref<1x64xi32, #tpu.memory_space<hbm>>
        %dma_start3A_171 = tpu.memref_squeeze %dma_start3A_170 : memref<1x64xi32, #tpu.memory_space<hbm>> -> memref<64xi32, #tpu.memory_space<hbm>>
        tpu.enqueue_dma source(%dma_start3A_171 : memref<64xi32, #tpu.memory_space<hbm>>) target(%dma_start3A_164 : memref<64xi32, #tpu.memory_space<vmem>>) target_semaphore(%run_scoped3A_151 : memref<!tpu.dma_semaphore, #tpu.memory_space<semaphore_mem>>)
        %dma_wait3A_172 = arith.constant 0 : i32
        %dma_wait3A_173 = tpu.memref_slice %arg9[%run_scoped3A_8, %dma_wait3A_172] : memref<4x64xi32, #tpu.memory_space<vmem>> -> memref<1x64xi32, #tpu.memory_space<vmem>>
        %dma_wait3A_174 = tpu.memref_squeeze %dma_wait3A_173 : memref<1x64xi32, #tpu.memory_space<vmem>> -> memref<64xi32, #tpu.memory_space<vmem>>
        %dma_wait3A_175 = arith.constant 0 : i32
        %dma_wait3A_176 = arith.constant 0 : i32
        %dma_wait3A_177 = tpu.memref_slice %arg4[%arg1, %dma_wait3A_175, %dma_wait3A_176] : memref<16x160x64xi32, #tpu.memory_space<hbm>> -> memref<1x160x64xi32, #tpu.memory_space<hbm>>
        %dma_wait3A_178 = tpu.memref_squeeze %dma_wait3A_177 : memref<1x160x64xi32, #tpu.memory_space<hbm>> -> memref<160x64xi32, #tpu.memory_space<hbm>>
        %dma_wait3A_179 = arith.constant 0 : i32
        %dma_wait3A_180 = tpu.memref_slice %dma_wait3A_178[%run_scoped3A, %dma_wait3A_179] : memref<160x64xi32, #tpu.memory_space<hbm>> -> memref<1x64xi32, #tpu.memory_space<hbm>>
        %dma_wait3A_181 = tpu.memref_squeeze %dma_wait3A_180 : memref<1x64xi32, #tpu.memory_space<hbm>> -> memref<64xi32, #tpu.memory_space<hbm>>
        %dma_wait3A_182 = arith.constant 0 : i32
        %dma_wait3A_183 = tpu.memref_slice %arg9[%run_scoped3A_8, %dma_wait3A_182] : memref<4x64xi32, #tpu.memory_space<vmem>> -> memref<1x64xi32, #tpu.memory_space<vmem>>
        %dma_wait3A_184 = tpu.memref_squeeze %dma_wait3A_183 : memref<1x64xi32, #tpu.memory_space<vmem>> -> memref<64xi32, #tpu.memory_space<vmem>>
        %dma_wait3A_185 = arith.constant 0 : i32
        %dma_wait3A_186 = arith.constant 0 : i32
        %dma_wait3A_187 = tpu.memref_slice %arg4[%arg1, %dma_wait3A_185, %dma_wait3A_186] : memref<16x160x64xi32, #tpu.memory_space<hbm>> -> memref<1x160x64xi32, #tpu.memory_space<hbm>>
        %dma_wait3A_188 = tpu.memref_squeeze %dma_wait3A_187 : memref<1x160x64xi32, #tpu.memory_space<hbm>> -> memref<160x64xi32, #tpu.memory_space<hbm>>
        %dma_wait3A_189 = arith.constant 0 : i32
        %dma_wait3A_190 = tpu.memref_slice %dma_wait3A_188[%run_scoped3A, %dma_wait3A_189] : memref<160x64xi32, #tpu.memory_space<hbm>> -> memref<1x64xi32, #tpu.memory_space<hbm>>
        %dma_wait3A_191 = tpu.memref_squeeze %dma_wait3A_190 : memref<1x64xi32, #tpu.memory_space<hbm>> -> memref<64xi32, #tpu.memory_space<hbm>>
        tpu.wait_dma2 semaphore(%run_scoped3A_151 : memref<!tpu.dma_semaphore, #tpu.memory_space<semaphore_mem>>) src(%dma_wait3A_191 : memref<64xi32, #tpu.memory_space<hbm>>) dst(%dma_wait3A_184 : memref<64xi32, #tpu.memory_space<vmem>>)
        tpu.yield
      }) : () -> ()
      %dma_start3A = arith.constant 0 : i32
      %dma_start3A_9 = arith.constant 0 : i32
      %dma_start3A_10 = arith.constant 0 : i32
      %dma_start3A_11 = tpu.memref_slice %arg10[%dma_start3A_9, %dma_start3A_10] : memref<4x64xi32, #tpu.memory_space<vmem>> -> memref<1x64xi32, #tpu.memory_space<vmem>>
      %dma_start3A_12 = tpu.memref_squeeze %dma_start3A_11 : memref<1x64xi32, #tpu.memory_space<vmem>> -> memref<64xi32, #tpu.memory_space<vmem>>
      %dma_start3A_13 = arith.constant 0 : i32
      %dma_start3A_14 = arith.constant 0 : i32
      %dma_start3A_15 = tpu.memref_slice %arg5[%arg1, %dma_start3A_13, %dma_start3A_14] : memref<16x160x64xi32, #tpu.memory_space<hbm>> -> memref<1x160x64xi32, #tpu.memory_space<hbm>>
      %dma_start3A_16 = tpu.memref_squeeze %dma_start3A_15 : memref<1x160x64xi32, #tpu.memory_space<hbm>> -> memref<160x64xi32, #tpu.memory_space<hbm>>
      %dma_start3A_17 = arith.constant 0 : i32
      %dma_start3A_18 = tpu.memref_slice %dma_start3A_16[%dma_start3A, %dma_start3A_17] : memref<160x64xi32, #tpu.memory_space<hbm>> -> memref<1x64xi32, #tpu.memory_space<hbm>>
      %dma_start3A_19 = tpu.memref_squeeze %dma_start3A_18 : memref<1x64xi32, #tpu.memory_space<hbm>> -> memref<64xi32, #tpu.memory_space<hbm>>
      %dma_start3A_20 = arith.constant 0 : i32
      %dma_start3A_21 = tpu.memref_slice %arg10[%dma_start3A_9, %dma_start3A_20] : memref<4x64xi32, #tpu.memory_space<vmem>> -> memref<1x64xi32, #tpu.memory_space<vmem>>
      %dma_start3A_22 = tpu.memref_squeeze %dma_start3A_21 : memref<1x64xi32, #tpu.memory_space<vmem>> -> memref<64xi32, #tpu.memory_space<vmem>>
      %dma_start3A_23 = arith.constant 0 : i32
      %dma_start3A_24 = arith.constant 0 : i32
      %dma_start3A_25 = tpu.memref_slice %arg5[%arg1, %dma_start3A_23, %dma_start3A_24] : memref<16x160x64xi32, #tpu.memory_space<hbm>> -> memref<1x160x64xi32, #tpu.memory_space<hbm>>
      %dma_start3A_26 = tpu.memref_squeeze %dma_start3A_25 : memref<1x160x64xi32, #tpu.memory_space<hbm>> -> memref<160x64xi32, #tpu.memory_space<hbm>>
      %dma_start3A_27 = arith.constant 0 : i32
      %dma_start3A_28 = tpu.memref_slice %dma_start3A_26[%dma_start3A, %dma_start3A_27] : memref<160x64xi32, #tpu.memory_space<hbm>> -> memref<1x64xi32, #tpu.memory_space<hbm>>
      %dma_start3A_29 = tpu.memref_squeeze %dma_start3A_28 : memref<1x64xi32, #tpu.memory_space<hbm>> -> memref<64xi32, #tpu.memory_space<hbm>>
      tpu.enqueue_dma source(%dma_start3A_29 : memref<64xi32, #tpu.memory_space<hbm>>) target(%dma_start3A_22 : memref<64xi32, #tpu.memory_space<vmem>>) target_semaphore(%arg12 : memref<!tpu.dma_semaphore, #tpu.memory_space<semaphore_mem>>)
      %dma_start3A_30 = arith.constant 0 : i32
      %dma_start3A_31 = arith.constant 0 : i32
      %dma_start3A_32 = arith.constant 0 : i32
      %dma_start3A_33 = arith.constant 0 : i32
      %dma_start3A_34 = tpu.memref_slice %arg11[%dma_start3A_31, %dma_start3A_32, %dma_start3A_33] : memref<4x64x128xf32, #tpu.memory_space<vmem>> -> memref<1x64x128xf32, #tpu.memory_space<vmem>>
      %dma_start3A_35 = tpu.memref_squeeze %dma_start3A_34 : memref<1x64x128xf32, #tpu.memory_space<vmem>> -> memref<64x128xf32, #tpu.memory_space<vmem>>
      %dma_start3A_36 = arith.constant 0 : i32
      %dma_start3A_37 = tpu.memref_slice %arg9[%dma_start3A_30, %dma_start3A_36] : memref<4x64xi32, #tpu.memory_space<vmem>> -> memref<1x64xi32, #tpu.memory_space<vmem>>
      %dma_start3A_38 = tpu.memref_squeeze %dma_start3A_37 : memref<1x64xi32, #tpu.memory_space<vmem>> -> memref<64xi32, #tpu.memory_space<vmem>>
      %dma_start3A_39 = arith.constant 0 : i32
      %dma_start3A_40 = arith.constant 0 : i32
      %dma_start3A_41 = tpu.memref_slice %arg3[%dma_start3A_39, %dma_start3A_40] : memref<10240x128xf32, #tpu.memory_space<hbm>> -> memref<10240x128xf32, #tpu.memory_space<hbm>>
      tpu.enqueue_indirect_dma source(%dma_start3A_41 : memref<10240x128xf32, #tpu.memory_space<hbm>>) target(%dma_start3A_35 : memref<64x128xf32, #tpu.memory_space<vmem>>) offsets(%dma_start3A_38 : memref<64xi32, #tpu.memory_space<vmem>>) semaphore(%arg12 : memref<!tpu.dma_semaphore, #tpu.memory_space<semaphore_mem>>)
      %run_scoped3A_42 = arith.constant 1 : i32
      %run_scoped3A_43 = arith.constant 1 : i32
      "tpu.region"() ({
        %run_scoped3A_151 = tpu.sem_alloc : memref<!tpu.dma_semaphore, #tpu.memory_space<semaphore_mem>>
        %dma_start3A_152 = arith.constant 0 : i32
        %dma_start3A_153 = tpu.memref_slice %arg9[%run_scoped3A_43, %dma_start3A_152] : memref<4x64xi32, #tpu.memory_space<vmem>> -> memref<1x64xi32, #tpu.memory_space<vmem>>
        %dma_start3A_154 = tpu.memref_squeeze %dma_start3A_153 : memref<1x64xi32, #tpu.memory_space<vmem>> -> memref<64xi32, #tpu.memory_space<vmem>>
        %dma_start3A_155 = arith.constant 0 : i32
        %dma_start3A_156 = arith.constant 0 : i32
        %dma_start3A_157 = tpu.memref_slice %arg4[%arg1, %dma_start3A_155, %dma_start3A_156] : memref<16x160x64xi32, #tpu.memory_space<hbm>> -> memref<1x160x64xi32, #tpu.memory_space<hbm>>
        %dma_start3A_158 = tpu.memref_squeeze %dma_start3A_157 : memref<1x160x64xi32, #tpu.memory_space<hbm>> -> memref<160x64xi32, #tpu.memory_space<hbm>>
        %dma_start3A_159 = arith.constant 0 : i32
        %dma_start3A_160 = tpu.memref_slice %dma_start3A_158[%run_scoped3A_42, %dma_start3A_159] : memref<160x64xi32, #tpu.memory_space<hbm>> -> memref<1x64xi32, #tpu.memory_space<hbm>>
        %dma_start3A_161 = tpu.memref_squeeze %dma_start3A_160 : memref<1x64xi32, #tpu.memory_space<hbm>> -> memref<64xi32, #tpu.memory_space<hbm>>
        %dma_start3A_162 = arith.constant 0 : i32
        %dma_start3A_163 = tpu.memref_slice %arg9[%run_scoped3A_43, %dma_start3A_162] : memref<4x64xi32, #tpu.memory_space<vmem>> -> memref<1x64xi32, #tpu.memory_space<vmem>>
        %dma_start3A_164 = tpu.memref_squeeze %dma_start3A_163 : memref<1x64xi32, #tpu.memory_space<vmem>> -> memref<64xi32, #tpu.memory_space<vmem>>
        %dma_start3A_165 = arith.constant 0 : i32
        %dma_start3A_166 = arith.constant 0 : i32
        %dma_start3A_167 = tpu.memref_slice %arg4[%arg1, %dma_start3A_165, %dma_start3A_166] : memref<16x160x64xi32, #tpu.memory_space<hbm>> -> memref<1x160x64xi32, #tpu.memory_space<hbm>>
        %dma_start3A_168 = tpu.memref_squeeze %dma_start3A_167 : memref<1x160x64xi32, #tpu.memory_space<hbm>> -> memref<160x64xi32, #tpu.memory_space<hbm>>
        %dma_start3A_169 = arith.constant 0 : i32
        %dma_start3A_170 = tpu.memref_slice %dma_start3A_168[%run_scoped3A_42, %dma_start3A_169] : memref<160x64xi32, #tpu.memory_space<hbm>> -> memref<1x64xi32, #tpu.memory_space<hbm>>
        %dma_start3A_171 = tpu.memref_squeeze %dma_start3A_170 : memref<1x64xi32, #tpu.memory_space<hbm>> -> memref<64xi32, #tpu.memory_space<hbm>>
        tpu.enqueue_dma source(%dma_start3A_171 : memref<64xi32, #tpu.memory_space<hbm>>) target(%dma_start3A_164 : memref<64xi32, #tpu.memory_space<vmem>>) target_semaphore(%run_scoped3A_151 : memref<!tpu.dma_semaphore, #tpu.memory_space<semaphore_mem>>)
        %dma_wait3A_172 = arith.constant 0 : i32
        %dma_wait3A_173 = tpu.memref_slice %arg9[%run_scoped3A_43, %dma_wait3A_172] : memref<4x64xi32, #tpu.memory_space<vmem>> -> memref<1x64xi32, #tpu.memory_space<vmem>>
        %dma_wait3A_174 = tpu.memref_squeeze %dma_wait3A_173 : memref<1x64xi32, #tpu.memory_space<vmem>> -> memref<64xi32, #tpu.memory_space<vmem>>
        %dma_wait3A_175 = arith.constant 0 : i32
        %dma_wait3A_176 = arith.constant 0 : i32
        %dma_wait3A_177 = tpu.memref_slice %arg4[%arg1, %dma_wait3A_175, %dma_wait3A_176] : memref<16x160x64xi32, #tpu.memory_space<hbm>> -> memref<1x160x64xi32, #tpu.memory_space<hbm>>
        %dma_wait3A_178 = tpu.memref_squeeze %dma_wait3A_177 : memref<1x160x64xi32, #tpu.memory_space<hbm>> -> memref<160x64xi32, #tpu.memory_space<hbm>>
        %dma_wait3A_179 = arith.constant 0 : i32
        %dma_wait3A_180 = tpu.memref_slice %dma_wait3A_178[%run_scoped3A_42, %dma_wait3A_179] : memref<160x64xi32, #tpu.memory_space<hbm>> -> memref<1x64xi32, #tpu.memory_space<hbm>>
        %dma_wait3A_181 = tpu.memref_squeeze %dma_wait3A_180 : memref<1x64xi32, #tpu.memory_space<hbm>> -> memref<64xi32, #tpu.memory_space<hbm>>
        %dma_wait3A_182 = arith.constant 0 : i32
        %dma_wait3A_183 = tpu.memref_slice %arg9[%run_scoped3A_43, %dma_wait3A_182] : memref<4x64xi32, #tpu.memory_space<vmem>> -> memref<1x64xi32, #tpu.memory_space<vmem>>
        %dma_wait3A_184 = tpu.memref_squeeze %dma_wait3A_183 : memref<1x64xi32, #tpu.memory_space<vmem>> -> memref<64xi32, #tpu.memory_space<vmem>>
        %dma_wait3A_185 = arith.constant 0 : i32
        %dma_wait3A_186 = arith.constant 0 : i32
        %dma_wait3A_187 = tpu.memref_slice %arg4[%arg1, %dma_wait3A_185, %dma_wait3A_186] : memref<16x160x64xi32, #tpu.memory_space<hbm>> -> memref<1x160x64xi32, #tpu.memory_space<hbm>>
        %dma_wait3A_188 = tpu.memref_squeeze %dma_wait3A_187 : memref<1x160x64xi32, #tpu.memory_space<hbm>> -> memref<160x64xi32, #tpu.memory_space<hbm>>
        %dma_wait3A_189 = arith.constant 0 : i32
        %dma_wait3A_190 = tpu.memref_slice %dma_wait3A_188[%run_scoped3A_42, %dma_wait3A_189] : memref<160x64xi32, #tpu.memory_space<hbm>> -> memref<1x64xi32, #tpu.memory_space<hbm>>
        %dma_wait3A_191 = tpu.memref_squeeze %dma_wait3A_190 : memref<1x64xi32, #tpu.memory_space<hbm>> -> memref<64xi32, #tpu.memory_space<hbm>>
        tpu.wait_dma2 semaphore(%run_scoped3A_151 : memref<!tpu.dma_semaphore, #tpu.memory_space<semaphore_mem>>) src(%dma_wait3A_191 : memref<64xi32, #tpu.memory_space<hbm>>) dst(%dma_wait3A_184 : memref<64xi32, #tpu.memory_space<vmem>>)
        tpu.yield
      }) : () -> ()
      %dma_start3A_44 = arith.constant 1 : i32
      %dma_start3A_45 = arith.constant 1 : i32
      %dma_start3A_46 = arith.constant 0 : i32
      %dma_start3A_47 = tpu.memref_slice %arg10[%dma_start3A_45, %dma_start3A_46] : memref<4x64xi32, #tpu.memory_space<vmem>> -> memref<1x64xi32, #tpu.memory_space<vmem>>
      %dma_start3A_48 = tpu.memref_squeeze %dma_start3A_47 : memref<1x64xi32, #tpu.memory_space<vmem>> -> memref<64xi32, #tpu.memory_space<vmem>>
      %dma_start3A_49 = arith.constant 0 : i32
      %dma_start3A_50 = arith.constant 0 : i32
      %dma_start3A_51 = tpu.memref_slice %arg5[%arg1, %dma_start3A_49, %dma_start3A_50] : memref<16x160x64xi32, #tpu.memory_space<hbm>> -> memref<1x160x64xi32, #tpu.memory_space<hbm>>
      %dma_start3A_52 = tpu.memref_squeeze %dma_start3A_51 : memref<1x160x64xi32, #tpu.memory_space<hbm>> -> memref<160x64xi32, #tpu.memory_space<hbm>>
      %dma_start3A_53 = arith.constant 0 : i32
      %dma_start3A_54 = tpu.memref_slice %dma_start3A_52[%dma_start3A_44, %dma_start3A_53] : memref<160x64xi32, #tpu.memory_space<hbm>> -> memref<1x64xi32, #tpu.memory_space<hbm>>
      %dma_start3A_55 = tpu.memref_squeeze %dma_start3A_54 : memref<1x64xi32, #tpu.memory_space<hbm>> -> memref<64xi32, #tpu.memory_space<hbm>>
      %dma_start3A_56 = arith.constant 0 : i32
      %dma_start3A_57 = tpu.memref_slice %arg10[%dma_start3A_45, %dma_start3A_56] : memref<4x64xi32, #tpu.memory_space<vmem>> -> memref<1x64xi32, #tpu.memory_space<vmem>>
      %dma_start3A_58 = tpu.memref_squeeze %dma_start3A_57 : memref<1x64xi32, #tpu.memory_space<vmem>> -> memref<64xi32, #tpu.memory_space<vmem>>
      %dma_start3A_59 = arith.constant 0 : i32
      %dma_start3A_60 = arith.constant 0 : i32
      %dma_start3A_61 = tpu.memref_slice %arg5[%arg1, %dma_start3A_59, %dma_start3A_60] : memref<16x160x64xi32, #tpu.memory_space<hbm>> -> memref<1x160x64xi32, #tpu.memory_space<hbm>>
      %dma_start3A_62 = tpu.memref_squeeze %dma_start3A_61 : memref<1x160x64xi32, #tpu.memory_space<hbm>> -> memref<160x64xi32, #tpu.memory_space<hbm>>
      %dma_start3A_63 = arith.constant 0 : i32
      %dma_start3A_64 = tpu.memref_slice %dma_start3A_62[%dma_start3A_44, %dma_start3A_63] : memref<160x64xi32, #tpu.memory_space<hbm>> -> memref<1x64xi32, #tpu.memory_space<hbm>>
      %dma_start3A_65 = tpu.memref_squeeze %dma_start3A_64 : memref<1x64xi32, #tpu.memory_space<hbm>> -> memref<64xi32, #tpu.memory_space<hbm>>
      tpu.enqueue_dma source(%dma_start3A_65 : memref<64xi32, #tpu.memory_space<hbm>>) target(%dma_start3A_58 : memref<64xi32, #tpu.memory_space<vmem>>) target_semaphore(%arg13 : memref<!tpu.dma_semaphore, #tpu.memory_space<semaphore_mem>>)
      %dma_start3A_66 = arith.constant 1 : i32
      %dma_start3A_67 = arith.constant 1 : i32
      %dma_start3A_68 = arith.constant 0 : i32
      %dma_start3A_69 = arith.constant 0 : i32
      %dma_start3A_70 = tpu.memref_slice %arg11[%dma_start3A_67, %dma_start3A_68, %dma_start3A_69] : memref<4x64x128xf32, #tpu.memory_space<vmem>> -> memref<1x64x128xf32, #tpu.memory_space<vmem>>
      %dma_start3A_71 = tpu.memref_squeeze %dma_start3A_70 : memref<1x64x128xf32, #tpu.memory_space<vmem>> -> memref<64x128xf32, #tpu.memory_space<vmem>>
      %dma_start3A_72 = arith.constant 0 : i32
      %dma_start3A_73 = tpu.memref_slice %arg9[%dma_start3A_66, %dma_start3A_72] : memref<4x64xi32, #tpu.memory_space<vmem>> -> memref<1x64xi32, #tpu.memory_space<vmem>>
      %dma_start3A_74 = tpu.memref_squeeze %dma_start3A_73 : memref<1x64xi32, #tpu.memory_space<vmem>> -> memref<64xi32, #tpu.memory_space<vmem>>
      %dma_start3A_75 = arith.constant 0 : i32
      %dma_start3A_76 = arith.constant 0 : i32
      %dma_start3A_77 = tpu.memref_slice %arg3[%dma_start3A_75, %dma_start3A_76] : memref<10240x128xf32, #tpu.memory_space<hbm>> -> memref<10240x128xf32, #tpu.memory_space<hbm>>
      tpu.enqueue_indirect_dma source(%dma_start3A_77 : memref<10240x128xf32, #tpu.memory_space<hbm>>) target(%dma_start3A_71 : memref<64x128xf32, #tpu.memory_space<vmem>>) offsets(%dma_start3A_74 : memref<64xi32, #tpu.memory_space<vmem>>) semaphore(%arg13 : memref<!tpu.dma_semaphore, #tpu.memory_space<semaphore_mem>>)
      %dma_start3A_78 = arith.constant 2 : i32
      %dma_start3A_79 = arith.constant 2 : i32
      %dma_start3A_80 = arith.constant 0 : i32
      %dma_start3A_81 = tpu.memref_slice %arg9[%dma_start3A_79, %dma_start3A_80] : memref<4x64xi32, #tpu.memory_space<vmem>> -> memref<1x64xi32, #tpu.memory_space<vmem>>
      %dma_start3A_82 = tpu.memref_squeeze %dma_start3A_81 : memref<1x64xi32, #tpu.memory_space<vmem>> -> memref<64xi32, #tpu.memory_space<vmem>>
      %dma_start3A_83 = arith.constant 0 : i32
      %dma_start3A_84 = arith.constant 0 : i32
      %dma_start3A_85 = tpu.memref_slice %arg4[%arg1, %dma_start3A_83, %dma_start3A_84] : memref<16x160x64xi32, #tpu.memory_space<hbm>> -> memref<1x160x64xi32, #tpu.memory_space<hbm>>
      %dma_start3A_86 = tpu.memref_squeeze %dma_start3A_85 : memref<1x160x64xi32, #tpu.memory_space<hbm>> -> memref<160x64xi32, #tpu.memory_space<hbm>>
      %dma_start3A_87 = arith.constant 0 : i32
      %dma_start3A_88 = tpu.memref_slice %dma_start3A_86[%dma_start3A_78, %dma_start3A_87] : memref<160x64xi32, #tpu.memory_space<hbm>> -> memref<1x64xi32, #tpu.memory_space<hbm>>
      %dma_start3A_89 = tpu.memref_squeeze %dma_start3A_88 : memref<1x64xi32, #tpu.memory_space<hbm>> -> memref<64xi32, #tpu.memory_space<hbm>>
      %dma_start3A_90 = arith.constant 0 : i32
      %dma_start3A_91 = tpu.memref_slice %arg9[%dma_start3A_79, %dma_start3A_90] : memref<4x64xi32, #tpu.memory_space<vmem>> -> memref<1x64xi32, #tpu.memory_space<vmem>>
      %dma_start3A_92 = tpu.memref_squeeze %dma_start3A_91 : memref<1x64xi32, #tpu.memory_space<vmem>> -> memref<64xi32, #tpu.memory_space<vmem>>
      %dma_start3A_93 = arith.constant 0 : i32
      %dma_start3A_94 = arith.constant 0 : i32
      %dma_start3A_95 = tpu.memref_slice %arg4[%arg1, %dma_start3A_93, %dma_start3A_94] : memref<16x160x64xi32, #tpu.memory_space<hbm>> -> memref<1x160x64xi32, #tpu.memory_space<hbm>>
      %dma_start3A_96 = tpu.memref_squeeze %dma_start3A_95 : memref<1x160x64xi32, #tpu.memory_space<hbm>> -> memref<160x64xi32, #tpu.memory_space<hbm>>
      %dma_start3A_97 = arith.constant 0 : i32
      %dma_start3A_98 = tpu.memref_slice %dma_start3A_96[%dma_start3A_78, %dma_start3A_97] : memref<160x64xi32, #tpu.memory_space<hbm>> -> memref<1x64xi32, #tpu.memory_space<hbm>>
      %dma_start3A_99 = tpu.memref_squeeze %dma_start3A_98 : memref<1x64xi32, #tpu.memory_space<hbm>> -> memref<64xi32, #tpu.memory_space<hbm>>
      tpu.enqueue_dma source(%dma_start3A_99 : memref<64xi32, #tpu.memory_space<hbm>>) target(%dma_start3A_92 : memref<64xi32, #tpu.memory_space<vmem>>) target_semaphore(%arg22 : memref<!tpu.dma_semaphore, #tpu.memory_space<semaphore_mem>>)
      %dma_start3A_100 = arith.constant 3 : i32
      %dma_start3A_101 = arith.constant 3 : i32
      %dma_start3A_102 = arith.constant 0 : i32
      %dma_start3A_103 = tpu.memref_slice %arg9[%dma_start3A_101, %dma_start3A_102] : memref<4x64xi32, #tpu.memory_space<vmem>> -> memref<1x64xi32, #tpu.memory_space<vmem>>
      %dma_start3A_104 = tpu.memref_squeeze %dma_start3A_103 : memref<1x64xi32, #tpu.memory_space<vmem>> -> memref<64xi32, #tpu.memory_space<vmem>>
      %dma_start3A_105 = arith.constant 0 : i32
      %dma_start3A_106 = arith.constant 0 : i32
      %dma_start3A_107 = tpu.memref_slice %arg4[%arg1, %dma_start3A_105, %dma_start3A_106] : memref<16x160x64xi32, #tpu.memory_space<hbm>> -> memref<1x160x64xi32, #tpu.memory_space<hbm>>
      %dma_start3A_108 = tpu.memref_squeeze %dma_start3A_107 : memref<1x160x64xi32, #tpu.memory_space<hbm>> -> memref<160x64xi32, #tpu.memory_space<hbm>>
      %dma_start3A_109 = arith.constant 0 : i32
      %dma_start3A_110 = tpu.memref_slice %dma_start3A_108[%dma_start3A_100, %dma_start3A_109] : memref<160x64xi32, #tpu.memory_space<hbm>> -> memref<1x64xi32, #tpu.memory_space<hbm>>
      %dma_start3A_111 = tpu.memref_squeeze %dma_start3A_110 : memref<1x64xi32, #tpu.memory_space<hbm>> -> memref<64xi32, #tpu.memory_space<hbm>>
      %dma_start3A_112 = arith.constant 0 : i32
      %dma_start3A_113 = tpu.memref_slice %arg9[%dma_start3A_101, %dma_start3A_112] : memref<4x64xi32, #tpu.memory_space<vmem>> -> memref<1x64xi32, #tpu.memory_space<vmem>>
      %dma_start3A_114 = tpu.memref_squeeze %dma_start3A_113 : memref<1x64xi32, #tpu.memory_space<vmem>> -> memref<64xi32, #tpu.memory_space<vmem>>
      %dma_start3A_115 = arith.constant 0 : i32
      %dma_start3A_116 = arith.constant 0 : i32
      %dma_start3A_117 = tpu.memref_slice %arg4[%arg1, %dma_start3A_115, %dma_start3A_116] : memref<16x160x64xi32, #tpu.memory_space<hbm>> -> memref<1x160x64xi32, #tpu.memory_space<hbm>>
      %dma_start3A_118 = tpu.memref_squeeze %dma_start3A_117 : memref<1x160x64xi32, #tpu.memory_space<hbm>> -> memref<160x64xi32, #tpu.memory_space<hbm>>
      %dma_start3A_119 = arith.constant 0 : i32
      %dma_start3A_120 = tpu.memref_slice %dma_start3A_118[%dma_start3A_100, %dma_start3A_119] : memref<160x64xi32, #tpu.memory_space<hbm>> -> memref<1x64xi32, #tpu.memory_space<hbm>>
      %dma_start3A_121 = tpu.memref_squeeze %dma_start3A_120 : memref<1x64xi32, #tpu.memory_space<hbm>> -> memref<64xi32, #tpu.memory_space<hbm>>
      tpu.enqueue_dma source(%dma_start3A_121 : memref<64xi32, #tpu.memory_space<hbm>>) target(%dma_start3A_114 : memref<64xi32, #tpu.memory_space<vmem>>) target_semaphore(%arg23 : memref<!tpu.dma_semaphore, #tpu.memory_space<semaphore_mem>>)
      %scan3A = arith.constant 0 : i32
      %scan3A_122 = arith.constant 40 : i32
      %scan3A_123 = arith.addi %scan3A, %scan3A_122 : i32
      %scan3A_124 = arith.constant 1 : i32
      scf.for %scan3A_151 = %scan3A to %scan3A_123 step %scan3A_124  : i32 {
        %mul3A_152 = arith.constant 1 : i32
        %mul3A_153 = arith.muli %scan3A_151, %mul3A_152 : i32
        %add3A = arith.constant 0 : i32
        %add3A_154 = arith.addi %add3A, %mul3A_153 : i32
        %mul3A_155 = arith.constant 4 : i32
        %mul3A_156 = arith.muli %mul3A_155, %add3A_154 : i32
        %add3A_157 = arith.constant 0 : i32
        %add3A_158 = arith.addi %mul3A_156, %add3A_157 : i32
        %add3A_159 = arith.constant 2 : i32
        %add3A_160 = arith.addi %add3A_158, %add3A_159 : i32
        %ge3A = arith.constant 4 : i32
        %ge3A_161 = arith.cmpi sge, %add3A_160, %ge3A : i32
        %convert_element_type3A_162 = arith.extui %ge3A_161 : i1 to i32
        %cond3A_163 = arith.constant 0 : i32
        %cond3A_164 = arith.cmpi ne, %convert_element_type3A_162, %cond3A_163 : i32
        scf.if %cond3A_164 {
          %dma_wait3A_429 = arith.constant 2 : i32
          %dma_wait3A_430 = arith.constant 2 : i32
          %dma_wait3A_431 = arith.constant 0 : i32
          %dma_wait3A_432 = arith.constant 0 : i32
          %dma_wait3A_433 = tpu.memref_slice %arg11[%dma_wait3A_429, %dma_wait3A_431, %dma_wait3A_432] : memref<4x64x128xf32, #tpu.memory_space<vmem>> -> memref<1x64x128xf32, #tpu.memory_space<vmem>>
          %dma_wait3A_434 = tpu.memref_squeeze %dma_wait3A_433 : memref<1x64x128xf32, #tpu.memory_space<vmem>> -> memref<64x128xf32, #tpu.memory_space<vmem>>
          %dma_wait3A_435 = arith.constant 0 : i32
          %dma_wait3A_436 = tpu.memref_slice %arg10[%dma_wait3A_430, %dma_wait3A_435] : memref<4x64xi32, #tpu.memory_space<vmem>> -> memref<1x64xi32, #tpu.memory_space<vmem>>
          %dma_wait3A_437 = tpu.memref_squeeze %dma_wait3A_436 : memref<1x64xi32, #tpu.memory_space<vmem>> -> memref<64xi32, #tpu.memory_space<vmem>>
          %dma_wait3A_438 = arith.constant 0 : i32
          %dma_wait3A_439 = arith.constant 0 : i32
          %dma_wait3A_440 = tpu.memref_slice %arg24[%dma_wait3A_438, %dma_wait3A_439] : memref<10240x128xf32, #tpu.memory_space<vmem_shared>> -> memref<10240x128xf32, #tpu.memory_space<vmem_shared>>
          tpu.wait_indirect_dma semaphore(%arg18 : memref<!tpu.dma_semaphore, #tpu.memory_space<semaphore_mem>>) src(%dma_wait3A_434 : memref<64x128xf32, #tpu.memory_space<vmem>>) dst(%dma_wait3A_440 : memref<10240x128xf32, #tpu.memory_space<vmem_shared>>)
        } else {
        }
        %lt3A = arith.constant 160 : i32
        %lt3A_165 = arith.cmpi slt, %add3A_160, %lt3A : i32
        %convert_element_type3A_166 = arith.extui %lt3A_165 : i1 to i32
        %cond3A_167 = arith.constant 0 : i32
        %cond3A_168 = arith.cmpi ne, %convert_element_type3A_166, %cond3A_167 : i32
        scf.if %cond3A_168 {
          %dma_wait3A_429 = arith.constant 0 : i32
          %dma_wait3A_430 = arith.constant 2 : i32
          %dma_wait3A_431 = arith.constant 0 : i32
          %dma_wait3A_432 = tpu.memref_slice %arg9[%dma_wait3A_430, %dma_wait3A_431] : memref<4x64xi32, #tpu.memory_space<vmem>> -> memref<1x64xi32, #tpu.memory_space<vmem>>
          %dma_wait3A_433 = tpu.memref_squeeze %dma_wait3A_432 : memref<1x64xi32, #tpu.memory_space<vmem>> -> memref<64xi32, #tpu.memory_space<vmem>>
          %dma_wait3A_434 = arith.constant 0 : i32
          %dma_wait3A_435 = arith.constant 0 : i32
          %dma_wait3A_436 = tpu.memref_slice %arg4[%arg1, %dma_wait3A_434, %dma_wait3A_435] : memref<16x160x64xi32, #tpu.memory_space<hbm>> -> memref<1x160x64xi32, #tpu.memory_space<hbm>>
          %dma_wait3A_437 = tpu.memref_squeeze %dma_wait3A_436 : memref<1x160x64xi32, #tpu.memory_space<hbm>> -> memref<160x64xi32, #tpu.memory_space<hbm>>
          %dma_wait3A_438 = arith.constant 0 : i32
          %dma_wait3A_439 = tpu.memref_slice %dma_wait3A_437[%dma_wait3A_429, %dma_wait3A_438] : memref<160x64xi32, #tpu.memory_space<hbm>> -> memref<1x64xi32, #tpu.memory_space<hbm>>
          %dma_wait3A_440 = tpu.memref_squeeze %dma_wait3A_439 : memref<1x64xi32, #tpu.memory_space<hbm>> -> memref<64xi32, #tpu.memory_space<hbm>>
          %dma_wait3A_441 = arith.constant 0 : i32
          %dma_wait3A_442 = tpu.memref_slice %arg9[%dma_wait3A_430, %dma_wait3A_441] : memref<4x64xi32, #tpu.memory_space<vmem>> -> memref<1x64xi32, #tpu.memory_space<vmem>>
          %dma_wait3A_443 = tpu.memref_squeeze %dma_wait3A_442 : memref<1x64xi32, #tpu.memory_space<vmem>> -> memref<64xi32, #tpu.memory_space<vmem>>
          %dma_wait3A_444 = arith.constant 0 : i32
          %dma_wait3A_445 = arith.constant 0 : i32
          %dma_wait3A_446 = tpu.memref_slice %arg4[%arg1, %dma_wait3A_444, %dma_wait3A_445] : memref<16x160x64xi32, #tpu.memory_space<hbm>> -> memref<1x160x64xi32, #tpu.memory_space<hbm>>
          %dma_wait3A_447 = tpu.memref_squeeze %dma_wait3A_446 : memref<1x160x64xi32, #tpu.memory_space<hbm>> -> memref<160x64xi32, #tpu.memory_space<hbm>>
          %dma_wait3A_448 = arith.constant 0 : i32
          %dma_wait3A_449 = tpu.memref_slice %dma_wait3A_447[%dma_wait3A_429, %dma_wait3A_448] : memref<160x64xi32, #tpu.memory_space<hbm>> -> memref<1x64xi32, #tpu.memory_space<hbm>>
          %dma_wait3A_450 = tpu.memref_squeeze %dma_wait3A_449 : memref<1x64xi32, #tpu.memory_space<hbm>> -> memref<64xi32, #tpu.memory_space<hbm>>
          tpu.wait_dma2 semaphore(%arg22 : memref<!tpu.dma_semaphore, #tpu.memory_space<semaphore_mem>>) src(%dma_wait3A_450 : memref<64xi32, #tpu.memory_space<hbm>>) dst(%dma_wait3A_443 : memref<64xi32, #tpu.memory_space<vmem>>)
          %dma_start3A_451 = arith.constant 2 : i32
          %dma_start3A_452 = arith.constant 0 : i32
          %dma_start3A_453 = tpu.memref_slice %arg10[%dma_start3A_451, %dma_start3A_452] : memref<4x64xi32, #tpu.memory_space<vmem>> -> memref<1x64xi32, #tpu.memory_space<vmem>>
          %dma_start3A_454 = tpu.memref_squeeze %dma_start3A_453 : memref<1x64xi32, #tpu.memory_space<vmem>> -> memref<64xi32, #tpu.memory_space<vmem>>
          %dma_start3A_455 = arith.constant 0 : i32
          %dma_start3A_456 = arith.constant 0 : i32
          %dma_start3A_457 = tpu.memref_slice %arg5[%arg1, %dma_start3A_455, %dma_start3A_456] : memref<16x160x64xi32, #tpu.memory_space<hbm>> -> memref<1x160x64xi32, #tpu.memory_space<hbm>>
          %dma_start3A_458 = tpu.memref_squeeze %dma_start3A_457 : memref<1x160x64xi32, #tpu.memory_space<hbm>> -> memref<160x64xi32, #tpu.memory_space<hbm>>
          %dma_start3A_459 = arith.constant 0 : i32
          %dma_start3A_460 = tpu.memref_slice %dma_start3A_458[%add3A_160, %dma_start3A_459] : memref<160x64xi32, #tpu.memory_space<hbm>> -> memref<1x64xi32, #tpu.memory_space<hbm>>
          %dma_start3A_461 = tpu.memref_squeeze %dma_start3A_460 : memref<1x64xi32, #tpu.memory_space<hbm>> -> memref<64xi32, #tpu.memory_space<hbm>>
          %dma_start3A_462 = arith.constant 0 : i32
          %dma_start3A_463 = tpu.memref_slice %arg10[%dma_start3A_451, %dma_start3A_462] : memref<4x64xi32, #tpu.memory_space<vmem>> -> memref<1x64xi32, #tpu.memory_space<vmem>>
          %dma_start3A_464 = tpu.memref_squeeze %dma_start3A_463 : memref<1x64xi32, #tpu.memory_space<vmem>> -> memref<64xi32, #tpu.memory_space<vmem>>
          %dma_start3A_465 = arith.constant 0 : i32
          %dma_start3A_466 = arith.constant 0 : i32
          %dma_start3A_467 = tpu.memref_slice %arg5[%arg1, %dma_start3A_465, %dma_start3A_466] : memref<16x160x64xi32, #tpu.memory_space<hbm>> -> memref<1x160x64xi32, #tpu.memory_space<hbm>>
          %dma_start3A_468 = tpu.memref_squeeze %dma_start3A_467 : memref<1x160x64xi32, #tpu.memory_space<hbm>> -> memref<160x64xi32, #tpu.memory_space<hbm>>
          %dma_start3A_469 = arith.constant 0 : i32
          %dma_start3A_470 = tpu.memref_slice %dma_start3A_468[%add3A_160, %dma_start3A_469] : memref<160x64xi32, #tpu.memory_space<hbm>> -> memref<1x64xi32, #tpu.memory_space<hbm>>
          %dma_start3A_471 = tpu.memref_squeeze %dma_start3A_470 : memref<1x64xi32, #tpu.memory_space<hbm>> -> memref<64xi32, #tpu.memory_space<hbm>>
          tpu.enqueue_dma source(%dma_start3A_471 : memref<64xi32, #tpu.memory_space<hbm>>) target(%dma_start3A_464 : memref<64xi32, #tpu.memory_space<vmem>>) target_semaphore(%arg14 : memref<!tpu.dma_semaphore, #tpu.memory_space<semaphore_mem>>)
          %dma_start3A_472 = arith.constant 2 : i32
          %dma_start3A_473 = arith.constant 2 : i32
          %dma_start3A_474 = arith.constant 0 : i32
          %dma_start3A_475 = arith.constant 0 : i32
          %dma_start3A_476 = tpu.memref_slice %arg11[%dma_start3A_473, %dma_start3A_474, %dma_start3A_475] : memref<4x64x128xf32, #tpu.memory_space<vmem>> -> memref<1x64x128xf32, #tpu.memory_space<vmem>>
          %dma_start3A_477 = tpu.memref_squeeze %dma_start3A_476 : memref<1x64x128xf32, #tpu.memory_space<vmem>> -> memref<64x128xf32, #tpu.memory_space<vmem>>
          %dma_start3A_478 = arith.constant 0 : i32
          %dma_start3A_479 = tpu.memref_slice %arg9[%dma_start3A_472, %dma_start3A_478] : memref<4x64xi32, #tpu.memory_space<vmem>> -> memref<1x64xi32, #tpu.memory_space<vmem>>
          %dma_start3A_480 = tpu.memref_squeeze %dma_start3A_479 : memref<1x64xi32, #tpu.memory_space<vmem>> -> memref<64xi32, #tpu.memory_space<vmem>>
          %dma_start3A_481 = arith.constant 0 : i32
          %dma_start3A_482 = arith.constant 0 : i32
          %dma_start3A_483 = tpu.memref_slice %arg3[%dma_start3A_481, %dma_start3A_482] : memref<10240x128xf32, #tpu.memory_space<hbm>> -> memref<10240x128xf32, #tpu.memory_space<hbm>>
          tpu.enqueue_indirect_dma source(%dma_start3A_483 : memref<10240x128xf32, #tpu.memory_space<hbm>>) target(%dma_start3A_477 : memref<64x128xf32, #tpu.memory_space<vmem>>) offsets(%dma_start3A_480 : memref<64xi32, #tpu.memory_space<vmem>>) semaphore(%arg14 : memref<!tpu.dma_semaphore, #tpu.memory_space<semaphore_mem>>)
        } else {
        }
        %dma_wait3A_169 = arith.constant 0 : i32
        %dma_wait3A_170 = arith.constant 0 : i32
        %dma_wait3A_171 = arith.constant 0 : i32
        %dma_wait3A_172 = tpu.memref_slice %arg10[%dma_wait3A_170, %dma_wait3A_171] : memref<4x64xi32, #tpu.memory_space<vmem>> -> memref<1x64xi32, #tpu.memory_space<vmem>>
        %dma_wait3A_173 = tpu.memref_squeeze %dma_wait3A_172 : memref<1x64xi32, #tpu.memory_space<vmem>> -> memref<64xi32, #tpu.memory_space<vmem>>
        %dma_wait3A_174 = arith.constant 0 : i32
        %dma_wait3A_175 = arith.constant 0 : i32
        %dma_wait3A_176 = tpu.memref_slice %arg5[%arg1, %dma_wait3A_174, %dma_wait3A_175] : memref<16x160x64xi32, #tpu.memory_space<hbm>> -> memref<1x160x64xi32, #tpu.memory_space<hbm>>
        %dma_wait3A_177 = tpu.memref_squeeze %dma_wait3A_176 : memref<1x160x64xi32, #tpu.memory_space<hbm>> -> memref<160x64xi32, #tpu.memory_space<hbm>>
        %dma_wait3A_178 = arith.constant 0 : i32
        %dma_wait3A_179 = tpu.memref_slice %dma_wait3A_177[%dma_wait3A_169, %dma_wait3A_178] : memref<160x64xi32, #tpu.memory_space<hbm>> -> memref<1x64xi32, #tpu.memory_space<hbm>>
        %dma_wait3A_180 = tpu.memref_squeeze %dma_wait3A_179 : memref<1x64xi32, #tpu.memory_space<hbm>> -> memref<64xi32, #tpu.memory_space<hbm>>
        %dma_wait3A_181 = arith.constant 0 : i32
        %dma_wait3A_182 = tpu.memref_slice %arg10[%dma_wait3A_170, %dma_wait3A_181] : memref<4x64xi32, #tpu.memory_space<vmem>> -> memref<1x64xi32, #tpu.memory_space<vmem>>
        %dma_wait3A_183 = tpu.memref_squeeze %dma_wait3A_182 : memref<1x64xi32, #tpu.memory_space<vmem>> -> memref<64xi32, #tpu.memory_space<vmem>>
        %dma_wait3A_184 = arith.constant 0 : i32
        %dma_wait3A_185 = arith.constant 0 : i32
        %dma_wait3A_186 = tpu.memref_slice %arg5[%arg1, %dma_wait3A_184, %dma_wait3A_185] : memref<16x160x64xi32, #tpu.memory_space<hbm>> -> memref<1x160x64xi32, #tpu.memory_space<hbm>>
        %dma_wait3A_187 = tpu.memref_squeeze %dma_wait3A_186 : memref<1x160x64xi32, #tpu.memory_space<hbm>> -> memref<160x64xi32, #tpu.memory_space<hbm>>
        %dma_wait3A_188 = arith.constant 0 : i32
        %dma_wait3A_189 = tpu.memref_slice %dma_wait3A_187[%dma_wait3A_169, %dma_wait3A_188] : memref<160x64xi32, #tpu.memory_space<hbm>> -> memref<1x64xi32, #tpu.memory_space<hbm>>
        %dma_wait3A_190 = tpu.memref_squeeze %dma_wait3A_189 : memref<1x64xi32, #tpu.memory_space<hbm>> -> memref<64xi32, #tpu.memory_space<hbm>>
        tpu.wait_dma2 semaphore(%arg12 : memref<!tpu.dma_semaphore, #tpu.memory_space<semaphore_mem>>) src(%dma_wait3A_190 : memref<64xi32, #tpu.memory_space<hbm>>) dst(%dma_wait3A_183 : memref<64xi32, #tpu.memory_space<vmem>>)
        %dma_wait3A_191 = arith.constant 0 : i32
        %dma_wait3A_192 = arith.constant 0 : i32
        %dma_wait3A_193 = arith.constant 0 : i32
        %dma_wait3A_194 = arith.constant 0 : i32
        %dma_wait3A_195 = tpu.memref_slice %arg11[%dma_wait3A_192, %dma_wait3A_193, %dma_wait3A_194] : memref<4x64x128xf32, #tpu.memory_space<vmem>> -> memref<1x64x128xf32, #tpu.memory_space<vmem>>
        %dma_wait3A_196 = tpu.memref_squeeze %dma_wait3A_195 : memref<1x64x128xf32, #tpu.memory_space<vmem>> -> memref<64x128xf32, #tpu.memory_space<vmem>>
        %dma_wait3A_197 = arith.constant 0 : i32
        %dma_wait3A_198 = tpu.memref_slice %arg9[%dma_wait3A_191, %dma_wait3A_197] : memref<4x64xi32, #tpu.memory_space<vmem>> -> memref<1x64xi32, #tpu.memory_space<vmem>>
        %dma_wait3A_199 = tpu.memref_squeeze %dma_wait3A_198 : memref<1x64xi32, #tpu.memory_space<vmem>> -> memref<64xi32, #tpu.memory_space<vmem>>
        %dma_wait3A_200 = arith.constant 0 : i32
        %dma_wait3A_201 = arith.constant 0 : i32
        %dma_wait3A_202 = tpu.memref_slice %arg3[%dma_wait3A_200, %dma_wait3A_201] : memref<10240x128xf32, #tpu.memory_space<hbm>> -> memref<10240x128xf32, #tpu.memory_space<hbm>>
        tpu.wait_indirect_dma semaphore(%arg12 : memref<!tpu.dma_semaphore, #tpu.memory_space<semaphore_mem>>) src(%dma_wait3A_202 : memref<10240x128xf32, #tpu.memory_space<hbm>>) dst(%dma_wait3A_196 : memref<64x128xf32, #tpu.memory_space<vmem>>)
        %add3A_203 = arith.constant 4 : i32
        %add3A_204 = arith.addi %add3A_158, %add3A_203 : i32
        %lt3A_205 = arith.constant 160 : i32
        %lt3A_206 = arith.cmpi slt, %add3A_204, %lt3A_205 : i32
        %convert_element_type3A_207 = arith.extui %lt3A_206 : i1 to i32
        %cond3A_208 = arith.constant 0 : i32
        %cond3A_209 = arith.cmpi ne, %convert_element_type3A_207, %cond3A_208 : i32
        scf.if %cond3A_209 {
          %add3A_429 = arith.constant 4 : i32
          %add3A_430 = arith.addi %add3A_158, %add3A_429 : i32
          %dma_start3A_431 = arith.constant 0 : i32
          %dma_start3A_432 = arith.constant 0 : i32
          %dma_start3A_433 = tpu.memref_slice %arg9[%dma_start3A_431, %dma_start3A_432] : memref<4x64xi32, #tpu.memory_space<vmem>> -> memref<1x64xi32, #tpu.memory_space<vmem>>
          %dma_start3A_434 = tpu.memref_squeeze %dma_start3A_433 : memref<1x64xi32, #tpu.memory_space<vmem>> -> memref<64xi32, #tpu.memory_space<vmem>>
          %dma_start3A_435 = arith.constant 0 : i32
          %dma_start3A_436 = arith.constant 0 : i32
          %dma_start3A_437 = tpu.memref_slice %arg4[%arg1, %dma_start3A_435, %dma_start3A_436] : memref<16x160x64xi32, #tpu.memory_space<hbm>> -> memref<1x160x64xi32, #tpu.memory_space<hbm>>
          %dma_start3A_438 = tpu.memref_squeeze %dma_start3A_437 : memref<1x160x64xi32, #tpu.memory_space<hbm>> -> memref<160x64xi32, #tpu.memory_space<hbm>>
          %dma_start3A_439 = arith.constant 0 : i32
          %dma_start3A_440 = tpu.memref_slice %dma_start3A_438[%add3A_430, %dma_start3A_439] : memref<160x64xi32, #tpu.memory_space<hbm>> -> memref<1x64xi32, #tpu.memory_space<hbm>>
          %dma_start3A_441 = tpu.memref_squeeze %dma_start3A_440 : memref<1x64xi32, #tpu.memory_space<hbm>> -> memref<64xi32, #tpu.memory_space<hbm>>
          %dma_start3A_442 = arith.constant 0 : i32
          %dma_start3A_443 = tpu.memref_slice %arg9[%dma_start3A_431, %dma_start3A_442] : memref<4x64xi32, #tpu.memory_space<vmem>> -> memref<1x64xi32, #tpu.memory_space<vmem>>
          %dma_start3A_444 = tpu.memref_squeeze %dma_start3A_443 : memref<1x64xi32, #tpu.memory_space<vmem>> -> memref<64xi32, #tpu.memory_space<vmem>>
          %dma_start3A_445 = arith.constant 0 : i32
          %dma_start3A_446 = arith.constant 0 : i32
          %dma_start3A_447 = tpu.memref_slice %arg4[%arg1, %dma_start3A_445, %dma_start3A_446] : memref<16x160x64xi32, #tpu.memory_space<hbm>> -> memref<1x160x64xi32, #tpu.memory_space<hbm>>
          %dma_start3A_448 = tpu.memref_squeeze %dma_start3A_447 : memref<1x160x64xi32, #tpu.memory_space<hbm>> -> memref<160x64xi32, #tpu.memory_space<hbm>>
          %dma_start3A_449 = arith.constant 0 : i32
          %dma_start3A_450 = tpu.memref_slice %dma_start3A_448[%add3A_430, %dma_start3A_449] : memref<160x64xi32, #tpu.memory_space<hbm>> -> memref<1x64xi32, #tpu.memory_space<hbm>>
          %dma_start3A_451 = tpu.memref_squeeze %dma_start3A_450 : memref<1x64xi32, #tpu.memory_space<hbm>> -> memref<64xi32, #tpu.memory_space<hbm>>
          tpu.enqueue_dma source(%dma_start3A_451 : memref<64xi32, #tpu.memory_space<hbm>>) target(%dma_start3A_444 : memref<64xi32, #tpu.memory_space<vmem>>) target_semaphore(%arg20 : memref<!tpu.dma_semaphore, #tpu.memory_space<semaphore_mem>>)
        } else {
        }
        %dma_start3A_210 = arith.constant 0 : i32
        %dma_start3A_211 = arith.constant 0 : i32
        %dma_start3A_212 = arith.constant 0 : i32
        %dma_start3A_213 = arith.constant 0 : i32
        %dma_start3A_214 = tpu.memref_slice %arg11[%dma_start3A_210, %dma_start3A_212, %dma_start3A_213] : memref<4x64x128xf32, #tpu.memory_space<vmem>> -> memref<1x64x128xf32, #tpu.memory_space<vmem>>
        %dma_start3A_215 = tpu.memref_squeeze %dma_start3A_214 : memref<1x64x128xf32, #tpu.memory_space<vmem>> -> memref<64x128xf32, #tpu.memory_space<vmem>>
        %dma_start3A_216 = arith.constant 0 : i32
        %dma_start3A_217 = tpu.memref_slice %arg10[%dma_start3A_211, %dma_start3A_216] : memref<4x64xi32, #tpu.memory_space<vmem>> -> memref<1x64xi32, #tpu.memory_space<vmem>>
        %dma_start3A_218 = tpu.memref_squeeze %dma_start3A_217 : memref<1x64xi32, #tpu.memory_space<vmem>> -> memref<64xi32, #tpu.memory_space<vmem>>
        %dma_start3A_219 = arith.constant 0 : i32
        %dma_start3A_220 = arith.constant 0 : i32
        %dma_start3A_221 = tpu.memref_slice %arg24[%dma_start3A_219, %dma_start3A_220] : memref<10240x128xf32, #tpu.memory_space<vmem_shared>> -> memref<10240x128xf32, #tpu.memory_space<vmem_shared>>
        tpu.enqueue_indirect_dma source(%dma_start3A_215 : memref<64x128xf32, #tpu.memory_space<vmem>>) target(%dma_start3A_221 : memref<10240x128xf32, #tpu.memory_space<vmem_shared>>) offsets(%dma_start3A_218 : memref<64xi32, #tpu.memory_space<vmem>>) semaphore(%arg16 : memref<!tpu.dma_semaphore, #tpu.memory_space<semaphore_mem>>) {add = true}
        %mul3A_222 = arith.constant 4 : i32
        %mul3A_223 = arith.muli %mul3A_222, %add3A_154 : i32
        %add3A_224 = arith.constant 1 : i32
        %add3A_225 = arith.addi %mul3A_223, %add3A_224 : i32
        %add3A_226 = arith.constant 2 : i32
        %add3A_227 = arith.addi %add3A_225, %add3A_226 : i32
        %ge3A_228 = arith.constant 4 : i32
        %ge3A_229 = arith.cmpi sge, %add3A_227, %ge3A_228 : i32
        %convert_element_type3A_230 = arith.extui %ge3A_229 : i1 to i32
        %cond3A_231 = arith.constant 0 : i32
        %cond3A_232 = arith.cmpi ne, %convert_element_type3A_230, %cond3A_231 : i32
        scf.if %cond3A_232 {
          %dma_wait3A_429 = arith.constant 3 : i32
          %dma_wait3A_430 = arith.constant 3 : i32
          %dma_wait3A_431 = arith.constant 0 : i32
          %dma_wait3A_432 = arith.constant 0 : i32
          %dma_wait3A_433 = tpu.memref_slice %arg11[%dma_wait3A_429, %dma_wait3A_431, %dma_wait3A_432] : memref<4x64x128xf32, #tpu.memory_space<vmem>> -> memref<1x64x128xf32, #tpu.memory_space<vmem>>
          %dma_wait3A_434 = tpu.memref_squeeze %dma_wait3A_433 : memref<1x64x128xf32, #tpu.memory_space<vmem>> -> memref<64x128xf32, #tpu.memory_space<vmem>>
          %dma_wait3A_435 = arith.constant 0 : i32
          %dma_wait3A_436 = tpu.memref_slice %arg10[%dma_wait3A_430, %dma_wait3A_435] : memref<4x64xi32, #tpu.memory_space<vmem>> -> memref<1x64xi32, #tpu.memory_space<vmem>>
          %dma_wait3A_437 = tpu.memref_squeeze %dma_wait3A_436 : memref<1x64xi32, #tpu.memory_space<vmem>> -> memref<64xi32, #tpu.memory_space<vmem>>
          %dma_wait3A_438 = arith.constant 0 : i32
          %dma_wait3A_439 = arith.constant 0 : i32
          %dma_wait3A_440 = tpu.memref_slice %arg24[%dma_wait3A_438, %dma_wait3A_439] : memref<10240x128xf32, #tpu.memory_space<vmem_shared>> -> memref<10240x128xf32, #tpu.memory_space<vmem_shared>>
          tpu.wait_indirect_dma semaphore(%arg19 : memref<!tpu.dma_semaphore, #tpu.memory_space<semaphore_mem>>) src(%dma_wait3A_434 : memref<64x128xf32, #tpu.memory_space<vmem>>) dst(%dma_wait3A_440 : memref<10240x128xf32, #tpu.memory_space<vmem_shared>>)
        } else {
        }
        %lt3A_233 = arith.constant 160 : i32
        %lt3A_234 = arith.cmpi slt, %add3A_227, %lt3A_233 : i32
        %convert_element_type3A_235 = arith.extui %lt3A_234 : i1 to i32
        %cond3A_236 = arith.constant 0 : i32
        %cond3A_237 = arith.cmpi ne, %convert_element_type3A_235, %cond3A_236 : i32
        scf.if %cond3A_237 {
          %dma_wait3A_429 = arith.constant 0 : i32
          %dma_wait3A_430 = arith.constant 3 : i32
          %dma_wait3A_431 = arith.constant 0 : i32
          %dma_wait3A_432 = tpu.memref_slice %arg9[%dma_wait3A_430, %dma_wait3A_431] : memref<4x64xi32, #tpu.memory_space<vmem>> -> memref<1x64xi32, #tpu.memory_space<vmem>>
          %dma_wait3A_433 = tpu.memref_squeeze %dma_wait3A_432 : memref<1x64xi32, #tpu.memory_space<vmem>> -> memref<64xi32, #tpu.memory_space<vmem>>
          %dma_wait3A_434 = arith.constant 0 : i32
          %dma_wait3A_435 = arith.constant 0 : i32
          %dma_wait3A_436 = tpu.memref_slice %arg4[%arg1, %dma_wait3A_434, %dma_wait3A_435] : memref<16x160x64xi32, #tpu.memory_space<hbm>> -> memref<1x160x64xi32, #tpu.memory_space<hbm>>
          %dma_wait3A_437 = tpu.memref_squeeze %dma_wait3A_436 : memref<1x160x64xi32, #tpu.memory_space<hbm>> -> memref<160x64xi32, #tpu.memory_space<hbm>>
          %dma_wait3A_438 = arith.constant 0 : i32
          %dma_wait3A_439 = tpu.memref_slice %dma_wait3A_437[%dma_wait3A_429, %dma_wait3A_438] : memref<160x64xi32, #tpu.memory_space<hbm>> -> memref<1x64xi32, #tpu.memory_space<hbm>>
          %dma_wait3A_440 = tpu.memref_squeeze %dma_wait3A_439 : memref<1x64xi32, #tpu.memory_space<hbm>> -> memref<64xi32, #tpu.memory_space<hbm>>
          %dma_wait3A_441 = arith.constant 0 : i32
          %dma_wait3A_442 = tpu.memref_slice %arg9[%dma_wait3A_430, %dma_wait3A_441] : memref<4x64xi32, #tpu.memory_space<vmem>> -> memref<1x64xi32, #tpu.memory_space<vmem>>
          %dma_wait3A_443 = tpu.memref_squeeze %dma_wait3A_442 : memref<1x64xi32, #tpu.memory_space<vmem>> -> memref<64xi32, #tpu.memory_space<vmem>>
          %dma_wait3A_444 = arith.constant 0 : i32
          %dma_wait3A_445 = arith.constant 0 : i32
          %dma_wait3A_446 = tpu.memref_slice %arg4[%arg1, %dma_wait3A_444, %dma_wait3A_445] : memref<16x160x64xi32, #tpu.memory_space<hbm>> -> memref<1x160x64xi32, #tpu.memory_space<hbm>>
          %dma_wait3A_447 = tpu.memref_squeeze %dma_wait3A_446 : memref<1x160x64xi32, #tpu.memory_space<hbm>> -> memref<160x64xi32, #tpu.memory_space<hbm>>
          %dma_wait3A_448 = arith.constant 0 : i32
          %dma_wait3A_449 = tpu.memref_slice %dma_wait3A_447[%dma_wait3A_429, %dma_wait3A_448] : memref<160x64xi32, #tpu.memory_space<hbm>> -> memref<1x64xi32, #tpu.memory_space<hbm>>
          %dma_wait3A_450 = tpu.memref_squeeze %dma_wait3A_449 : memref<1x64xi32, #tpu.memory_space<hbm>> -> memref<64xi32, #tpu.memory_space<hbm>>
          tpu.wait_dma2 semaphore(%arg23 : memref<!tpu.dma_semaphore, #tpu.memory_space<semaphore_mem>>) src(%dma_wait3A_450 : memref<64xi32, #tpu.memory_space<hbm>>) dst(%dma_wait3A_443 : memref<64xi32, #tpu.memory_space<vmem>>)
          %dma_start3A_451 = arith.constant 3 : i32
          %dma_start3A_452 = arith.constant 0 : i32
          %dma_start3A_453 = tpu.memref_slice %arg10[%dma_start3A_451, %dma_start3A_452] : memref<4x64xi32, #tpu.memory_space<vmem>> -> memref<1x64xi32, #tpu.memory_space<vmem>>
          %dma_start3A_454 = tpu.memref_squeeze %dma_start3A_453 : memref<1x64xi32, #tpu.memory_space<vmem>> -> memref<64xi32, #tpu.memory_space<vmem>>
          %dma_start3A_455 = arith.constant 0 : i32
          %dma_start3A_456 = arith.constant 0 : i32
          %dma_start3A_457 = tpu.memref_slice %arg5[%arg1, %dma_start3A_455, %dma_start3A_456] : memref<16x160x64xi32, #tpu.memory_space<hbm>> -> memref<1x160x64xi32, #tpu.memory_space<hbm>>
          %dma_start3A_458 = tpu.memref_squeeze %dma_start3A_457 : memref<1x160x64xi32, #tpu.memory_space<hbm>> -> memref<160x64xi32, #tpu.memory_space<hbm>>
          %dma_start3A_459 = arith.constant 0 : i32
          %dma_start3A_460 = tpu.memref_slice %dma_start3A_458[%add3A_227, %dma_start3A_459] : memref<160x64xi32, #tpu.memory_space<hbm>> -> memref<1x64xi32, #tpu.memory_space<hbm>>
          %dma_start3A_461 = tpu.memref_squeeze %dma_start3A_460 : memref<1x64xi32, #tpu.memory_space<hbm>> -> memref<64xi32, #tpu.memory_space<hbm>>
          %dma_start3A_462 = arith.constant 0 : i32
          %dma_start3A_463 = tpu.memref_slice %arg10[%dma_start3A_451, %dma_start3A_462] : memref<4x64xi32, #tpu.memory_space<vmem>> -> memref<1x64xi32, #tpu.memory_space<vmem>>
          %dma_start3A_464 = tpu.memref_squeeze %dma_start3A_463 : memref<1x64xi32, #tpu.memory_space<vmem>> -> memref<64xi32, #tpu.memory_space<vmem>>
          %dma_start3A_465 = arith.constant 0 : i32
          %dma_start3A_466 = arith.constant 0 : i32
          %dma_start3A_467 = tpu.memref_slice %arg5[%arg1, %dma_start3A_465, %dma_start3A_466] : memref<16x160x64xi32, #tpu.memory_space<hbm>> -> memref<1x160x64xi32, #tpu.memory_space<hbm>>
          %dma_start3A_468 = tpu.memref_squeeze %dma_start3A_467 : memref<1x160x64xi32, #tpu.memory_space<hbm>> -> memref<160x64xi32, #tpu.memory_space<hbm>>
          %dma_start3A_469 = arith.constant 0 : i32
          %dma_start3A_470 = tpu.memref_slice %dma_start3A_468[%add3A_227, %dma_start3A_469] : memref<160x64xi32, #tpu.memory_space<hbm>> -> memref<1x64xi32, #tpu.memory_space<hbm>>
          %dma_start3A_471 = tpu.memref_squeeze %dma_start3A_470 : memref<1x64xi32, #tpu.memory_space<hbm>> -> memref<64xi32, #tpu.memory_space<hbm>>
          tpu.enqueue_dma source(%dma_start3A_471 : memref<64xi32, #tpu.memory_space<hbm>>) target(%dma_start3A_464 : memref<64xi32, #tpu.memory_space<vmem>>) target_semaphore(%arg15 : memref<!tpu.dma_semaphore, #tpu.memory_space<semaphore_mem>>)
          %dma_start3A_472 = arith.constant 3 : i32
          %dma_start3A_473 = arith.constant 3 : i32
          %dma_start3A_474 = arith.constant 0 : i32
          %dma_start3A_475 = arith.constant 0 : i32
          %dma_start3A_476 = tpu.memref_slice %arg11[%dma_start3A_473, %dma_start3A_474, %dma_start3A_475] : memref<4x64x128xf32, #tpu.memory_space<vmem>> -> memref<1x64x128xf32, #tpu.memory_space<vmem>>
          %dma_start3A_477 = tpu.memref_squeeze %dma_start3A_476 : memref<1x64x128xf32, #tpu.memory_space<vmem>> -> memref<64x128xf32, #tpu.memory_space<vmem>>
          %dma_start3A_478 = arith.constant 0 : i32
          %dma_start3A_479 = tpu.memref_slice %arg9[%dma_start3A_472, %dma_start3A_478] : memref<4x64xi32, #tpu.memory_space<vmem>> -> memref<1x64xi32, #tpu.memory_space<vmem>>
          %dma_start3A_480 = tpu.memref_squeeze %dma_start3A_479 : memref<1x64xi32, #tpu.memory_space<vmem>> -> memref<64xi32, #tpu.memory_space<vmem>>
          %dma_start3A_481 = arith.constant 0 : i32
          %dma_start3A_482 = arith.constant 0 : i32
          %dma_start3A_483 = tpu.memref_slice %arg3[%dma_start3A_481, %dma_start3A_482] : memref<10240x128xf32, #tpu.memory_space<hbm>> -> memref<10240x128xf32, #tpu.memory_space<hbm>>
          tpu.enqueue_indirect_dma source(%dma_start3A_483 : memref<10240x128xf32, #tpu.memory_space<hbm>>) target(%dma_start3A_477 : memref<64x128xf32, #tpu.memory_space<vmem>>) offsets(%dma_start3A_480 : memref<64xi32, #tpu.memory_space<vmem>>) semaphore(%arg15 : memref<!tpu.dma_semaphore, #tpu.memory_space<semaphore_mem>>)
        } else {
        }
        %dma_wait3A_238 = arith.constant 0 : i32
        %dma_wait3A_239 = arith.constant 1 : i32
        %dma_wait3A_240 = arith.constant 0 : i32
        %dma_wait3A_241 = tpu.memref_slice %arg10[%dma_wait3A_239, %dma_wait3A_240] : memref<4x64xi32, #tpu.memory_space<vmem>> -> memref<1x64xi32, #tpu.memory_space<vmem>>
        %dma_wait3A_242 = tpu.memref_squeeze %dma_wait3A_241 : memref<1x64xi32, #tpu.memory_space<vmem>> -> memref<64xi32, #tpu.memory_space<vmem>>
        %dma_wait3A_243 = arith.constant 0 : i32
        %dma_wait3A_244 = arith.constant 0 : i32
        %dma_wait3A_245 = tpu.memref_slice %arg5[%arg1, %dma_wait3A_243, %dma_wait3A_244] : memref<16x160x64xi32, #tpu.memory_space<hbm>> -> memref<1x160x64xi32, #tpu.memory_space<hbm>>
        %dma_wait3A_246 = tpu.memref_squeeze %dma_wait3A_245 : memref<1x160x64xi32, #tpu.memory_space<hbm>> -> memref<160x64xi32, #tpu.memory_space<hbm>>
        %dma_wait3A_247 = arith.constant 0 : i32
        %dma_wait3A_248 = tpu.memref_slice %dma_wait3A_246[%dma_wait3A_238, %dma_wait3A_247] : memref<160x64xi32, #tpu.memory_space<hbm>> -> memref<1x64xi32, #tpu.memory_space<hbm>>
        %dma_wait3A_249 = tpu.memref_squeeze %dma_wait3A_248 : memref<1x64xi32, #tpu.memory_space<hbm>> -> memref<64xi32, #tpu.memory_space<hbm>>
        %dma_wait3A_250 = arith.constant 0 : i32
        %dma_wait3A_251 = tpu.memref_slice %arg10[%dma_wait3A_239, %dma_wait3A_250] : memref<4x64xi32, #tpu.memory_space<vmem>> -> memref<1x64xi32, #tpu.memory_space<vmem>>
        %dma_wait3A_252 = tpu.memref_squeeze %dma_wait3A_251 : memref<1x64xi32, #tpu.memory_space<vmem>> -> memref<64xi32, #tpu.memory_space<vmem>>
        %dma_wait3A_253 = arith.constant 0 : i32
        %dma_wait3A_254 = arith.constant 0 : i32
        %dma_wait3A_255 = tpu.memref_slice %arg5[%arg1, %dma_wait3A_253, %dma_wait3A_254] : memref<16x160x64xi32, #tpu.memory_space<hbm>> -> memref<1x160x64xi32, #tpu.memory_space<hbm>>
        %dma_wait3A_256 = tpu.memref_squeeze %dma_wait3A_255 : memref<1x160x64xi32, #tpu.memory_space<hbm>> -> memref<160x64xi32, #tpu.memory_space<hbm>>
        %dma_wait3A_257 = arith.constant 0 : i32
        %dma_wait3A_258 = tpu.memref_slice %dma_wait3A_256[%dma_wait3A_238, %dma_wait3A_257] : memref<160x64xi32, #tpu.memory_space<hbm>> -> memref<1x64xi32, #tpu.memory_space<hbm>>
        %dma_wait3A_259 = tpu.memref_squeeze %dma_wait3A_258 : memref<1x64xi32, #tpu.memory_space<hbm>> -> memref<64xi32, #tpu.memory_space<hbm>>
        tpu.wait_dma2 semaphore(%arg13 : memref<!tpu.dma_semaphore, #tpu.memory_space<semaphore_mem>>) src(%dma_wait3A_259 : memref<64xi32, #tpu.memory_space<hbm>>) dst(%dma_wait3A_252 : memref<64xi32, #tpu.memory_space<vmem>>)
        %dma_wait3A_260 = arith.constant 0 : i32
        %dma_wait3A_261 = arith.constant 1 : i32
        %dma_wait3A_262 = arith.constant 0 : i32
        %dma_wait3A_263 = arith.constant 0 : i32
        %dma_wait3A_264 = tpu.memref_slice %arg11[%dma_wait3A_261, %dma_wait3A_262, %dma_wait3A_263] : memref<4x64x128xf32, #tpu.memory_space<vmem>> -> memref<1x64x128xf32, #tpu.memory_space<vmem>>
        %dma_wait3A_265 = tpu.memref_squeeze %dma_wait3A_264 : memref<1x64x128xf32, #tpu.memory_space<vmem>> -> memref<64x128xf32, #tpu.memory_space<vmem>>
        %dma_wait3A_266 = arith.constant 0 : i32
        %dma_wait3A_267 = tpu.memref_slice %arg9[%dma_wait3A_260, %dma_wait3A_266] : memref<4x64xi32, #tpu.memory_space<vmem>> -> memref<1x64xi32, #tpu.memory_space<vmem>>
        %dma_wait3A_268 = tpu.memref_squeeze %dma_wait3A_267 : memref<1x64xi32, #tpu.memory_space<vmem>> -> memref<64xi32, #tpu.memory_space<vmem>>
        %dma_wait3A_269 = arith.constant 0 : i32
        %dma_wait3A_270 = arith.constant 0 : i32
        %dma_wait3A_271 = tpu.memref_slice %arg3[%dma_wait3A_269, %dma_wait3A_270] : memref<10240x128xf32, #tpu.memory_space<hbm>> -> memref<10240x128xf32, #tpu.memory_space<hbm>>
        tpu.wait_indirect_dma semaphore(%arg13 : memref<!tpu.dma_semaphore, #tpu.memory_space<semaphore_mem>>) src(%dma_wait3A_271 : memref<10240x128xf32, #tpu.memory_space<hbm>>) dst(%dma_wait3A_265 : memref<64x128xf32, #tpu.memory_space<vmem>>)
        %add3A_272 = arith.constant 4 : i32
        %add3A_273 = arith.addi %add3A_225, %add3A_272 : i32
        %lt3A_274 = arith.constant 160 : i32
        %lt3A_275 = arith.cmpi slt, %add3A_273, %lt3A_274 : i32
        %convert_element_type3A_276 = arith.extui %lt3A_275 : i1 to i32
        %cond3A_277 = arith.constant 0 : i32
        %cond3A_278 = arith.cmpi ne, %convert_element_type3A_276, %cond3A_277 : i32
        scf.if %cond3A_278 {
          %add3A_429 = arith.constant 4 : i32
          %add3A_430 = arith.addi %add3A_225, %add3A_429 : i32
          %dma_start3A_431 = arith.constant 1 : i32
          %dma_start3A_432 = arith.constant 0 : i32
          %dma_start3A_433 = tpu.memref_slice %arg9[%dma_start3A_431, %dma_start3A_432] : memref<4x64xi32, #tpu.memory_space<vmem>> -> memref<1x64xi32, #tpu.memory_space<vmem>>
          %dma_start3A_434 = tpu.memref_squeeze %dma_start3A_433 : memref<1x64xi32, #tpu.memory_space<vmem>> -> memref<64xi32, #tpu.memory_space<vmem>>
          %dma_start3A_435 = arith.constant 0 : i32
          %dma_start3A_436 = arith.constant 0 : i32
          %dma_start3A_437 = tpu.memref_slice %arg4[%arg1, %dma_start3A_435, %dma_start3A_436] : memref<16x160x64xi32, #tpu.memory_space<hbm>> -> memref<1x160x64xi32, #tpu.memory_space<hbm>>
          %dma_start3A_438 = tpu.memref_squeeze %dma_start3A_437 : memref<1x160x64xi32, #tpu.memory_space<hbm>> -> memref<160x64xi32, #tpu.memory_space<hbm>>
          %dma_start3A_439 = arith.constant 0 : i32
          %dma_start3A_440 = tpu.memref_slice %dma_start3A_438[%add3A_430, %dma_start3A_439] : memref<160x64xi32, #tpu.memory_space<hbm>> -> memref<1x64xi32, #tpu.memory_space<hbm>>
          %dma_start3A_441 = tpu.memref_squeeze %dma_start3A_440 : memref<1x64xi32, #tpu.memory_space<hbm>> -> memref<64xi32, #tpu.memory_space<hbm>>
          %dma_start3A_442 = arith.constant 0 : i32
          %dma_start3A_443 = tpu.memref_slice %arg9[%dma_start3A_431, %dma_start3A_442] : memref<4x64xi32, #tpu.memory_space<vmem>> -> memref<1x64xi32, #tpu.memory_space<vmem>>
          %dma_start3A_444 = tpu.memref_squeeze %dma_start3A_443 : memref<1x64xi32, #tpu.memory_space<vmem>> -> memref<64xi32, #tpu.memory_space<vmem>>
          %dma_start3A_445 = arith.constant 0 : i32
          %dma_start3A_446 = arith.constant 0 : i32
          %dma_start3A_447 = tpu.memref_slice %arg4[%arg1, %dma_start3A_445, %dma_start3A_446] : memref<16x160x64xi32, #tpu.memory_space<hbm>> -> memref<1x160x64xi32, #tpu.memory_space<hbm>>
          %dma_start3A_448 = tpu.memref_squeeze %dma_start3A_447 : memref<1x160x64xi32, #tpu.memory_space<hbm>> -> memref<160x64xi32, #tpu.memory_space<hbm>>
          %dma_start3A_449 = arith.constant 0 : i32
          %dma_start3A_450 = tpu.memref_slice %dma_start3A_448[%add3A_430, %dma_start3A_449] : memref<160x64xi32, #tpu.memory_space<hbm>> -> memref<1x64xi32, #tpu.memory_space<hbm>>
          %dma_start3A_451 = tpu.memref_squeeze %dma_start3A_450 : memref<1x64xi32, #tpu.memory_space<hbm>> -> memref<64xi32, #tpu.memory_space<hbm>>
          tpu.enqueue_dma source(%dma_start3A_451 : memref<64xi32, #tpu.memory_space<hbm>>) target(%dma_start3A_444 : memref<64xi32, #tpu.memory_space<vmem>>) target_semaphore(%arg21 : memref<!tpu.dma_semaphore, #tpu.memory_space<semaphore_mem>>)
        } else {
        }
        %dma_start3A_279 = arith.constant 1 : i32
        %dma_start3A_280 = arith.constant 1 : i32
        %dma_start3A_281 = arith.constant 0 : i32
        %dma_start3A_282 = arith.constant 0 : i32
        %dma_start3A_283 = tpu.memref_slice %arg11[%dma_start3A_279, %dma_start3A_281, %dma_start3A_282] : memref<4x64x128xf32, #tpu.memory_space<vmem>> -> memref<1x64x128xf32, #tpu.memory_space<vmem>>
        %dma_start3A_284 = tpu.memref_squeeze %dma_start3A_283 : memref<1x64x128xf32, #tpu.memory_space<vmem>> -> memref<64x128xf32, #tpu.memory_space<vmem>>
        %dma_start3A_285 = arith.constant 0 : i32
        %dma_start3A_286 = tpu.memref_slice %arg10[%dma_start3A_280, %dma_start3A_285] : memref<4x64xi32, #tpu.memory_space<vmem>> -> memref<1x64xi32, #tpu.memory_space<vmem>>
        %dma_start3A_287 = tpu.memref_squeeze %dma_start3A_286 : memref<1x64xi32, #tpu.memory_space<vmem>> -> memref<64xi32, #tpu.memory_space<vmem>>
        %dma_start3A_288 = arith.constant 0 : i32
        %dma_start3A_289 = arith.constant 0 : i32
        %dma_start3A_290 = tpu.memref_slice %arg24[%dma_start3A_288, %dma_start3A_289] : memref<10240x128xf32, #tpu.memory_space<vmem_shared>> -> memref<10240x128xf32, #tpu.memory_space<vmem_shared>>
        tpu.enqueue_indirect_dma source(%dma_start3A_284 : memref<64x128xf32, #tpu.memory_space<vmem>>) target(%dma_start3A_290 : memref<10240x128xf32, #tpu.memory_space<vmem_shared>>) offsets(%dma_start3A_287 : memref<64xi32, #tpu.memory_space<vmem>>) semaphore(%arg17 : memref<!tpu.dma_semaphore, #tpu.memory_space<semaphore_mem>>) {add = true}
        %mul3A_291 = arith.constant 4 : i32
        %mul3A_292 = arith.muli %mul3A_291, %add3A_154 : i32
        %add3A_293 = arith.constant 2 : i32
        %add3A_294 = arith.addi %mul3A_292, %add3A_293 : i32
        %add3A_295 = arith.constant 2 : i32
        %add3A_296 = arith.addi %add3A_294, %add3A_295 : i32
        %ge3A_297 = arith.constant 4 : i32
        %ge3A_298 = arith.cmpi sge, %add3A_296, %ge3A_297 : i32
        %convert_element_type3A_299 = arith.extui %ge3A_298 : i1 to i32
        %cond3A_300 = arith.constant 0 : i32
        %cond3A_301 = arith.cmpi ne, %convert_element_type3A_299, %cond3A_300 : i32
        scf.if %cond3A_301 {
          %dma_wait3A_429 = arith.constant 0 : i32
          %dma_wait3A_430 = arith.constant 0 : i32
          %dma_wait3A_431 = arith.constant 0 : i32
          %dma_wait3A_432 = arith.constant 0 : i32
          %dma_wait3A_433 = tpu.memref_slice %arg11[%dma_wait3A_429, %dma_wait3A_431, %dma_wait3A_432] : memref<4x64x128xf32, #tpu.memory_space<vmem>> -> memref<1x64x128xf32, #tpu.memory_space<vmem>>
          %dma_wait3A_434 = tpu.memref_squeeze %dma_wait3A_433 : memref<1x64x128xf32, #tpu.memory_space<vmem>> -> memref<64x128xf32, #tpu.memory_space<vmem>>
          %dma_wait3A_435 = arith.constant 0 : i32
          %dma_wait3A_436 = tpu.memref_slice %arg10[%dma_wait3A_430, %dma_wait3A_435] : memref<4x64xi32, #tpu.memory_space<vmem>> -> memref<1x64xi32, #tpu.memory_space<vmem>>
          %dma_wait3A_437 = tpu.memref_squeeze %dma_wait3A_436 : memref<1x64xi32, #tpu.memory_space<vmem>> -> memref<64xi32, #tpu.memory_space<vmem>>
          %dma_wait3A_438 = arith.constant 0 : i32
          %dma_wait3A_439 = arith.constant 0 : i32
          %dma_wait3A_440 = tpu.memref_slice %arg24[%dma_wait3A_438, %dma_wait3A_439] : memref<10240x128xf32, #tpu.memory_space<vmem_shared>> -> memref<10240x128xf32, #tpu.memory_space<vmem_shared>>
          tpu.wait_indirect_dma semaphore(%arg16 : memref<!tpu.dma_semaphore, #tpu.memory_space<semaphore_mem>>) src(%dma_wait3A_434 : memref<64x128xf32, #tpu.memory_space<vmem>>) dst(%dma_wait3A_440 : memref<10240x128xf32, #tpu.memory_space<vmem_shared>>)
        } else {
        }
        %lt3A_302 = arith.constant 160 : i32
        %lt3A_303 = arith.cmpi slt, %add3A_296, %lt3A_302 : i32
        %convert_element_type3A_304 = arith.extui %lt3A_303 : i1 to i32
        %cond3A_305 = arith.constant 0 : i32
        %cond3A_306 = arith.cmpi ne, %convert_element_type3A_304, %cond3A_305 : i32
        scf.if %cond3A_306 {
          %dma_wait3A_429 = arith.constant 0 : i32
          %dma_wait3A_430 = arith.constant 0 : i32
          %dma_wait3A_431 = arith.constant 0 : i32
          %dma_wait3A_432 = tpu.memref_slice %arg9[%dma_wait3A_430, %dma_wait3A_431] : memref<4x64xi32, #tpu.memory_space<vmem>> -> memref<1x64xi32, #tpu.memory_space<vmem>>
          %dma_wait3A_433 = tpu.memref_squeeze %dma_wait3A_432 : memref<1x64xi32, #tpu.memory_space<vmem>> -> memref<64xi32, #tpu.memory_space<vmem>>
          %dma_wait3A_434 = arith.constant 0 : i32
          %dma_wait3A_435 = arith.constant 0 : i32
          %dma_wait3A_436 = tpu.memref_slice %arg4[%arg1, %dma_wait3A_434, %dma_wait3A_435] : memref<16x160x64xi32, #tpu.memory_space<hbm>> -> memref<1x160x64xi32, #tpu.memory_space<hbm>>
          %dma_wait3A_437 = tpu.memref_squeeze %dma_wait3A_436 : memref<1x160x64xi32, #tpu.memory_space<hbm>> -> memref<160x64xi32, #tpu.memory_space<hbm>>
          %dma_wait3A_438 = arith.constant 0 : i32
          %dma_wait3A_439 = tpu.memref_slice %dma_wait3A_437[%dma_wait3A_429, %dma_wait3A_438] : memref<160x64xi32, #tpu.memory_space<hbm>> -> memref<1x64xi32, #tpu.memory_space<hbm>>
          %dma_wait3A_440 = tpu.memref_squeeze %dma_wait3A_439 : memref<1x64xi32, #tpu.memory_space<hbm>> -> memref<64xi32, #tpu.memory_space<hbm>>
          %dma_wait3A_441 = arith.constant 0 : i32
          %dma_wait3A_442 = tpu.memref_slice %arg9[%dma_wait3A_430, %dma_wait3A_441] : memref<4x64xi32, #tpu.memory_space<vmem>> -> memref<1x64xi32, #tpu.memory_space<vmem>>
          %dma_wait3A_443 = tpu.memref_squeeze %dma_wait3A_442 : memref<1x64xi32, #tpu.memory_space<vmem>> -> memref<64xi32, #tpu.memory_space<vmem>>
          %dma_wait3A_444 = arith.constant 0 : i32
          %dma_wait3A_445 = arith.constant 0 : i32
          %dma_wait3A_446 = tpu.memref_slice %arg4[%arg1, %dma_wait3A_444, %dma_wait3A_445] : memref<16x160x64xi32, #tpu.memory_space<hbm>> -> memref<1x160x64xi32, #tpu.memory_space<hbm>>
          %dma_wait3A_447 = tpu.memref_squeeze %dma_wait3A_446 : memref<1x160x64xi32, #tpu.memory_space<hbm>> -> memref<160x64xi32, #tpu.memory_space<hbm>>
          %dma_wait3A_448 = arith.constant 0 : i32
          %dma_wait3A_449 = tpu.memref_slice %dma_wait3A_447[%dma_wait3A_429, %dma_wait3A_448] : memref<160x64xi32, #tpu.memory_space<hbm>> -> memref<1x64xi32, #tpu.memory_space<hbm>>
          %dma_wait3A_450 = tpu.memref_squeeze %dma_wait3A_449 : memref<1x64xi32, #tpu.memory_space<hbm>> -> memref<64xi32, #tpu.memory_space<hbm>>
          tpu.wait_dma2 semaphore(%arg20 : memref<!tpu.dma_semaphore, #tpu.memory_space<semaphore_mem>>) src(%dma_wait3A_450 : memref<64xi32, #tpu.memory_space<hbm>>) dst(%dma_wait3A_443 : memref<64xi32, #tpu.memory_space<vmem>>)
          %dma_start3A_451 = arith.constant 0 : i32
          %dma_start3A_452 = arith.constant 0 : i32
          %dma_start3A_453 = tpu.memref_slice %arg10[%dma_start3A_451, %dma_start3A_452] : memref<4x64xi32, #tpu.memory_space<vmem>> -> memref<1x64xi32, #tpu.memory_space<vmem>>
          %dma_start3A_454 = tpu.memref_squeeze %dma_start3A_453 : memref<1x64xi32, #tpu.memory_space<vmem>> -> memref<64xi32, #tpu.memory_space<vmem>>
          %dma_start3A_455 = arith.constant 0 : i32
          %dma_start3A_456 = arith.constant 0 : i32
          %dma_start3A_457 = tpu.memref_slice %arg5[%arg1, %dma_start3A_455, %dma_start3A_456] : memref<16x160x64xi32, #tpu.memory_space<hbm>> -> memref<1x160x64xi32, #tpu.memory_space<hbm>>
          %dma_start3A_458 = tpu.memref_squeeze %dma_start3A_457 : memref<1x160x64xi32, #tpu.memory_space<hbm>> -> memref<160x64xi32, #tpu.memory_space<hbm>>
          %dma_start3A_459 = arith.constant 0 : i32
          %dma_start3A_460 = tpu.memref_slice %dma_start3A_458[%add3A_296, %dma_start3A_459] : memref<160x64xi32, #tpu.memory_space<hbm>> -> memref<1x64xi32, #tpu.memory_space<hbm>>
          %dma_start3A_461 = tpu.memref_squeeze %dma_start3A_460 : memref<1x64xi32, #tpu.memory_space<hbm>> -> memref<64xi32, #tpu.memory_space<hbm>>
          %dma_start3A_462 = arith.constant 0 : i32
          %dma_start3A_463 = tpu.memref_slice %arg10[%dma_start3A_451, %dma_start3A_462] : memref<4x64xi32, #tpu.memory_space<vmem>> -> memref<1x64xi32, #tpu.memory_space<vmem>>
          %dma_start3A_464 = tpu.memref_squeeze %dma_start3A_463 : memref<1x64xi32, #tpu.memory_space<vmem>> -> memref<64xi32, #tpu.memory_space<vmem>>
          %dma_start3A_465 = arith.constant 0 : i32
          %dma_start3A_466 = arith.constant 0 : i32
          %dma_start3A_467 = tpu.memref_slice %arg5[%arg1, %dma_start3A_465, %dma_start3A_466] : memref<16x160x64xi32, #tpu.memory_space<hbm>> -> memref<1x160x64xi32, #tpu.memory_space<hbm>>
          %dma_start3A_468 = tpu.memref_squeeze %dma_start3A_467 : memref<1x160x64xi32, #tpu.memory_space<hbm>> -> memref<160x64xi32, #tpu.memory_space<hbm>>
          %dma_start3A_469 = arith.constant 0 : i32
          %dma_start3A_470 = tpu.memref_slice %dma_start3A_468[%add3A_296, %dma_start3A_469] : memref<160x64xi32, #tpu.memory_space<hbm>> -> memref<1x64xi32, #tpu.memory_space<hbm>>
          %dma_start3A_471 = tpu.memref_squeeze %dma_start3A_470 : memref<1x64xi32, #tpu.memory_space<hbm>> -> memref<64xi32, #tpu.memory_space<hbm>>
          tpu.enqueue_dma source(%dma_start3A_471 : memref<64xi32, #tpu.memory_space<hbm>>) target(%dma_start3A_464 : memref<64xi32, #tpu.memory_space<vmem>>) target_semaphore(%arg12 : memref<!tpu.dma_semaphore, #tpu.memory_space<semaphore_mem>>)
          %dma_start3A_472 = arith.constant 0 : i32
          %dma_start3A_473 = arith.constant 0 : i32
          %dma_start3A_474 = arith.constant 0 : i32
          %dma_start3A_475 = arith.constant 0 : i32
          %dma_start3A_476 = tpu.memref_slice %arg11[%dma_start3A_473, %dma_start3A_474, %dma_start3A_475] : memref<4x64x128xf32, #tpu.memory_space<vmem>> -> memref<1x64x128xf32, #tpu.memory_space<vmem>>
          %dma_start3A_477 = tpu.memref_squeeze %dma_start3A_476 : memref<1x64x128xf32, #tpu.memory_space<vmem>> -> memref<64x128xf32, #tpu.memory_space<vmem>>
          %dma_start3A_478 = arith.constant 0 : i32
          %dma_start3A_479 = tpu.memref_slice %arg9[%dma_start3A_472, %dma_start3A_478] : memref<4x64xi32, #tpu.memory_space<vmem>> -> memref<1x64xi32, #tpu.memory_space<vmem>>
          %dma_start3A_480 = tpu.memref_squeeze %dma_start3A_479 : memref<1x64xi32, #tpu.memory_space<vmem>> -> memref<64xi32, #tpu.memory_space<vmem>>
          %dma_start3A_481 = arith.constant 0 : i32
          %dma_start3A_482 = arith.constant 0 : i32
          %dma_start3A_483 = tpu.memref_slice %arg3[%dma_start3A_481, %dma_start3A_482] : memref<10240x128xf32, #tpu.memory_space<hbm>> -> memref<10240x128xf32, #tpu.memory_space<hbm>>
          tpu.enqueue_indirect_dma source(%dma_start3A_483 : memref<10240x128xf32, #tpu.memory_space<hbm>>) target(%dma_start3A_477 : memref<64x128xf32, #tpu.memory_space<vmem>>) offsets(%dma_start3A_480 : memref<64xi32, #tpu.memory_space<vmem>>) semaphore(%arg12 : memref<!tpu.dma_semaphore, #tpu.memory_space<semaphore_mem>>)
        } else {
        }
        %dma_wait3A_307 = arith.constant 0 : i32
        %dma_wait3A_308 = arith.constant 2 : i32
        %dma_wait3A_309 = arith.constant 0 : i32
        %dma_wait3A_310 = tpu.memref_slice %arg10[%dma_wait3A_308, %dma_wait3A_309] : memref<4x64xi32, #tpu.memory_space<vmem>> -> memref<1x64xi32, #tpu.memory_space<vmem>>
        %dma_wait3A_311 = tpu.memref_squeeze %dma_wait3A_310 : memref<1x64xi32, #tpu.memory_space<vmem>> -> memref<64xi32, #tpu.memory_space<vmem>>
        %dma_wait3A_312 = arith.constant 0 : i32
        %dma_wait3A_313 = arith.constant 0 : i32
        %dma_wait3A_314 = tpu.memref_slice %arg5[%arg1, %dma_wait3A_312, %dma_wait3A_313] : memref<16x160x64xi32, #tpu.memory_space<hbm>> -> memref<1x160x64xi32, #tpu.memory_space<hbm>>
        %dma_wait3A_315 = tpu.memref_squeeze %dma_wait3A_314 : memref<1x160x64xi32, #tpu.memory_space<hbm>> -> memref<160x64xi32, #tpu.memory_space<hbm>>
        %dma_wait3A_316 = arith.constant 0 : i32
        %dma_wait3A_317 = tpu.memref_slice %dma_wait3A_315[%dma_wait3A_307, %dma_wait3A_316] : memref<160x64xi32, #tpu.memory_space<hbm>> -> memref<1x64xi32, #tpu.memory_space<hbm>>
        %dma_wait3A_318 = tpu.memref_squeeze %dma_wait3A_317 : memref<1x64xi32, #tpu.memory_space<hbm>> -> memref<64xi32, #tpu.memory_space<hbm>>
        %dma_wait3A_319 = arith.constant 0 : i32
        %dma_wait3A_320 = tpu.memref_slice %arg10[%dma_wait3A_308, %dma_wait3A_319] : memref<4x64xi32, #tpu.memory_space<vmem>> -> memref<1x64xi32, #tpu.memory_space<vmem>>
        %dma_wait3A_321 = tpu.memref_squeeze %dma_wait3A_320 : memref<1x64xi32, #tpu.memory_space<vmem>> -> memref<64xi32, #tpu.memory_space<vmem>>
        %dma_wait3A_322 = arith.constant 0 : i32
        %dma_wait3A_323 = arith.constant 0 : i32
        %dma_wait3A_324 = tpu.memref_slice %arg5[%arg1, %dma_wait3A_322, %dma_wait3A_323] : memref<16x160x64xi32, #tpu.memory_space<hbm>> -> memref<1x160x64xi32, #tpu.memory_space<hbm>>
        %dma_wait3A_325 = tpu.memref_squeeze %dma_wait3A_324 : memref<1x160x64xi32, #tpu.memory_space<hbm>> -> memref<160x64xi32, #tpu.memory_space<hbm>>
        %dma_wait3A_326 = arith.constant 0 : i32
        %dma_wait3A_327 = tpu.memref_slice %dma_wait3A_325[%dma_wait3A_307, %dma_wait3A_326] : memref<160x64xi32, #tpu.memory_space<hbm>> -> memref<1x64xi32, #tpu.memory_space<hbm>>
        %dma_wait3A_328 = tpu.memref_squeeze %dma_wait3A_327 : memref<1x64xi32, #tpu.memory_space<hbm>> -> memref<64xi32, #tpu.memory_space<hbm>>
        tpu.wait_dma2 semaphore(%arg14 : memref<!tpu.dma_semaphore, #tpu.memory_space<semaphore_mem>>) src(%dma_wait3A_328 : memref<64xi32, #tpu.memory_space<hbm>>) dst(%dma_wait3A_321 : memref<64xi32, #tpu.memory_space<vmem>>)
        %dma_wait3A_329 = arith.constant 0 : i32
        %dma_wait3A_330 = arith.constant 2 : i32
        %dma_wait3A_331 = arith.constant 0 : i32
        %dma_wait3A_332 = arith.constant 0 : i32
        %dma_wait3A_333 = tpu.memref_slice %arg11[%dma_wait3A_330, %dma_wait3A_331, %dma_wait3A_332] : memref<4x64x128xf32, #tpu.memory_space<vmem>> -> memref<1x64x128xf32, #tpu.memory_space<vmem>>
        %dma_wait3A_334 = tpu.memref_squeeze %dma_wait3A_333 : memref<1x64x128xf32, #tpu.memory_space<vmem>> -> memref<64x128xf32, #tpu.memory_space<vmem>>
        %dma_wait3A_335 = arith.constant 0 : i32
        %dma_wait3A_336 = tpu.memref_slice %arg9[%dma_wait3A_329, %dma_wait3A_335] : memref<4x64xi32, #tpu.memory_space<vmem>> -> memref<1x64xi32, #tpu.memory_space<vmem>>
        %dma_wait3A_337 = tpu.memref_squeeze %dma_wait3A_336 : memref<1x64xi32, #tpu.memory_space<vmem>> -> memref<64xi32, #tpu.memory_space<vmem>>
        %dma_wait3A_338 = arith.constant 0 : i32
        %dma_wait3A_339 = arith.constant 0 : i32
        %dma_wait3A_340 = tpu.memref_slice %arg3[%dma_wait3A_338, %dma_wait3A_339] : memref<10240x128xf32, #tpu.memory_space<hbm>> -> memref<10240x128xf32, #tpu.memory_space<hbm>>
        tpu.wait_indirect_dma semaphore(%arg14 : memref<!tpu.dma_semaphore, #tpu.memory_space<semaphore_mem>>) src(%dma_wait3A_340 : memref<10240x128xf32, #tpu.memory_space<hbm>>) dst(%dma_wait3A_334 : memref<64x128xf32, #tpu.memory_space<vmem>>)
        %add3A_341 = arith.constant 4 : i32
        %add3A_342 = arith.addi %add3A_294, %add3A_341 : i32
        %lt3A_343 = arith.constant 160 : i32
        %lt3A_344 = arith.cmpi slt, %add3A_342, %lt3A_343 : i32
        %convert_element_type3A_345 = arith.extui %lt3A_344 : i1 to i32
        %cond3A_346 = arith.constant 0 : i32
        %cond3A_347 = arith.cmpi ne, %convert_element_type3A_345, %cond3A_346 : i32
        scf.if %cond3A_347 {
          %add3A_429 = arith.constant 4 : i32
          %add3A_430 = arith.addi %add3A_294, %add3A_429 : i32
          %dma_start3A_431 = arith.constant 2 : i32
          %dma_start3A_432 = arith.constant 0 : i32
          %dma_start3A_433 = tpu.memref_slice %arg9[%dma_start3A_431, %dma_start3A_432] : memref<4x64xi32, #tpu.memory_space<vmem>> -> memref<1x64xi32, #tpu.memory_space<vmem>>
          %dma_start3A_434 = tpu.memref_squeeze %dma_start3A_433 : memref<1x64xi32, #tpu.memory_space<vmem>> -> memref<64xi32, #tpu.memory_space<vmem>>
          %dma_start3A_435 = arith.constant 0 : i32
          %dma_start3A_436 = arith.constant 0 : i32
          %dma_start3A_437 = tpu.memref_slice %arg4[%arg1, %dma_start3A_435, %dma_start3A_436] : memref<16x160x64xi32, #tpu.memory_space<hbm>> -> memref<1x160x64xi32, #tpu.memory_space<hbm>>
          %dma_start3A_438 = tpu.memref_squeeze %dma_start3A_437 : memref<1x160x64xi32, #tpu.memory_space<hbm>> -> memref<160x64xi32, #tpu.memory_space<hbm>>
          %dma_start3A_439 = arith.constant 0 : i32
          %dma_start3A_440 = tpu.memref_slice %dma_start3A_438[%add3A_430, %dma_start3A_439] : memref<160x64xi32, #tpu.memory_space<hbm>> -> memref<1x64xi32, #tpu.memory_space<hbm>>
          %dma_start3A_441 = tpu.memref_squeeze %dma_start3A_440 : memref<1x64xi32, #tpu.memory_space<hbm>> -> memref<64xi32, #tpu.memory_space<hbm>>
          %dma_start3A_442 = arith.constant 0 : i32
          %dma_start3A_443 = tpu.memref_slice %arg9[%dma_start3A_431, %dma_start3A_442] : memref<4x64xi32, #tpu.memory_space<vmem>> -> memref<1x64xi32, #tpu.memory_space<vmem>>
          %dma_start3A_444 = tpu.memref_squeeze %dma_start3A_443 : memref<1x64xi32, #tpu.memory_space<vmem>> -> memref<64xi32, #tpu.memory_space<vmem>>
          %dma_start3A_445 = arith.constant 0 : i32
          %dma_start3A_446 = arith.constant 0 : i32
          %dma_start3A_447 = tpu.memref_slice %arg4[%arg1, %dma_start3A_445, %dma_start3A_446] : memref<16x160x64xi32, #tpu.memory_space<hbm>> -> memref<1x160x64xi32, #tpu.memory_space<hbm>>
          %dma_start3A_448 = tpu.memref_squeeze %dma_start3A_447 : memref<1x160x64xi32, #tpu.memory_space<hbm>> -> memref<160x64xi32, #tpu.memory_space<hbm>>
          %dma_start3A_449 = arith.constant 0 : i32
          %dma_start3A_450 = tpu.memref_slice %dma_start3A_448[%add3A_430, %dma_start3A_449] : memref<160x64xi32, #tpu.memory_space<hbm>> -> memref<1x64xi32, #tpu.memory_space<hbm>>
          %dma_start3A_451 = tpu.memref_squeeze %dma_start3A_450 : memref<1x64xi32, #tpu.memory_space<hbm>> -> memref<64xi32, #tpu.memory_space<hbm>>
          tpu.enqueue_dma source(%dma_start3A_451 : memref<64xi32, #tpu.memory_space<hbm>>) target(%dma_start3A_444 : memref<64xi32, #tpu.memory_space<vmem>>) target_semaphore(%arg22 : memref<!tpu.dma_semaphore, #tpu.memory_space<semaphore_mem>>)
        } else {
        }
        %dma_start3A_348 = arith.constant 2 : i32
        %dma_start3A_349 = arith.constant 2 : i32
        %dma_start3A_350 = arith.constant 0 : i32
        %dma_start3A_351 = arith.constant 0 : i32
        %dma_start3A_352 = tpu.memref_slice %arg11[%dma_start3A_348, %dma_start3A_350, %dma_start3A_351] : memref<4x64x128xf32, #tpu.memory_space<vmem>> -> memref<1x64x128xf32, #tpu.memory_space<vmem>>
        %dma_start3A_353 = tpu.memref_squeeze %dma_start3A_352 : memref<1x64x128xf32, #tpu.memory_space<vmem>> -> memref<64x128xf32, #tpu.memory_space<vmem>>
        %dma_start3A_354 = arith.constant 0 : i32
        %dma_start3A_355 = tpu.memref_slice %arg10[%dma_start3A_349, %dma_start3A_354] : memref<4x64xi32, #tpu.memory_space<vmem>> -> memref<1x64xi32, #tpu.memory_space<vmem>>
        %dma_start3A_356 = tpu.memref_squeeze %dma_start3A_355 : memref<1x64xi32, #tpu.memory_space<vmem>> -> memref<64xi32, #tpu.memory_space<vmem>>
        %dma_start3A_357 = arith.constant 0 : i32
        %dma_start3A_358 = arith.constant 0 : i32
        %dma_start3A_359 = tpu.memref_slice %arg24[%dma_start3A_357, %dma_start3A_358] : memref<10240x128xf32, #tpu.memory_space<vmem_shared>> -> memref<10240x128xf32, #tpu.memory_space<vmem_shared>>
        tpu.enqueue_indirect_dma source(%dma_start3A_353 : memref<64x128xf32, #tpu.memory_space<vmem>>) target(%dma_start3A_359 : memref<10240x128xf32, #tpu.memory_space<vmem_shared>>) offsets(%dma_start3A_356 : memref<64xi32, #tpu.memory_space<vmem>>) semaphore(%arg18 : memref<!tpu.dma_semaphore, #tpu.memory_space<semaphore_mem>>) {add = true}
        %mul3A_360 = arith.constant 4 : i32
        %mul3A_361 = arith.muli %mul3A_360, %add3A_154 : i32
        %add3A_362 = arith.constant 3 : i32
        %add3A_363 = arith.addi %mul3A_361, %add3A_362 : i32
        %add3A_364 = arith.constant 2 : i32
        %add3A_365 = arith.addi %add3A_363, %add3A_364 : i32
        %ge3A_366 = arith.constant 4 : i32
        %ge3A_367 = arith.cmpi sge, %add3A_365, %ge3A_366 : i32
        %convert_element_type3A_368 = arith.extui %ge3A_367 : i1 to i32
        %cond3A_369 = arith.constant 0 : i32
        %cond3A_370 = arith.cmpi ne, %convert_element_type3A_368, %cond3A_369 : i32
        scf.if %cond3A_370 {
          %dma_wait3A_429 = arith.constant 1 : i32
          %dma_wait3A_430 = arith.constant 1 : i32
          %dma_wait3A_431 = arith.constant 0 : i32
          %dma_wait3A_432 = arith.constant 0 : i32
          %dma_wait3A_433 = tpu.memref_slice %arg11[%dma_wait3A_429, %dma_wait3A_431, %dma_wait3A_432] : memref<4x64x128xf32, #tpu.memory_space<vmem>> -> memref<1x64x128xf32, #tpu.memory_space<vmem>>
          %dma_wait3A_434 = tpu.memref_squeeze %dma_wait3A_433 : memref<1x64x128xf32, #tpu.memory_space<vmem>> -> memref<64x128xf32, #tpu.memory_space<vmem>>
          %dma_wait3A_435 = arith.constant 0 : i32
          %dma_wait3A_436 = tpu.memref_slice %arg10[%dma_wait3A_430, %dma_wait3A_435] : memref<4x64xi32, #tpu.memory_space<vmem>> -> memref<1x64xi32, #tpu.memory_space<vmem>>
          %dma_wait3A_437 = tpu.memref_squeeze %dma_wait3A_436 : memref<1x64xi32, #tpu.memory_space<vmem>> -> memref<64xi32, #tpu.memory_space<vmem>>
          %dma_wait3A_438 = arith.constant 0 : i32
          %dma_wait3A_439 = arith.constant 0 : i32
          %dma_wait3A_440 = tpu.memref_slice %arg24[%dma_wait3A_438, %dma_wait3A_439] : memref<10240x128xf32, #tpu.memory_space<vmem_shared>> -> memref<10240x128xf32, #tpu.memory_space<vmem_shared>>
          tpu.wait_indirect_dma semaphore(%arg17 : memref<!tpu.dma_semaphore, #tpu.memory_space<semaphore_mem>>) src(%dma_wait3A_434 : memref<64x128xf32, #tpu.memory_space<vmem>>) dst(%dma_wait3A_440 : memref<10240x128xf32, #tpu.memory_space<vmem_shared>>)
        } else {
        }
        %lt3A_371 = arith.constant 160 : i32
        %lt3A_372 = arith.cmpi slt, %add3A_365, %lt3A_371 : i32
        %convert_element_type3A_373 = arith.extui %lt3A_372 : i1 to i32
        %cond3A_374 = arith.constant 0 : i32
        %cond3A_375 = arith.cmpi ne, %convert_element_type3A_373, %cond3A_374 : i32
        scf.if %cond3A_375 {
          %dma_wait3A_429 = arith.constant 0 : i32
          %dma_wait3A_430 = arith.constant 1 : i32
          %dma_wait3A_431 = arith.constant 0 : i32
          %dma_wait3A_432 = tpu.memref_slice %arg9[%dma_wait3A_430, %dma_wait3A_431] : memref<4x64xi32, #tpu.memory_space<vmem>> -> memref<1x64xi32, #tpu.memory_space<vmem>>
          %dma_wait3A_433 = tpu.memref_squeeze %dma_wait3A_432 : memref<1x64xi32, #tpu.memory_space<vmem>> -> memref<64xi32, #tpu.memory_space<vmem>>
          %dma_wait3A_434 = arith.constant 0 : i32
          %dma_wait3A_435 = arith.constant 0 : i32
          %dma_wait3A_436 = tpu.memref_slice %arg4[%arg1, %dma_wait3A_434, %dma_wait3A_435] : memref<16x160x64xi32, #tpu.memory_space<hbm>> -> memref<1x160x64xi32, #tpu.memory_space<hbm>>
          %dma_wait3A_437 = tpu.memref_squeeze %dma_wait3A_436 : memref<1x160x64xi32, #tpu.memory_space<hbm>> -> memref<160x64xi32, #tpu.memory_space<hbm>>
          %dma_wait3A_438 = arith.constant 0 : i32
          %dma_wait3A_439 = tpu.memref_slice %dma_wait3A_437[%dma_wait3A_429, %dma_wait3A_438] : memref<160x64xi32, #tpu.memory_space<hbm>> -> memref<1x64xi32, #tpu.memory_space<hbm>>
          %dma_wait3A_440 = tpu.memref_squeeze %dma_wait3A_439 : memref<1x64xi32, #tpu.memory_space<hbm>> -> memref<64xi32, #tpu.memory_space<hbm>>
          %dma_wait3A_441 = arith.constant 0 : i32
          %dma_wait3A_442 = tpu.memref_slice %arg9[%dma_wait3A_430, %dma_wait3A_441] : memref<4x64xi32, #tpu.memory_space<vmem>> -> memref<1x64xi32, #tpu.memory_space<vmem>>
          %dma_wait3A_443 = tpu.memref_squeeze %dma_wait3A_442 : memref<1x64xi32, #tpu.memory_space<vmem>> -> memref<64xi32, #tpu.memory_space<vmem>>
          %dma_wait3A_444 = arith.constant 0 : i32
          %dma_wait3A_445 = arith.constant 0 : i32
          %dma_wait3A_446 = tpu.memref_slice %arg4[%arg1, %dma_wait3A_444, %dma_wait3A_445] : memref<16x160x64xi32, #tpu.memory_space<hbm>> -> memref<1x160x64xi32, #tpu.memory_space<hbm>>
          %dma_wait3A_447 = tpu.memref_squeeze %dma_wait3A_446 : memref<1x160x64xi32, #tpu.memory_space<hbm>> -> memref<160x64xi32, #tpu.memory_space<hbm>>
          %dma_wait3A_448 = arith.constant 0 : i32
          %dma_wait3A_449 = tpu.memref_slice %dma_wait3A_447[%dma_wait3A_429, %dma_wait3A_448] : memref<160x64xi32, #tpu.memory_space<hbm>> -> memref<1x64xi32, #tpu.memory_space<hbm>>
          %dma_wait3A_450 = tpu.memref_squeeze %dma_wait3A_449 : memref<1x64xi32, #tpu.memory_space<hbm>> -> memref<64xi32, #tpu.memory_space<hbm>>
          tpu.wait_dma2 semaphore(%arg21 : memref<!tpu.dma_semaphore, #tpu.memory_space<semaphore_mem>>) src(%dma_wait3A_450 : memref<64xi32, #tpu.memory_space<hbm>>) dst(%dma_wait3A_443 : memref<64xi32, #tpu.memory_space<vmem>>)
          %dma_start3A_451 = arith.constant 1 : i32
          %dma_start3A_452 = arith.constant 0 : i32
          %dma_start3A_453 = tpu.memref_slice %arg10[%dma_start3A_451, %dma_start3A_452] : memref<4x64xi32, #tpu.memory_space<vmem>> -> memref<1x64xi32, #tpu.memory_space<vmem>>
          %dma_start3A_454 = tpu.memref_squeeze %dma_start3A_453 : memref<1x64xi32, #tpu.memory_space<vmem>> -> memref<64xi32, #tpu.memory_space<vmem>>
          %dma_start3A_455 = arith.constant 0 : i32
          %dma_start3A_456 = arith.constant 0 : i32
          %dma_start3A_457 = tpu.memref_slice %arg5[%arg1, %dma_start3A_455, %dma_start3A_456] : memref<16x160x64xi32, #tpu.memory_space<hbm>> -> memref<1x160x64xi32, #tpu.memory_space<hbm>>
          %dma_start3A_458 = tpu.memref_squeeze %dma_start3A_457 : memref<1x160x64xi32, #tpu.memory_space<hbm>> -> memref<160x64xi32, #tpu.memory_space<hbm>>
          %dma_start3A_459 = arith.constant 0 : i32
          %dma_start3A_460 = tpu.memref_slice %dma_start3A_458[%add3A_365, %dma_start3A_459] : memref<160x64xi32, #tpu.memory_space<hbm>> -> memref<1x64xi32, #tpu.memory_space<hbm>>
          %dma_start3A_461 = tpu.memref_squeeze %dma_start3A_460 : memref<1x64xi32, #tpu.memory_space<hbm>> -> memref<64xi32, #tpu.memory_space<hbm>>
          %dma_start3A_462 = arith.constant 0 : i32
          %dma_start3A_463 = tpu.memref_slice %arg10[%dma_start3A_451, %dma_start3A_462] : memref<4x64xi32, #tpu.memory_space<vmem>> -> memref<1x64xi32, #tpu.memory_space<vmem>>
          %dma_start3A_464 = tpu.memref_squeeze %dma_start3A_463 : memref<1x64xi32, #tpu.memory_space<vmem>> -> memref<64xi32, #tpu.memory_space<vmem>>
          %dma_start3A_465 = arith.constant 0 : i32
          %dma_start3A_466 = arith.constant 0 : i32
          %dma_start3A_467 = tpu.memref_slice %arg5[%arg1, %dma_start3A_465, %dma_start3A_466] : memref<16x160x64xi32, #tpu.memory_space<hbm>> -> memref<1x160x64xi32, #tpu.memory_space<hbm>>
          %dma_start3A_468 = tpu.memref_squeeze %dma_start3A_467 : memref<1x160x64xi32, #tpu.memory_space<hbm>> -> memref<160x64xi32, #tpu.memory_space<hbm>>
          %dma_start3A_469 = arith.constant 0 : i32
          %dma_start3A_470 = tpu.memref_slice %dma_start3A_468[%add3A_365, %dma_start3A_469] : memref<160x64xi32, #tpu.memory_space<hbm>> -> memref<1x64xi32, #tpu.memory_space<hbm>>
          %dma_start3A_471 = tpu.memref_squeeze %dma_start3A_470 : memref<1x64xi32, #tpu.memory_space<hbm>> -> memref<64xi32, #tpu.memory_space<hbm>>
          tpu.enqueue_dma source(%dma_start3A_471 : memref<64xi32, #tpu.memory_space<hbm>>) target(%dma_start3A_464 : memref<64xi32, #tpu.memory_space<vmem>>) target_semaphore(%arg13 : memref<!tpu.dma_semaphore, #tpu.memory_space<semaphore_mem>>)
          %dma_start3A_472 = arith.constant 1 : i32
          %dma_start3A_473 = arith.constant 1 : i32
          %dma_start3A_474 = arith.constant 0 : i32
          %dma_start3A_475 = arith.constant 0 : i32
          %dma_start3A_476 = tpu.memref_slice %arg11[%dma_start3A_473, %dma_start3A_474, %dma_start3A_475] : memref<4x64x128xf32, #tpu.memory_space<vmem>> -> memref<1x64x128xf32, #tpu.memory_space<vmem>>
          %dma_start3A_477 = tpu.memref_squeeze %dma_start3A_476 : memref<1x64x128xf32, #tpu.memory_space<vmem>> -> memref<64x128xf32, #tpu.memory_space<vmem>>
          %dma_start3A_478 = arith.constant 0 : i32
          %dma_start3A_479 = tpu.memref_slice %arg9[%dma_start3A_472, %dma_start3A_478] : memref<4x64xi32, #tpu.memory_space<vmem>> -> memref<1x64xi32, #tpu.memory_space<vmem>>
          %dma_start3A_480 = tpu.memref_squeeze %dma_start3A_479 : memref<1x64xi32, #tpu.memory_space<vmem>> -> memref<64xi32, #tpu.memory_space<vmem>>
          %dma_start3A_481 = arith.constant 0 : i32
          %dma_start3A_482 = arith.constant 0 : i32
          %dma_start3A_483 = tpu.memref_slice %arg3[%dma_start3A_481, %dma_start3A_482] : memref<10240x128xf32, #tpu.memory_space<hbm>> -> memref<10240x128xf32, #tpu.memory_space<hbm>>
          tpu.enqueue_indirect_dma source(%dma_start3A_483 : memref<10240x128xf32, #tpu.memory_space<hbm>>) target(%dma_start3A_477 : memref<64x128xf32, #tpu.memory_space<vmem>>) offsets(%dma_start3A_480 : memref<64xi32, #tpu.memory_space<vmem>>) semaphore(%arg13 : memref<!tpu.dma_semaphore, #tpu.memory_space<semaphore_mem>>)
        } else {
        }
        %dma_wait3A_376 = arith.constant 0 : i32
        %dma_wait3A_377 = arith.constant 3 : i32
        %dma_wait3A_378 = arith.constant 0 : i32
        %dma_wait3A_379 = tpu.memref_slice %arg10[%dma_wait3A_377, %dma_wait3A_378] : memref<4x64xi32, #tpu.memory_space<vmem>> -> memref<1x64xi32, #tpu.memory_space<vmem>>
        %dma_wait3A_380 = tpu.memref_squeeze %dma_wait3A_379 : memref<1x64xi32, #tpu.memory_space<vmem>> -> memref<64xi32, #tpu.memory_space<vmem>>
        %dma_wait3A_381 = arith.constant 0 : i32
        %dma_wait3A_382 = arith.constant 0 : i32
        %dma_wait3A_383 = tpu.memref_slice %arg5[%arg1, %dma_wait3A_381, %dma_wait3A_382] : memref<16x160x64xi32, #tpu.memory_space<hbm>> -> memref<1x160x64xi32, #tpu.memory_space<hbm>>
        %dma_wait3A_384 = tpu.memref_squeeze %dma_wait3A_383 : memref<1x160x64xi32, #tpu.memory_space<hbm>> -> memref<160x64xi32, #tpu.memory_space<hbm>>
        %dma_wait3A_385 = arith.constant 0 : i32
        %dma_wait3A_386 = tpu.memref_slice %dma_wait3A_384[%dma_wait3A_376, %dma_wait3A_385] : memref<160x64xi32, #tpu.memory_space<hbm>> -> memref<1x64xi32, #tpu.memory_space<hbm>>
        %dma_wait3A_387 = tpu.memref_squeeze %dma_wait3A_386 : memref<1x64xi32, #tpu.memory_space<hbm>> -> memref<64xi32, #tpu.memory_space<hbm>>
        %dma_wait3A_388 = arith.constant 0 : i32
        %dma_wait3A_389 = tpu.memref_slice %arg10[%dma_wait3A_377, %dma_wait3A_388] : memref<4x64xi32, #tpu.memory_space<vmem>> -> memref<1x64xi32, #tpu.memory_space<vmem>>
        %dma_wait3A_390 = tpu.memref_squeeze %dma_wait3A_389 : memref<1x64xi32, #tpu.memory_space<vmem>> -> memref<64xi32, #tpu.memory_space<vmem>>
        %dma_wait3A_391 = arith.constant 0 : i32
        %dma_wait3A_392 = arith.constant 0 : i32
        %dma_wait3A_393 = tpu.memref_slice %arg5[%arg1, %dma_wait3A_391, %dma_wait3A_392] : memref<16x160x64xi32, #tpu.memory_space<hbm>> -> memref<1x160x64xi32, #tpu.memory_space<hbm>>
        %dma_wait3A_394 = tpu.memref_squeeze %dma_wait3A_393 : memref<1x160x64xi32, #tpu.memory_space<hbm>> -> memref<160x64xi32, #tpu.memory_space<hbm>>
        %dma_wait3A_395 = arith.constant 0 : i32
        %dma_wait3A_396 = tpu.memref_slice %dma_wait3A_394[%dma_wait3A_376, %dma_wait3A_395] : memref<160x64xi32, #tpu.memory_space<hbm>> -> memref<1x64xi32, #tpu.memory_space<hbm>>
        %dma_wait3A_397 = tpu.memref_squeeze %dma_wait3A_396 : memref<1x64xi32, #tpu.memory_space<hbm>> -> memref<64xi32, #tpu.memory_space<hbm>>
        tpu.wait_dma2 semaphore(%arg15 : memref<!tpu.dma_semaphore, #tpu.memory_space<semaphore_mem>>) src(%dma_wait3A_397 : memref<64xi32, #tpu.memory_space<hbm>>) dst(%dma_wait3A_390 : memref<64xi32, #tpu.memory_space<vmem>>)
        %dma_wait3A_398 = arith.constant 0 : i32
        %dma_wait3A_399 = arith.constant 3 : i32
        %dma_wait3A_400 = arith.constant 0 : i32
        %dma_wait3A_401 = arith.constant 0 : i32
        %dma_wait3A_402 = tpu.memref_slice %arg11[%dma_wait3A_399, %dma_wait3A_400, %dma_wait3A_401] : memref<4x64x128xf32, #tpu.memory_space<vmem>> -> memref<1x64x128xf32, #tpu.memory_space<vmem>>
        %dma_wait3A_403 = tpu.memref_squeeze %dma_wait3A_402 : memref<1x64x128xf32, #tpu.memory_space<vmem>> -> memref<64x128xf32, #tpu.memory_space<vmem>>
        %dma_wait3A_404 = arith.constant 0 : i32
        %dma_wait3A_405 = tpu.memref_slice %arg9[%dma_wait3A_398, %dma_wait3A_404] : memref<4x64xi32, #tpu.memory_space<vmem>> -> memref<1x64xi32, #tpu.memory_space<vmem>>
        %dma_wait3A_406 = tpu.memref_squeeze %dma_wait3A_405 : memref<1x64xi32, #tpu.memory_space<vmem>> -> memref<64xi32, #tpu.memory_space<vmem>>
        %dma_wait3A_407 = arith.constant 0 : i32
        %dma_wait3A_408 = arith.constant 0 : i32
        %dma_wait3A_409 = tpu.memref_slice %arg3[%dma_wait3A_407, %dma_wait3A_408] : memref<10240x128xf32, #tpu.memory_space<hbm>> -> memref<10240x128xf32, #tpu.memory_space<hbm>>
        tpu.wait_indirect_dma semaphore(%arg15 : memref<!tpu.dma_semaphore, #tpu.memory_space<semaphore_mem>>) src(%dma_wait3A_409 : memref<10240x128xf32, #tpu.memory_space<hbm>>) dst(%dma_wait3A_403 : memref<64x128xf32, #tpu.memory_space<vmem>>)
        %add3A_410 = arith.constant 4 : i32
        %add3A_411 = arith.addi %add3A_363, %add3A_410 : i32
        %lt3A_412 = arith.constant 160 : i32
        %lt3A_413 = arith.cmpi slt, %add3A_411, %lt3A_412 : i32
        %convert_element_type3A_414 = arith.extui %lt3A_413 : i1 to i32
        %cond3A_415 = arith.constant 0 : i32
        %cond3A_416 = arith.cmpi ne, %convert_element_type3A_414, %cond3A_415 : i32
        scf.if %cond3A_416 {
          %add3A_429 = arith.constant 4 : i32
          %add3A_430 = arith.addi %add3A_363, %add3A_429 : i32
          %dma_start3A_431 = arith.constant 3 : i32
          %dma_start3A_432 = arith.constant 0 : i32
          %dma_start3A_433 = tpu.memref_slice %arg9[%dma_start3A_431, %dma_start3A_432] : memref<4x64xi32, #tpu.memory_space<vmem>> -> memref<1x64xi32, #tpu.memory_space<vmem>>
          %dma_start3A_434 = tpu.memref_squeeze %dma_start3A_433 : memref<1x64xi32, #tpu.memory_space<vmem>> -> memref<64xi32, #tpu.memory_space<vmem>>
          %dma_start3A_435 = arith.constant 0 : i32
          %dma_start3A_436 = arith.constant 0 : i32
          %dma_start3A_437 = tpu.memref_slice %arg4[%arg1, %dma_start3A_435, %dma_start3A_436] : memref<16x160x64xi32, #tpu.memory_space<hbm>> -> memref<1x160x64xi32, #tpu.memory_space<hbm>>
          %dma_start3A_438 = tpu.memref_squeeze %dma_start3A_437 : memref<1x160x64xi32, #tpu.memory_space<hbm>> -> memref<160x64xi32, #tpu.memory_space<hbm>>
          %dma_start3A_439 = arith.constant 0 : i32
          %dma_start3A_440 = tpu.memref_slice %dma_start3A_438[%add3A_430, %dma_start3A_439] : memref<160x64xi32, #tpu.memory_space<hbm>> -> memref<1x64xi32, #tpu.memory_space<hbm>>
          %dma_start3A_441 = tpu.memref_squeeze %dma_start3A_440 : memref<1x64xi32, #tpu.memory_space<hbm>> -> memref<64xi32, #tpu.memory_space<hbm>>
          %dma_start3A_442 = arith.constant 0 : i32
          %dma_start3A_443 = tpu.memref_slice %arg9[%dma_start3A_431, %dma_start3A_442] : memref<4x64xi32, #tpu.memory_space<vmem>> -> memref<1x64xi32, #tpu.memory_space<vmem>>
          %dma_start3A_444 = tpu.memref_squeeze %dma_start3A_443 : memref<1x64xi32, #tpu.memory_space<vmem>> -> memref<64xi32, #tpu.memory_space<vmem>>
          %dma_start3A_445 = arith.constant 0 : i32
          %dma_start3A_446 = arith.constant 0 : i32
          %dma_start3A_447 = tpu.memref_slice %arg4[%arg1, %dma_start3A_445, %dma_start3A_446] : memref<16x160x64xi32, #tpu.memory_space<hbm>> -> memref<1x160x64xi32, #tpu.memory_space<hbm>>
          %dma_start3A_448 = tpu.memref_squeeze %dma_start3A_447 : memref<1x160x64xi32, #tpu.memory_space<hbm>> -> memref<160x64xi32, #tpu.memory_space<hbm>>
          %dma_start3A_449 = arith.constant 0 : i32
          %dma_start3A_450 = tpu.memref_slice %dma_start3A_448[%add3A_430, %dma_start3A_449] : memref<160x64xi32, #tpu.memory_space<hbm>> -> memref<1x64xi32, #tpu.memory_space<hbm>>
          %dma_start3A_451 = tpu.memref_squeeze %dma_start3A_450 : memref<1x64xi32, #tpu.memory_space<hbm>> -> memref<64xi32, #tpu.memory_space<hbm>>
          tpu.enqueue_dma source(%dma_start3A_451 : memref<64xi32, #tpu.memory_space<hbm>>) target(%dma_start3A_444 : memref<64xi32, #tpu.memory_space<vmem>>) target_semaphore(%arg23 : memref<!tpu.dma_semaphore, #tpu.memory_space<semaphore_mem>>)
        } else {
        }
        %dma_start3A_417 = arith.constant 3 : i32
        %dma_start3A_418 = arith.constant 3 : i32
        %dma_start3A_419 = arith.constant 0 : i32
        %dma_start3A_420 = arith.constant 0 : i32
        %dma_start3A_421 = tpu.memref_slice %arg11[%dma_start3A_417, %dma_start3A_419, %dma_start3A_420] : memref<4x64x128xf32, #tpu.memory_space<vmem>> -> memref<1x64x128xf32, #tpu.memory_space<vmem>>
        %dma_start3A_422 = tpu.memref_squeeze %dma_start3A_421 : memref<1x64x128xf32, #tpu.memory_space<vmem>> -> memref<64x128xf32, #tpu.memory_space<vmem>>
        %dma_start3A_423 = arith.constant 0 : i32
        %dma_start3A_424 = tpu.memref_slice %arg10[%dma_start3A_418, %dma_start3A_423] : memref<4x64xi32, #tpu.memory_space<vmem>> -> memref<1x64xi32, #tpu.memory_space<vmem>>
        %dma_start3A_425 = tpu.memref_squeeze %dma_start3A_424 : memref<1x64xi32, #tpu.memory_space<vmem>> -> memref<64xi32, #tpu.memory_space<vmem>>
        %dma_start3A_426 = arith.constant 0 : i32
        %dma_start3A_427 = arith.constant 0 : i32
        %dma_start3A_428 = tpu.memref_slice %arg24[%dma_start3A_426, %dma_start3A_427] : memref<10240x128xf32, #tpu.memory_space<vmem_shared>> -> memref<10240x128xf32, #tpu.memory_space<vmem_shared>>
        tpu.enqueue_indirect_dma source(%dma_start3A_422 : memref<64x128xf32, #tpu.memory_space<vmem>>) target(%dma_start3A_428 : memref<10240x128xf32, #tpu.memory_space<vmem_shared>>) offsets(%dma_start3A_425 : memref<64xi32, #tpu.memory_space<vmem>>) semaphore(%arg19 : memref<!tpu.dma_semaphore, #tpu.memory_space<semaphore_mem>>) {add = true}
      }
      %scan3A_125 = arith.constant 40 : i32
      %dma_wait3A = arith.constant 2 : i32
      %dma_wait3A_126 = arith.constant 2 : i32
      %dma_wait3A_127 = arith.constant 0 : i32
      %dma_wait3A_128 = arith.constant 0 : i32
      %dma_wait3A_129 = tpu.memref_slice %arg11[%dma_wait3A, %dma_wait3A_127, %dma_wait3A_128] : memref<4x64x128xf32, #tpu.memory_space<vmem>> -> memref<1x64x128xf32, #tpu.memory_space<vmem>>
      %dma_wait3A_130 = tpu.memref_squeeze %dma_wait3A_129 : memref<1x64x128xf32, #tpu.memory_space<vmem>> -> memref<64x128xf32, #tpu.memory_space<vmem>>
      %dma_wait3A_131 = arith.constant 0 : i32
      %dma_wait3A_132 = tpu.memref_slice %arg10[%dma_wait3A_126, %dma_wait3A_131] : memref<4x64xi32, #tpu.memory_space<vmem>> -> memref<1x64xi32, #tpu.memory_space<vmem>>
      %dma_wait3A_133 = tpu.memref_squeeze %dma_wait3A_132 : memref<1x64xi32, #tpu.memory_space<vmem>> -> memref<64xi32, #tpu.memory_space<vmem>>
      %dma_wait3A_134 = arith.constant 0 : i32
      %dma_wait3A_135 = arith.constant 0 : i32
      %dma_wait3A_136 = tpu.memref_slice %arg24[%dma_wait3A_134, %dma_wait3A_135] : memref<10240x128xf32, #tpu.memory_space<vmem_shared>> -> memref<10240x128xf32, #tpu.memory_space<vmem_shared>>
      tpu.wait_indirect_dma semaphore(%arg18 : memref<!tpu.dma_semaphore, #tpu.memory_space<semaphore_mem>>) src(%dma_wait3A_130 : memref<64x128xf32, #tpu.memory_space<vmem>>) dst(%dma_wait3A_136 : memref<10240x128xf32, #tpu.memory_space<vmem_shared>>)
      %dma_wait3A_137 = arith.constant 3 : i32
      %dma_wait3A_138 = arith.constant 3 : i32
      %dma_wait3A_139 = arith.constant 0 : i32
      %dma_wait3A_140 = arith.constant 0 : i32
      %dma_wait3A_141 = tpu.memref_slice %arg11[%dma_wait3A_137, %dma_wait3A_139, %dma_wait3A_140] : memref<4x64x128xf32, #tpu.memory_space<vmem>> -> memref<1x64x128xf32, #tpu.memory_space<vmem>>
      %dma_wait3A_142 = tpu.memref_squeeze %dma_wait3A_141 : memref<1x64x128xf32, #tpu.memory_space<vmem>> -> memref<64x128xf32, #tpu.memory_space<vmem>>
      %dma_wait3A_143 = arith.constant 0 : i32
      %dma_wait3A_144 = tpu.memref_slice %arg10[%dma_wait3A_138, %dma_wait3A_143] : memref<4x64xi32, #tpu.memory_space<vmem>> -> memref<1x64xi32, #tpu.memory_space<vmem>>
      %dma_wait3A_145 = tpu.memref_squeeze %dma_wait3A_144 : memref<1x64xi32, #tpu.memory_space<vmem>> -> memref<64xi32, #tpu.memory_space<vmem>>
      %dma_wait3A_146 = arith.constant 0 : i32
      %dma_wait3A_147 = arith.constant 0 : i32
      %dma_wait3A_148 = tpu.memref_slice %arg24[%dma_wait3A_146, %dma_wait3A_147] : memref<10240x128xf32, #tpu.memory_space<vmem_shared>> -> memref<10240x128xf32, #tpu.memory_space<vmem_shared>>
      tpu.wait_indirect_dma semaphore(%arg19 : memref<!tpu.dma_semaphore, #tpu.memory_space<semaphore_mem>>) src(%dma_wait3A_142 : memref<64x128xf32, #tpu.memory_space<vmem>>) dst(%dma_wait3A_148 : memref<10240x128xf32, #tpu.memory_space<vmem_shared>>)
      %barrier3A_149 = arith.constant 0 : index
      tpu.barrier barrier_id(%barrier3A_149)
      "tpu.region"() ({
        %run_scoped3A_151 = tpu.sem_alloc : memref<!tpu.dma_semaphore, #tpu.memory_space<semaphore_mem>>
        %dma_start3A_152 = arith.constant 0 : i32
        %dma_start3A_153 = tpu.memref_slice %arg8[%mul3A_0, %dma_start3A_152] : memref<10240x128xf32, #tpu.memory_space<hbm>> -> memref<640x128xf32, #tpu.memory_space<hbm>>
        %dma_start3A_154 = arith.constant 0 : i32
        %dma_start3A_155 = tpu.memref_slice %arg24[%mul3A_0, %dma_start3A_154] : memref<10240x128xf32, #tpu.memory_space<vmem_shared>> -> memref<640x128xf32, #tpu.memory_space<vmem_shared>>
        tpu.enqueue_dma source(%dma_start3A_155 : memref<640x128xf32, #tpu.memory_space<vmem_shared>>) target(%dma_start3A_153 : memref<640x128xf32, #tpu.memory_space<hbm>>) target_semaphore(%run_scoped3A_151 : memref<!tpu.dma_semaphore, #tpu.memory_space<semaphore_mem>>)
        %dma_wait3A_156 = arith.constant 0 : i32
        %dma_wait3A_157 = tpu.memref_slice %arg8[%mul3A_0, %dma_wait3A_156] : memref<10240x128xf32, #tpu.memory_space<hbm>> -> memref<640x128xf32, #tpu.memory_space<hbm>>
        %dma_wait3A_158 = arith.constant 0 : i32
        %dma_wait3A_159 = tpu.memref_slice %arg24[%mul3A_0, %dma_wait3A_158] : memref<10240x128xf32, #tpu.memory_space<vmem_shared>> -> memref<640x128xf32, #tpu.memory_space<vmem_shared>>
        tpu.wait_dma2 semaphore(%run_scoped3A_151 : memref<!tpu.dma_semaphore, #tpu.memory_space<semaphore_mem>>) src(%dma_wait3A_159 : memref<640x128xf32, #tpu.memory_space<vmem_shared>>) dst(%dma_wait3A_157 : memref<640x128xf32, #tpu.memory_space<hbm>>)
        tpu.yield
      }) : () -> ()
      %barrier3A_150 = arith.constant 0 : index
      tpu.barrier barrier_id(%barrier3A_150)
    } else {
    }
    return
  }
}

module attributes {stable_mosaic.version = 14 : i64} {
  func.func @_tc0_body(%arg0: i32, %arg1: memref<640x256xf32, #tpu.memory_space<vmem>>, %arg2: memref<640x128xf32, #tpu.memory_space<vmem>>, %arg3: memref<640x128xf32, #tpu.memory_space<vmem>>, %arg4: memref<640x128xf32, #tpu.memory_space<vmem>>, %arg5: memref<640x128xf32, #tpu.memory_space<vmem>>) attributes {dimension_semantics = [#tpu.dimension_semantics<arbitrary>], iteration_bounds = array<i64: 16>, scalar_prefetch = 0 : i64, scratch_operands = 0 : i64, tpu.core_type = #tpu.core_type<tc>, window_params = [{transform_indices = @transform_0, window_bounds = array<i64: 640, 256>}, {transform_indices = @transform_1, window_bounds = array<i64: 640, 128>}, {transform_indices = @transform_2, window_bounds = array<i64: 640, 128>}, {transform_indices = @transform_3, window_bounds = array<i64: 640, 128>}, {transform_indices = @transform_4, window_bounds = array<i64: 640, 128>}]} {
    %get3A = arith.constant 0 : index
    %get3A_0 = arith.constant 0 : index
    %get3A_1 = vector.load %arg1[%get3A, %get3A_0] : memref<640x256xf32, #tpu.memory_space<vmem>>, vector<640x256xf32>
    %get3A_2 = arith.constant 0 : index
    %get3A_3 = arith.constant 0 : index
    %get3A_4 = vector.load %arg2[%get3A_2, %get3A_3] : memref<640x128xf32, #tpu.memory_space<vmem>>, vector<640x1xf32>
    %get3A_5 = arith.constant 0 : index
    %get3A_6 = arith.constant 0 : index
    %get3A_7 = vector.load %arg3[%get3A_5, %get3A_6] : memref<640x128xf32, #tpu.memory_space<vmem>>, vector<640x1xf32>
    %add3A = arith.addf %get3A_4, %get3A_7 : vector<640x1xf32>
    %add3A_8 = arith.constant 1.000000e+00 : f32
    %add3A_9 = vector.broadcast %add3A_8 : f32 to vector<640x1xf32>
    %add3A_10 = arith.addf %add3A, %add3A_9 : vector<640x1xf32>
    %rsqrt3A = math.rsqrt %add3A_10 : vector<640x1xf32>
    %mul3A = vector.broadcast %rsqrt3A : vector<640x1xf32> to vector<640x256xf32>
    %mul3A_11 = arith.mulf %get3A_1, %mul3A : vector<640x256xf32>
    %slice3A = vector.extract_strided_slice %mul3A_11 {offsets = [0, 0], sizes = [640, 128], strides = [1, 1]} : vector<640x256xf32> to vector<640x128xf32>
    %swap3A = arith.constant 0 : index
    %swap3A_12 = arith.constant 0 : index
    %swap3A_13 = vector.load %arg4[%swap3A, %swap3A_12] : memref<640x128xf32, #tpu.memory_space<vmem>>, vector<640x128xf32>
    tpu.vector_store %arg4[%swap3A, %swap3A_12], %slice3A {strides = array<i32>} : memref<640x128xf32, #tpu.memory_space<vmem>>, vector<640x128xf32>,
    %slice3A_14 = vector.extract_strided_slice %mul3A_11 {offsets = [0, 128], sizes = [640, 128], strides = [1, 1]} : vector<640x256xf32> to vector<640x128xf32>
    %swap3A_15 = arith.constant 0 : index
    %swap3A_16 = arith.constant 0 : index
    %swap3A_17 = vector.load %arg5[%swap3A_15, %swap3A_16] : memref<640x128xf32, #tpu.memory_space<vmem>>, vector<640x128xf32>
    tpu.vector_store %arg5[%swap3A_15, %swap3A_16], %slice3A_14 {strides = array<i32>} : memref<640x128xf32, #tpu.memory_space<vmem>>, vector<640x128xf32>,
    return
  }
  func.func @transform_0(%arg0: i32) -> (i32, i32) {
    %c0_i32 = arith.constant 0 : i32
    %c0_i32_0 = arith.constant 0 : i32
    return %arg0, %c0_i32 : i32, i32
  }
  func.func @transform_1(%arg0: i32) -> (i32, i32) {
    %c0_i32 = arith.constant 0 : i32
    %c0_i32_0 = arith.constant 0 : i32
    return %arg0, %c0_i32 : i32, i32
  }
  func.func @transform_2(%arg0: i32) -> (i32, i32) {
    %c0_i32 = arith.constant 0 : i32
    %c0_i32_0 = arith.constant 0 : i32
    return %arg0, %c0_i32 : i32, i32
  }
  func.func @transform_3(%arg0: i32) -> (i32, i32) {
    %c0_i32 = arith.constant 0 : i32
    %c0_i32_0 = arith.constant 0 : i32
    return %arg0, %c0_i32 : i32, i32
  }
  func.func @transform_4(%arg0: i32) -> (i32, i32) {
    %c0_i32 = arith.constant 0 : i32
    %c0_i32_0 = arith.constant 0 : i32
    return %arg0, %c0_i32 : i32, i32
  }
}

module attributes {stable_mosaic.version = 14 : i64} {
  func.func @_tc12_body(%arg0: i32, %arg1: memref<640x128xf32, #tpu.memory_space<vmem>>, %arg2: memref<640x128xf32, #tpu.memory_space<vmem>>, %arg3: memref<640x128xf32, #tpu.memory_space<vmem>>, %arg4: memref<640x128xf32, #tpu.memory_space<vmem>>, %arg5: memref<640x128xf32, #tpu.memory_space<vmem>>, %arg6: memref<640x128xf32, #tpu.memory_space<vmem>>, %arg7: memref<1x512xf32, #tpu.memory_space<vmem>>, %arg8: memref<256x512xf32, #tpu.memory_space<vmem>>, %arg9: memref<512x256xf32, #tpu.memory_space<vmem>>, %arg10: memref<640x128xf32, #tpu.memory_space<vmem>>, %arg11: memref<640x128xf32, #tpu.memory_space<vmem>>) attributes {dimension_semantics = [#tpu.dimension_semantics<arbitrary>], iteration_bounds = array<i64: 16>, scalar_prefetch = 0 : i64, scratch_operands = 0 : i64, tpu.core_type = #tpu.core_type<tc>, window_params = [{transform_indices = @transform_0, window_bounds = array<i64: 640, 128>}, {transform_indices = @transform_1, window_bounds = array<i64: 640, 128>}, {transform_indices = @transform_2, window_bounds = array<i64: 640, 128>}, {transform_indices = @transform_3, window_bounds = array<i64: 640, 128>}, {transform_indices = @transform_4, window_bounds = array<i64: 640, 128>}, {transform_indices = @transform_5, window_bounds = array<i64: 640, 128>}, {pipeline_mode = #tpu.pipeline_mode<synchronous>, transform_indices = @transform_6, window_bounds = array<i64: 1, 512>}, {pipeline_mode = #tpu.pipeline_mode<synchronous>, transform_indices = @transform_7, window_bounds = array<i64: 256, 512>}, {pipeline_mode = #tpu.pipeline_mode<synchronous>, transform_indices = @transform_8, window_bounds = array<i64: 512, 256>}, {transform_indices = @transform_9, window_bounds = array<i64: 640, 128>}, {transform_indices = @transform_10, window_bounds = array<i64: 640, 128>}]} {
    %get3A = arith.constant 0 : index
    %get3A_0 = arith.constant 0 : index
    %get3A_1 = vector.load %arg5[%get3A, %get3A_0] : memref<640x128xf32, #tpu.memory_space<vmem>>, vector<640x1xf32>
    %get3A_2 = arith.constant 0 : index
    %get3A_3 = arith.constant 0 : index
    %get3A_4 = vector.load %arg6[%get3A_2, %get3A_3] : memref<640x128xf32, #tpu.memory_space<vmem>>, vector<640x1xf32>
    %add3A = arith.addf %get3A_1, %get3A_4 : vector<640x1xf32>
    %add3A_5 = arith.constant 1.000000e+00 : f32
    %add3A_6 = vector.broadcast %add3A_5 : f32 to vector<640x1xf32>
    %add3A_7 = arith.addf %add3A, %add3A_6 : vector<640x1xf32>
    %rsqrt3A = math.rsqrt %add3A_7 : vector<640x1xf32>
    %get3A_8 = arith.constant 0 : index
    %get3A_9 = arith.constant 0 : index
    %get3A_10 = vector.load %arg1[%get3A_8, %get3A_9] : memref<640x128xf32, #tpu.memory_space<vmem>>, vector<640x128xf32>
    %get3A_11 = arith.constant 0 : index
    %get3A_12 = arith.constant 0 : index
    %get3A_13 = vector.load %arg3[%get3A_11, %get3A_12] : memref<640x128xf32, #tpu.memory_space<vmem>>, vector<640x128xf32>
    %add3A_14 = arith.addf %get3A_10, %get3A_13 : vector<640x128xf32>
    %get3A_15 = arith.constant 0 : index
    %get3A_16 = arith.constant 0 : index
    %get3A_17 = vector.load %arg2[%get3A_15, %get3A_16] : memref<640x128xf32, #tpu.memory_space<vmem>>, vector<640x128xf32>
    %get3A_18 = arith.constant 0 : index
    %get3A_19 = arith.constant 0 : index
    %get3A_20 = vector.load %arg4[%get3A_18, %get3A_19] : memref<640x128xf32, #tpu.memory_space<vmem>>, vector<640x128xf32>
    %add3A_21 = arith.addf %get3A_17, %get3A_20 : vector<640x128xf32>
    %concatenate3A = tpu.concatenate %add3A_14, %add3A_21 in 1 : vector<640x128xf32>, vector<640x128xf32> -> vector<640x256xf32>
    %mul3A = vector.broadcast %rsqrt3A : vector<640x1xf32> to vector<640x256xf32>
    %mul3A_22 = arith.mulf %concatenate3A, %mul3A : vector<640x256xf32>
    %get3A_23 = arith.constant 0 : index
    %get3A_24 = arith.constant 0 : index
    %get3A_25 = vector.load %arg8[%get3A_23, %get3A_24] : memref<256x512xf32, #tpu.memory_space<vmem>>, vector<256x512xf32>
    %dot_general3A = arith.constant dense<0.000000e+00> : vector<640x512xf32>
    %dot_general3A_26 = tpu.matmul %mul3A_22, %get3A_25, %dot_general3A {dimension_numbers = #tpu.dot_dimension_numbers<[1], [0], [0], [1], [0, 0, 1, 1], [], []>, precision = #tpu.contract_precision<fp32>, transpose_lhs_hint = false} : vector<640x256xf32>, vector<256x512xf32>, vector<640x512xf32> -> vector<640x512xf32>
    %get3A_27 = arith.constant 0 : index
    %get3A_28 = arith.constant 0 : index
    %get3A_29 = vector.load %arg7[%get3A_27, %get3A_28] : memref<1x512xf32, #tpu.memory_space<vmem>>, vector<1x512xf32>
    %add3A_30 = vector.broadcast %get3A_29 : vector<1x512xf32> to vector<640x512xf32>
    %add3A_31 = arith.addf %dot_general3A_26, %add3A_30 : vector<640x512xf32>
    %max3A = arith.constant 0.000000e+00 : f32
    %max3A_32 = vector.broadcast %max3A : f32 to vector<640x512xf32>
    %max3A_33 = arith.maximumf %add3A_31, %max3A_32 : vector<640x512xf32>
    %get3A_34 = arith.constant 0 : index
    %get3A_35 = arith.constant 0 : index
    %get3A_36 = vector.load %arg9[%get3A_34, %get3A_35] : memref<512x256xf32, #tpu.memory_space<vmem>>, vector<512x256xf32>
    %dot_general3A_37 = arith.constant dense<0.000000e+00> : vector<640x256xf32>
    %dot_general3A_38 = tpu.matmul %max3A_33, %get3A_36, %dot_general3A_37 {dimension_numbers = #tpu.dot_dimension_numbers<[1], [0], [0], [1], [0, 0, 1, 1], [], []>, precision = #tpu.contract_precision<fp32>, transpose_lhs_hint = false} : vector<640x512xf32>, vector<512x256xf32>, vector<640x256xf32> -> vector<640x256xf32>
    %mul3A_39 = vector.broadcast %rsqrt3A : vector<640x1xf32> to vector<640x256xf32>
    %mul3A_40 = arith.mulf %dot_general3A_38, %mul3A_39 : vector<640x256xf32>
    %slice3A = vector.extract_strided_slice %mul3A_40 {offsets = [0, 0], sizes = [640, 128], strides = [1, 1]} : vector<640x256xf32> to vector<640x128xf32>
    %swap3A = arith.constant 0 : index
    %swap3A_41 = arith.constant 0 : index
    %swap3A_42 = vector.load %arg10[%swap3A, %swap3A_41] : memref<640x128xf32, #tpu.memory_space<vmem>>, vector<640x128xf32>
    tpu.vector_store %arg10[%swap3A, %swap3A_41], %slice3A {strides = array<i32>} : memref<640x128xf32, #tpu.memory_space<vmem>>, vector<640x128xf32>,
    %slice3A_43 = vector.extract_strided_slice %mul3A_40 {offsets = [0, 128], sizes = [640, 128], strides = [1, 1]} : vector<640x256xf32> to vector<640x128xf32>
    %swap3A_44 = arith.constant 0 : index
    %swap3A_45 = arith.constant 0 : index
    %swap3A_46 = vector.load %arg11[%swap3A_44, %swap3A_45] : memref<640x128xf32, #tpu.memory_space<vmem>>, vector<640x128xf32>
    tpu.vector_store %arg11[%swap3A_44, %swap3A_45], %slice3A_43 {strides = array<i32>} : memref<640x128xf32, #tpu.memory_space<vmem>>, vector<640x128xf32>,
    return
  }
  func.func @transform_0(%arg0: i32) -> (i32, i32) {
    %c0_i32 = arith.constant 0 : i32
    %c0_i32_0 = arith.constant 0 : i32
    return %arg0, %c0_i32 : i32, i32
  }
  func.func @transform_1(%arg0: i32) -> (i32, i32) {
    %c0_i32 = arith.constant 0 : i32
    %c0_i32_0 = arith.constant 0 : i32
    return %arg0, %c0_i32 : i32, i32
  }
  func.func @transform_2(%arg0: i32) -> (i32, i32) {
    %c0_i32 = arith.constant 0 : i32
    %c0_i32_0 = arith.constant 0 : i32
    return %arg0, %c0_i32 : i32, i32
  }
  func.func @transform_3(%arg0: i32) -> (i32, i32) {
    %c0_i32 = arith.constant 0 : i32
    %c0_i32_0 = arith.constant 0 : i32
    return %arg0, %c0_i32 : i32, i32
  }
  func.func @transform_4(%arg0: i32) -> (i32, i32) {
    %c0_i32 = arith.constant 0 : i32
    %c0_i32_0 = arith.constant 0 : i32
    return %arg0, %c0_i32 : i32, i32
  }
  func.func @transform_5(%arg0: i32) -> (i32, i32) {
    %c0_i32 = arith.constant 0 : i32
    %c0_i32_0 = arith.constant 0 : i32
    return %arg0, %c0_i32 : i32, i32
  }
  func.func @transform_6(%arg0: i32) -> (i32, i32) {
    %c0_i32 = arith.constant 0 : i32
    %c0_i32_0 = arith.constant 0 : i32
    %c0_i32_1 = arith.constant 0 : i32
    return %c0_i32, %c0_i32_0 : i32, i32
  }
  func.func @transform_7(%arg0: i32) -> (i32, i32) {
    %c0_i32 = arith.constant 0 : i32
    %c0_i32_0 = arith.constant 0 : i32
    %c0_i32_1 = arith.constant 0 : i32
    return %c0_i32, %c0_i32_0 : i32, i32
  }
  func.func @transform_8(%arg0: i32) -> (i32, i32) {
    %c0_i32 = arith.constant 0 : i32
    %c0_i32_0 = arith.constant 0 : i32
    %c0_i32_1 = arith.constant 0 : i32
    return %c0_i32, %c0_i32_0 : i32, i32
  }
  func.func @transform_9(%arg0: i32) -> (i32, i32) {
    %c0_i32 = arith.constant 0 : i32
    %c0_i32_0 = arith.constant 0 : i32
    return %arg0, %c0_i32 : i32, i32
  }
  func.func @transform_10(%arg0: i32) -> (i32, i32) {
    %c0_i32 = arith.constant 0 : i32
    %c0_i32_0 = arith.constant 0 : i32
    return %arg0, %c0_i32 : i32, i32
  }
}

module attributes {stable_mosaic.version = 14 : i64} {
  func.func @_tc3_body(%arg0: i32, %arg1: memref<640x128xf32, #tpu.memory_space<vmem>>, %arg2: memref<640x128xf32, #tpu.memory_space<vmem>>, %arg3: memref<640x128xf32, #tpu.memory_space<vmem>>, %arg4: memref<640x128xf32, #tpu.memory_space<vmem>>, %arg5: memref<640x128xf32, #tpu.memory_space<vmem>>, %arg6: memref<640x128xf32, #tpu.memory_space<vmem>>, %arg7: memref<1x256xf32, #tpu.memory_space<vmem>>, %arg8: memref<640x256xf32, #tpu.memory_space<vmem>>) attributes {dimension_semantics = [#tpu.dimension_semantics<arbitrary>], iteration_bounds = array<i64: 16>, scalar_prefetch = 0 : i64, scratch_operands = 0 : i64, tpu.core_type = #tpu.core_type<tc>, window_params = [{transform_indices = @transform_0, window_bounds = array<i64: 640, 128>}, {transform_indices = @transform_1, window_bounds = array<i64: 640, 128>}, {transform_indices = @transform_2, window_bounds = array<i64: 640, 128>}, {transform_indices = @transform_3, window_bounds = array<i64: 640, 128>}, {transform_indices = @transform_4, window_bounds = array<i64: 640, 128>}, {transform_indices = @transform_5, window_bounds = array<i64: 640, 128>}, {pipeline_mode = #tpu.pipeline_mode<synchronous>, transform_indices = @transform_6, window_bounds = array<i64: 1, 256>}, {transform_indices = @transform_7, window_bounds = array<i64: 640, 256>}]} {
    %get3A = arith.constant 0 : index
    %get3A_0 = arith.constant 0 : index
    %get3A_1 = vector.load %arg5[%get3A, %get3A_0] : memref<640x128xf32, #tpu.memory_space<vmem>>, vector<640x1xf32>
    %get3A_2 = arith.constant 0 : index
    %get3A_3 = arith.constant 0 : index
    %get3A_4 = vector.load %arg6[%get3A_2, %get3A_3] : memref<640x128xf32, #tpu.memory_space<vmem>>, vector<640x1xf32>
    %add3A = arith.addf %get3A_1, %get3A_4 : vector<640x1xf32>
    %add3A_5 = arith.constant 1.000000e+00 : f32
    %add3A_6 = vector.broadcast %add3A_5 : f32 to vector<640x1xf32>
    %add3A_7 = arith.addf %add3A, %add3A_6 : vector<640x1xf32>
    %rsqrt3A = math.rsqrt %add3A_7 : vector<640x1xf32>
    %get3A_8 = arith.constant 0 : index
    %get3A_9 = arith.constant 0 : index
    %get3A_10 = vector.load %arg1[%get3A_8, %get3A_9] : memref<640x128xf32, #tpu.memory_space<vmem>>, vector<640x128xf32>
    %get3A_11 = arith.constant 0 : index
    %get3A_12 = arith.constant 0 : index
    %get3A_13 = vector.load %arg3[%get3A_11, %get3A_12] : memref<640x128xf32, #tpu.memory_space<vmem>>, vector<640x128xf32>
    %add3A_14 = arith.addf %get3A_10, %get3A_13 : vector<640x128xf32>
    %get3A_15 = arith.constant 0 : index
    %get3A_16 = arith.constant 0 : index
    %get3A_17 = vector.load %arg2[%get3A_15, %get3A_16] : memref<640x128xf32, #tpu.memory_space<vmem>>, vector<640x128xf32>
    %get3A_18 = arith.constant 0 : index
    %get3A_19 = arith.constant 0 : index
    %get3A_20 = vector.load %arg4[%get3A_18, %get3A_19] : memref<640x128xf32, #tpu.memory_space<vmem>>, vector<640x128xf32>
    %add3A_21 = arith.addf %get3A_17, %get3A_20 : vector<640x128xf32>
    %concatenate3A = tpu.concatenate %add3A_14, %add3A_21 in 1 : vector<640x128xf32>, vector<640x128xf32> -> vector<640x256xf32>
    %mul3A = vector.broadcast %rsqrt3A : vector<640x1xf32> to vector<640x256xf32>
    %mul3A_22 = arith.mulf %concatenate3A, %mul3A : vector<640x256xf32>
    %get3A_23 = arith.constant 0 : index
    %get3A_24 = arith.constant 0 : index
    %get3A_25 = vector.load %arg7[%get3A_23, %get3A_24] : memref<1x256xf32, #tpu.memory_space<vmem>>, vector<1x256xf32>
    %add3A_26 = vector.broadcast %get3A_25 : vector<1x256xf32> to vector<640x256xf32>
    %add3A_27 = arith.addf %mul3A_22, %add3A_26 : vector<640x256xf32>
    %swap3A = arith.constant 0 : index
    %swap3A_28 = arith.constant 0 : index
    %swap3A_29 = vector.load %arg8[%swap3A, %swap3A_28] : memref<640x256xf32, #tpu.memory_space<vmem>>, vector<640x256xf32>
    tpu.vector_store %arg8[%swap3A, %swap3A_28], %add3A_27 {strides = array<i32>} : memref<640x256xf32, #tpu.memory_space<vmem>>, vector<640x256xf32>,
    return
  }
  func.func @transform_0(%arg0: i32) -> (i32, i32) {
    %c0_i32 = arith.constant 0 : i32
    %c0_i32_0 = arith.constant 0 : i32
    return %arg0, %c0_i32 : i32, i32
  }
  func.func @transform_1(%arg0: i32) -> (i32, i32) {
    %c0_i32 = arith.constant 0 : i32
    %c0_i32_0 = arith.constant 0 : i32
    return %arg0, %c0_i32 : i32, i32
  }
  func.func @transform_2(%arg0: i32) -> (i32, i32) {
    %c0_i32 = arith.constant 0 : i32
    %c0_i32_0 = arith.constant 0 : i32
    return %arg0, %c0_i32 : i32, i32
  }
  func.func @transform_3(%arg0: i32) -> (i32, i32) {
    %c0_i32 = arith.constant 0 : i32
    %c0_i32_0 = arith.constant 0 : i32
    return %arg0, %c0_i32 : i32, i32
  }
  func.func @transform_4(%arg0: i32) -> (i32, i32) {
    %c0_i32 = arith.constant 0 : i32
    %c0_i32_0 = arith.constant 0 : i32
    return %arg0, %c0_i32 : i32, i32
  }
  func.func @transform_5(%arg0: i32) -> (i32, i32) {
    %c0_i32 = arith.constant 0 : i32
    %c0_i32_0 = arith.constant 0 : i32
    return %arg0, %c0_i32 : i32, i32
  }
  func.func @transform_6(%arg0: i32) -> (i32, i32) {
    %c0_i32 = arith.constant 0 : i32
    %c0_i32_0 = arith.constant 0 : i32
    %c0_i32_1 = arith.constant 0 : i32
    return %c0_i32, %c0_i32_0 : i32, i32
  }
  func.func @transform_7(%arg0: i32) -> (i32, i32) {
    %c0_i32 = arith.constant 0 : i32
    %c0_i32_0 = arith.constant 0 : i32
    return %arg0, %c0_i32 : i32, i32
  }
}

</mosaic_0001>

<sc_bundles>
// kernel: kernel.11.cloned.1.call-start
scs
__scs_entry_jumppad:
0x0: {  	(pc) =	sbr.rel $0x88, $3  }
0x1: {  	(tag) =	ssettag $0x0;
	lr =	simm.s32 $0x1  }
0x2: {  	[smem:$0x3F9B] =	sst lr;
	_ =	strace $0xD0000000  }
0x3: {  	_ = 	snop  }
0x4: {  	_ = 	snop  }
0x5: {  	_ = 	snop  }
0x6: {  	_ = 	snop  }
0x7: {  	_ = 	snop  }
__scs_overlays_trampoline_lowered:
0x8: {  	[smem:$0x3FAA] =	sst s0  }
0x9: {  	[smem:$0x3FAB] =	sst s1  }
0xa: {  	[smem:$0x3FAC] =	sst s2  }
0xb: {  	[smem:$0x3FAD] =	sst s3  }
0xc: {  	[smem:$0x3FAE] =	sst s4  }
0xd: {  	[smem:$0x3FAF] =	sst s5  }
0xe: {  	[smem:$0x3FB0] =	sst s6  }
0xf: {  	[smem:$0x3FB1] =	sst s7  }
0x10: {  	[smem:$0x3FB2] =	sst s8  }
0x11: {  	[smem:$0x3FB3] =	sst s9;
	s0 =	simm.s32 @!p0 $0x0  }
0x12: {  	s1 =	sld [smem:$0x3F99];
	s0 =	simm.s32 @p0 $0x1  }
0x13: {  	[smem:$0x3FB4] =	sst s0;
	s0 =	simm.s32 @!p1 $0x0  }
0x14: {  	s2 =	sld [smem:$0x3F98];
	s0 =	simm.s32 @p1 $0x1  }
0x15: {  	[smem:$0x3FB5] =	sst s0;
	s0 =	simm.s32 @!p2 $0x0  }
0x16: {  	s3 =	sld [smem:$0x3FDB];
	s0 =	simm.s32 @p2 $0x1  }
0x17: {  	s4 =	simm.s32 $0x1BF5;
	[smem:$0x3FB7] =	sst s0  }
0x18: {  	s0 =	sld [smem:$0x3F9A];
	_ =	swait.ge [sflag:s4], $0x0  }
0x19: {  	s7 =	sld [smem:$0x3F9B]  }
0x1a: {  	s8 =	sadd.s32 $0xFFFFE003, lr  }
0x1b: {  	s9 =	sadd.s32 $0xFFFFFEF7, lr;
	s5 =	simm.s32 $0xFFFFFFFF;
	p2 =	slt.u32 s8, $0xFFFFF086  }
0x1c: {  	p1 =	slt.u32 s9, $0xF7A;
	s5 =	simm.s32 @!p2 $0x0  }
0x1d: {  	s5 =	simm.s32 @p1 $0x1;
	p0 =	seq.s32 s7, s2  }
0x1e: {  	s7 =	smul.u32 @!p0 $0xF7A, s2;
	p2 =	seq.s32 @!p0 s5, $0x0  }
0x1f: {  	s9 =	smul.u32 $0xF7A, s1;
	s8 =	simm.s32 @!p0 $0x1BF5;
	p2 =	por !p2, p0  }
0x20: {  	[sflag:s8] =	ssyncset.s32 @!p0 $0xFFFFF086;
	s6 =	sadd.s32 @!p0 s3, s7;
	s7 =	simm.s32 @!p0 $0x108  }
0x21: {  	s3 =	sadd.s32 s3, s9;
	s6 =	sadd.s32 @!p0 $0x88, s6;
	s7 =	simm.s32 @p2 $0x1082  }
0x22: {  	[simem:s7], [sflag:s8] =	dma.local @!p0 [hbm:s6], $0xF7A  }
0x23: {  	s9 =	sor.u32 $0xD0000000, s2;
	s6 =	simm.s32 $0x108;
	_ =	swait.ge @!p0 [sflag:s8], $0x0  }
0x24: {  	s3 =	sadd.s32 $0x88, s3;
	s6 =	simm.s32 @!p1 $0x1082;
	[sflag:s4] =	ssyncset.s32 $0xFFFFF086  }
0x25: {  	[simem:s6], [sflag:s4] =	dma.local [hbm:s3], $0xF7A  }
0x26: {  	[smem:$0x3F9B] =	sst s1;
	(tag) =	ssettag s2;
	_ =	strace s9  }
0x27: {  	s1 =	sld [smem:$0x3FAB]  }
0x28: {  	s2 =	sld [smem:$0x3FAC]  }
0x29: {  	s4 =	sld [smem:$0x3FAE]  }
0x2a: {  	p0 =	seq.s32 s5, $0x0;
	s5 =	sld [smem:$0x3FAF]  }
0x2b: {  	s6 =	sld [smem:$0x3FB0]  }
0x2c: {  	s7 =	sld [smem:$0x3FB1]  }
0x2d: {  	s3 =	simm.s32 $0x108;
	s8 =	sld [smem:$0x3FB2]  }
0x2e: {  	s3 =	simm.s32 @!p0 $0x1082;
	s9 =	sld [smem:$0x3FB3]  }
0x2f: {  	lr =	sadd.s32 s0, s3;
	s0 =	sld [smem:$0x3FAA]  }
0x30: {  	s3 =	sld [smem:$0x3FAD]  }
0x31: {  	[smem:$0x3FB6] =	sst s10  }
0x32: {  	s10 =	sld [smem:$0x3FB4];
	_ =	sdelay $0x3  }
0x33: {  	p0 =	seq.s32 s10, $0x1;
	s10 =	sld [smem:$0x3FB6];
	_ =	sdelay $0x3  }
0x34: {  	[smem:$0x3FB6] =	sst s10  }
0x35: {  	s10 =	sld [smem:$0x3FB5];
	_ =	sdelay $0x3  }
0x36: {  	p1 =	seq.s32 s10, $0x1;
	s10 =	sld [smem:$0x3FB6];
	_ =	sdelay $0x3  }
0x37: {  	[smem:$0x3FB6] =	sst s10  }
0x38: {  	s10 =	sld [smem:$0x3FB7]  }
0x39: {  	_ = 	snop;
	(pc) =	sbr.ind lr, $3  }
0x3a: {  	_ = 	snop  }
0x3b: {  	_ = 	snop  }
0x3c: {  	p2 =	seq.s32 s10, $0x1;
	s10 =	sld [smem:$0x3FB6]  }
0x3d: {  	_ =	shalt  }
0x3e: {  	_ =	shalt  }
0x3f: {  	_ =	shalt  }
0x40: {  	_ =	shalt  }
0x41: {  	_ =	shalt  }
0x42: {  	_ =	shalt  }
0x43: {  	_ =	shalt  }
0x44: {  	_ =	shalt  }
0x45: {  	_ =	shalt  }
0x46: {  	_ =	shalt  }
0x47: {  	_ =	shalt  }
0x48: {  	_ =	shalt  }
0x49: {  	_ =	shalt  }
0x4a: {  	_ =	shalt  }
0x4b: {  	_ =	shalt  }
0x4c: {  	_ =	shalt  }
0x4d: {  	_ =	shalt  }
0x4e: {  	_ =	shalt  }
0x4f: {  	_ =	shalt  }
0x50: {  	_ =	shalt  }
0x51: {  	_ =	shalt  }
0x52: {  	_ =	shalt  }
0x53: {  	_ =	shalt  }
0x54: {  	_ =	shalt  }
0x55: {  	_ =	shalt  }
0x56: {  	_ =	shalt  }
0x57: {  	_ =	shalt  }
0x58: {  	_ =	shalt  }
0x59: {  	_ =	shalt  }
0x5a: {  	_ =	shalt  }
0x5b: {  	_ =	shalt  }
0x5c: {  	_ =	shalt  }
0x5d: {  	_ =	shalt  }
0x5e: {  	_ =	shalt  }
0x5f: {  	_ =	shalt  }
0x60: {  	_ =	shalt  }
0x61: {  	_ =	shalt  }
0x62: {  	_ =	shalt  }
0x63: {  	_ =	shalt  }
0x64: {  	_ =	shalt  }
0x65: {  	_ =	shalt  }
0x66: {  	_ =	shalt  }
0x67: {  	_ =	shalt  }
0x68: {  	_ =	shalt  }
0x69: {  	_ =	shalt  }
0x6a: {  	_ =	shalt  }
0x6b: {  	_ =	shalt  }
0x6c: {  	_ =	shalt  }
0x6d: {  	_ =	shalt  }
0x6e: {  	_ =	shalt  }
0x6f: {  	_ =	shalt  }
0x70: {  	_ =	shalt  }
0x71: {  	_ =	shalt  }
0x72: {  	_ =	shalt  }
0x73: {  	_ =	shalt  }
0x74: {  	_ =	shalt  }
0x75: {  	_ =	shalt  }
0x76: {  	_ =	shalt  }
0x77: {  	_ =	shalt  }
0x78: {  	_ =	shalt  }
0x79: {  	_ =	shalt  }
0x7a: {  	_ =	shalt  }
0x7b: {  	_ =	shalt  }
0x7c: {  	_ =	shalt  }
0x7d: {  	_ =	shalt  }
0x7e: {  	_ =	shalt  }
0x7f: {  	_ =	shalt  }
0x80: {  	_ =	shalt  }
0x81: {  	_ =	shalt  }
0x82: {  	_ =	shalt  }
0x83: {  	_ =	shalt  }
0x84: {  	_ =	shalt  }
0x85: {  	_ =	shalt  }
0x86: {  	_ =	shalt  }
0x87: {  	_ =	shalt  }
.Lfunc_end0:
.L_simem_size_0:
called_computation.1_lowered:
.L_overlay_start_0:
0x88: {  	s2 =	sld [smem:$0x3FD9]  }
0x89: {  	s3 =	sld [smem:$0x3FFE];
	_ =	sdelay $0x1  }
0x8a: {  	s1 =	srdreg.scid  }
0x8b: {  	s0 =	sand.u32 $0x1, s1  }
0x8c: {  	s17 =	sshll.u32 s0, $0xA;
	s2 =	sadd.s32 s3, s2  }
0x8d: {  	s2 =	sadd.s32 s2, s17  }
0x8e: {  	[smem:$0x3FC2] =	sst s2  }
0x8f: {  	_ = 	snop  }
0x90: {  	s2 =	sld [smem:$0x3FD0];
	(tm) =	ssettm $0x1  }
0x91: {  	s18 =	sld [smem:$0x3FFB];
	_ =	sdelay $0x3  }
0x92: {  	_ =	strace s18  }
0x93: {  	s3 =	sld [smem:$0x3FFC];
	_ =	sdelay $0x3  }
0x94: {  	_ =	strace s3  }
0x95: {  	s3 =	sld [smem:$0x3FFD];
	_ =	sdelay $0x3  }
0x96: {  	_ =	strace s3  }
0x97: {  	_ =	strace $0x8FFFFFFF  }
0x98: {  	s19 =	sld [smem:$0x3FDB];
	_ =	sdelay $0x1  }
0x99: {  	s4 =	simm.s32 $_scs_section_size  }
0x9a: {  	s5 =	simm.s32 $_size__tile_overlayer_lowered;
	s6 =	simm.s32 $_tile_overlayer_lowered  }
0x9b: {  	s22 =	simm.s32 $0x1BFF;
	s21 =	sshll.u32 s6, $0x1;
	s3 =	sadd.s32 s4, s19  }
0x9c: {  	s7 =	simm.s32 $0x0;
	s20 =	sshll.u32 s5, $0x1;
	s5 =	sadd.s32 s21, s3  }
0x9d: {  	[timem:s7], [sflag:s22] =	dma.local [hbm:s5], s20  }
0x9e: {  	_ =	swait.ge [sflag:s22], s20  }
0x9f: {  	s4 =	ssub.s32 $0x0, s20;
	[sflag:s22] =	ssyncset.done $0x0  }
0xa0: {  	[sflag:s22] =	ssyncadd.s32 s4;
	_ =	sdelay $0x1  }
0xa1: {  	s23 =	simm.s32 $0x1B8B  }
0xa2: {  	_ =	swait.ge [sflag:s23], $0x1  }
0xa3: {  	[sflag:s23] =	ssyncset.done $0x0  }
0xa4: {  	s25 =	simm.s32 $0x1B8E;
	s24 =	sld [smem:$0x3FFE];
	[sflag:s23] =	ssyncadd.s32 $0xFFFFFFFF  }
0xa5: {  	s26 =	simm.s32 $execute0_lowered;
	[smem:$0x3FD2] =	sst s25  }
0xa6: {  	s5 =	sshll.u32 s26, $0x1;
	_ =	strace $0x80000049;
	[dreg:$0x1] =	wrdreg $0xFFFFFFFF  }
0xa7: {  	s28 =	simm.s32 $_size_execute0_lowered;
	s3 =	sadd.s32 s3, s5;
	[dreg:$0x0] =	wrdreg $0x0  }
0xa8: {  	s5 =	sshll.u32 s28, $0x1;
	[dreg:$0x2] =	wrdreg s3  }
0xa9: {  	[dreg:$0x3] =	wrdreg s5  }
0xaa: {  	[dreg:$0x4] =	wrdreg $0xC0  }
0xab: {  	_ =	task [dreg:s7], $0x5FFFF  }
0xac: {  	[dreg:$0x1] =	wrdreg $0xFFFFFFFF  }
0xad: {  	[dreg:$0x0] =	wrdreg $0x60  }
0xae: {  	[dreg:$0x2] =	wrdreg s24  }
0xaf: {  	[dreg:$0x3] =	wrdreg s2  }
0xb0: {  	[dreg:$0x4] =	wrdreg $0x84000  }
0xb1: {  	[dreg:$0x5] =	wrdreg $0x9  }
0xb2: {  	_ =	task.clear_ibuf [dreg:s7], $0x6FFFF;
	_ =	strace $0x90000049  }
0xb3: {  	s29 =	simm.s32 $0x9;
	_ =	strace $0x8000004B  }
0xb4: {  	_ =	swait.ge [sflag:s29], $0x1  }
0xb5: {  	[sflag:s29] =	ssyncadd.s32 $0xFFFFFFFF  }
0xb6: {  	_ =	strace $0x9000004B  }
0xb7: {  	_ =	sfence  }
0xb8: {  	s30 =	sld [smem:$0x0];
	_ =	sdelay $0x2  }
0xb9: {  	s31 =	sshll.u32 s1, $0xD;
	s1 =	sshrl.u32 s1, $0x2  }
0xba: {  	s3 =	sand.u32 $0x4000, s31;
	s1 =	sadd.s32 s1, s30  }
0xbb: {  	s0 =	sor.u32 s3, s0;
	s1 =	sshll.u32 s1, $0x11  }
0xbc: {  	s0 =	sor.u32 s1, s0  }
0xbd: {  	s0 =	sadd.s32 $0x8F2B, s0  }
0xbe: {  	[sflag:s0] =	ssyncadd.remote.s32 $0x1  }
0xbf: {  	_ =	sfence.sel $0xFFFF  }
0xc0: {  	[dreg:$0x0] =	wrdreg $0xFFFFFFFF;
	(pc) =	sbr.abs _section_cstart, $3  }
0xc1: {  	[dreg:$0x1] =	wrdreg $0xFFFFFFFF  }
0xc2: {  	_ =	task.clear_ibuf [dreg:s7], $0x2FFFF;
	_ =	strace $0x9FFFFFFF  }
0xc3: {  	(tm) =	ssettm $0x7FFFFFFF  }
tec
execute0_lowered:
.L_overlay_start_1:
0x0: {  	(tag) =	ssettag $0x1  }
0x1: {  	s0 =	rddreg [dreg:$0x0]  }
0x2: {  	s1 =	rddreg [dreg:$0x1]  }
0x3: {  	s2 =	rddreg [dreg:$0x2];
	s3 =	simm.s32 $0x0;
	s11 =	stileid.u32  }
0x4: {  	s7 =	srdreg.scid;
	s15 =	simm.s32 $0xD;
	s28 =	simm.s32 $0x180  }
0x5: {  	s29 =	simm.s32 $0xB;
	s31 =	simm.s32 $0x4400;
	s12 =	simm.s32 $0x4  }
0x6: {  	s16 =	simm.s32 $0x0;
	[smem:$0x7FF] =	sst s3;
	s6 =	smul.u32 $0xA00, s11  }
0x7: {  	s4 =	sadd.s32 $0x68400, s0;
	s5 =	sadd.s32 $0x90400, s0;
	s8 =	smul.u32 $0x50000, s11  }
0x8: {  	s7 =	sand.u32 $0x1, s7;
	s9 =	sadd.s32 $0xB8400, s0;
	s10 =	smul.u32 $0x2800, s11  }
0x9: {  	s23 =	sshll.u32 s11, $0x6;
	_ =	strace $0x8000004A;
	[dreg:$0x4] =	wrdreg s9  }
0xa: {  	s20 =	ssub.s32 $0x2, s7;
	p0 =	seq.s32 s7, $0x1;
	s13 =	sor.u32 $0x1C0D, s23  }
0xb: {  	s7 =	simm.s32 $0x380;
	s9 =	simm.s32 $0x3;
	s6 =	sadd.s32 s6, s0  }
0xc: {  	s0 =	sadd.s32 $0xE0400, s0;
	s21 =	sshrl.u32 s20, $0x1;
	[dreg:$0x6] =	wrdreg s10  }
0xd: {  	s8 =	sshrl.u32 s8, $0x2;
	s1 =	sadd.s32 s1, s10;
	[dreg:$0x9] =	wrdreg s13  }
0xe: {  	[dreg:$0x5] =	wrdreg s0;
	s0 =	ssub.s32 s20, s21;
	s22 =	sadd.s32 s8, s2  }
0xf: {  	[dreg:$0x7] =	wrdreg s1;
	s10 =	sadd.s32 $0x5E400, s6;
	s11 =	sadd.s32 $0x4000, s6  }
0x10: {  	s21 =	simm.s32 $0x40;
	s1 =	simm.s32 $0x8;
	s0 =	smax.u32 s0, $0x1  }
0x11: {  	s6 =	simm.s32 $0xC;
	s24 =	sadd.s32 $0x10, s10;
	[dreg:$0x8] =	wrdreg s0  }
.Ltmp0:
0x12: {  	s25 =	sadd.s32 $0x10, s11;
	[dreg:$0xb] =	wrdreg s24;
	(pc) =	sbr.rel .LBB2_1-.Ltmp0, $4  }
0x13: {  	s14 =	sshrl.u32 s22, $0x3;
	s26 =	sadd.s32 $0x20, s10;
	[dreg:$0xc] =	wrdreg s25  }
0x14: {  	s30 =	sadd.s32 $0x30, s10;
	s22 =	simm.s32 $0x400;
	[dreg:$0xd] =	wrdreg s26  }
0x15: {  	[dreg:$0xe] =	wrdreg s30;
	s26 =	simm.s32 $0x100;
	s0 =	simm.s32 $0x1  }
0x16: {  	s24 =	simm.s32 $0x6400;
	s25 =	simm.s32 $0x2;
	[dreg:$0xa] =	wrdreg s14  }
.LBB2_16:
0x17: {  	s18 =	rddreg [dreg:$0x5]  }
0x18: {  	s16 =	rddreg [dreg:$0xf]  }
.LBB2_17:
0x19: {  	[spmem:s2] =	stream.indirect.scatter.add.f32 [tilespmem:s24], [sflag:$0x8], $0x80, s7, s21, $0xb8;
	[tilespmem:$0x1C400] =	vst v63  }
0x1a: {  	s8 =	simm.s32 $0x7  }
0x1b: {  	_ =	swait.ge [sflag:s8], $0x2000  }
0x1c: {  	[sflag:s8] =	ssyncset.done $0x0  }
0x1d: {  	[sflag:s8] =	ssyncadd.s32 $0xFFFFE000  }
0x1e: {  	_ =	swait.ge [sflag:s1], $0x2000  }
0x1f: {  	[sflag:s1] =	ssyncset.done $0x0  }
0x20: {  	[sflag:s1] =	ssyncadd.s32 $0xFFFFE000  }
0x21: {  	s23 =	rddreg [dreg:$0x6];
	[bflag:$0x0] =	sbarrier.arrive $0xFFFF  }
0x22: {  	s13 =	rddreg [dreg:$0x9]  }
0x23: {  	s15 =	simm.s32 $0xD;
	s8 =	sadd.s32 s18, s23;
	s14 =	rddreg [dreg:$0xa]  }
0x24: {  	[hbm:s8], [sflag:s13] =	dma.local [spmem:s14], $0x2800  }
0x25: {  	_ =	swait.ge [sflag:s15], $0x2800  }
0x26: {  	s16 =	sadd.s32 $0x1, s16;
	s30 =	rddreg [dreg:$0x8]  }
0x27: {  	p1 =	sne.s32 s16, s30  }
.Ltmp1:
0x28: {  	_ = 	snop;
	(pc) =	sbr.rel @!p1 .LBB2_18-.Ltmp1, $3  }
0x29: {  	[sflag:s15] =	ssyncset.done $0x0  }
0x2a: {  	[sflag:s15] =	ssyncadd.s32 $0xFFFFD800  }
0x2b: {  	[bflag:$0x0] =	sbarrier.arrive $0xFFFF;
	_ =	sdelay $0x1  }
.LBB2_1:
0x2c: {  	s8 =	rddreg [dreg:$0x7]  }
0x2d: {  	[spmem:s14], [sflag:s13] =	dma.local [hbm:s8], $0x2800  }
0x2e: {  	_ =	swait.ge [sflag:s15], $0x2800  }
0x2f: {  	[sflag:s15] =	ssyncset.done $0x0  }
0x30: {  	[sflag:s15] =	ssyncadd.s32 $0xFFFFD800  }
0x31: {  	[bflag:$0x0] =	sbarrier.arrive $0xFFFF  }
0x32: {  	[tilespmem:s3], [sflag:$0xD] =	stream.linear.gather [hbm4b:s10+s3], $0x80, $0x38;
	[tilespmem:$0x1C400] =	vst v63  }
.Ltmp2:
0x33: {  	_ = 	snop;
	(pc) =	sbr.rel @!p0 .LBB2_2-.Ltmp2, $4  }
0x34: {  	_ =	swait.ge [sflag:s15], $0x80  }
0x35: {  	s30 =	simm.s32 $0x200;
	[sflag:s15] =	ssyncset.done $0x0  }
0x36: {  	s23 =	simm.s32 $0x0;
	[dreg:$0xf] =	wrdreg s16;
	[sflag:s15] =	ssyncadd.s32 $0xFFFFFF80  }
0x37: {  	[tilespmem:s30], [sflag:$0x1] =	stream.linear.gather [hbm4b:s11+s3], $0x80, $0x38;
	[tilespmem:$0x1C400] =	vst v63  }
0x38: {  	[tilespmem:s22], [sflag:$0x1] =	stream.indirect.gather [hbm4b:s5+s21], $0x80, s23, s21, $0xb8;
	[tilespmem:$0x1C400] =	vst v63  }
0x39: {  	s8 =	rddreg [dreg:$0xb];
	s13 =	simm.s32 $0x80  }
0x3a: {  	[tilespmem:s13], [sflag:$0xD] =	stream.linear.gather [hbm4b:s8+s23], $0x80, $0x38;
	[tilespmem:$0x1C400] =	vst v63  }
0x3b: {  	_ =	swait.ge [sflag:s15], $0x80  }
0x3c: {  	[sflag:s15] =	ssyncset.done $0x0  }
0x3d: {  	s14 =	simm.s32 $0x280;
	s18 =	rddreg [dreg:$0xc];
	[sflag:s15] =	ssyncadd.s32 $0xFFFFFF80  }
0x3e: {  	[tilespmem:s14], [sflag:$0x2] =	stream.linear.gather [hbm4b:s18+s23], $0x80, $0x38;
	[tilespmem:$0x1C400] =	vst v63  }
0x3f: {  	s19 =	simm.s32 $0x2400  }
0x40: {  	[tilespmem:s19], [sflag:$0x2] =	stream.indirect.gather [hbm4b:s5+s21], $0x80, s13, s21, $0xb8;
	[tilespmem:$0x1C400] =	vst v63  }
0x41: {  	s20 =	rddreg [dreg:$0xd]  }
0x42: {  	[tilespmem:s26], [sflag:$0xB] =	stream.linear.gather [hbm4b:s20+s23], $0x80, $0x38;
	[tilespmem:$0x1C400] =	vst v63  }
0x43: {  	s30 =	rddreg [dreg:$0xe]  }
0x44: {  	[tilespmem:s28], [sflag:$0xC] =	stream.linear.gather [hbm4b:s30+s23], $0x80, $0x38;
	[tilespmem:$0x1C400] =	vst v63  }
.LBB2_11:
0x45: {  	p1 =	seq.s32 s23, $0x0  }
0x46: {  	s8 =	simm.s32 @!p1 $0x7  }
0x47: {  	_ =	swait.ge @!p1 [sflag:s8], $0x2000  }
0x48: {  	[sflag:s8] =	ssyncset.done @!p1 $0x0  }
0x49: {  	s20 =	sand.u32 $0xF80, s23;
	[sflag:s8] =	ssyncadd.s32 @!p1 $0xFFFFE000  }
0x4a: {  	s13 =	sand.u32 $0x40, s23;
	s8 =	sadd.s32 s11, s20;
	_ =	swait.ge [sflag:s29], $0x80  }
0x4b: {  	s18 =	sadd.s32 s13, s8;
	[sflag:s29] =	ssyncset.done $0x0  }
0x4c: {  	s30 =	simm.s32 $0x300;
	s8 =	sadd.s32 $0x20, s18;
	[sflag:s29] =	ssyncadd.s32 $0xFFFFFF80  }
0x4d: {  	[tilespmem:s30], [sflag:$0x3] =	stream.linear.gather [hbm4b:s8+s3], $0x80, $0x38;
	[tilespmem:$0x1C400] =	vst v63  }
0x4e: {  	_ = 	snop  }
0x4f: {  	[tilespmem:s31], [sflag:$0x3] =	stream.indirect.gather [hbm4b:s5+s21], $0x80, s26, s21, $0xb8;
	[tilespmem:$0x1C400] =	vst v63  }
0x50: {  	p2 =	sne.s32 s23, $0x9C0;
	_ =	swait.ge [sflag:s0], $0x80  }
.Ltmp3:
0x51: {  	[sflag:s0] =	ssyncset.done $0x0;
	(pc) =	sbr.rel @p2 .LBB2_13-.Ltmp3, $4  }
0x52: {  	[sflag:s0] =	ssyncadd.s32 $0xFFFFFF80  }
0x53: {  	_ =	swait.ge [sflag:s0], $0x2000  }
0x54: {  	[sflag:s0] =	ssyncset.done $0x0  }
0x55: {  	[sflag:s0] =	ssyncadd.s32 $0xFFFFE000  }
.Ltmp4:
0x56: {  	(pc) =	sbr.rel .LBB2_14-.Ltmp4, $3  }
0x57: {  	_ =	sdelay $0x1  }
0x58: {  	s8 =	simm.s32 $0x200  }
0x59: {  	[spmem:s2] =	stream.indirect.scatter.add.f32 [tilespmem:s22], [sflag:$0x5], $0x80, s8, s21, $0xb8;
	[tilespmem:$0x1C400] =	vst v63  }
.LBB2_13:
.Ltmp5:
0x5a: {  	s8 =	sadd.s32 s23, s10;
	(pc) =	sbr.rel @p1 .LBB2_15-.Ltmp5, $4  }
0x5b: {  	s8 =	sadd.s32 $0x40, s8  }
0x5c: {  	[tilespmem:s3], [sflag:$0x9] =	stream.linear.gather [hbm4b:s8+s3], $0x80, $0x38;
	[tilespmem:$0x1C400] =	vst v63  }
0x5d: {  	s30 =	simm.s32 $0x200  }
0x5e: {  	[spmem:s2] =	stream.indirect.scatter.add.f32 [tilespmem:s22], [sflag:$0x5], $0x80, s30, s21, $0xb8;
	[tilespmem:$0x1C400] =	vst v63  }
.LBB2_14:
0x5f: {  	_ =	swait.ge [sflag:s1], $0x2000  }
0x60: {  	[sflag:s1] =	ssyncset.done $0x0  }
0x61: {  	[sflag:s1] =	ssyncadd.s32 $0xFFFFE000  }
.LBB2_15:
0x62: {  	_ =	swait.ge [sflag:s6], $0x80  }
0x63: {  	[sflag:s6] =	ssyncset.done $0x0  }
0x64: {  	s8 =	sadd.s32 $0x30, s18;
	[sflag:s6] =	ssyncadd.s32 $0xFFFFFF80  }
0x65: {  	[tilespmem:s7], [sflag:$0x4] =	stream.linear.gather [hbm4b:s8+s3], $0x80, $0x38;
	[tilespmem:$0x1C400] =	vst v63  }
0x66: {  	_ = 	snop  }
0x67: {  	[tilespmem:s24], [sflag:$0x4] =	stream.indirect.gather [hbm4b:s5+s21], $0x80, s28, s21, $0xb8;
	[tilespmem:$0x1C400] =	vst v63  }
0x68: {  	_ =	swait.ge [sflag:s25], $0x80  }
0x69: {  	[sflag:s25] =	ssyncset.done $0x0  }
0x6a: {  	[sflag:s25] =	ssyncadd.s32 $0xFFFFFF80  }
0x6b: {  	p1 =	seq.s32 s23, $0x9C0;
	_ =	swait.ge [sflag:s25], $0x2000  }
0x6c: {  	s13 =	simm.s32 @p1 $0x280;
	[sflag:s25] =	ssyncset.done $0x0  }
0x6d: {  	s14 =	simm.s32 @p1 $0x2400;
	s8 =	simm.s32 @p1 $0x40;
	[sflag:s25] =	ssyncadd.s32 $0xFFFFE000  }
0x6e: {  	[spmem:s2] =	stream.indirect.scatter.add.f32 @p1 [tilespmem:s14], [sflag:$0x6], $0x80, s13, s8, $0xb8;
	[tilespmem:$0x1C400] =	vst v63  }
0x6f: {  	s13 =	simm.s32 @p1 $0x5  }
0x70: {  	_ =	swait.ge @p1 [sflag:s13], $0x2000  }
0x71: {  	[sflag:s13] =	ssyncset.done @p1 $0x0  }
0x72: {  	s15 =	simm.s32 @!p1 $0x0;
	[sflag:s13] =	ssyncadd.s32 @p1 $0xFFFFE000;
	s13 =	sadd.s32 @!p1 s23, s10  }
0x73: {  	s16 =	simm.s32 @!p1 $0x80;
	s17 =	simm.s32 @!p1 $0x280;
	s14 =	sadd.s32 @!p1 $0x50, s13  }
0x74: {  	[tilespmem:s16], [sflag:$0xA] =	stream.linear.gather @!p1 [hbm4b:s14+s15], $0x80, $0x38;
	[tilespmem:$0x1C400] =	vst v63  }
0x75: {  	s18 =	simm.s32 @!p1 $0x2400;
	s19 =	simm.s32 @!p1 $0x5;
	s14 =	simm.s32 @!p1 $0x40  }
0x76: {  	[spmem:s2] =	stream.indirect.scatter.add.f32 @!p1 [tilespmem:s18], [sflag:$0x6], $0x80, s17, s14, $0xb8;
	[tilespmem:$0x1C400] =	vst v63  }
0x77: {  	_ =	swait.ge @!p1 [sflag:s19], $0x2000  }
0x78: {  	[sflag:s19] =	ssyncset.done @!p1 $0x0  }
0x79: {  	[sflag:s19] =	ssyncadd.s32 @!p1 $0xFFFFE000;
	s19 =	simm.s32 @!p1 $0x9  }
0x7a: {  	_ =	swait.ge @!p1 [sflag:s19], $0x80  }
0x7b: {  	s20 =	sadd.s32 @!p1 s23, s11;
	[sflag:s19] =	ssyncset.done @!p1 $0x0  }
0x7c: {  	s30 =	simm.s32 @!p1 $0x200;
	[sflag:s19] =	ssyncadd.s32 @!p1 $0xFFFFFF80;
	s19 =	sadd.s32 @!p1 $0x40, s20  }
0x7d: {  	[tilespmem:s30], [sflag:$0x1] =	stream.linear.gather @!p1 [hbm4b:s19+s15], $0x80, $0x38;
	[tilespmem:$0x1C400] =	vst v63  }
0x7e: {  	s19 =	simm.s32 @!p1 $0x400  }
0x7f: {  	[tilespmem:s19], [sflag:$0x1] =	stream.indirect.gather @!p1 [hbm4b:s5+s14], $0x80, s15, s14, $0xb8;
	[tilespmem:$0x1C400] =	vst v63  }
0x80: {  	_ =	swait.ge [sflag:s9], $0x80  }
0x81: {  	[sflag:s9] =	ssyncset.done $0x0  }
0x82: {  	[sflag:s9] =	ssyncadd.s32 $0xFFFFFF80  }
0x83: {  	_ =	swait.ge [sflag:s9], $0x2000  }
0x84: {  	[sflag:s9] =	ssyncset.done $0x0  }
0x85: {  	s30 =	simm.s32 @p1 $0x4400;
	s19 =	simm.s32 @p1 $0x300;
	[sflag:s9] =	ssyncadd.s32 $0xFFFFE000  }
0x86: {  	[spmem:s2] =	stream.indirect.scatter.add.f32 @p1 [tilespmem:s30], [sflag:$0x7], $0x80, s19, s8, $0xb8;
	[tilespmem:$0x1C400] =	vst v63  }
0x87: {  	s8 =	simm.s32 @p1 $0x6  }
0x88: {  	_ =	swait.ge @p1 [sflag:s8], $0x2000  }
0x89: {  	[sflag:s8] =	ssyncset.done @p1 $0x0  }
0x8a: {  	[sflag:s8] =	ssyncadd.s32 @p1 $0xFFFFE000;
	s8 =	sadd.s32 @!p1 $0x60, s13;
	s13 =	simm.s32 @!p1 $0x100  }
0x8b: {  	[tilespmem:s13], [sflag:$0xB] =	stream.linear.gather @!p1 [hbm4b:s8+s15], $0x80, $0x38;
	[tilespmem:$0x1C400] =	vst v63  }
0x8c: {  	s8 =	simm.s32 @!p1 $0x300;
	s13 =	simm.s32 @!p1 $0x4400  }
0x8d: {  	[spmem:s2] =	stream.indirect.scatter.add.f32 @!p1 [tilespmem:s13], [sflag:$0x7], $0x80, s8, s14, $0xb8;
	[tilespmem:$0x1C400] =	vst v63  }
0x8e: {  	s8 =	simm.s32 @!p1 $0x6  }
0x8f: {  	_ =	swait.ge @!p1 [sflag:s8], $0x2000  }
0x90: {  	[sflag:s8] =	ssyncset.done @!p1 $0x0  }
0x91: {  	[sflag:s8] =	ssyncadd.s32 @!p1 $0xFFFFE000;
	s8 =	simm.s32 @!p1 $0xA  }
0x92: {  	_ =	swait.ge @!p1 [sflag:s8], $0x80  }
0x93: {  	[sflag:s8] =	ssyncset.done @!p1 $0x0  }
0x94: {  	[sflag:s8] =	ssyncadd.s32 @!p1 $0xFFFFFF80;
	s8 =	sadd.s32 @!p1 $0x50, s20  }
0x95: {  	[tilespmem:s17], [sflag:$0x2] =	stream.linear.gather @!p1 [hbm4b:s8+s15], $0x80, $0x38;
	[tilespmem:$0x1C400] =	vst v63  }
0x96: {  	_ = 	snop  }
0x97: {  	[tilespmem:s18], [sflag:$0x2] =	stream.indirect.gather @!p1 [hbm4b:s5+s14], $0x80, s16, s14, $0xb8;
	[tilespmem:$0x1C400] =	vst v63  }
0x98: {  	_ =	swait.ge [sflag:s12], $0x80  }
.Ltmp6:
0x99: {  	[sflag:s12] =	ssyncset.done $0x0;
	(pc) =	sbr.rel @p1 .LBB2_16-.Ltmp6, $4  }
0x9a: {  	[sflag:s12] =	ssyncadd.s32 $0xFFFFFF80  }
0x9b: {  	_ =	swait.ge [sflag:s12], $0x2000  }
0x9c: {  	[sflag:s12] =	ssyncset.done $0x0  }
0x9d: {  	[sflag:s12] =	ssyncadd.s32 $0xFFFFE000  }
.Ltmp7:
0x9e: {  	s8 =	sadd.s32 s23, s10;
	(pc) =	sbr.rel .LBB2_11-.Ltmp7, $4  }
0x9f: {  	s8 =	sadd.s32 $0x70, s8  }
0xa0: {  	[tilespmem:s28], [sflag:$0xC] =	stream.linear.gather [hbm4b:s8+s3], $0x80, $0x38;
	[tilespmem:$0x1C400] =	vst v63  }
0xa1: {  	s23 =	sadd.s32 $0x40, s23  }
0xa2: {  	[spmem:s2] =	stream.indirect.scatter.add.f32 [tilespmem:s24], [sflag:$0x8], $0x80, s7, s21, $0xb8;
	[tilespmem:$0x1C400] =	vst v63  }
.LBB2_2:
0xa3: {  	[tilespmem:s22], [sflag:$0x1] =	stream.indirect.gather [hbm4b:s4+s21], $0x80, s23, s21, $0xb8;
	[tilespmem:$0x1C400] =	vst v63  }
0xa4: {  	s8 =	rddreg [dreg:$0xb];
	s13 =	simm.s32 $0x80  }
0xa5: {  	[tilespmem:s13], [sflag:$0xD] =	stream.linear.gather [hbm4b:s8+s23], $0x80, $0x38;
	[tilespmem:$0x1C400] =	vst v63  }
0xa6: {  	_ =	swait.ge [sflag:s15], $0x80  }
0xa7: {  	[sflag:s15] =	ssyncset.done $0x0  }
0xa8: {  	s14 =	simm.s32 $0x280;
	s18 =	rddreg [dreg:$0xc];
	[sflag:s15] =	ssyncadd.s32 $0xFFFFFF80  }
0xa9: {  	[tilespmem:s14], [sflag:$0x2] =	stream.linear.gather [hbm4b:s18+s23], $0x80, $0x38;
	[tilespmem:$0x1C400] =	vst v63  }
0xaa: {  	s19 =	simm.s32 $0x2400  }
0xab: {  	[tilespmem:s19], [sflag:$0x2] =	stream.indirect.gather [hbm4b:s4+s21], $0x80, s13, s21, $0xb8;
	[tilespmem:$0x1C400] =	vst v63  }
0xac: {  	s20 =	rddreg [dreg:$0xd]  }
0xad: {  	[tilespmem:s26], [sflag:$0xB] =	stream.linear.gather [hbm4b:s20+s23], $0x80, $0x38;
	[tilespmem:$0x1C400] =	vst v63  }
0xae: {  	s30 =	rddreg [dreg:$0xe]  }
0xaf: {  	[tilespmem:s28], [sflag:$0xC] =	stream.linear.gather [hbm4b:s30+s23], $0x80, $0x38;
	[tilespmem:$0x1C400] =	vst v63  }
.LBB2_3:
0xb0: {  	p1 =	seq.s32 s23, $0x0  }
0xb1: {  	s18 =	simm.s32 @!p1 $0x7  }
0xb2: {  	_ =	swait.ge @!p1 [sflag:s18], $0x2000  }
0xb3: {  	[sflag:s18] =	ssyncset.done @!p1 $0x0  }
0xb4: {  	s30 =	sand.u32 $0xF80, s23;
	[sflag:s18] =	ssyncadd.s32 @!p1 $0xFFFFE000  }
0xb5: {  	s19 =	sand.u32 $0x40, s23;
	s18 =	sadd.s32 s11, s30;
	_ =	swait.ge [sflag:s29], $0x80  }
0xb6: {  	s18 =	sadd.s32 s19, s18;
	[sflag:s29] =	ssyncset.done $0x0  }
0xb7: {  	s8 =	simm.s32 $0x300;
	s19 =	sadd.s32 $0x20, s18;
	[sflag:s29] =	ssyncadd.s32 $0xFFFFFF80  }
0xb8: {  	[tilespmem:s8], [sflag:$0x3] =	stream.linear.gather [hbm4b:s19+s3], $0x80, $0x38;
	[tilespmem:$0x1C400] =	vst v63  }
0xb9: {  	_ = 	snop  }
0xba: {  	[tilespmem:s31], [sflag:$0x3] =	stream.indirect.gather [hbm4b:s4+s21], $0x80, s26, s21, $0xb8;
	[tilespmem:$0x1C400] =	vst v63  }
0xbb: {  	p2 =	sne.s32 s23, $0x9C0;
	_ =	swait.ge [sflag:s0], $0x80  }
.Ltmp8:
0xbc: {  	[sflag:s0] =	ssyncset.done $0x0;
	(pc) =	sbr.rel @p2 .LBB2_5-.Ltmp8, $4  }
0xbd: {  	[sflag:s0] =	ssyncadd.s32 $0xFFFFFF80  }
0xbe: {  	_ =	swait.ge [sflag:s0], $0x2000  }
0xbf: {  	[sflag:s0] =	ssyncset.done $0x0  }
0xc0: {  	[sflag:s0] =	ssyncadd.s32 $0xFFFFE000  }
.Ltmp9:
0xc1: {  	(pc) =	sbr.rel .LBB2_6-.Ltmp9, $3  }
0xc2: {  	_ =	sdelay $0x1  }
0xc3: {  	s8 =	simm.s32 $0x200  }
0xc4: {  	[spmem:s2] =	stream.indirect.scatter.add.f32 [tilespmem:s22], [sflag:$0x5], $0x80, s8, s21, $0xb8;
	[tilespmem:$0x1C400] =	vst v63  }
.LBB2_5:
.Ltmp10:
0xc5: {  	s19 =	sadd.s32 s23, s10;
	(pc) =	sbr.rel @p1 .LBB2_7-.Ltmp10, $4  }
0xc6: {  	s19 =	sadd.s32 $0x40, s19  }
0xc7: {  	[tilespmem:s3], [sflag:$0x9] =	stream.linear.gather [hbm4b:s19+s3], $0x80, $0x38;
	[tilespmem:$0x1C400] =	vst v63  }
0xc8: {  	s8 =	simm.s32 $0x200  }
0xc9: {  	[spmem:s2] =	stream.indirect.scatter.add.f32 [tilespmem:s22], [sflag:$0x5], $0x80, s8, s21, $0xb8;
	[tilespmem:$0x1C400] =	vst v63  }
.LBB2_6:
0xca: {  	_ =	swait.ge [sflag:s1], $0x2000  }
0xcb: {  	[sflag:s1] =	ssyncset.done $0x0  }
0xcc: {  	[sflag:s1] =	ssyncadd.s32 $0xFFFFE000  }
.LBB2_7:
0xcd: {  	_ =	swait.ge [sflag:s6], $0x80  }
0xce: {  	[sflag:s6] =	ssyncset.done $0x0  }
0xcf: {  	s18 =	sadd.s32 $0x30, s18;
	[sflag:s6] =	ssyncadd.s32 $0xFFFFFF80  }
0xd0: {  	[tilespmem:s7], [sflag:$0x4] =	stream.linear.gather [hbm4b:s18+s3], $0x80, $0x38;
	[tilespmem:$0x1C400] =	vst v63  }
0xd1: {  	_ = 	snop  }
0xd2: {  	[tilespmem:s24], [sflag:$0x4] =	stream.indirect.gather [hbm4b:s4+s21], $0x80, s28, s21, $0xb8;
	[tilespmem:$0x1C400] =	vst v63  }
0xd3: {  	_ =	swait.ge [sflag:s25], $0x80  }
0xd4: {  	[sflag:s25] =	ssyncset.done $0x0  }
0xd5: {  	[sflag:s25] =	ssyncadd.s32 $0xFFFFFF80  }
0xd6: {  	p1 =	seq.s32 s23, $0x9C0;
	_ =	swait.ge [sflag:s25], $0x2000  }
0xd7: {  	s19 =	simm.s32 @p1 $0x280;
	[sflag:s25] =	ssyncset.done $0x0  }
0xd8: {  	s20 =	simm.s32 @p1 $0x2400;
	s18 =	simm.s32 @p1 $0x40;
	[sflag:s25] =	ssyncadd.s32 $0xFFFFE000  }
0xd9: {  	[spmem:s2] =	stream.indirect.scatter.add.f32 @p1 [tilespmem:s20], [sflag:$0x6], $0x80, s19, s18, $0xb8;
	[tilespmem:$0x1C400] =	vst v63  }
0xda: {  	s19 =	simm.s32 @p1 $0x5  }
0xdb: {  	_ =	swait.ge @p1 [sflag:s19], $0x2000  }
0xdc: {  	[sflag:s19] =	ssyncset.done @p1 $0x0  }
0xdd: {  	s8 =	simm.s32 @!p1 $0x0;
	[sflag:s19] =	ssyncadd.s32 @p1 $0xFFFFE000;
	s19 =	sadd.s32 @!p1 s23, s10  }
0xde: {  	s13 =	simm.s32 @!p1 $0x80;
	s14 =	simm.s32 @!p1 $0x280;
	s20 =	sadd.s32 @!p1 $0x50, s19  }
0xdf: {  	[tilespmem:s13], [sflag:$0xA] =	stream.linear.gather @!p1 [hbm4b:s20+s8], $0x80, $0x38;
	[tilespmem:$0x1C400] =	vst v63  }
0xe0: {  	s15 =	simm.s32 @!p1 $0x2400;
	s17 =	simm.s32 @!p1 $0x5;
	s20 =	simm.s32 @!p1 $0x40  }
0xe1: {  	[spmem:s2] =	stream.indirect.scatter.add.f32 @!p1 [tilespmem:s15], [sflag:$0x6], $0x80, s14, s20, $0xb8;
	[tilespmem:$0x1C400] =	vst v63  }
0xe2: {  	_ =	swait.ge @!p1 [sflag:s17], $0x2000  }
0xe3: {  	[sflag:s17] =	ssyncset.done @!p1 $0x0  }
0xe4: {  	[sflag:s17] =	ssyncadd.s32 @!p1 $0xFFFFE000;
	s17 =	simm.s32 @!p1 $0x9  }
0xe5: {  	_ =	swait.ge @!p1 [sflag:s17], $0x80  }
0xe6: {  	s16 =	sadd.s32 @!p1 s23, s11;
	[sflag:s17] =	ssyncset.done @!p1 $0x0  }
0xe7: {  	s30 =	simm.s32 @!p1 $0x200;
	[sflag:s17] =	ssyncadd.s32 @!p1 $0xFFFFFF80;
	s17 =	sadd.s32 @!p1 $0x40, s16  }
0xe8: {  	[tilespmem:s30], [sflag:$0x1] =	stream.linear.gather @!p1 [hbm4b:s17+s8], $0x80, $0x38;
	[tilespmem:$0x1C400] =	vst v63  }
0xe9: {  	s17 =	simm.s32 @!p1 $0x400  }
0xea: {  	[tilespmem:s17], [sflag:$0x1] =	stream.indirect.gather @!p1 [hbm4b:s4+s20], $0x80, s8, s20, $0xb8;
	[tilespmem:$0x1C400] =	vst v63  }
0xeb: {  	_ =	swait.ge [sflag:s9], $0x80  }
0xec: {  	[sflag:s9] =	ssyncset.done $0x0  }
0xed: {  	[sflag:s9] =	ssyncadd.s32 $0xFFFFFF80  }
0xee: {  	_ =	swait.ge [sflag:s9], $0x2000  }
0xef: {  	[sflag:s9] =	ssyncset.done $0x0  }
0xf0: {  	s30 =	simm.s32 @p1 $0x4400;
	s17 =	simm.s32 @p1 $0x300;
	[sflag:s9] =	ssyncadd.s32 $0xFFFFE000  }
0xf1: {  	[spmem:s2] =	stream.indirect.scatter.add.f32 @p1 [tilespmem:s30], [sflag:$0x7], $0x80, s17, s18, $0xb8;
	[tilespmem:$0x1C400] =	vst v63  }
0xf2: {  	s17 =	simm.s32 @p1 $0x6  }
0xf3: {  	_ =	swait.ge @p1 [sflag:s17], $0x2000  }
0xf4: {  	[sflag:s17] =	ssyncset.done @p1 $0x0  }
0xf5: {  	s18 =	simm.s32 @!p1 $0x100;
	[sflag:s17] =	ssyncadd.s32 @p1 $0xFFFFE000;
	s17 =	sadd.s32 @!p1 $0x60, s19  }
0xf6: {  	[tilespmem:s18], [sflag:$0xB] =	stream.linear.gather @!p1 [hbm4b:s17+s8], $0x80, $0x38;
	[tilespmem:$0x1C400] =	vst v63  }
0xf7: {  	s17 =	simm.s32 @!p1 $0x300;
	s18 =	simm.s32 @!p1 $0x4400  }
0xf8: {  	[spmem:s2] =	stream.indirect.scatter.add.f32 @!p1 [tilespmem:s18], [sflag:$0x7], $0x80, s17, s20, $0xb8;
	[tilespmem:$0x1C400] =	vst v63  }
0xf9: {  	s17 =	simm.s32 @!p1 $0x6  }
0xfa: {  	_ =	swait.ge @!p1 [sflag:s17], $0x2000  }
0xfb: {  	[sflag:s17] =	ssyncset.done @!p1 $0x0  }
0xfc: {  	[sflag:s17] =	ssyncadd.s32 @!p1 $0xFFFFE000;
	s17 =	simm.s32 @!p1 $0xA  }
0xfd: {  	_ =	swait.ge @!p1 [sflag:s17], $0x80  }
0xfe: {  	[sflag:s17] =	ssyncset.done @!p1 $0x0  }
0xff: {  	s16 =	sadd.s32 @!p1 $0x50, s16;
	[sflag:s17] =	ssyncadd.s32 @!p1 $0xFFFFFF80  }
0x100: {  	[tilespmem:s14], [sflag:$0x2] =	stream.linear.gather @!p1 [hbm4b:s16+s8], $0x80, $0x38;
	[tilespmem:$0x1C400] =	vst v63  }
0x101: {  	_ = 	snop  }
0x102: {  	[tilespmem:s15], [sflag:$0x2] =	stream.indirect.gather @!p1 [hbm4b:s4+s20], $0x80, s13, s20, $0xb8;
	[tilespmem:$0x1C400] =	vst v63  }
0x103: {  	_ =	swait.ge [sflag:s12], $0x80  }
.Ltmp11:
0x104: {  	[sflag:s12] =	ssyncset.done $0x0;
	(pc) =	sbr.rel @p1 .LBB2_8-.Ltmp11, $4  }
0x105: {  	[sflag:s12] =	ssyncadd.s32 $0xFFFFFF80  }
0x106: {  	_ =	swait.ge [sflag:s12], $0x2000  }
0x107: {  	[sflag:s12] =	ssyncset.done $0x0  }
0x108: {  	[sflag:s12] =	ssyncadd.s32 $0xFFFFE000  }
.Ltmp12:
0x109: {  	s8 =	sadd.s32 s23, s10;
	(pc) =	sbr.rel .LBB2_3-.Ltmp12, $4  }
0x10a: {  	s8 =	sadd.s32 $0x70, s8  }
0x10b: {  	[tilespmem:s28], [sflag:$0xC] =	stream.linear.gather [hbm4b:s8+s3], $0x80, $0x38;
	[tilespmem:$0x1C400] =	vst v63  }
0x10c: {  	s23 =	sadd.s32 $0x40, s23  }
0x10d: {  	[spmem:s2] =	stream.indirect.scatter.add.f32 [tilespmem:s24], [sflag:$0x8], $0x80, s7, s21, $0xb8;
	[tilespmem:$0x1C400] =	vst v63  }
.LBB2_8:
.Ltmp13:
0x10e: {  	(pc) =	sbr.rel .LBB2_17-.Ltmp13, $3  }
0x10f: {  	_ =	sdelay $0x1  }
0x110: {  	s18 =	rddreg [dreg:$0x4]  }
0x111: {  	s16 =	rddreg [dreg:$0xf]  }
.LBB2_18:
0x112: {  	_ =	sfence.sel $0x180000  }
0x113: {  	[bflag:$0x0] =	sbarrier.arrive $0xFFFF  }
0x114: {  	_ =	strace $0x9000004A  }
0x115: {  	s0 =	stileid.u32;
	[bflag:$0x2] =	sbarrier.arrive $0xFFFF  }
0x116: {  	p0 =	sne.s32 s0, $0x0;
	s0 =	rddreg [dreg:$0x3]  }
0x117: {  	s0 =	sadd.s32 @!p0 $0x100000, s0  }
0x118: {  	[sflag:s0] =	ssyncadd.tile.s32 @!p0 $0x1;
	_ =	shalt  }
.Lfunc_end2:
_tile_overlayer_lowered:
.L_overlay_start_2:
0x119: {  	(tag) =	ssettag $0x2  }
0x11a: {  	s0 =	rddreg [dreg:$0x0];
	s2 =	stileid.u32  }
0x11b: {  	s1 =	rddreg [dreg:$0x1];
	p0 =	sne.s32 s2, $0x0  }
0x11c: {  	s3 =	rddreg [dreg:$0x2];
	[bflag:$0x3] =	sbarrier.arrive $0xFFFF;
	s2 =	simm.s32 @!p0 $0x1C0D  }
0x11d: {  	[timem:s3], [sflag:s2] =	dma.local @!p0 [hbm:s0], s1  }
0x11e: {  	s0 =	simm.s32 @!p0 $0xD  }
0x11f: {  	_ =	swait.ge @!p0 [sflag:s0], s1  }
0x120: {  	s1 =	ssub.s32 @!p0 $0x0, s1;
	[sflag:s0] =	ssyncset.done @!p0 $0x0  }
0x121: {  	[sflag:s0] =	ssyncadd.s32 @!p0 s1  }
0x122: {  	[bflag:$0x3] =	sbarrier.arrive $0xFFFF  }
0x123: {  	_ =	shalt  }

// kernel: kernel.14.cloned.1.call-start
scs
__scs_entry_jumppad:
0x0: {  	(pc) =	sbr.rel $0x88, $3  }
0x1: {  	(tag) =	ssettag $0x0;
	lr =	simm.s32 $0x1  }
0x2: {  	[smem:$0x3F9B] =	sst lr;
	_ =	strace $0xD0000000  }
0x3: {  	_ = 	snop  }
0x4: {  	_ = 	snop  }
0x5: {  	_ = 	snop  }
0x6: {  	_ = 	snop  }
0x7: {  	_ = 	snop  }
__scs_overlays_trampoline_lowered:
0x8: {  	[smem:$0x3FAA] =	sst s0  }
0x9: {  	[smem:$0x3FAB] =	sst s1  }
0xa: {  	[smem:$0x3FAC] =	sst s2  }
0xb: {  	[smem:$0x3FAD] =	sst s3  }
0xc: {  	[smem:$0x3FAE] =	sst s4  }
0xd: {  	[smem:$0x3FAF] =	sst s5  }
0xe: {  	[smem:$0x3FB0] =	sst s6  }
0xf: {  	[smem:$0x3FB1] =	sst s7  }
0x10: {  	[smem:$0x3FB2] =	sst s8  }
0x11: {  	[smem:$0x3FB3] =	sst s9;
	s0 =	simm.s32 @!p0 $0x0  }
0x12: {  	s1 =	sld [smem:$0x3F99];
	s0 =	simm.s32 @p0 $0x1  }
0x13: {  	[smem:$0x3FB4] =	sst s0;
	s0 =	simm.s32 @!p1 $0x0  }
0x14: {  	s2 =	sld [smem:$0x3F98];
	s0 =	simm.s32 @p1 $0x1  }
0x15: {  	[smem:$0x3FB5] =	sst s0;
	s0 =	simm.s32 @!p2 $0x0  }
0x16: {  	s3 =	sld [smem:$0x3FDB];
	s0 =	simm.s32 @p2 $0x1  }
0x17: {  	s4 =	simm.s32 $0x1BF5;
	[smem:$0x3FB7] =	sst s0  }
0x18: {  	s0 =	sld [smem:$0x3F9A];
	_ =	swait.ge [sflag:s4], $0x0  }
0x19: {  	s7 =	sld [smem:$0x3F9B]  }
0x1a: {  	s8 =	sadd.s32 $0xFFFFE003, lr  }
0x1b: {  	s9 =	sadd.s32 $0xFFFFFEF7, lr;
	s5 =	simm.s32 $0xFFFFFFFF;
	p2 =	slt.u32 s8, $0xFFFFF086  }
0x1c: {  	p1 =	slt.u32 s9, $0xF7A;
	s5 =	simm.s32 @!p2 $0x0  }
0x1d: {  	s5 =	simm.s32 @p1 $0x1;
	p0 =	seq.s32 s7, s2  }
0x1e: {  	s7 =	smul.u32 @!p0 $0xF7A, s2;
	p2 =	seq.s32 @!p0 s5, $0x0  }
0x1f: {  	s9 =	smul.u32 $0xF7A, s1;
	s8 =	simm.s32 @!p0 $0x1BF5;
	p2 =	por !p2, p0  }
0x20: {  	[sflag:s8] =	ssyncset.s32 @!p0 $0xFFFFF086;
	s6 =	sadd.s32 @!p0 s3, s7;
	s7 =	simm.s32 @!p0 $0x108  }
0x21: {  	s3 =	sadd.s32 s3, s9;
	s6 =	sadd.s32 @!p0 $0x88, s6;
	s7 =	simm.s32 @p2 $0x1082  }
0x22: {  	[simem:s7], [sflag:s8] =	dma.local @!p0 [hbm:s6], $0xF7A  }
0x23: {  	s9 =	sor.u32 $0xD0000000, s2;
	s6 =	simm.s32 $0x108;
	_ =	swait.ge @!p0 [sflag:s8], $0x0  }
0x24: {  	s3 =	sadd.s32 $0x88, s3;
	s6 =	simm.s32 @!p1 $0x1082;
	[sflag:s4] =	ssyncset.s32 $0xFFFFF086  }
0x25: {  	[simem:s6], [sflag:s4] =	dma.local [hbm:s3], $0xF7A  }
0x26: {  	[smem:$0x3F9B] =	sst s1;
	(tag) =	ssettag s2;
	_ =	strace s9  }
0x27: {  	s1 =	sld [smem:$0x3FAB]  }
0x28: {  	s2 =	sld [smem:$0x3FAC]  }
0x29: {  	s4 =	sld [smem:$0x3FAE]  }
0x2a: {  	p0 =	seq.s32 s5, $0x0;
	s5 =	sld [smem:$0x3FAF]  }
0x2b: {  	s6 =	sld [smem:$0x3FB0]  }
0x2c: {  	s7 =	sld [smem:$0x3FB1]  }
0x2d: {  	s3 =	simm.s32 $0x108;
	s8 =	sld [smem:$0x3FB2]  }
0x2e: {  	s3 =	simm.s32 @!p0 $0x1082;
	s9 =	sld [smem:$0x3FB3]  }
0x2f: {  	lr =	sadd.s32 s0, s3;
	s0 =	sld [smem:$0x3FAA]  }
0x30: {  	s3 =	sld [smem:$0x3FAD]  }
0x31: {  	[smem:$0x3FB6] =	sst s10  }
0x32: {  	s10 =	sld [smem:$0x3FB4];
	_ =	sdelay $0x3  }
0x33: {  	p0 =	seq.s32 s10, $0x1;
	s10 =	sld [smem:$0x3FB6];
	_ =	sdelay $0x3  }
0x34: {  	[smem:$0x3FB6] =	sst s10  }
0x35: {  	s10 =	sld [smem:$0x3FB5];
	_ =	sdelay $0x3  }
0x36: {  	p1 =	seq.s32 s10, $0x1;
	s10 =	sld [smem:$0x3FB6];
	_ =	sdelay $0x3  }
0x37: {  	[smem:$0x3FB6] =	sst s10  }
0x38: {  	s10 =	sld [smem:$0x3FB7]  }
0x39: {  	_ = 	snop;
	(pc) =	sbr.ind lr, $3  }
0x3a: {  	_ = 	snop  }
0x3b: {  	_ = 	snop  }
0x3c: {  	p2 =	seq.s32 s10, $0x1;
	s10 =	sld [smem:$0x3FB6]  }
0x3d: {  	_ =	shalt  }
0x3e: {  	_ =	shalt  }
0x3f: {  	_ =	shalt  }
0x40: {  	_ =	shalt  }
0x41: {  	_ =	shalt  }
0x42: {  	_ =	shalt  }
0x43: {  	_ =	shalt  }
0x44: {  	_ =	shalt  }
0x45: {  	_ =	shalt  }
0x46: {  	_ =	shalt  }
0x47: {  	_ =	shalt  }
0x48: {  	_ =	shalt  }
0x49: {  	_ =	shalt  }
0x4a: {  	_ =	shalt  }
0x4b: {  	_ =	shalt  }
0x4c: {  	_ =	shalt  }
0x4d: {  	_ =	shalt  }
0x4e: {  	_ =	shalt  }
0x4f: {  	_ =	shalt  }
0x50: {  	_ =	shalt  }
0x51: {  	_ =	shalt  }
0x52: {  	_ =	shalt  }
0x53: {  	_ =	shalt  }
0x54: {  	_ =	shalt  }
0x55: {  	_ =	shalt  }
0x56: {  	_ =	shalt  }
0x57: {  	_ =	shalt  }
0x58: {  	_ =	shalt  }
0x59: {  	_ =	shalt  }
0x5a: {  	_ =	shalt  }
0x5b: {  	_ =	shalt  }
0x5c: {  	_ =	shalt  }
0x5d: {  	_ =	shalt  }
0x5e: {  	_ =	shalt  }
0x5f: {  	_ =	shalt  }
0x60: {  	_ =	shalt  }
0x61: {  	_ =	shalt  }
0x62: {  	_ =	shalt  }
0x63: {  	_ =	shalt  }
0x64: {  	_ =	shalt  }
0x65: {  	_ =	shalt  }
0x66: {  	_ =	shalt  }
0x67: {  	_ =	shalt  }
0x68: {  	_ =	shalt  }
0x69: {  	_ =	shalt  }
0x6a: {  	_ =	shalt  }
0x6b: {  	_ =	shalt  }
0x6c: {  	_ =	shalt  }
0x6d: {  	_ =	shalt  }
0x6e: {  	_ =	shalt  }
0x6f: {  	_ =	shalt  }
0x70: {  	_ =	shalt  }
0x71: {  	_ =	shalt  }
0x72: {  	_ =	shalt  }
0x73: {  	_ =	shalt  }
0x74: {  	_ =	shalt  }
0x75: {  	_ =	shalt  }
0x76: {  	_ =	shalt  }
0x77: {  	_ =	shalt  }
0x78: {  	_ =	shalt  }
0x79: {  	_ =	shalt  }
0x7a: {  	_ =	shalt  }
0x7b: {  	_ =	shalt  }
0x7c: {  	_ =	shalt  }
0x7d: {  	_ =	shalt  }
0x7e: {  	_ =	shalt  }
0x7f: {  	_ =	shalt  }
0x80: {  	_ =	shalt  }
0x81: {  	_ =	shalt  }
0x82: {  	_ =	shalt  }
0x83: {  	_ =	shalt  }
0x84: {  	_ =	shalt  }
0x85: {  	_ =	shalt  }
0x86: {  	_ =	shalt  }
0x87: {  	_ =	shalt  }
.Lfunc_end0:
.L_simem_size_0:
called_computation.2_lowered:
.L_overlay_start_0:
0x88: {  	s2 =	sld [smem:$0x3FD9]  }
0x89: {  	s3 =	sld [smem:$0x3FFE];
	_ =	sdelay $0x1  }
0x8a: {  	s1 =	srdreg.scid  }
0x8b: {  	s0 =	sand.u32 $0x1, s1  }
0x8c: {  	s17 =	sshll.u32 s0, $0xA;
	s2 =	sadd.s32 s3, s2  }
0x8d: {  	s2 =	sadd.s32 s2, s17  }
0x8e: {  	[smem:$0x3FC2] =	sst s2  }
0x8f: {  	_ = 	snop  }
0x90: {  	s2 =	sld [smem:$0x3FD0];
	(tm) =	ssettm $0x1  }
0x91: {  	s18 =	sld [smem:$0x3FFB];
	_ =	sdelay $0x3  }
0x92: {  	_ =	strace s18  }
0x93: {  	s3 =	sld [smem:$0x3FFC];
	_ =	sdelay $0x3  }
0x94: {  	_ =	strace s3  }
0x95: {  	s3 =	sld [smem:$0x3FFD];
	_ =	sdelay $0x3  }
0x96: {  	_ =	strace s3  }
0x97: {  	_ =	strace $0x8FFFFFFF  }
0x98: {  	s19 =	sld [smem:$0x3FDB];
	_ =	sdelay $0x1  }
0x99: {  	s4 =	simm.s32 $_scs_section_size  }
0x9a: {  	s5 =	simm.s32 $_size__tile_overlayer_lowered;
	s6 =	simm.s32 $_tile_overlayer_lowered  }
0x9b: {  	s22 =	simm.s32 $0x1BFF;
	s21 =	sshll.u32 s6, $0x1;
	s3 =	sadd.s32 s4, s19  }
0x9c: {  	s7 =	simm.s32 $0x0;
	s20 =	sshll.u32 s5, $0x1;
	s5 =	sadd.s32 s21, s3  }
0x9d: {  	[timem:s7], [sflag:s22] =	dma.local [hbm:s5], s20  }
0x9e: {  	_ =	swait.ge [sflag:s22], s20  }
0x9f: {  	s4 =	ssub.s32 $0x0, s20;
	[sflag:s22] =	ssyncset.done $0x0  }
0xa0: {  	[sflag:s22] =	ssyncadd.s32 s4;
	_ =	sdelay $0x1  }
0xa1: {  	s23 =	simm.s32 $0x1B8B  }
0xa2: {  	_ =	swait.ge [sflag:s23], $0x1  }
0xa3: {  	[sflag:s23] =	ssyncset.done $0x0  }
0xa4: {  	s25 =	simm.s32 $0x1B8E;
	s24 =	sld [smem:$0x3FFE];
	[sflag:s23] =	ssyncadd.s32 $0xFFFFFFFF  }
0xa5: {  	s26 =	simm.s32 $execute0_lowered;
	[smem:$0x3FD2] =	sst s25  }
0xa6: {  	s5 =	sshll.u32 s26, $0x1;
	_ =	strace $0x8000004C;
	[dreg:$0x1] =	wrdreg $0xFFFFFFFF  }
0xa7: {  	s28 =	simm.s32 $_size_execute0_lowered;
	s3 =	sadd.s32 s3, s5;
	[dreg:$0x0] =	wrdreg $0x0  }
0xa8: {  	s5 =	sshll.u32 s28, $0x1;
	[dreg:$0x2] =	wrdreg s3  }
0xa9: {  	[dreg:$0x3] =	wrdreg s5  }
0xaa: {  	[dreg:$0x4] =	wrdreg $0xC0  }
0xab: {  	_ =	task [dreg:s7], $0x5FFFF  }
0xac: {  	[dreg:$0x1] =	wrdreg $0xFFFFFFFF  }
0xad: {  	[dreg:$0x0] =	wrdreg $0x60  }
0xae: {  	[dreg:$0x2] =	wrdreg s24  }
0xaf: {  	[dreg:$0x3] =	wrdreg s2  }
0xb0: {  	[dreg:$0x4] =	wrdreg $0x84000  }
0xb1: {  	[dreg:$0x5] =	wrdreg $0x9  }
0xb2: {  	_ =	task.clear_ibuf [dreg:s7], $0x6FFFF;
	_ =	strace $0x9000004C  }
0xb3: {  	s29 =	simm.s32 $0x9;
	_ =	strace $0x8000004E  }
0xb4: {  	_ =	swait.ge [sflag:s29], $0x1  }
0xb5: {  	[sflag:s29] =	ssyncadd.s32 $0xFFFFFFFF  }
0xb6: {  	_ =	strace $0x9000004E  }
0xb7: {  	_ =	sfence  }
0xb8: {  	s30 =	sld [smem:$0x0];
	_ =	sdelay $0x2  }
0xb9: {  	s31 =	sshll.u32 s1, $0xD;
	s1 =	sshrl.u32 s1, $0x2  }
0xba: {  	s3 =	sand.u32 $0x4000, s31;
	s1 =	sadd.s32 s1, s30  }
0xbb: {  	s0 =	sor.u32 s3, s0;
	s1 =	sshll.u32 s1, $0x11  }
0xbc: {  	s0 =	sor.u32 s1, s0  }
0xbd: {  	s0 =	sadd.s32 $0x8F2B, s0  }
0xbe: {  	[sflag:s0] =	ssyncadd.remote.s32 $0x1  }
0xbf: {  	_ =	sfence.sel $0xFFFF  }
0xc0: {  	[dreg:$0x0] =	wrdreg $0xFFFFFFFF;
	(pc) =	sbr.abs _section_cstart, $3  }
0xc1: {  	[dreg:$0x1] =	wrdreg $0xFFFFFFFF  }
0xc2: {  	_ =	task.clear_ibuf [dreg:s7], $0x2FFFF;
	_ =	strace $0x9FFFFFFF  }
0xc3: {  	(tm) =	ssettm $0x7FFFFFFF  }
tec
execute0_lowered:
.L_overlay_start_1:
0x0: {  	(tag) =	ssettag $0x1  }
0x1: {  	s0 =	rddreg [dreg:$0x0]  }
0x2: {  	s1 =	rddreg [dreg:$0x1]  }
0x3: {  	s2 =	rddreg [dreg:$0x2];
	s3 =	simm.s32 $0x0;
	s11 =	stileid.u32  }
0x4: {  	s7 =	srdreg.scid;
	s15 =	simm.s32 $0xD;
	s28 =	simm.s32 $0x180  }
0x5: {  	s29 =	simm.s32 $0xB;
	s31 =	simm.s32 $0x4400;
	s12 =	simm.s32 $0x4  }
0x6: {  	s16 =	simm.s32 $0x0;
	[smem:$0x7FF] =	sst s3;
	s6 =	smul.u32 $0xA00, s11  }
0x7: {  	s4 =	sadd.s32 $0x68400, s0;
	s5 =	sadd.s32 $0x90400, s0;
	s8 =	smul.u32 $0x50000, s11  }
0x8: {  	s7 =	sand.u32 $0x1, s7;
	s9 =	sadd.s32 $0xB8400, s0;
	s10 =	smul.u32 $0x2800, s11  }
0x9: {  	s23 =	sshll.u32 s11, $0x6;
	_ =	strace $0x8000004D;
	[dreg:$0x4] =	wrdreg s9  }
0xa: {  	s20 =	ssub.s32 $0x2, s7;
	p0 =	seq.s32 s7, $0x1;
	s13 =	sor.u32 $0x1C0D, s23  }
0xb: {  	s7 =	simm.s32 $0x380;
	s9 =	simm.s32 $0x3;
	s6 =	sadd.s32 s6, s0  }
0xc: {  	s0 =	sadd.s32 $0xE0400, s0;
	s21 =	sshrl.u32 s20, $0x1;
	[dreg:$0x6] =	wrdreg s10  }
0xd: {  	s8 =	sshrl.u32 s8, $0x2;
	s1 =	sadd.s32 s1, s10;
	[dreg:$0x9] =	wrdreg s13  }
0xe: {  	[dreg:$0x5] =	wrdreg s0;
	s0 =	ssub.s32 s20, s21;
	s22 =	sadd.s32 s8, s2  }
0xf: {  	[dreg:$0x7] =	wrdreg s1;
	s10 =	sadd.s32 $0x5E400, s6;
	s11 =	sadd.s32 $0x4000, s6  }
0x10: {  	s21 =	simm.s32 $0x40;
	s1 =	simm.s32 $0x8;
	s0 =	smax.u32 s0, $0x1  }
0x11: {  	s6 =	simm.s32 $0xC;
	s24 =	sadd.s32 $0x10, s10;
	[dreg:$0x8] =	wrdreg s0  }
.Ltmp0:
0x12: {  	s25 =	sadd.s32 $0x10, s11;
	[dreg:$0xb] =	wrdreg s24;
	(pc) =	sbr.rel .LBB2_1-.Ltmp0, $4  }
0x13: {  	s14 =	sshrl.u32 s22, $0x3;
	s26 =	sadd.s32 $0x20, s10;
	[dreg:$0xc] =	wrdreg s25  }
0x14: {  	s30 =	sadd.s32 $0x30, s10;
	s22 =	simm.s32 $0x400;
	[dreg:$0xd] =	wrdreg s26  }
0x15: {  	[dreg:$0xe] =	wrdreg s30;
	s26 =	simm.s32 $0x100;
	s0 =	simm.s32 $0x1  }
0x16: {  	s24 =	simm.s32 $0x6400;
	s25 =	simm.s32 $0x2;
	[dreg:$0xa] =	wrdreg s14  }
.LBB2_16:
0x17: {  	s18 =	rddreg [dreg:$0x5]  }
0x18: {  	s16 =	rddreg [dreg:$0xf]  }
.LBB2_17:
0x19: {  	[spmem:s2] =	stream.indirect.scatter.add.f32 [tilespmem:s24], [sflag:$0x8], $0x80, s7, s21, $0xb8;
	[tilespmem:$0x1C400] =	vst v63  }
0x1a: {  	s8 =	simm.s32 $0x7  }
0x1b: {  	_ =	swait.ge [sflag:s8], $0x2000  }
0x1c: {  	[sflag:s8] =	ssyncset.done $0x0  }
0x1d: {  	[sflag:s8] =	ssyncadd.s32 $0xFFFFE000  }
0x1e: {  	_ =	swait.ge [sflag:s1], $0x2000  }
0x1f: {  	[sflag:s1] =	ssyncset.done $0x0  }
0x20: {  	[sflag:s1] =	ssyncadd.s32 $0xFFFFE000  }
0x21: {  	s23 =	rddreg [dreg:$0x6];
	[bflag:$0x0] =	sbarrier.arrive $0xFFFF  }
0x22: {  	s13 =	rddreg [dreg:$0x9]  }
0x23: {  	s15 =	simm.s32 $0xD;
	s8 =	sadd.s32 s18, s23;
	s14 =	rddreg [dreg:$0xa]  }
0x24: {  	[hbm:s8], [sflag:s13] =	dma.local [spmem:s14], $0x2800  }
0x25: {  	_ =	swait.ge [sflag:s15], $0x2800  }
0x26: {  	s16 =	sadd.s32 $0x1, s16;
	s30 =	rddreg [dreg:$0x8]  }
0x27: {  	p1 =	sne.s32 s16, s30  }
.Ltmp1:
0x28: {  	_ = 	snop;
	(pc) =	sbr.rel @!p1 .LBB2_18-.Ltmp1, $3  }
0x29: {  	[sflag:s15] =	ssyncset.done $0x0  }
0x2a: {  	[sflag:s15] =	ssyncadd.s32 $0xFFFFD800  }
0x2b: {  	[bflag:$0x0] =	sbarrier.arrive $0xFFFF;
	_ =	sdelay $0x1  }
.LBB2_1:
0x2c: {  	s8 =	rddreg [dreg:$0x7]  }
0x2d: {  	[spmem:s14], [sflag:s13] =	dma.local [hbm:s8], $0x2800  }
0x2e: {  	_ =	swait.ge [sflag:s15], $0x2800  }
0x2f: {  	[sflag:s15] =	ssyncset.done $0x0  }
0x30: {  	[sflag:s15] =	ssyncadd.s32 $0xFFFFD800  }
0x31: {  	[bflag:$0x0] =	sbarrier.arrive $0xFFFF  }
0x32: {  	[tilespmem:s3], [sflag:$0xD] =	stream.linear.gather [hbm4b:s10+s3], $0x80, $0x38;
	[tilespmem:$0x1C400] =	vst v63  }
.Ltmp2:
0x33: {  	_ = 	snop;
	(pc) =	sbr.rel @!p0 .LBB2_2-.Ltmp2, $4  }
0x34: {  	_ =	swait.ge [sflag:s15], $0x80  }
0x35: {  	s30 =	simm.s32 $0x200;
	[sflag:s15] =	ssyncset.done $0x0  }
0x36: {  	s23 =	simm.s32 $0x0;
	[dreg:$0xf] =	wrdreg s16;
	[sflag:s15] =	ssyncadd.s32 $0xFFFFFF80  }
0x37: {  	[tilespmem:s30], [sflag:$0x1] =	stream.linear.gather [hbm4b:s11+s3], $0x80, $0x38;
	[tilespmem:$0x1C400] =	vst v63  }
0x38: {  	[tilespmem:s22], [sflag:$0x1] =	stream.indirect.gather [hbm4b:s5+s21], $0x80, s23, s21, $0xb8;
	[tilespmem:$0x1C400] =	vst v63  }
0x39: {  	s8 =	rddreg [dreg:$0xb];
	s13 =	simm.s32 $0x80  }
0x3a: {  	[tilespmem:s13], [sflag:$0xD] =	stream.linear.gather [hbm4b:s8+s23], $0x80, $0x38;
	[tilespmem:$0x1C400] =	vst v63  }
0x3b: {  	_ =	swait.ge [sflag:s15], $0x80  }
0x3c: {  	[sflag:s15] =	ssyncset.done $0x0  }
0x3d: {  	s14 =	simm.s32 $0x280;
	s18 =	rddreg [dreg:$0xc];
	[sflag:s15] =	ssyncadd.s32 $0xFFFFFF80  }
0x3e: {  	[tilespmem:s14], [sflag:$0x2] =	stream.linear.gather [hbm4b:s18+s23], $0x80, $0x38;
	[tilespmem:$0x1C400] =	vst v63  }
0x3f: {  	s19 =	simm.s32 $0x2400  }
0x40: {  	[tilespmem:s19], [sflag:$0x2] =	stream.indirect.gather [hbm4b:s5+s21], $0x80, s13, s21, $0xb8;
	[tilespmem:$0x1C400] =	vst v63  }
0x41: {  	s20 =	rddreg [dreg:$0xd]  }
0x42: {  	[tilespmem:s26], [sflag:$0xB] =	stream.linear.gather [hbm4b:s20+s23], $0x80, $0x38;
	[tilespmem:$0x1C400] =	vst v63  }
0x43: {  	s30 =	rddreg [dreg:$0xe]  }
0x44: {  	[tilespmem:s28], [sflag:$0xC] =	stream.linear.gather [hbm4b:s30+s23], $0x80, $0x38;
	[tilespmem:$0x1C400] =	vst v63  }
.LBB2_11:
0x45: {  	p1 =	seq.s32 s23, $0x0  }
0x46: {  	s8 =	simm.s32 @!p1 $0x7  }
0x47: {  	_ =	swait.ge @!p1 [sflag:s8], $0x2000  }
0x48: {  	[sflag:s8] =	ssyncset.done @!p1 $0x0  }
0x49: {  	s20 =	sand.u32 $0xF80, s23;
	[sflag:s8] =	ssyncadd.s32 @!p1 $0xFFFFE000  }
0x4a: {  	s13 =	sand.u32 $0x40, s23;
	s8 =	sadd.s32 s11, s20;
	_ =	swait.ge [sflag:s29], $0x80  }
0x4b: {  	s18 =	sadd.s32 s13, s8;
	[sflag:s29] =	ssyncset.done $0x0  }
0x4c: {  	s30 =	simm.s32 $0x300;
	s8 =	sadd.s32 $0x20, s18;
	[sflag:s29] =	ssyncadd.s32 $0xFFFFFF80  }
0x4d: {  	[tilespmem:s30], [sflag:$0x3] =	stream.linear.gather [hbm4b:s8+s3], $0x80, $0x38;
	[tilespmem:$0x1C400] =	vst v63  }
0x4e: {  	_ = 	snop  }
0x4f: {  	[tilespmem:s31], [sflag:$0x3] =	stream.indirect.gather [hbm4b:s5+s21], $0x80, s26, s21, $0xb8;
	[tilespmem:$0x1C400] =	vst v63  }
0x50: {  	p2 =	sne.s32 s23, $0x9C0;
	_ =	swait.ge [sflag:s0], $0x80  }
.Ltmp3:
0x51: {  	[sflag:s0] =	ssyncset.done $0x0;
	(pc) =	sbr.rel @p2 .LBB2_13-.Ltmp3, $4  }
0x52: {  	[sflag:s0] =	ssyncadd.s32 $0xFFFFFF80  }
0x53: {  	_ =	swait.ge [sflag:s0], $0x2000  }
0x54: {  	[sflag:s0] =	ssyncset.done $0x0  }
0x55: {  	[sflag:s0] =	ssyncadd.s32 $0xFFFFE000  }
.Ltmp4:
0x56: {  	(pc) =	sbr.rel .LBB2_14-.Ltmp4, $3  }
0x57: {  	_ =	sdelay $0x1  }
0x58: {  	s8 =	simm.s32 $0x200  }
0x59: {  	[spmem:s2] =	stream.indirect.scatter.add.f32 [tilespmem:s22], [sflag:$0x5], $0x80, s8, s21, $0xb8;
	[tilespmem:$0x1C400] =	vst v63  }
.LBB2_13:
.Ltmp5:
0x5a: {  	s8 =	sadd.s32 s23, s10;
	(pc) =	sbr.rel @p1 .LBB2_15-.Ltmp5, $4  }
0x5b: {  	s8 =	sadd.s32 $0x40, s8  }
0x5c: {  	[tilespmem:s3], [sflag:$0x9] =	stream.linear.gather [hbm4b:s8+s3], $0x80, $0x38;
	[tilespmem:$0x1C400] =	vst v63  }
0x5d: {  	s30 =	simm.s32 $0x200  }
0x5e: {  	[spmem:s2] =	stream.indirect.scatter.add.f32 [tilespmem:s22], [sflag:$0x5], $0x80, s30, s21, $0xb8;
	[tilespmem:$0x1C400] =	vst v63  }
.LBB2_14:
0x5f: {  	_ =	swait.ge [sflag:s1], $0x2000  }
0x60: {  	[sflag:s1] =	ssyncset.done $0x0  }
0x61: {  	[sflag:s1] =	ssyncadd.s32 $0xFFFFE000  }
.LBB2_15:
0x62: {  	_ =	swait.ge [sflag:s6], $0x80  }
0x63: {  	[sflag:s6] =	ssyncset.done $0x0  }
0x64: {  	s8 =	sadd.s32 $0x30, s18;
	[sflag:s6] =	ssyncadd.s32 $0xFFFFFF80  }
0x65: {  	[tilespmem:s7], [sflag:$0x4] =	stream.linear.gather [hbm4b:s8+s3], $0x80, $0x38;
	[tilespmem:$0x1C400] =	vst v63  }
0x66: {  	_ = 	snop  }
0x67: {  	[tilespmem:s24], [sflag:$0x4] =	stream.indirect.gather [hbm4b:s5+s21], $0x80, s28, s21, $0xb8;
	[tilespmem:$0x1C400] =	vst v63  }
0x68: {  	_ =	swait.ge [sflag:s25], $0x80  }
0x69: {  	[sflag:s25] =	ssyncset.done $0x0  }
0x6a: {  	[sflag:s25] =	ssyncadd.s32 $0xFFFFFF80  }
0x6b: {  	p1 =	seq.s32 s23, $0x9C0;
	_ =	swait.ge [sflag:s25], $0x2000  }
0x6c: {  	s13 =	simm.s32 @p1 $0x280;
	[sflag:s25] =	ssyncset.done $0x0  }
0x6d: {  	s14 =	simm.s32 @p1 $0x2400;
	s8 =	simm.s32 @p1 $0x40;
	[sflag:s25] =	ssyncadd.s32 $0xFFFFE000  }
0x6e: {  	[spmem:s2] =	stream.indirect.scatter.add.f32 @p1 [tilespmem:s14], [sflag:$0x6], $0x80, s13, s8, $0xb8;
	[tilespmem:$0x1C400] =	vst v63  }
0x6f: {  	s13 =	simm.s32 @p1 $0x5  }
0x70: {  	_ =	swait.ge @p1 [sflag:s13], $0x2000  }
0x71: {  	[sflag:s13] =	ssyncset.done @p1 $0x0  }
0x72: {  	s15 =	simm.s32 @!p1 $0x0;
	[sflag:s13] =	ssyncadd.s32 @p1 $0xFFFFE000;
	s13 =	sadd.s32 @!p1 s23, s10  }
0x73: {  	s16 =	simm.s32 @!p1 $0x80;
	s17 =	simm.s32 @!p1 $0x280;
	s14 =	sadd.s32 @!p1 $0x50, s13  }
0x74: {  	[tilespmem:s16], [sflag:$0xA] =	stream.linear.gather @!p1 [hbm4b:s14+s15], $0x80, $0x38;
	[tilespmem:$0x1C400] =	vst v63  }
0x75: {  	s18 =	simm.s32 @!p1 $0x2400;
	s19 =	simm.s32 @!p1 $0x5;
	s14 =	simm.s32 @!p1 $0x40  }
0x76: {  	[spmem:s2] =	stream.indirect.scatter.add.f32 @!p1 [tilespmem:s18], [sflag:$0x6], $0x80, s17, s14, $0xb8;
	[tilespmem:$0x1C400] =	vst v63  }
0x77: {  	_ =	swait.ge @!p1 [sflag:s19], $0x2000  }
0x78: {  	[sflag:s19] =	ssyncset.done @!p1 $0x0  }
0x79: {  	[sflag:s19] =	ssyncadd.s32 @!p1 $0xFFFFE000;
	s19 =	simm.s32 @!p1 $0x9  }
0x7a: {  	_ =	swait.ge @!p1 [sflag:s19], $0x80  }
0x7b: {  	s20 =	sadd.s32 @!p1 s23, s11;
	[sflag:s19] =	ssyncset.done @!p1 $0x0  }
0x7c: {  	s30 =	simm.s32 @!p1 $0x200;
	[sflag:s19] =	ssyncadd.s32 @!p1 $0xFFFFFF80;
	s19 =	sadd.s32 @!p1 $0x40, s20  }
0x7d: {  	[tilespmem:s30], [sflag:$0x1] =	stream.linear.gather @!p1 [hbm4b:s19+s15], $0x80, $0x38;
	[tilespmem:$0x1C400] =	vst v63  }
0x7e: {  	s19 =	simm.s32 @!p1 $0x400  }
0x7f: {  	[tilespmem:s19], [sflag:$0x1] =	stream.indirect.gather @!p1 [hbm4b:s5+s14], $0x80, s15, s14, $0xb8;
	[tilespmem:$0x1C400] =	vst v63  }
0x80: {  	_ =	swait.ge [sflag:s9], $0x80  }
0x81: {  	[sflag:s9] =	ssyncset.done $0x0  }
0x82: {  	[sflag:s9] =	ssyncadd.s32 $0xFFFFFF80  }
0x83: {  	_ =	swait.ge [sflag:s9], $0x2000  }
0x84: {  	[sflag:s9] =	ssyncset.done $0x0  }
0x85: {  	s30 =	simm.s32 @p1 $0x4400;
	s19 =	simm.s32 @p1 $0x300;
	[sflag:s9] =	ssyncadd.s32 $0xFFFFE000  }
0x86: {  	[spmem:s2] =	stream.indirect.scatter.add.f32 @p1 [tilespmem:s30], [sflag:$0x7], $0x80, s19, s8, $0xb8;
	[tilespmem:$0x1C400] =	vst v63  }
0x87: {  	s8 =	simm.s32 @p1 $0x6  }
0x88: {  	_ =	swait.ge @p1 [sflag:s8], $0x2000  }
0x89: {  	[sflag:s8] =	ssyncset.done @p1 $0x0  }
0x8a: {  	[sflag:s8] =	ssyncadd.s32 @p1 $0xFFFFE000;
	s8 =	sadd.s32 @!p1 $0x60, s13;
	s13 =	simm.s32 @!p1 $0x100  }
0x8b: {  	[tilespmem:s13], [sflag:$0xB] =	stream.linear.gather @!p1 [hbm4b:s8+s15], $0x80, $0x38;
	[tilespmem:$0x1C400] =	vst v63  }
0x8c: {  	s8 =	simm.s32 @!p1 $0x300;
	s13 =	simm.s32 @!p1 $0x4400  }
0x8d: {  	[spmem:s2] =	stream.indirect.scatter.add.f32 @!p1 [tilespmem:s13], [sflag:$0x7], $0x80, s8, s14, $0xb8;
	[tilespmem:$0x1C400] =	vst v63  }
0x8e: {  	s8 =	simm.s32 @!p1 $0x6  }
0x8f: {  	_ =	swait.ge @!p1 [sflag:s8], $0x2000  }
0x90: {  	[sflag:s8] =	ssyncset.done @!p1 $0x0  }
0x91: {  	[sflag:s8] =	ssyncadd.s32 @!p1 $0xFFFFE000;
	s8 =	simm.s32 @!p1 $0xA  }
0x92: {  	_ =	swait.ge @!p1 [sflag:s8], $0x80  }
0x93: {  	[sflag:s8] =	ssyncset.done @!p1 $0x0  }
0x94: {  	[sflag:s8] =	ssyncadd.s32 @!p1 $0xFFFFFF80;
	s8 =	sadd.s32 @!p1 $0x50, s20  }
0x95: {  	[tilespmem:s17], [sflag:$0x2] =	stream.linear.gather @!p1 [hbm4b:s8+s15], $0x80, $0x38;
	[tilespmem:$0x1C400] =	vst v63  }
0x96: {  	_ = 	snop  }
0x97: {  	[tilespmem:s18], [sflag:$0x2] =	stream.indirect.gather @!p1 [hbm4b:s5+s14], $0x80, s16, s14, $0xb8;
	[tilespmem:$0x1C400] =	vst v63  }
0x98: {  	_ =	swait.ge [sflag:s12], $0x80  }
.Ltmp6:
0x99: {  	[sflag:s12] =	ssyncset.done $0x0;
	(pc) =	sbr.rel @p1 .LBB2_16-.Ltmp6, $4  }
0x9a: {  	[sflag:s12] =	ssyncadd.s32 $0xFFFFFF80  }
0x9b: {  	_ =	swait.ge [sflag:s12], $0x2000  }
0x9c: {  	[sflag:s12] =	ssyncset.done $0x0  }
0x9d: {  	[sflag:s12] =	ssyncadd.s32 $0xFFFFE000  }
.Ltmp7:
0x9e: {  	s8 =	sadd.s32 s23, s10;
	(pc) =	sbr.rel .LBB2_11-.Ltmp7, $4  }
0x9f: {  	s8 =	sadd.s32 $0x70, s8  }
0xa0: {  	[tilespmem:s28], [sflag:$0xC] =	stream.linear.gather [hbm4b:s8+s3], $0x80, $0x38;
	[tilespmem:$0x1C400] =	vst v63  }
0xa1: {  	s23 =	sadd.s32 $0x40, s23  }
0xa2: {  	[spmem:s2] =	stream.indirect.scatter.add.f32 [tilespmem:s24], [sflag:$0x8], $0x80, s7, s21, $0xb8;
	[tilespmem:$0x1C400] =	vst v63  }
.LBB2_2:
0xa3: {  	[tilespmem:s22], [sflag:$0x1] =	stream.indirect.gather [hbm4b:s4+s21], $0x80, s23, s21, $0xb8;
	[tilespmem:$0x1C400] =	vst v63  }
0xa4: {  	s8 =	rddreg [dreg:$0xb];
	s13 =	simm.s32 $0x80  }
0xa5: {  	[tilespmem:s13], [sflag:$0xD] =	stream.linear.gather [hbm4b:s8+s23], $0x80, $0x38;
	[tilespmem:$0x1C400] =	vst v63  }
0xa6: {  	_ =	swait.ge [sflag:s15], $0x80  }
0xa7: {  	[sflag:s15] =	ssyncset.done $0x0  }
0xa8: {  	s14 =	simm.s32 $0x280;
	s18 =	rddreg [dreg:$0xc];
	[sflag:s15] =	ssyncadd.s32 $0xFFFFFF80  }
0xa9: {  	[tilespmem:s14], [sflag:$0x2] =	stream.linear.gather [hbm4b:s18+s23], $0x80, $0x38;
	[tilespmem:$0x1C400] =	vst v63  }
0xaa: {  	s19 =	simm.s32 $0x2400  }
0xab: {  	[tilespmem:s19], [sflag:$0x2] =	stream.indirect.gather [hbm4b:s4+s21], $0x80, s13, s21, $0xb8;
	[tilespmem:$0x1C400] =	vst v63  }
0xac: {  	s20 =	rddreg [dreg:$0xd]  }
0xad: {  	[tilespmem:s26], [sflag:$0xB] =	stream.linear.gather [hbm4b:s20+s23], $0x80, $0x38;
	[tilespmem:$0x1C400] =	vst v63  }
0xae: {  	s30 =	rddreg [dreg:$0xe]  }
0xaf: {  	[tilespmem:s28], [sflag:$0xC] =	stream.linear.gather [hbm4b:s30+s23], $0x80, $0x38;
	[tilespmem:$0x1C400] =	vst v63  }
.LBB2_3:
0xb0: {  	p1 =	seq.s32 s23, $0x0  }
0xb1: {  	s18 =	simm.s32 @!p1 $0x7  }
0xb2: {  	_ =	swait.ge @!p1 [sflag:s18], $0x2000  }
0xb3: {  	[sflag:s18] =	ssyncset.done @!p1 $0x0  }
0xb4: {  	s30 =	sand.u32 $0xF80, s23;
	[sflag:s18] =	ssyncadd.s32 @!p1 $0xFFFFE000  }
0xb5: {  	s19 =	sand.u32 $0x40, s23;
	s18 =	sadd.s32 s11, s30;
	_ =	swait.ge [sflag:s29], $0x80  }
0xb6: {  	s18 =	sadd.s32 s19, s18;
	[sflag:s29] =	ssyncset.done $0x0  }
0xb7: {  	s8 =	simm.s32 $0x300;
	s19 =	sadd.s32 $0x20, s18;
	[sflag:s29] =	ssyncadd.s32 $0xFFFFFF80  }
0xb8: {  	[tilespmem:s8], [sflag:$0x3] =	stream.linear.gather [hbm4b:s19+s3], $0x80, $0x38;
	[tilespmem:$0x1C400] =	vst v63  }
0xb9: {  	_ = 	snop  }
0xba: {  	[tilespmem:s31], [sflag:$0x3] =	stream.indirect.gather [hbm4b:s4+s21], $0x80, s26, s21, $0xb8;
	[tilespmem:$0x1C400] =	vst v63  }
0xbb: {  	p2 =	sne.s32 s23, $0x9C0;
	_ =	swait.ge [sflag:s0], $0x80  }
.Ltmp8:
0xbc: {  	[sflag:s0] =	ssyncset.done $0x0;
	(pc) =	sbr.rel @p2 .LBB2_5-.Ltmp8, $4  }
0xbd: {  	[sflag:s0] =	ssyncadd.s32 $0xFFFFFF80  }
0xbe: {  	_ =	swait.ge [sflag:s0], $0x2000  }
0xbf: {  	[sflag:s0] =	ssyncset.done $0x0  }
0xc0: {  	[sflag:s0] =	ssyncadd.s32 $0xFFFFE000  }
.Ltmp9:
0xc1: {  	(pc) =	sbr.rel .LBB2_6-.Ltmp9, $3  }
0xc2: {  	_ =	sdelay $0x1  }
0xc3: {  	s8 =	simm.s32 $0x200  }
0xc4: {  	[spmem:s2] =	stream.indirect.scatter.add.f32 [tilespmem:s22], [sflag:$0x5], $0x80, s8, s21, $0xb8;
	[tilespmem:$0x1C400] =	vst v63  }
.LBB2_5:
.Ltmp10:
0xc5: {  	s19 =	sadd.s32 s23, s10;
	(pc) =	sbr.rel @p1 .LBB2_7-.Ltmp10, $4  }
0xc6: {  	s19 =	sadd.s32 $0x40, s19  }
0xc7: {  	[tilespmem:s3], [sflag:$0x9] =	stream.linear.gather [hbm4b:s19+s3], $0x80, $0x38;
	[tilespmem:$0x1C400] =	vst v63  }
0xc8: {  	s8 =	simm.s32 $0x200  }
0xc9: {  	[spmem:s2] =	stream.indirect.scatter.add.f32 [tilespmem:s22], [sflag:$0x5], $0x80, s8, s21, $0xb8;
	[tilespmem:$0x1C400] =	vst v63  }
.LBB2_6:
0xca: {  	_ =	swait.ge [sflag:s1], $0x2000  }
0xcb: {  	[sflag:s1] =	ssyncset.done $0x0  }
0xcc: {  	[sflag:s1] =	ssyncadd.s32 $0xFFFFE000  }
.LBB2_7:
0xcd: {  	_ =	swait.ge [sflag:s6], $0x80  }
0xce: {  	[sflag:s6] =	ssyncset.done $0x0  }
0xcf: {  	s18 =	sadd.s32 $0x30, s18;
	[sflag:s6] =	ssyncadd.s32 $0xFFFFFF80  }
0xd0: {  	[tilespmem:s7], [sflag:$0x4] =	stream.linear.gather [hbm4b:s18+s3], $0x80, $0x38;
	[tilespmem:$0x1C400] =	vst v63  }
0xd1: {  	_ = 	snop  }
0xd2: {  	[tilespmem:s24], [sflag:$0x4] =	stream.indirect.gather [hbm4b:s4+s21], $0x80, s28, s21, $0xb8;
	[tilespmem:$0x1C400] =	vst v63  }
0xd3: {  	_ =	swait.ge [sflag:s25], $0x80  }
0xd4: {  	[sflag:s25] =	ssyncset.done $0x0  }
0xd5: {  	[sflag:s25] =	ssyncadd.s32 $0xFFFFFF80  }
0xd6: {  	p1 =	seq.s32 s23, $0x9C0;
	_ =	swait.ge [sflag:s25], $0x2000  }
0xd7: {  	s19 =	simm.s32 @p1 $0x280;
	[sflag:s25] =	ssyncset.done $0x0  }
0xd8: {  	s20 =	simm.s32 @p1 $0x2400;
	s18 =	simm.s32 @p1 $0x40;
	[sflag:s25] =	ssyncadd.s32 $0xFFFFE000  }
0xd9: {  	[spmem:s2] =	stream.indirect.scatter.add.f32 @p1 [tilespmem:s20], [sflag:$0x6], $0x80, s19, s18, $0xb8;
	[tilespmem:$0x1C400] =	vst v63  }
0xda: {  	s19 =	simm.s32 @p1 $0x5  }
0xdb: {  	_ =	swait.ge @p1 [sflag:s19], $0x2000  }
0xdc: {  	[sflag:s19] =	ssyncset.done @p1 $0x0  }
0xdd: {  	s8 =	simm.s32 @!p1 $0x0;
	[sflag:s19] =	ssyncadd.s32 @p1 $0xFFFFE000;
	s19 =	sadd.s32 @!p1 s23, s10  }
0xde: {  	s13 =	simm.s32 @!p1 $0x80;
	s14 =	simm.s32 @!p1 $0x280;
	s20 =	sadd.s32 @!p1 $0x50, s19  }
0xdf: {  	[tilespmem:s13], [sflag:$0xA] =	stream.linear.gather @!p1 [hbm4b:s20+s8], $0x80, $0x38;
	[tilespmem:$0x1C400] =	vst v63  }
0xe0: {  	s15 =	simm.s32 @!p1 $0x2400;
	s17 =	simm.s32 @!p1 $0x5;
	s20 =	simm.s32 @!p1 $0x40  }
0xe1: {  	[spmem:s2] =	stream.indirect.scatter.add.f32 @!p1 [tilespmem:s15], [sflag:$0x6], $0x80, s14, s20, $0xb8;
	[tilespmem:$0x1C400] =	vst v63  }
0xe2: {  	_ =	swait.ge @!p1 [sflag:s17], $0x2000  }
0xe3: {  	[sflag:s17] =	ssyncset.done @!p1 $0x0  }
0xe4: {  	[sflag:s17] =	ssyncadd.s32 @!p1 $0xFFFFE000;
	s17 =	simm.s32 @!p1 $0x9  }
0xe5: {  	_ =	swait.ge @!p1 [sflag:s17], $0x80  }
0xe6: {  	s16 =	sadd.s32 @!p1 s23, s11;
	[sflag:s17] =	ssyncset.done @!p1 $0x0  }
0xe7: {  	s30 =	simm.s32 @!p1 $0x200;
	[sflag:s17] =	ssyncadd.s32 @!p1 $0xFFFFFF80;
	s17 =	sadd.s32 @!p1 $0x40, s16  }
0xe8: {  	[tilespmem:s30], [sflag:$0x1] =	stream.linear.gather @!p1 [hbm4b:s17+s8], $0x80, $0x38;
	[tilespmem:$0x1C400] =	vst v63  }
0xe9: {  	s17 =	simm.s32 @!p1 $0x400  }
0xea: {  	[tilespmem:s17], [sflag:$0x1] =	stream.indirect.gather @!p1 [hbm4b:s4+s20], $0x80, s8, s20, $0xb8;
	[tilespmem:$0x1C400] =	vst v63  }
0xeb: {  	_ =	swait.ge [sflag:s9], $0x80  }
0xec: {  	[sflag:s9] =	ssyncset.done $0x0  }
0xed: {  	[sflag:s9] =	ssyncadd.s32 $0xFFFFFF80  }
0xee: {  	_ =	swait.ge [sflag:s9], $0x2000  }
0xef: {  	[sflag:s9] =	ssyncset.done $0x0  }
0xf0: {  	s30 =	simm.s32 @p1 $0x4400;
	s17 =	simm.s32 @p1 $0x300;
	[sflag:s9] =	ssyncadd.s32 $0xFFFFE000  }
0xf1: {  	[spmem:s2] =	stream.indirect.scatter.add.f32 @p1 [tilespmem:s30], [sflag:$0x7], $0x80, s17, s18, $0xb8;
	[tilespmem:$0x1C400] =	vst v63  }
0xf2: {  	s17 =	simm.s32 @p1 $0x6  }
0xf3: {  	_ =	swait.ge @p1 [sflag:s17], $0x2000  }
0xf4: {  	[sflag:s17] =	ssyncset.done @p1 $0x0  }
0xf5: {  	s18 =	simm.s32 @!p1 $0x100;
	[sflag:s17] =	ssyncadd.s32 @p1 $0xFFFFE000;
	s17 =	sadd.s32 @!p1 $0x60, s19  }
0xf6: {  	[tilespmem:s18], [sflag:$0xB] =	stream.linear.gather @!p1 [hbm4b:s17+s8], $0x80, $0x38;
	[tilespmem:$0x1C400] =	vst v63  }
0xf7: {  	s17 =	simm.s32 @!p1 $0x300;
	s18 =	simm.s32 @!p1 $0x4400  }
0xf8: {  	[spmem:s2] =	stream.indirect.scatter.add.f32 @!p1 [tilespmem:s18], [sflag:$0x7], $0x80, s17, s20, $0xb8;
	[tilespmem:$0x1C400] =	vst v63  }
0xf9: {  	s17 =	simm.s32 @!p1 $0x6  }
0xfa: {  	_ =	swait.ge @!p1 [sflag:s17], $0x2000  }
0xfb: {  	[sflag:s17] =	ssyncset.done @!p1 $0x0  }
0xfc: {  	[sflag:s17] =	ssyncadd.s32 @!p1 $0xFFFFE000;
	s17 =	simm.s32 @!p1 $0xA  }
0xfd: {  	_ =	swait.ge @!p1 [sflag:s17], $0x80  }
0xfe: {  	[sflag:s17] =	ssyncset.done @!p1 $0x0  }
0xff: {  	s16 =	sadd.s32 @!p1 $0x50, s16;
	[sflag:s17] =	ssyncadd.s32 @!p1 $0xFFFFFF80  }
0x100: {  	[tilespmem:s14], [sflag:$0x2] =	stream.linear.gather @!p1 [hbm4b:s16+s8], $0x80, $0x38;
	[tilespmem:$0x1C400] =	vst v63  }
0x101: {  	_ = 	snop  }
0x102: {  	[tilespmem:s15], [sflag:$0x2] =	stream.indirect.gather @!p1 [hbm4b:s4+s20], $0x80, s13, s20, $0xb8;
	[tilespmem:$0x1C400] =	vst v63  }
0x103: {  	_ =	swait.ge [sflag:s12], $0x80  }
.Ltmp11:
0x104: {  	[sflag:s12] =	ssyncset.done $0x0;
	(pc) =	sbr.rel @p1 .LBB2_8-.Ltmp11, $4  }
0x105: {  	[sflag:s12] =	ssyncadd.s32 $0xFFFFFF80  }
0x106: {  	_ =	swait.ge [sflag:s12], $0x2000  }
0x107: {  	[sflag:s12] =	ssyncset.done $0x0  }
0x108: {  	[sflag:s12] =	ssyncadd.s32 $0xFFFFE000  }
.Ltmp12:
0x109: {  	s8 =	sadd.s32 s23, s10;
	(pc) =	sbr.rel .LBB2_3-.Ltmp12, $4  }
0x10a: {  	s8 =	sadd.s32 $0x70, s8  }
0x10b: {  	[tilespmem:s28], [sflag:$0xC] =	stream.linear.gather [hbm4b:s8+s3], $0x80, $0x38;
	[tilespmem:$0x1C400] =	vst v63  }
0x10c: {  	s23 =	sadd.s32 $0x40, s23  }
0x10d: {  	[spmem:s2] =	stream.indirect.scatter.add.f32 [tilespmem:s24], [sflag:$0x8], $0x80, s7, s21, $0xb8;
	[tilespmem:$0x1C400] =	vst v63  }
.LBB2_8:
.Ltmp13:
0x10e: {  	(pc) =	sbr.rel .LBB2_17-.Ltmp13, $3  }
0x10f: {  	_ =	sdelay $0x1  }
0x110: {  	s18 =	rddreg [dreg:$0x4]  }
0x111: {  	s16 =	rddreg [dreg:$0xf]  }
.LBB2_18:
0x112: {  	_ =	sfence.sel $0x180000  }
0x113: {  	[bflag:$0x0] =	sbarrier.arrive $0xFFFF  }
0x114: {  	_ =	strace $0x9000004D  }
0x115: {  	s0 =	stileid.u32;
	[bflag:$0x2] =	sbarrier.arrive $0xFFFF  }
0x116: {  	p0 =	sne.s32 s0, $0x0;
	s0 =	rddreg [dreg:$0x3]  }
0x117: {  	s0 =	sadd.s32 @!p0 $0x100000, s0  }
0x118: {  	[sflag:s0] =	ssyncadd.tile.s32 @!p0 $0x1;
	_ =	shalt  }
.Lfunc_end2:
_tile_overlayer_lowered:
.L_overlay_start_2:
0x119: {  	(tag) =	ssettag $0x2  }
0x11a: {  	s0 =	rddreg [dreg:$0x0];
	s2 =	stileid.u32  }
0x11b: {  	s1 =	rddreg [dreg:$0x1];
	p0 =	sne.s32 s2, $0x0  }
0x11c: {  	s3 =	rddreg [dreg:$0x2];
	[bflag:$0x3] =	sbarrier.arrive $0xFFFF;
	s2 =	simm.s32 @!p0 $0x1C0D  }
0x11d: {  	[timem:s3], [sflag:s2] =	dma.local @!p0 [hbm:s0], s1  }
0x11e: {  	s0 =	simm.s32 @!p0 $0xD  }
0x11f: {  	_ =	swait.ge @!p0 [sflag:s0], s1  }
0x120: {  	s1 =	ssub.s32 @!p0 $0x0, s1;
	[sflag:s0] =	ssyncset.done @!p0 $0x0  }
0x121: {  	[sflag:s0] =	ssyncadd.s32 @!p0 s1  }
0x122: {  	[bflag:$0x3] =	sbarrier.arrive $0xFFFF  }
0x123: {  	_ =	shalt  }

// kernel: kernel.8.cloned.1.call-start
scs
__scs_entry_jumppad:
0x0: {  	(pc) =	sbr.rel $0x88, $3  }
0x1: {  	(tag) =	ssettag $0x0;
	lr =	simm.s32 $0x1  }
0x2: {  	[smem:$0x3F9B] =	sst lr;
	_ =	strace $0xD0000000  }
0x3: {  	_ = 	snop  }
0x4: {  	_ = 	snop  }
0x5: {  	_ = 	snop  }
0x6: {  	_ = 	snop  }
0x7: {  	_ = 	snop  }
__scs_overlays_trampoline_lowered:
0x8: {  	[smem:$0x3FAA] =	sst s0  }
0x9: {  	[smem:$0x3FAB] =	sst s1  }
0xa: {  	[smem:$0x3FAC] =	sst s2  }
0xb: {  	[smem:$0x3FAD] =	sst s3  }
0xc: {  	[smem:$0x3FAE] =	sst s4  }
0xd: {  	[smem:$0x3FAF] =	sst s5  }
0xe: {  	[smem:$0x3FB0] =	sst s6  }
0xf: {  	[smem:$0x3FB1] =	sst s7  }
0x10: {  	[smem:$0x3FB2] =	sst s8  }
0x11: {  	[smem:$0x3FB3] =	sst s9;
	s0 =	simm.s32 @!p0 $0x0  }
0x12: {  	s1 =	sld [smem:$0x3F99];
	s0 =	simm.s32 @p0 $0x1  }
0x13: {  	[smem:$0x3FB4] =	sst s0;
	s0 =	simm.s32 @!p1 $0x0  }
0x14: {  	s2 =	sld [smem:$0x3F98];
	s0 =	simm.s32 @p1 $0x1  }
0x15: {  	[smem:$0x3FB5] =	sst s0;
	s0 =	simm.s32 @!p2 $0x0  }
0x16: {  	s3 =	sld [smem:$0x3FDB];
	s0 =	simm.s32 @p2 $0x1  }
0x17: {  	s4 =	simm.s32 $0x1BF5;
	[smem:$0x3FB7] =	sst s0  }
0x18: {  	s0 =	sld [smem:$0x3F9A];
	_ =	swait.ge [sflag:s4], $0x0  }
0x19: {  	s7 =	sld [smem:$0x3F9B]  }
0x1a: {  	s8 =	sadd.s32 $0xFFFFE003, lr  }
0x1b: {  	s9 =	sadd.s32 $0xFFFFFEF7, lr;
	s5 =	simm.s32 $0xFFFFFFFF;
	p2 =	slt.u32 s8, $0xFFFFF086  }
0x1c: {  	p1 =	slt.u32 s9, $0xF7A;
	s5 =	simm.s32 @!p2 $0x0  }
0x1d: {  	s5 =	simm.s32 @p1 $0x1;
	p0 =	seq.s32 s7, s2  }
0x1e: {  	s7 =	smul.u32 @!p0 $0xF7A, s2;
	p2 =	seq.s32 @!p0 s5, $0x0  }
0x1f: {  	s9 =	smul.u32 $0xF7A, s1;
	s8 =	simm.s32 @!p0 $0x1BF5;
	p2 =	por !p2, p0  }
0x20: {  	[sflag:s8] =	ssyncset.s32 @!p0 $0xFFFFF086;
	s6 =	sadd.s32 @!p0 s3, s7;
	s7 =	simm.s32 @!p0 $0x108  }
0x21: {  	s3 =	sadd.s32 s3, s9;
	s6 =	sadd.s32 @!p0 $0x88, s6;
	s7 =	simm.s32 @p2 $0x1082  }
0x22: {  	[simem:s7], [sflag:s8] =	dma.local @!p0 [hbm:s6], $0xF7A  }
0x23: {  	s9 =	sor.u32 $0xD0000000, s2;
	s6 =	simm.s32 $0x108;
	_ =	swait.ge @!p0 [sflag:s8], $0x0  }
0x24: {  	s3 =	sadd.s32 $0x88, s3;
	s6 =	simm.s32 @!p1 $0x1082;
	[sflag:s4] =	ssyncset.s32 $0xFFFFF086  }
0x25: {  	[simem:s6], [sflag:s4] =	dma.local [hbm:s3], $0xF7A  }
0x26: {  	[smem:$0x3F9B] =	sst s1;
	(tag) =	ssettag s2;
	_ =	strace s9  }
0x27: {  	s1 =	sld [smem:$0x3FAB]  }
0x28: {  	s2 =	sld [smem:$0x3FAC]  }
0x29: {  	s4 =	sld [smem:$0x3FAE]  }
0x2a: {  	p0 =	seq.s32 s5, $0x0;
	s5 =	sld [smem:$0x3FAF]  }
0x2b: {  	s6 =	sld [smem:$0x3FB0]  }
0x2c: {  	s7 =	sld [smem:$0x3FB1]  }
0x2d: {  	s3 =	simm.s32 $0x108;
	s8 =	sld [smem:$0x3FB2]  }
0x2e: {  	s3 =	simm.s32 @!p0 $0x1082;
	s9 =	sld [smem:$0x3FB3]  }
0x2f: {  	lr =	sadd.s32 s0, s3;
	s0 =	sld [smem:$0x3FAA]  }
0x30: {  	s3 =	sld [smem:$0x3FAD]  }
0x31: {  	[smem:$0x3FB6] =	sst s10  }
0x32: {  	s10 =	sld [smem:$0x3FB4];
	_ =	sdelay $0x3  }
0x33: {  	p0 =	seq.s32 s10, $0x1;
	s10 =	sld [smem:$0x3FB6];
	_ =	sdelay $0x3  }
0x34: {  	[smem:$0x3FB6] =	sst s10  }
0x35: {  	s10 =	sld [smem:$0x3FB5];
	_ =	sdelay $0x3  }
0x36: {  	p1 =	seq.s32 s10, $0x1;
	s10 =	sld [smem:$0x3FB6];
	_ =	sdelay $0x3  }
0x37: {  	[smem:$0x3FB6] =	sst s10  }
0x38: {  	s10 =	sld [smem:$0x3FB7]  }
0x39: {  	_ = 	snop;
	(pc) =	sbr.ind lr, $3  }
0x3a: {  	_ = 	snop  }
0x3b: {  	_ = 	snop  }
0x3c: {  	p2 =	seq.s32 s10, $0x1;
	s10 =	sld [smem:$0x3FB6]  }
0x3d: {  	_ =	shalt  }
0x3e: {  	_ =	shalt  }
0x3f: {  	_ =	shalt  }
0x40: {  	_ =	shalt  }
0x41: {  	_ =	shalt  }
0x42: {  	_ =	shalt  }
0x43: {  	_ =	shalt  }
0x44: {  	_ =	shalt  }
0x45: {  	_ =	shalt  }
0x46: {  	_ =	shalt  }
0x47: {  	_ =	shalt  }
0x48: {  	_ =	shalt  }
0x49: {  	_ =	shalt  }
0x4a: {  	_ =	shalt  }
0x4b: {  	_ =	shalt  }
0x4c: {  	_ =	shalt  }
0x4d: {  	_ =	shalt  }
0x4e: {  	_ =	shalt  }
0x4f: {  	_ =	shalt  }
0x50: {  	_ =	shalt  }
0x51: {  	_ =	shalt  }
0x52: {  	_ =	shalt  }
0x53: {  	_ =	shalt  }
0x54: {  	_ =	shalt  }
0x55: {  	_ =	shalt  }
0x56: {  	_ =	shalt  }
0x57: {  	_ =	shalt  }
0x58: {  	_ =	shalt  }
0x59: {  	_ =	shalt  }
0x5a: {  	_ =	shalt  }
0x5b: {  	_ =	shalt  }
0x5c: {  	_ =	shalt  }
0x5d: {  	_ =	shalt  }
0x5e: {  	_ =	shalt  }
0x5f: {  	_ =	shalt  }
0x60: {  	_ =	shalt  }
0x61: {  	_ =	shalt  }
0x62: {  	_ =	shalt  }
0x63: {  	_ =	shalt  }
0x64: {  	_ =	shalt  }
0x65: {  	_ =	shalt  }
0x66: {  	_ =	shalt  }
0x67: {  	_ =	shalt  }
0x68: {  	_ =	shalt  }
0x69: {  	_ =	shalt  }
0x6a: {  	_ =	shalt  }
0x6b: {  	_ =	shalt  }
0x6c: {  	_ =	shalt  }
0x6d: {  	_ =	shalt  }
0x6e: {  	_ =	shalt  }
0x6f: {  	_ =	shalt  }
0x70: {  	_ =	shalt  }
0x71: {  	_ =	shalt  }
0x72: {  	_ =	shalt  }
0x73: {  	_ =	shalt  }
0x74: {  	_ =	shalt  }
0x75: {  	_ =	shalt  }
0x76: {  	_ =	shalt  }
0x77: {  	_ =	shalt  }
0x78: {  	_ =	shalt  }
0x79: {  	_ =	shalt  }
0x7a: {  	_ =	shalt  }
0x7b: {  	_ =	shalt  }
0x7c: {  	_ =	shalt  }
0x7d: {  	_ =	shalt  }
0x7e: {  	_ =	shalt  }
0x7f: {  	_ =	shalt  }
0x80: {  	_ =	shalt  }
0x81: {  	_ =	shalt  }
0x82: {  	_ =	shalt  }
0x83: {  	_ =	shalt  }
0x84: {  	_ =	shalt  }
0x85: {  	_ =	shalt  }
0x86: {  	_ =	shalt  }
0x87: {  	_ =	shalt  }
.Lfunc_end0:
.L_simem_size_0:
called_computation_lowered:
.L_overlay_start_0:
0x88: {  	s2 =	sld [smem:$0x3FD9]  }
0x89: {  	s3 =	sld [smem:$0x3FFE];
	_ =	sdelay $0x1  }
0x8a: {  	s1 =	srdreg.scid  }
0x8b: {  	s0 =	sand.u32 $0x1, s1  }
0x8c: {  	s17 =	sshll.u32 s0, $0xA;
	s2 =	sadd.s32 s3, s2  }
0x8d: {  	s2 =	sadd.s32 s2, s17  }
0x8e: {  	[smem:$0x3FC2] =	sst s2  }
0x8f: {  	_ = 	snop  }
0x90: {  	s2 =	sld [smem:$0x3FD0];
	(tm) =	ssettm $0x1  }
0x91: {  	s18 =	sld [smem:$0x3FFB];
	_ =	sdelay $0x3  }
0x92: {  	_ =	strace s18  }
0x93: {  	s3 =	sld [smem:$0x3FFC];
	_ =	sdelay $0x3  }
0x94: {  	_ =	strace s3  }
0x95: {  	s3 =	sld [smem:$0x3FFD];
	_ =	sdelay $0x3  }
0x96: {  	_ =	strace s3  }
0x97: {  	_ =	strace $0x8FFFFFFF  }
0x98: {  	s19 =	sld [smem:$0x3FDB];
	_ =	sdelay $0x1  }
0x99: {  	s4 =	simm.s32 $_scs_section_size  }
0x9a: {  	s5 =	simm.s32 $_size__tile_overlayer_lowered;
	s6 =	simm.s32 $_tile_overlayer_lowered  }
0x9b: {  	s22 =	simm.s32 $0x1BFF;
	s21 =	sshll.u32 s6, $0x1;
	s3 =	sadd.s32 s4, s19  }
0x9c: {  	s7 =	simm.s32 $0x0;
	s20 =	sshll.u32 s5, $0x1;
	s5 =	sadd.s32 s21, s3  }
0x9d: {  	[timem:s7], [sflag:s22] =	dma.local [hbm:s5], s20  }
0x9e: {  	_ =	swait.ge [sflag:s22], s20  }
0x9f: {  	s4 =	ssub.s32 $0x0, s20;
	[sflag:s22] =	ssyncset.done $0x0  }
0xa0: {  	[sflag:s22] =	ssyncadd.s32 s4;
	_ =	sdelay $0x1  }
0xa1: {  	s23 =	simm.s32 $0x1B8B  }
0xa2: {  	_ =	swait.ge [sflag:s23], $0x1  }
0xa3: {  	[sflag:s23] =	ssyncset.done $0x0  }
0xa4: {  	s25 =	simm.s32 $0x1B8E;
	s24 =	sld [smem:$0x3FFE];
	[sflag:s23] =	ssyncadd.s32 $0xFFFFFFFF  }
0xa5: {  	s26 =	simm.s32 $execute0_lowered;
	[smem:$0x3FD2] =	sst s25  }
0xa6: {  	s5 =	sshll.u32 s26, $0x1;
	_ =	strace $0x80000046;
	[dreg:$0x1] =	wrdreg $0xFFFFFFFF  }
0xa7: {  	s28 =	simm.s32 $_size_execute0_lowered;
	s3 =	sadd.s32 s3, s5;
	[dreg:$0x0] =	wrdreg $0x0  }
0xa8: {  	s5 =	sshll.u32 s28, $0x1;
	[dreg:$0x2] =	wrdreg s3  }
0xa9: {  	[dreg:$0x3] =	wrdreg s5  }
0xaa: {  	[dreg:$0x4] =	wrdreg $0xC0  }
0xab: {  	_ =	task [dreg:s7], $0x5FFFF  }
0xac: {  	[dreg:$0x1] =	wrdreg $0xFFFFFFFF  }
0xad: {  	[dreg:$0x0] =	wrdreg $0x60  }
0xae: {  	[dreg:$0x2] =	wrdreg s24  }
0xaf: {  	[dreg:$0x3] =	wrdreg s2  }
0xb0: {  	[dreg:$0x4] =	wrdreg $0x70000  }
0xb1: {  	[dreg:$0x5] =	wrdreg $0x9  }
0xb2: {  	_ =	task.clear_ibuf [dreg:s7], $0x6FFFF;
	_ =	strace $0x90000046  }
0xb3: {  	s29 =	simm.s32 $0x9;
	_ =	strace $0x80000048  }
0xb4: {  	_ =	swait.ge [sflag:s29], $0x1  }
0xb5: {  	[sflag:s29] =	ssyncadd.s32 $0xFFFFFFFF  }
0xb6: {  	_ =	strace $0x90000048  }
0xb7: {  	_ =	sfence  }
0xb8: {  	s30 =	sld [smem:$0x0];
	_ =	sdelay $0x2  }
0xb9: {  	s31 =	sshll.u32 s1, $0xD;
	s1 =	sshrl.u32 s1, $0x2  }
0xba: {  	s3 =	sand.u32 $0x4000, s31;
	s1 =	sadd.s32 s1, s30  }
0xbb: {  	s0 =	sor.u32 s3, s0;
	s1 =	sshll.u32 s1, $0x11  }
0xbc: {  	s0 =	sor.u32 s1, s0  }
0xbd: {  	s0 =	sadd.s32 $0x8F2B, s0  }
0xbe: {  	[sflag:s0] =	ssyncadd.remote.s32 $0x1  }
0xbf: {  	_ =	sfence.sel $0xFFFF  }
0xc0: {  	[dreg:$0x0] =	wrdreg $0xFFFFFFFF;
	(pc) =	sbr.abs _section_cstart, $3  }
0xc1: {  	[dreg:$0x1] =	wrdreg $0xFFFFFFFF  }
0xc2: {  	_ =	task.clear_ibuf [dreg:s7], $0x2FFFF;
	_ =	strace $0x9FFFFFFF  }
0xc3: {  	(tm) =	ssettm $0x7FFFFFFF  }
tec
execute0_lowered:
.L_overlay_start_1:
0x0: {  	(tag) =	ssettag $0x1  }
0x1: {  	s8 =	rddreg [dreg:$0x0]  }
0x2: {  	s6 =	rddreg [dreg:$0x1]  }
0x3: {  	s2 =	rddreg [dreg:$0x2]  }
0x4: {  	s0 =	rddreg [dreg:$0x3]  }
0x5: {  	s3 =	simm.s32 $0x0;
	s1 =	stileid.u32;
	s4 =	srdreg.scid  }
0x6: {  	s12 =	simm.s32 $0x36400;
	s14 =	simm.s32 $0x40;
	s5 =	smul.u32 $0xA00, s1  }
0x7: {  	s15 =	simm.s32 $0x0;
	[smem:$0x7FF] =	sst s3;
	s10 =	smul.u32 $0x50000, s1  }
0x8: {  	s7 =	sand.u32 $0x1, s4;
	s4 =	sadd.s32 $0xE000, s8;
	s29 =	smul.u32 $0x2800, s1  }
0x9: {  	s31 =	sshll.u32 s1, $0x6;
	_ =	strace $0x80000047;
	s9 =	ssub.s32 $0x2, s7  }
0xa: {  	p0 =	seq.s32 s7, $0x1;
	s30 =	smul.u32 $0xA000, s7;
	s5 =	sadd.s32 s5, s8  }
0xb: {  	s11 =	sshrl.u32 s9, $0x1;
	s10 =	sshrl.u32 s10, $0x2;
	s12 =	simm.s32 @!p0 $0xE400  }
0xc: {  	s6 =	sadd.s32 s6, s29;
	s9 =	ssub.s32 s9, s11;
	s5 =	sadd.s32 $0x4000, s5  }
0xd: {  	s13 =	sadd.s32 s10, s2;
	s8 =	sadd.s32 s12, s8;
	s10 =	simm.s32 $0x1  }
0xe: {  	s11 =	simm.s32 $0x5000;
	s12 =	sor.u32 $0x1C01, s31;
	s7 =	smax.u32 s9, $0x1  }
0xf: {  	s8 =	sadd.s32 s8, s29;
	s9 =	sshrl.u32 s30, $0x2;
	s13 =	sshrl.u32 s13, $0x3  }
.LBB2_1:
0x10: {  	[tilespmem:s3], [sflag:$0x1] =	stream.linear.gather [hbm4b:s5+s3], $0x5000, $0x38;
	[tilespmem:$0x1B000] =	vst v63  }
0x11: {  	_ =	swait.ge [sflag:s10], $0x5000  }
0x12: {  	[sflag:s10] =	ssyncset.done $0x0  }
0x13: {  	[sflag:s10] =	ssyncadd.s32 $0xFFFFB000  }
0x14: {  	[tilespmem:s11], [sflag:$0x1] =	stream.linear.gather [hbm4b:s4+s3], $0x2000, $0x38;
	[tilespmem:$0x1B000] =	vst v63  }
0x15: {  	_ =	swait.ge [sflag:s10], $0x2000  }
0x16: {  	[sflag:s10] =	ssyncset.done $0x0  }
0x17: {  	[sflag:s10] =	ssyncadd.s32 $0xFFFFE000  }
0x18: {  	[spmem:s13], [sflag:s12] =	dma.local [hbm:s6], $0x2800  }
0x19: {  	_ =	swait.ge [sflag:s10], $0x2800  }
0x1a: {  	[sflag:s10] =	ssyncset.done $0x0  }
0x1b: {  	[sflag:s10] =	ssyncadd.s32 $0xFFFFD800  }
0x1c: {  	s16 =	sadd.s32 $0x0, s9;
	[bflag:$0x0] =	sbarrier.arrive $0xFFFF  }
0x1d: {  	[spmem:s2] =	stream.indirect.scatter.add.f32 [tilespmem:s11], [sflag:$0x1], $0x80, s16, s14, $0xb8;
	[tilespmem:$0x1B000] =	vst v63  }
0x1e: {  	s16 =	simm.s32 $0x200;
	_ =	swait.ge [sflag:s10], $0x2000  }
.LBB2_2:
0x1f: {  	s17 =	sshra.s32 s16, $0x2;
	[sflag:s10] =	ssyncset.done $0x0;
	p0 =	sne.s32 s16, $0x9E00  }
.Ltmp0:
0x20: {  	s17 =	sadd.s32 s17, s9;
	[sflag:s10] =	ssyncadd.s32 $0xFFFFE000;
	(pc) =	sbr.rel @p0 .LBB2_2-.Ltmp0, $3  }
0x21: {  	[spmem:s2] =	stream.indirect.scatter.add.f32 [tilespmem:s11], [sflag:$0x1], $0x80, s17, s14, $0xb8;
	[tilespmem:$0x1B000] =	vst v63  }
0x22: {  	s16 =	sadd.s32 $0x200, s16;
	_ =	sdelay $0x1  }
0x23: {  	_ =	swait.ge [sflag:s10], $0x2000  }
0x24: {  	[sflag:s10] =	ssyncset.done $0x0;
	s15 =	sadd.s32 $0x1, s15  }
0x25: {  	[sflag:s10] =	ssyncadd.s32 $0xFFFFE000;
	p0 =	sne.s32 s15, s7  }
.Ltmp1:
0x26: {  	[bflag:$0x0] =	sbarrier.arrive $0xFFFF;
	(pc) =	sbr.rel @p0 .LBB2_1-.Ltmp1, $4  }
0x27: {  	[hbm:s8], [sflag:s12] =	dma.local [spmem:s13], $0x2800  }
0x28: {  	_ =	swait.ge [sflag:s10], $0x2800  }
0x29: {  	[sflag:s10] =	ssyncset.done $0x0  }
0x2a: {  	[sflag:s10] =	ssyncadd.s32 $0xFFFFD800  }
0x2b: {  	_ =	sfence.sel $0x180000  }
0x2c: {  	[bflag:$0x0] =	sbarrier.arrive $0xFFFF  }
0x2d: {  	p0 =	sne.s32 s1, $0x0;
	_ =	strace $0x90000047  }
0x2e: {  	s0 =	sadd.s32 @!p0 $0x100000, s0;
	[bflag:$0x2] =	sbarrier.arrive $0xFFFF  }
0x2f: {  	[sflag:s0] =	ssyncadd.tile.s32 @!p0 $0x1;
	_ =	shalt  }
.Lfunc_end2:
_tile_overlayer_lowered:
.L_overlay_start_2:
0x30: {  	(tag) =	ssettag $0x2  }
0x31: {  	s0 =	rddreg [dreg:$0x0];
	s2 =	stileid.u32  }
0x32: {  	s1 =	rddreg [dreg:$0x1];
	p0 =	sne.s32 s2, $0x0  }
0x33: {  	s3 =	rddreg [dreg:$0x2];
	[bflag:$0x3] =	sbarrier.arrive $0xFFFF;
	s2 =	simm.s32 @!p0 $0x1C01  }
0x34: {  	[timem:s3], [sflag:s2] =	dma.local @!p0 [hbm:s0], s1  }
0x35: {  	s0 =	simm.s32 @!p0 $0x1  }
0x36: {  	_ =	swait.ge @!p0 [sflag:s0], s1  }
0x37: {  	s1 =	ssub.s32 @!p0 $0x0, s1;
	[sflag:s0] =	ssyncset.done @!p0 $0x0  }
0x38: {  	[sflag:s0] =	ssyncadd.s32 @!p0 s1  }
0x39: {  	[bflag:$0x3] =	sbarrier.arrive $0xFFFF  }
0x3a: {  	_ =	shalt  }

</sc_bundles>
